<compile_context>
chip_gen: v7x
topology: tpu7x:2x2x1
jax: 0.10.2.dev20260603
libtpu: 0.0.44.dev20260713+nightly
codegen_flags: <defaults>
</compile_context>

<pallas_src>
import functools

import jax
import jax.numpy as jnp
from jax import lax
from jax.experimental import pallas as pl
from jax.experimental.pallas import tpu as pltpu
from jax.experimental.pallas import tpu_sc as plsc

_N = 10000
_E = 160000
_D_FEAT = 256
_D_EDGE = 16
_B = 64
_BP = 80

_NC = 2
_NS = 16
_NW = _NC * _NS
_EPW = _E // _NW
_MB = 128
_NMB = _EPW // _MB
_MAIN = _NMB * _MB
_TAIL = _EPW - _MAIN

_sc_mesh = plsc.VectorSubcoreMesh(
    core_axis_name="c", subcore_axis_name="s", num_cores=_NC, num_subcores=_NS
)


@functools.partial(
    pl.kernel,
    out_type=[
        jax.ShapeDtypeStruct((_NC, _D_EDGE, _BP), jnp.float32),
        jax.ShapeDtypeStruct((_NW, _B), jnp.float32),
    ],
    mesh=_sc_mesh,
    compiler_params=pltpu.CompilerParams(
        needs_layout_passes=False, use_tc_tiling_on_sc=False
    ),
    scratch_types=[
        pltpu.VMEM((_N,), jnp.int32),
        pltpu.VMEM((_MAIN,), jnp.int32),
        pltpu.VMEM((16,), jnp.int32),
        pltpu.VMEM((_D_EDGE, _MAIN), jnp.float32),
        pltpu.VMEM((_D_EDGE, 16), jnp.float32),
        pltpu.VMEM((_NMB, _MB), jnp.int32),
        pltpu.VMEM((1, 16), jnp.int32),
        pltpu.VMEM((_D_EDGE, _BP), jnp.float32),
        pltpu.VMEM((_B,), jnp.float32),
        pltpu.VMEM_SHARED((_D_EDGE, _BP), jnp.float32),
        pltpu.SemaphoreType.DMA,
        pltpu.SemaphoreType.DMA,
    ],
)
def _edge_agg(ei_hbm, batch_hbm, attr_hbm, esum_hbm, ecnt_hbm,
              batch_v, row_v, rowt_v, attr_v, attrt_v, eb_v, ebt_v,
              zero_v, cnt_v, acc_sh, sem, ssem):
    cid = lax.axis_index("c")
    sid = lax.axis_index("s")
    wid = cid * _NS + sid
    base = wid * _EPW

    zvec = jnp.zeros((16,), jnp.float32)
    lanes = lax.iota(jnp.int32, 16)

    pltpu.async_copy(batch_hbm, batch_v, sem)
    pltpu.async_copy(ei_hbm.at[0, pl.ds(base, _MAIN)], row_v, sem)
    pltpu.async_copy(ei_hbm.at[0, pl.ds(base + _EPW - 16, 16)], rowt_v, sem)
    for c in range(_D_EDGE):
        pltpu.async_copy(attr_hbm.at[c, pl.ds(base, _MAIN)], attr_v.at[c], sem)
        pltpu.async_copy(attr_hbm.at[c, pl.ds(base + _EPW - 16, 16)],
                         attrt_v.at[c], sem)

    @pl.when(sid == 0)
    def _():
        for r in range(_D_EDGE):
            for q in range(_BP // 16):
                zero_v[r, pl.ds(q * 16, 16)] = zvec
        pltpu.sync_copy(zero_v, acc_sh)

    for r in range(_B // 16):
        cnt_v[pl.ds(r * 16, 16)] = zvec

    pltpu.make_async_copy(batch_hbm, batch_v, sem).wait()
    pltpu.make_async_copy(ei_hbm.at[0, pl.ds(base, _MAIN)], row_v, sem).wait()
    pltpu.make_async_copy(ei_hbm.at[0, pl.ds(base + _EPW - 16, 16)], rowt_v,
                          sem).wait()
    for c in range(_D_EDGE):
        pltpu.make_async_copy(attr_hbm.at[c, pl.ds(base, _MAIN)], attr_v.at[c],
                              sem).wait()
        pltpu.make_async_copy(attr_hbm.at[c, pl.ds(base + _EPW - 16, 16)],
                              attrt_v.at[c], sem).wait()

    plsc.subcore_barrier()

    def jbody(j, carry):
        @pl.when(j >= 2)
        def _():
            for c in range(_D_EDGE):
                pltpu.make_async_copy(attr_v.at[0, pl.ds(0, _MB)],
                                      acc_sh.at[0], ssem).wait()

        for g in range(8):
            rid = row_v[pl.ds(j * _MB + g * 16, 16)]
            b = plsc.load_gather(batch_v, [rid])
            eb_v[j, pl.ds(g * 16, 16)] = b
            rc, last = plsc.scan_count(b)
            plsc.addupdate_scatter(cnt_v, [b], rc.astype(jnp.float32),
                                   mask=last)
        for c in range(_D_EDGE):
            pltpu.async_copy(attr_v.at[c, pl.ds(j * _MB, _MB)],
                             acc_sh.at[c].at[eb_v.at[j]], ssem, add=True)
        return carry

    lax.fori_loop(0, _NMB, jbody, 0)

    valid = lanes >= jnp.int32(16 - _TAIL)
    bt = plsc.load_gather(batch_v, [rowt_v[pl.ds(0, 16)]])
    rc_t, last_t = plsc.scan_count(bt, mask=valid)
    plsc.addupdate_scatter(cnt_v, [bt], rc_t.astype(jnp.float32), mask=last_t)
    ebt_v[0, :] = jnp.where(valid, bt, jnp.int32(_B))
    for c in range(_D_EDGE):
        pltpu.async_copy(attrt_v.at[c], acc_sh.at[c].at[ebt_v.at[0]], ssem,
                         add=True)

    for c in range(2 * _D_EDGE):
        pltpu.make_async_copy(attr_v.at[0, pl.ds(0, _MB)], acc_sh.at[0],
                              ssem).wait()
    for c in range(_D_EDGE):
        pltpu.make_async_copy(attrt_v.at[0], acc_sh.at[0], ssem).wait()

    pltpu.sync_copy(cnt_v, ecnt_hbm.at[wid])
    plsc.subcore_barrier()

    @pl.when(sid == 0)
    def _():
        pltpu.sync_copy(acc_sh, esum_hbm.at[cid])


def _dense_body(x_ref, b_ref, es_ref, ec_ref, w1_ref, b1_ref,
                w2_ref, b2_ref, w3_ref, b3_ref, o_ref):
    hi = jax.lax.Precision.HIGHEST
    oh = (b_ref[...] == lax.broadcasted_iota(jnp.int32, (_B, _N), 0)
          ).astype(jnp.float32)
    nsum = lax.dot_general(oh, x_ref[...], (((1,), (0,)), ((), ())),
                           precision=hi, preferred_element_type=jnp.float32)
    ncnt = jnp.sum(oh, axis=1, keepdims=True)
    esum_t = (es_ref[0] + es_ref[1])[:, :_B]
    ecnt = jnp.sum(ec_ref[...], axis=0, keepdims=True)
    nmean = nsum / jnp.maximum(ncnt, 1.0)
    emean_t = esum_t / jnp.maximum(ecnt, 1.0)
    h = jnp.maximum(
        lax.dot_general(nmean, w1_ref[pl.ds(0, _D_FEAT), :],
                        (((1,), (0,)), ((), ())),
                        precision=hi, preferred_element_type=jnp.float32)
        + lax.dot_general(emean_t, w1_ref[pl.ds(_D_FEAT, _D_EDGE), :],
                          (((0,), (0,)), ((), ())),
                          precision=hi, preferred_element_type=jnp.float32)
        + b1_ref[...], 0.0)
    h = jnp.maximum(
        lax.dot_general(h, w2_ref[...], (((1,), (0,)), ((), ())),
                        precision=hi, preferred_element_type=jnp.float32)
        + b2_ref[...], 0.0)
    o_ref[...] = lax.dot_general(h, w3_ref[...], (((1,), (0,)), ((), ())),
                                 precision=hi,
                                 preferred_element_type=jnp.float32) + b3_ref[...]


_dense = pl.pallas_call(
    _dense_body,
    out_shape=jax.ShapeDtypeStruct((_B, _D_FEAT), jnp.float32),
)


def kernel(x, edge_index, edge_attr, batch, W1, b1, W2, b2, W3, b3):
    ei = edge_index.astype(jnp.int32)
    batch_i = batch.astype(jnp.int32)
    esum_p, ecnt_p = _edge_agg(ei, batch_i, edge_attr.T)
    return _dense(
        x,
        batch_i.reshape(1, _N),
        esum_p,
        ecnt_p,
        W1,
        b1.reshape(1, -1),
        W2,
        b2.reshape(1, -1),
        W3,
        b3.reshape(1, -1),
    )

# --- scband reference (transcript-rebuilt; emitter-appended) ---
"""Pipeline reference for scband-node-edge-aggregation-model-88923002897019 (READ-ONLY COPY).

The authoritative reference and input builder live on the scoring server;
editing this copy changes nothing except your own understanding.
"""

import jax, jax.numpy as jnp
import numpy as np

N = 10000
E = 160000
D_FEAT = 256
D_EDGE = 16
B_GRAPHS = 64
IN_DIM = D_FEAT + D_EDGE
H1 = 512
H2 = 512
OUT_DIM = 256


def setup_inputs(seed: int = 0) -> dict:
    key = jax.random.key(seed)
    ks = jax.random.split(key, 10)
    x = jax.random.normal(ks[0], (N, D_FEAT), dtype=jnp.float32)
    edge_index = jax.random.randint(ks[1], (2, E), 0, N, dtype=jnp.int64)
    edge_attr = jax.random.normal(ks[2], (E, D_EDGE), dtype=jnp.float32)
    batch = jnp.sort(jax.random.randint(ks[3], (N,), 0, B_GRAPHS, dtype=jnp.int64))
    W1 = jax.random.normal(ks[4], (IN_DIM, H1), dtype=jnp.float32) / np.sqrt(IN_DIM)
    b1 = jnp.zeros((H1,), dtype=jnp.float32)
    W2 = jax.random.normal(ks[5], (H1, H2), dtype=jnp.float32) / np.sqrt(H1)
    b2 = jnp.zeros((H2,), dtype=jnp.float32)
    W3 = jax.random.normal(ks[6], (H2, OUT_DIM), dtype=jnp.float32) / np.sqrt(H2)
    b3 = jnp.zeros((OUT_DIM,), dtype=jnp.float32)
    return {"x": x, "edge_index": edge_index, "edge_attr": edge_attr, "batch": batch,
            "W1": W1, "b1": b1, "W2": W2, "b2": b2, "W3": W3, "b3": b3}


def _scatter_mean(data, seg, num_segments):
    s = jax.ops.segment_sum(data, seg, num_segments=num_segments)
    cnt = jax.ops.segment_sum(jnp.ones((data.shape[0], 1), dtype=data.dtype), seg, num_segments=num_segments)
    return s / jnp.maximum(cnt, 1.0)


def reference(x, edge_index, edge_attr, batch, W1, b1, W2, b2, W3, b3):
    B = B_GRAPHS
    row = edge_index[0]
    edge_batch = batch[row]
    per_batch_edge = _scatter_mean(edge_attr, edge_batch, B)
    per_batch_node = _scatter_mean(x, batch, B)
    out = jnp.concatenate([per_batch_node, per_batch_edge], axis=1)
    h = jax.nn.relu(out @ W1 + b1)
    h = jax.nn.relu(h @ W2 + b2)
    return h @ W3 + b3

if __name__ == "__main__":
    import jax
    _d = setup_inputs()
    print(jax.jit(kernel)(*tuple(_d.values())))

</pallas_src>

<mosaic_0001>
#map = affine_map<(d0, d1) -> (0, 0)>
#map1 = affine_map<(d0, d1) -> (0)>
#map2 = affine_map<(d0, d1) -> (0, 0, 0)>
module attributes {stable_mosaic.version = 14 : i64} {
  func.func @_edge_agg(%arg0: i32, %arg1: i32, %arg2: memref<2x160000xi32, #tpu.memory_space<hbm>>, %arg3: memref<10000xi32, #tpu.memory_space<hbm>>, %arg4: memref<16x160000xf32, #tpu.memory_space<hbm>>, %arg5: memref<2x16x80xf32, #tpu.memory_space<hbm>>, %arg6: memref<32x64xf32, #tpu.memory_space<hbm>>, %arg7: memref<10000xi32, #tpu.memory_space<vmem>>, %arg8: memref<4992xi32, #tpu.memory_space<vmem>>, %arg9: memref<16xi32, #tpu.memory_space<vmem>>, %arg10: memref<16x4992xf32, #tpu.memory_space<vmem>>, %arg11: memref<16x16xf32, #tpu.memory_space<vmem>>, %arg12: memref<39x128xi32, #tpu.memory_space<vmem>>, %arg13: memref<1x16xi32, #tpu.memory_space<vmem>>, %arg14: memref<16x80xf32, #tpu.memory_space<vmem>>, %arg15: memref<64xf32, #tpu.memory_space<vmem>>, %arg16: memref<16x80xf32, #tpu.memory_space<vmem_shared>>, %arg17: memref<!tpu.dma_semaphore, #tpu.memory_space<semaphore_mem>>, %arg18: memref<!tpu.dma_semaphore, #tpu.memory_space<semaphore_mem>>) attributes {dimension_semantics = [#tpu.dimension_semantics<core_parallel>, #tpu.dimension_semantics<subcore_parallel>], iteration_bounds = array<i64: 2, 16>, scalar_prefetch = 0 : i64, scratch_operands = 12 : i64, tpu.core_type = #tpu.core_type<sc_vector_subcore>, window_params = [{transform_indices = #map}, {transform_indices = #map1}, {transform_indices = #map}, {transform_indices = #map2}, {transform_indices = #map}]} {
    %mul3A = arith.constant 16 : i32
    %mul3A_0 = arith.muli %arg0, %mul3A : i32
    %add3A = arith.addi %mul3A_0, %arg1 : i32
    %mul3A_1 = arith.constant 5000 : i32
    %mul3A_2 = arith.muli %add3A, %mul3A_1 : i32
    %broadcast_in_dim3A = arith.constant 0.000000e+00 : f32
    %broadcast_in_dim3A_3 = vector.broadcast %broadcast_in_dim3A : f32 to vector<16xf32>
    %iota3A = tpu.iota {dimensions = array<i32: 0>} : vector<16xi32>
    tpu.enqueue_dma source(%arg3 : memref<10000xi32, #tpu.memory_space<hbm>>) target(%arg7 : memref<10000xi32, #tpu.memory_space<vmem>>) target_semaphore(%arg17 : memref<!tpu.dma_semaphore, #tpu.memory_space<semaphore_mem>>)
    %dma_start3A = arith.constant 0 : i32
    %dma_start3A_4 = tpu.memref_slice %arg2[%dma_start3A, %mul3A_2] : memref<2x160000xi32, #tpu.memory_space<hbm>> -> memref<1x4992xi32, #tpu.memory_space<hbm>>
    %dma_start3A_5 = tpu.memref_squeeze %dma_start3A_4 : memref<1x4992xi32, #tpu.memory_space<hbm>> -> memref<4992xi32, #tpu.memory_space<hbm>>
    %dma_start3A_6 = tpu.memref_slice %arg2[%dma_start3A, %mul3A_2] : memref<2x160000xi32, #tpu.memory_space<hbm>> -> memref<1x4992xi32, #tpu.memory_space<hbm>>
    %dma_start3A_7 = tpu.memref_squeeze %dma_start3A_6 : memref<1x4992xi32, #tpu.memory_space<hbm>> -> memref<4992xi32, #tpu.memory_space<hbm>>
    tpu.enqueue_dma source(%dma_start3A_7 : memref<4992xi32, #tpu.memory_space<hbm>>) target(%arg8 : memref<4992xi32, #tpu.memory_space<vmem>>) target_semaphore(%arg17 : memref<!tpu.dma_semaphore, #tpu.memory_space<semaphore_mem>>)
    %add3A_8 = arith.constant 5000 : i32
    %add3A_9 = arith.addi %mul3A_2, %add3A_8 : i32
    %sub3A = arith.constant 16 : i32
    %sub3A_10 = arith.subi %add3A_9, %sub3A : i32
    %dma_start3A_11 = arith.constant 0 : i32
    %dma_start3A_12 = tpu.memref_slice %arg2[%dma_start3A_11, %sub3A_10] : memref<2x160000xi32, #tpu.memory_space<hbm>> -> memref<1x16xi32, #tpu.memory_space<hbm>>
    %dma_start3A_13 = tpu.memref_squeeze %dma_start3A_12 : memref<1x16xi32, #tpu.memory_space<hbm>> -> memref<16xi32, #tpu.memory_space<hbm>>
    %dma_start3A_14 = tpu.memref_slice %arg2[%dma_start3A_11, %sub3A_10] : memref<2x160000xi32, #tpu.memory_space<hbm>> -> memref<1x16xi32, #tpu.memory_space<hbm>>
    %dma_start3A_15 = tpu.memref_squeeze %dma_start3A_14 : memref<1x16xi32, #tpu.memory_space<hbm>> -> memref<16xi32, #tpu.memory_space<hbm>>
    tpu.enqueue_dma source(%dma_start3A_15 : memref<16xi32, #tpu.memory_space<hbm>>) target(%arg9 : memref<16xi32, #tpu.memory_space<vmem>>) target_semaphore(%arg17 : memref<!tpu.dma_semaphore, #tpu.memory_space<semaphore_mem>>)
    %dma_start3A_16 = arith.constant 0 : i32
    %dma_start3A_17 = arith.constant 0 : i32
    %dma_start3A_18 = arith.constant 0 : i32
    %dma_start3A_19 = tpu.memref_slice %arg10[%dma_start3A_17, %dma_start3A_18] : memref<16x4992xf32, #tpu.memory_space<vmem>> -> memref<1x4992xf32, #tpu.memory_space<vmem>>
    %dma_start3A_20 = tpu.memref_squeeze %dma_start3A_19 : memref<1x4992xf32, #tpu.memory_space<vmem>> -> memref<4992xf32, #tpu.memory_space<vmem>>
    %dma_start3A_21 = tpu.memref_slice %arg4[%dma_start3A_16, %mul3A_2] : memref<16x160000xf32, #tpu.memory_space<hbm>> -> memref<1x4992xf32, #tpu.memory_space<hbm>>
    %dma_start3A_22 = tpu.memref_squeeze %dma_start3A_21 : memref<1x4992xf32, #tpu.memory_space<hbm>> -> memref<4992xf32, #tpu.memory_space<hbm>>
    %dma_start3A_23 = arith.constant 0 : i32
    %dma_start3A_24 = tpu.memref_slice %arg10[%dma_start3A_17, %dma_start3A_23] : memref<16x4992xf32, #tpu.memory_space<vmem>> -> memref<1x4992xf32, #tpu.memory_space<vmem>>
    %dma_start3A_25 = tpu.memref_squeeze %dma_start3A_24 : memref<1x4992xf32, #tpu.memory_space<vmem>> -> memref<4992xf32, #tpu.memory_space<vmem>>
    %dma_start3A_26 = tpu.memref_slice %arg4[%dma_start3A_16, %mul3A_2] : memref<16x160000xf32, #tpu.memory_space<hbm>> -> memref<1x4992xf32, #tpu.memory_space<hbm>>
    %dma_start3A_27 = tpu.memref_squeeze %dma_start3A_26 : memref<1x4992xf32, #tpu.memory_space<hbm>> -> memref<4992xf32, #tpu.memory_space<hbm>>
    tpu.enqueue_dma source(%dma_start3A_27 : memref<4992xf32, #tpu.memory_space<hbm>>) target(%dma_start3A_25 : memref<4992xf32, #tpu.memory_space<vmem>>) target_semaphore(%arg17 : memref<!tpu.dma_semaphore, #tpu.memory_space<semaphore_mem>>)
    %add3A_28 = arith.constant 5000 : i32
    %add3A_29 = arith.addi %mul3A_2, %add3A_28 : i32
    %sub3A_30 = arith.constant 16 : i32
    %sub3A_31 = arith.subi %add3A_29, %sub3A_30 : i32
    %dma_start3A_32 = arith.constant 0 : i32
    %dma_start3A_33 = arith.constant 0 : i32
    %dma_start3A_34 = arith.constant 0 : i32
    %dma_start3A_35 = tpu.memref_slice %arg11[%dma_start3A_33, %dma_start3A_34] : memref<16x16xf32, #tpu.memory_space<vmem>> -> memref<1x16xf32, #tpu.memory_space<vmem>>
    %dma_start3A_36 = tpu.memref_squeeze %dma_start3A_35 : memref<1x16xf32, #tpu.memory_space<vmem>> -> memref<16xf32, #tpu.memory_space<vmem>>
    %dma_start3A_37 = tpu.memref_slice %arg4[%dma_start3A_32, %sub3A_31] : memref<16x160000xf32, #tpu.memory_space<hbm>> -> memref<1x16xf32, #tpu.memory_space<hbm>>
    %dma_start3A_38 = tpu.memref_squeeze %dma_start3A_37 : memref<1x16xf32, #tpu.memory_space<hbm>> -> memref<16xf32, #tpu.memory_space<hbm>>
    %dma_start3A_39 = arith.constant 0 : i32
    %dma_start3A_40 = tpu.memref_slice %arg11[%dma_start3A_33, %dma_start3A_39] : memref<16x16xf32, #tpu.memory_space<vmem>> -> memref<1x16xf32, #tpu.memory_space<vmem>>
    %dma_start3A_41 = tpu.memref_squeeze %dma_start3A_40 : memref<1x16xf32, #tpu.memory_space<vmem>> -> memref<16xf32, #tpu.memory_space<vmem>>
    %dma_start3A_42 = tpu.memref_slice %arg4[%dma_start3A_32, %sub3A_31] : memref<16x160000xf32, #tpu.memory_space<hbm>> -> memref<1x16xf32, #tpu.memory_space<hbm>>
    %dma_start3A_43 = tpu.memref_squeeze %dma_start3A_42 : memref<1x16xf32, #tpu.memory_space<hbm>> -> memref<16xf32, #tpu.memory_space<hbm>>
    tpu.enqueue_dma source(%dma_start3A_43 : memref<16xf32, #tpu.memory_space<hbm>>) target(%dma_start3A_41 : memref<16xf32, #tpu.memory_space<vmem>>) target_semaphore(%arg17 : memref<!tpu.dma_semaphore, #tpu.memory_space<semaphore_mem>>)
    %dma_start3A_44 = arith.constant 1 : i32
    %dma_start3A_45 = arith.constant 1 : i32
    %dma_start3A_46 = arith.constant 0 : i32
    %dma_start3A_47 = tpu.memref_slice %arg10[%dma_start3A_45, %dma_start3A_46] : memref<16x4992xf32, #tpu.memory_space<vmem>> -> memref<1x4992xf32, #tpu.memory_space<vmem>>
    %dma_start3A_48 = tpu.memref_squeeze %dma_start3A_47 : memref<1x4992xf32, #tpu.memory_space<vmem>> -> memref<4992xf32, #tpu.memory_space<vmem>>
    %dma_start3A_49 = tpu.memref_slice %arg4[%dma_start3A_44, %mul3A_2] : memref<16x160000xf32, #tpu.memory_space<hbm>> -> memref<1x4992xf32, #tpu.memory_space<hbm>>
    %dma_start3A_50 = tpu.memref_squeeze %dma_start3A_49 : memref<1x4992xf32, #tpu.memory_space<hbm>> -> memref<4992xf32, #tpu.memory_space<hbm>>
    %dma_start3A_51 = arith.constant 0 : i32
    %dma_start3A_52 = tpu.memref_slice %arg10[%dma_start3A_45, %dma_start3A_51] : memref<16x4992xf32, #tpu.memory_space<vmem>> -> memref<1x4992xf32, #tpu.memory_space<vmem>>
    %dma_start3A_53 = tpu.memref_squeeze %dma_start3A_52 : memref<1x4992xf32, #tpu.memory_space<vmem>> -> memref<4992xf32, #tpu.memory_space<vmem>>
    %dma_start3A_54 = tpu.memref_slice %arg4[%dma_start3A_44, %mul3A_2] : memref<16x160000xf32, #tpu.memory_space<hbm>> -> memref<1x4992xf32, #tpu.memory_space<hbm>>
    %dma_start3A_55 = tpu.memref_squeeze %dma_start3A_54 : memref<1x4992xf32, #tpu.memory_space<hbm>> -> memref<4992xf32, #tpu.memory_space<hbm>>
    tpu.enqueue_dma source(%dma_start3A_55 : memref<4992xf32, #tpu.memory_space<hbm>>) target(%dma_start3A_53 : memref<4992xf32, #tpu.memory_space<vmem>>) target_semaphore(%arg17 : memref<!tpu.dma_semaphore, #tpu.memory_space<semaphore_mem>>)
    %add3A_56 = arith.constant 5000 : i32
    %add3A_57 = arith.addi %mul3A_2, %add3A_56 : i32
    %sub3A_58 = arith.constant 16 : i32
    %sub3A_59 = arith.subi %add3A_57, %sub3A_58 : i32
    %dma_start3A_60 = arith.constant 1 : i32
    %dma_start3A_61 = arith.constant 1 : i32
    %dma_start3A_62 = arith.constant 0 : i32
    %dma_start3A_63 = tpu.memref_slice %arg11[%dma_start3A_61, %dma_start3A_62] : memref<16x16xf32, #tpu.memory_space<vmem>> -> memref<1x16xf32, #tpu.memory_space<vmem>>
    %dma_start3A_64 = tpu.memref_squeeze %dma_start3A_63 : memref<1x16xf32, #tpu.memory_space<vmem>> -> memref<16xf32, #tpu.memory_space<vmem>>
    %dma_start3A_65 = tpu.memref_slice %arg4[%dma_start3A_60, %sub3A_59] : memref<16x160000xf32, #tpu.memory_space<hbm>> -> memref<1x16xf32, #tpu.memory_space<hbm>>
    %dma_start3A_66 = tpu.memref_squeeze %dma_start3A_65 : memref<1x16xf32, #tpu.memory_space<hbm>> -> memref<16xf32, #tpu.memory_space<hbm>>
    %dma_start3A_67 = arith.constant 0 : i32
    %dma_start3A_68 = tpu.memref_slice %arg11[%dma_start3A_61, %dma_start3A_67] : memref<16x16xf32, #tpu.memory_space<vmem>> -> memref<1x16xf32, #tpu.memory_space<vmem>>
    %dma_start3A_69 = tpu.memref_squeeze %dma_start3A_68 : memref<1x16xf32, #tpu.memory_space<vmem>> -> memref<16xf32, #tpu.memory_space<vmem>>
    %dma_start3A_70 = tpu.memref_slice %arg4[%dma_start3A_60, %sub3A_59] : memref<16x160000xf32, #tpu.memory_space<hbm>> -> memref<1x16xf32, #tpu.memory_space<hbm>>
    %dma_start3A_71 = tpu.memref_squeeze %dma_start3A_70 : memref<1x16xf32, #tpu.memory_space<hbm>> -> memref<16xf32, #tpu.memory_space<hbm>>
    tpu.enqueue_dma source(%dma_start3A_71 : memref<16xf32, #tpu.memory_space<hbm>>) target(%dma_start3A_69 : memref<16xf32, #tpu.memory_space<vmem>>) target_semaphore(%arg17 : memref<!tpu.dma_semaphore, #tpu.memory_space<semaphore_mem>>)
    %dma_start3A_72 = arith.constant 2 : i32
    %dma_start3A_73 = arith.constant 2 : i32
    %dma_start3A_74 = arith.constant 0 : i32
    %dma_start3A_75 = tpu.memref_slice %arg10[%dma_start3A_73, %dma_start3A_74] : memref<16x4992xf32, #tpu.memory_space<vmem>> -> memref<1x4992xf32, #tpu.memory_space<vmem>>
    %dma_start3A_76 = tpu.memref_squeeze %dma_start3A_75 : memref<1x4992xf32, #tpu.memory_space<vmem>> -> memref<4992xf32, #tpu.memory_space<vmem>>
    %dma_start3A_77 = tpu.memref_slice %arg4[%dma_start3A_72, %mul3A_2] : memref<16x160000xf32, #tpu.memory_space<hbm>> -> memref<1x4992xf32, #tpu.memory_space<hbm>>
    %dma_start3A_78 = tpu.memref_squeeze %dma_start3A_77 : memref<1x4992xf32, #tpu.memory_space<hbm>> -> memref<4992xf32, #tpu.memory_space<hbm>>
    %dma_start3A_79 = arith.constant 0 : i32
    %dma_start3A_80 = tpu.memref_slice %arg10[%dma_start3A_73, %dma_start3A_79] : memref<16x4992xf32, #tpu.memory_space<vmem>> -> memref<1x4992xf32, #tpu.memory_space<vmem>>
    %dma_start3A_81 = tpu.memref_squeeze %dma_start3A_80 : memref<1x4992xf32, #tpu.memory_space<vmem>> -> memref<4992xf32, #tpu.memory_space<vmem>>
    %dma_start3A_82 = tpu.memref_slice %arg4[%dma_start3A_72, %mul3A_2] : memref<16x160000xf32, #tpu.memory_space<hbm>> -> memref<1x4992xf32, #tpu.memory_space<hbm>>
    %dma_start3A_83 = tpu.memref_squeeze %dma_start3A_82 : memref<1x4992xf32, #tpu.memory_space<hbm>> -> memref<4992xf32, #tpu.memory_space<hbm>>
    tpu.enqueue_dma source(%dma_start3A_83 : memref<4992xf32, #tpu.memory_space<hbm>>) target(%dma_start3A_81 : memref<4992xf32, #tpu.memory_space<vmem>>) target_semaphore(%arg17 : memref<!tpu.dma_semaphore, #tpu.memory_space<semaphore_mem>>)
    %add3A_84 = arith.constant 5000 : i32
    %add3A_85 = arith.addi %mul3A_2, %add3A_84 : i32
    %sub3A_86 = arith.constant 16 : i32
    %sub3A_87 = arith.subi %add3A_85, %sub3A_86 : i32
    %dma_start3A_88 = arith.constant 2 : i32
    %dma_start3A_89 = arith.constant 2 : i32
    %dma_start3A_90 = arith.constant 0 : i32
    %dma_start3A_91 = tpu.memref_slice %arg11[%dma_start3A_89, %dma_start3A_90] : memref<16x16xf32, #tpu.memory_space<vmem>> -> memref<1x16xf32, #tpu.memory_space<vmem>>
    %dma_start3A_92 = tpu.memref_squeeze %dma_start3A_91 : memref<1x16xf32, #tpu.memory_space<vmem>> -> memref<16xf32, #tpu.memory_space<vmem>>
    %dma_start3A_93 = tpu.memref_slice %arg4[%dma_start3A_88, %sub3A_87] : memref<16x160000xf32, #tpu.memory_space<hbm>> -> memref<1x16xf32, #tpu.memory_space<hbm>>
    %dma_start3A_94 = tpu.memref_squeeze %dma_start3A_93 : memref<1x16xf32, #tpu.memory_space<hbm>> -> memref<16xf32, #tpu.memory_space<hbm>>
    %dma_start3A_95 = arith.constant 0 : i32
    %dma_start3A_96 = tpu.memref_slice %arg11[%dma_start3A_89, %dma_start3A_95] : memref<16x16xf32, #tpu.memory_space<vmem>> -> memref<1x16xf32, #tpu.memory_space<vmem>>
    %dma_start3A_97 = tpu.memref_squeeze %dma_start3A_96 : memref<1x16xf32, #tpu.memory_space<vmem>> -> memref<16xf32, #tpu.memory_space<vmem>>
    %dma_start3A_98 = tpu.memref_slice %arg4[%dma_start3A_88, %sub3A_87] : memref<16x160000xf32, #tpu.memory_space<hbm>> -> memref<1x16xf32, #tpu.memory_space<hbm>>
    %dma_start3A_99 = tpu.memref_squeeze %dma_start3A_98 : memref<1x16xf32, #tpu.memory_space<hbm>> -> memref<16xf32, #tpu.memory_space<hbm>>
    tpu.enqueue_dma source(%dma_start3A_99 : memref<16xf32, #tpu.memory_space<hbm>>) target(%dma_start3A_97 : memref<16xf32, #tpu.memory_space<vmem>>) target_semaphore(%arg17 : memref<!tpu.dma_semaphore, #tpu.memory_space<semaphore_mem>>)
    %dma_start3A_100 = arith.constant 3 : i32
    %dma_start3A_101 = arith.constant 3 : i32
    %dma_start3A_102 = arith.constant 0 : i32
    %dma_start3A_103 = tpu.memref_slice %arg10[%dma_start3A_101, %dma_start3A_102] : memref<16x4992xf32, #tpu.memory_space<vmem>> -> memref<1x4992xf32, #tpu.memory_space<vmem>>
    %dma_start3A_104 = tpu.memref_squeeze %dma_start3A_103 : memref<1x4992xf32, #tpu.memory_space<vmem>> -> memref<4992xf32, #tpu.memory_space<vmem>>
    %dma_start3A_105 = tpu.memref_slice %arg4[%dma_start3A_100, %mul3A_2] : memref<16x160000xf32, #tpu.memory_space<hbm>> -> memref<1x4992xf32, #tpu.memory_space<hbm>>
    %dma_start3A_106 = tpu.memref_squeeze %dma_start3A_105 : memref<1x4992xf32, #tpu.memory_space<hbm>> -> memref<4992xf32, #tpu.memory_space<hbm>>
    %dma_start3A_107 = arith.constant 0 : i32
    %dma_start3A_108 = tpu.memref_slice %arg10[%dma_start3A_101, %dma_start3A_107] : memref<16x4992xf32, #tpu.memory_space<vmem>> -> memref<1x4992xf32, #tpu.memory_space<vmem>>
    %dma_start3A_109 = tpu.memref_squeeze %dma_start3A_108 : memref<1x4992xf32, #tpu.memory_space<vmem>> -> memref<4992xf32, #tpu.memory_space<vmem>>
    %dma_start3A_110 = tpu.memref_slice %arg4[%dma_start3A_100, %mul3A_2] : memref<16x160000xf32, #tpu.memory_space<hbm>> -> memref<1x4992xf32, #tpu.memory_space<hbm>>
    %dma_start3A_111 = tpu.memref_squeeze %dma_start3A_110 : memref<1x4992xf32, #tpu.memory_space<hbm>> -> memref<4992xf32, #tpu.memory_space<hbm>>
    tpu.enqueue_dma source(%dma_start3A_111 : memref<4992xf32, #tpu.memory_space<hbm>>) target(%dma_start3A_109 : memref<4992xf32, #tpu.memory_space<vmem>>) target_semaphore(%arg17 : memref<!tpu.dma_semaphore, #tpu.memory_space<semaphore_mem>>)
    %add3A_112 = arith.constant 5000 : i32
    %add3A_113 = arith.addi %mul3A_2, %add3A_112 : i32
    %sub3A_114 = arith.constant 16 : i32
    %sub3A_115 = arith.subi %add3A_113, %sub3A_114 : i32
    %dma_start3A_116 = arith.constant 3 : i32
    %dma_start3A_117 = arith.constant 3 : i32
    %dma_start3A_118 = arith.constant 0 : i32
    %dma_start3A_119 = tpu.memref_slice %arg11[%dma_start3A_117, %dma_start3A_118] : memref<16x16xf32, #tpu.memory_space<vmem>> -> memref<1x16xf32, #tpu.memory_space<vmem>>
    %dma_start3A_120 = tpu.memref_squeeze %dma_start3A_119 : memref<1x16xf32, #tpu.memory_space<vmem>> -> memref<16xf32, #tpu.memory_space<vmem>>
    %dma_start3A_121 = tpu.memref_slice %arg4[%dma_start3A_116, %sub3A_115] : memref<16x160000xf32, #tpu.memory_space<hbm>> -> memref<1x16xf32, #tpu.memory_space<hbm>>
    %dma_start3A_122 = tpu.memref_squeeze %dma_start3A_121 : memref<1x16xf32, #tpu.memory_space<hbm>> -> memref<16xf32, #tpu.memory_space<hbm>>
    %dma_start3A_123 = arith.constant 0 : i32
    %dma_start3A_124 = tpu.memref_slice %arg11[%dma_start3A_117, %dma_start3A_123] : memref<16x16xf32, #tpu.memory_space<vmem>> -> memref<1x16xf32, #tpu.memory_space<vmem>>
    %dma_start3A_125 = tpu.memref_squeeze %dma_start3A_124 : memref<1x16xf32, #tpu.memory_space<vmem>> -> memref<16xf32, #tpu.memory_space<vmem>>
    %dma_start3A_126 = tpu.memref_slice %arg4[%dma_start3A_116, %sub3A_115] : memref<16x160000xf32, #tpu.memory_space<hbm>> -> memref<1x16xf32, #tpu.memory_space<hbm>>
    %dma_start3A_127 = tpu.memref_squeeze %dma_start3A_126 : memref<1x16xf32, #tpu.memory_space<hbm>> -> memref<16xf32, #tpu.memory_space<hbm>>
    tpu.enqueue_dma source(%dma_start3A_127 : memref<16xf32, #tpu.memory_space<hbm>>) target(%dma_start3A_125 : memref<16xf32, #tpu.memory_space<vmem>>) target_semaphore(%arg17 : memref<!tpu.dma_semaphore, #tpu.memory_space<semaphore_mem>>)
    %dma_start3A_128 = arith.constant 4 : i32
    %dma_start3A_129 = arith.constant 4 : i32
    %dma_start3A_130 = arith.constant 0 : i32
    %dma_start3A_131 = tpu.memref_slice %arg10[%dma_start3A_129, %dma_start3A_130] : memref<16x4992xf32, #tpu.memory_space<vmem>> -> memref<1x4992xf32, #tpu.memory_space<vmem>>
    %dma_start3A_132 = tpu.memref_squeeze %dma_start3A_131 : memref<1x4992xf32, #tpu.memory_space<vmem>> -> memref<4992xf32, #tpu.memory_space<vmem>>
    %dma_start3A_133 = tpu.memref_slice %arg4[%dma_start3A_128, %mul3A_2] : memref<16x160000xf32, #tpu.memory_space<hbm>> -> memref<1x4992xf32, #tpu.memory_space<hbm>>
    %dma_start3A_134 = tpu.memref_squeeze %dma_start3A_133 : memref<1x4992xf32, #tpu.memory_space<hbm>> -> memref<4992xf32, #tpu.memory_space<hbm>>
    %dma_start3A_135 = arith.constant 0 : i32
    %dma_start3A_136 = tpu.memref_slice %arg10[%dma_start3A_129, %dma_start3A_135] : memref<16x4992xf32, #tpu.memory_space<vmem>> -> memref<1x4992xf32, #tpu.memory_space<vmem>>
    %dma_start3A_137 = tpu.memref_squeeze %dma_start3A_136 : memref<1x4992xf32, #tpu.memory_space<vmem>> -> memref<4992xf32, #tpu.memory_space<vmem>>
    %dma_start3A_138 = tpu.memref_slice %arg4[%dma_start3A_128, %mul3A_2] : memref<16x160000xf32, #tpu.memory_space<hbm>> -> memref<1x4992xf32, #tpu.memory_space<hbm>>
    %dma_start3A_139 = tpu.memref_squeeze %dma_start3A_138 : memref<1x4992xf32, #tpu.memory_space<hbm>> -> memref<4992xf32, #tpu.memory_space<hbm>>
    tpu.enqueue_dma source(%dma_start3A_139 : memref<4992xf32, #tpu.memory_space<hbm>>) target(%dma_start3A_137 : memref<4992xf32, #tpu.memory_space<vmem>>) target_semaphore(%arg17 : memref<!tpu.dma_semaphore, #tpu.memory_space<semaphore_mem>>)
    %add3A_140 = arith.constant 5000 : i32
    %add3A_141 = arith.addi %mul3A_2, %add3A_140 : i32
    %sub3A_142 = arith.constant 16 : i32
    %sub3A_143 = arith.subi %add3A_141, %sub3A_142 : i32
    %dma_start3A_144 = arith.constant 4 : i32
    %dma_start3A_145 = arith.constant 4 : i32
    %dma_start3A_146 = arith.constant 0 : i32
    %dma_start3A_147 = tpu.memref_slice %arg11[%dma_start3A_145, %dma_start3A_146] : memref<16x16xf32, #tpu.memory_space<vmem>> -> memref<1x16xf32, #tpu.memory_space<vmem>>
    %dma_start3A_148 = tpu.memref_squeeze %dma_start3A_147 : memref<1x16xf32, #tpu.memory_space<vmem>> -> memref<16xf32, #tpu.memory_space<vmem>>
    %dma_start3A_149 = tpu.memref_slice %arg4[%dma_start3A_144, %sub3A_143] : memref<16x160000xf32, #tpu.memory_space<hbm>> -> memref<1x16xf32, #tpu.memory_space<hbm>>
    %dma_start3A_150 = tpu.memref_squeeze %dma_start3A_149 : memref<1x16xf32, #tpu.memory_space<hbm>> -> memref<16xf32, #tpu.memory_space<hbm>>
    %dma_start3A_151 = arith.constant 0 : i32
    %dma_start3A_152 = tpu.memref_slice %arg11[%dma_start3A_145, %dma_start3A_151] : memref<16x16xf32, #tpu.memory_space<vmem>> -> memref<1x16xf32, #tpu.memory_space<vmem>>
    %dma_start3A_153 = tpu.memref_squeeze %dma_start3A_152 : memref<1x16xf32, #tpu.memory_space<vmem>> -> memref<16xf32, #tpu.memory_space<vmem>>
    %dma_start3A_154 = tpu.memref_slice %arg4[%dma_start3A_144, %sub3A_143] : memref<16x160000xf32, #tpu.memory_space<hbm>> -> memref<1x16xf32, #tpu.memory_space<hbm>>
    %dma_start3A_155 = tpu.memref_squeeze %dma_start3A_154 : memref<1x16xf32, #tpu.memory_space<hbm>> -> memref<16xf32, #tpu.memory_space<hbm>>
    tpu.enqueue_dma source(%dma_start3A_155 : memref<16xf32, #tpu.memory_space<hbm>>) target(%dma_start3A_153 : memref<16xf32, #tpu.memory_space<vmem>>) target_semaphore(%arg17 : memref<!tpu.dma_semaphore, #tpu.memory_space<semaphore_mem>>)
    %dma_start3A_156 = arith.constant 5 : i32
    %dma_start3A_157 = arith.constant 5 : i32
    %dma_start3A_158 = arith.constant 0 : i32
    %dma_start3A_159 = tpu.memref_slice %arg10[%dma_start3A_157, %dma_start3A_158] : memref<16x4992xf32, #tpu.memory_space<vmem>> -> memref<1x4992xf32, #tpu.memory_space<vmem>>
    %dma_start3A_160 = tpu.memref_squeeze %dma_start3A_159 : memref<1x4992xf32, #tpu.memory_space<vmem>> -> memref<4992xf32, #tpu.memory_space<vmem>>
    %dma_start3A_161 = tpu.memref_slice %arg4[%dma_start3A_156, %mul3A_2] : memref<16x160000xf32, #tpu.memory_space<hbm>> -> memref<1x4992xf32, #tpu.memory_space<hbm>>
    %dma_start3A_162 = tpu.memref_squeeze %dma_start3A_161 : memref<1x4992xf32, #tpu.memory_space<hbm>> -> memref<4992xf32, #tpu.memory_space<hbm>>
    %dma_start3A_163 = arith.constant 0 : i32
    %dma_start3A_164 = tpu.memref_slice %arg10[%dma_start3A_157, %dma_start3A_163] : memref<16x4992xf32, #tpu.memory_space<vmem>> -> memref<1x4992xf32, #tpu.memory_space<vmem>>
    %dma_start3A_165 = tpu.memref_squeeze %dma_start3A_164 : memref<1x4992xf32, #tpu.memory_space<vmem>> -> memref<4992xf32, #tpu.memory_space<vmem>>
    %dma_start3A_166 = tpu.memref_slice %arg4[%dma_start3A_156, %mul3A_2] : memref<16x160000xf32, #tpu.memory_space<hbm>> -> memref<1x4992xf32, #tpu.memory_space<hbm>>
    %dma_start3A_167 = tpu.memref_squeeze %dma_start3A_166 : memref<1x4992xf32, #tpu.memory_space<hbm>> -> memref<4992xf32, #tpu.memory_space<hbm>>
    tpu.enqueue_dma source(%dma_start3A_167 : memref<4992xf32, #tpu.memory_space<hbm>>) target(%dma_start3A_165 : memref<4992xf32, #tpu.memory_space<vmem>>) target_semaphore(%arg17 : memref<!tpu.dma_semaphore, #tpu.memory_space<semaphore_mem>>)
    %add3A_168 = arith.constant 5000 : i32
    %add3A_169 = arith.addi %mul3A_2, %add3A_168 : i32
    %sub3A_170 = arith.constant 16 : i32
    %sub3A_171 = arith.subi %add3A_169, %sub3A_170 : i32
    %dma_start3A_172 = arith.constant 5 : i32
    %dma_start3A_173 = arith.constant 5 : i32
    %dma_start3A_174 = arith.constant 0 : i32
    %dma_start3A_175 = tpu.memref_slice %arg11[%dma_start3A_173, %dma_start3A_174] : memref<16x16xf32, #tpu.memory_space<vmem>> -> memref<1x16xf32, #tpu.memory_space<vmem>>
    %dma_start3A_176 = tpu.memref_squeeze %dma_start3A_175 : memref<1x16xf32, #tpu.memory_space<vmem>> -> memref<16xf32, #tpu.memory_space<vmem>>
    %dma_start3A_177 = tpu.memref_slice %arg4[%dma_start3A_172, %sub3A_171] : memref<16x160000xf32, #tpu.memory_space<hbm>> -> memref<1x16xf32, #tpu.memory_space<hbm>>
    %dma_start3A_178 = tpu.memref_squeeze %dma_start3A_177 : memref<1x16xf32, #tpu.memory_space<hbm>> -> memref<16xf32, #tpu.memory_space<hbm>>
    %dma_start3A_179 = arith.constant 0 : i32
    %dma_start3A_180 = tpu.memref_slice %arg11[%dma_start3A_173, %dma_start3A_179] : memref<16x16xf32, #tpu.memory_space<vmem>> -> memref<1x16xf32, #tpu.memory_space<vmem>>
    %dma_start3A_181 = tpu.memref_squeeze %dma_start3A_180 : memref<1x16xf32, #tpu.memory_space<vmem>> -> memref<16xf32, #tpu.memory_space<vmem>>
    %dma_start3A_182 = tpu.memref_slice %arg4[%dma_start3A_172, %sub3A_171] : memref<16x160000xf32, #tpu.memory_space<hbm>> -> memref<1x16xf32, #tpu.memory_space<hbm>>
    %dma_start3A_183 = tpu.memref_squeeze %dma_start3A_182 : memref<1x16xf32, #tpu.memory_space<hbm>> -> memref<16xf32, #tpu.memory_space<hbm>>
    tpu.enqueue_dma source(%dma_start3A_183 : memref<16xf32, #tpu.memory_space<hbm>>) target(%dma_start3A_181 : memref<16xf32, #tpu.memory_space<vmem>>) target_semaphore(%arg17 : memref<!tpu.dma_semaphore, #tpu.memory_space<semaphore_mem>>)
    %dma_start3A_184 = arith.constant 6 : i32
    %dma_start3A_185 = arith.constant 6 : i32
    %dma_start3A_186 = arith.constant 0 : i32
    %dma_start3A_187 = tpu.memref_slice %arg10[%dma_start3A_185, %dma_start3A_186] : memref<16x4992xf32, #tpu.memory_space<vmem>> -> memref<1x4992xf32, #tpu.memory_space<vmem>>
    %dma_start3A_188 = tpu.memref_squeeze %dma_start3A_187 : memref<1x4992xf32, #tpu.memory_space<vmem>> -> memref<4992xf32, #tpu.memory_space<vmem>>
    %dma_start3A_189 = tpu.memref_slice %arg4[%dma_start3A_184, %mul3A_2] : memref<16x160000xf32, #tpu.memory_space<hbm>> -> memref<1x4992xf32, #tpu.memory_space<hbm>>
    %dma_start3A_190 = tpu.memref_squeeze %dma_start3A_189 : memref<1x4992xf32, #tpu.memory_space<hbm>> -> memref<4992xf32, #tpu.memory_space<hbm>>
    %dma_start3A_191 = arith.constant 0 : i32
    %dma_start3A_192 = tpu.memref_slice %arg10[%dma_start3A_185, %dma_start3A_191] : memref<16x4992xf32, #tpu.memory_space<vmem>> -> memref<1x4992xf32, #tpu.memory_space<vmem>>
    %dma_start3A_193 = tpu.memref_squeeze %dma_start3A_192 : memref<1x4992xf32, #tpu.memory_space<vmem>> -> memref<4992xf32, #tpu.memory_space<vmem>>
    %dma_start3A_194 = tpu.memref_slice %arg4[%dma_start3A_184, %mul3A_2] : memref<16x160000xf32, #tpu.memory_space<hbm>> -> memref<1x4992xf32, #tpu.memory_space<hbm>>
    %dma_start3A_195 = tpu.memref_squeeze %dma_start3A_194 : memref<1x4992xf32, #tpu.memory_space<hbm>> -> memref<4992xf32, #tpu.memory_space<hbm>>
    tpu.enqueue_dma source(%dma_start3A_195 : memref<4992xf32, #tpu.memory_space<hbm>>) target(%dma_start3A_193 : memref<4992xf32, #tpu.memory_space<vmem>>) target_semaphore(%arg17 : memref<!tpu.dma_semaphore, #tpu.memory_space<semaphore_mem>>)
    %add3A_196 = arith.constant 5000 : i32
    %add3A_197 = arith.addi %mul3A_2, %add3A_196 : i32
    %sub3A_198 = arith.constant 16 : i32
    %sub3A_199 = arith.subi %add3A_197, %sub3A_198 : i32
    %dma_start3A_200 = arith.constant 6 : i32
    %dma_start3A_201 = arith.constant 6 : i32
    %dma_start3A_202 = arith.constant 0 : i32
    %dma_start3A_203 = tpu.memref_slice %arg11[%dma_start3A_201, %dma_start3A_202] : memref<16x16xf32, #tpu.memory_space<vmem>> -> memref<1x16xf32, #tpu.memory_space<vmem>>
    %dma_start3A_204 = tpu.memref_squeeze %dma_start3A_203 : memref<1x16xf32, #tpu.memory_space<vmem>> -> memref<16xf32, #tpu.memory_space<vmem>>
    %dma_start3A_205 = tpu.memref_slice %arg4[%dma_start3A_200, %sub3A_199] : memref<16x160000xf32, #tpu.memory_space<hbm>> -> memref<1x16xf32, #tpu.memory_space<hbm>>
    %dma_start3A_206 = tpu.memref_squeeze %dma_start3A_205 : memref<1x16xf32, #tpu.memory_space<hbm>> -> memref<16xf32, #tpu.memory_space<hbm>>
    %dma_start3A_207 = arith.constant 0 : i32
    %dma_start3A_208 = tpu.memref_slice %arg11[%dma_start3A_201, %dma_start3A_207] : memref<16x16xf32, #tpu.memory_space<vmem>> -> memref<1x16xf32, #tpu.memory_space<vmem>>
    %dma_start3A_209 = tpu.memref_squeeze %dma_start3A_208 : memref<1x16xf32, #tpu.memory_space<vmem>> -> memref<16xf32, #tpu.memory_space<vmem>>
    %dma_start3A_210 = tpu.memref_slice %arg4[%dma_start3A_200, %sub3A_199] : memref<16x160000xf32, #tpu.memory_space<hbm>> -> memref<1x16xf32, #tpu.memory_space<hbm>>
    %dma_start3A_211 = tpu.memref_squeeze %dma_start3A_210 : memref<1x16xf32, #tpu.memory_space<hbm>> -> memref<16xf32, #tpu.memory_space<hbm>>
    tpu.enqueue_dma source(%dma_start3A_211 : memref<16xf32, #tpu.memory_space<hbm>>) target(%dma_start3A_209 : memref<16xf32, #tpu.memory_space<vmem>>) target_semaphore(%arg17 : memref<!tpu.dma_semaphore, #tpu.memory_space<semaphore_mem>>)
    %dma_start3A_212 = arith.constant 7 : i32
    %dma_start3A_213 = arith.constant 7 : i32
    %dma_start3A_214 = arith.constant 0 : i32
    %dma_start3A_215 = tpu.memref_slice %arg10[%dma_start3A_213, %dma_start3A_214] : memref<16x4992xf32, #tpu.memory_space<vmem>> -> memref<1x4992xf32, #tpu.memory_space<vmem>>
    %dma_start3A_216 = tpu.memref_squeeze %dma_start3A_215 : memref<1x4992xf32, #tpu.memory_space<vmem>> -> memref<4992xf32, #tpu.memory_space<vmem>>
    %dma_start3A_217 = tpu.memref_slice %arg4[%dma_start3A_212, %mul3A_2] : memref<16x160000xf32, #tpu.memory_space<hbm>> -> memref<1x4992xf32, #tpu.memory_space<hbm>>
    %dma_start3A_218 = tpu.memref_squeeze %dma_start3A_217 : memref<1x4992xf32, #tpu.memory_space<hbm>> -> memref<4992xf32, #tpu.memory_space<hbm>>
    %dma_start3A_219 = arith.constant 0 : i32
    %dma_start3A_220 = tpu.memref_slice %arg10[%dma_start3A_213, %dma_start3A_219] : memref<16x4992xf32, #tpu.memory_space<vmem>> -> memref<1x4992xf32, #tpu.memory_space<vmem>>
    %dma_start3A_221 = tpu.memref_squeeze %dma_start3A_220 : memref<1x4992xf32, #tpu.memory_space<vmem>> -> memref<4992xf32, #tpu.memory_space<vmem>>
    %dma_start3A_222 = tpu.memref_slice %arg4[%dma_start3A_212, %mul3A_2] : memref<16x160000xf32, #tpu.memory_space<hbm>> -> memref<1x4992xf32, #tpu.memory_space<hbm>>
    %dma_start3A_223 = tpu.memref_squeeze %dma_start3A_222 : memref<1x4992xf32, #tpu.memory_space<hbm>> -> memref<4992xf32, #tpu.memory_space<hbm>>
    tpu.enqueue_dma source(%dma_start3A_223 : memref<4992xf32, #tpu.memory_space<hbm>>) target(%dma_start3A_221 : memref<4992xf32, #tpu.memory_space<vmem>>) target_semaphore(%arg17 : memref<!tpu.dma_semaphore, #tpu.memory_space<semaphore_mem>>)
    %add3A_224 = arith.constant 5000 : i32
    %add3A_225 = arith.addi %mul3A_2, %add3A_224 : i32
    %sub3A_226 = arith.constant 16 : i32
    %sub3A_227 = arith.subi %add3A_225, %sub3A_226 : i32
    %dma_start3A_228 = arith.constant 7 : i32
    %dma_start3A_229 = arith.constant 7 : i32
    %dma_start3A_230 = arith.constant 0 : i32
    %dma_start3A_231 = tpu.memref_slice %arg11[%dma_start3A_229, %dma_start3A_230] : memref<16x16xf32, #tpu.memory_space<vmem>> -> memref<1x16xf32, #tpu.memory_space<vmem>>
    %dma_start3A_232 = tpu.memref_squeeze %dma_start3A_231 : memref<1x16xf32, #tpu.memory_space<vmem>> -> memref<16xf32, #tpu.memory_space<vmem>>
    %dma_start3A_233 = tpu.memref_slice %arg4[%dma_start3A_228, %sub3A_227] : memref<16x160000xf32, #tpu.memory_space<hbm>> -> memref<1x16xf32, #tpu.memory_space<hbm>>
    %dma_start3A_234 = tpu.memref_squeeze %dma_start3A_233 : memref<1x16xf32, #tpu.memory_space<hbm>> -> memref<16xf32, #tpu.memory_space<hbm>>
    %dma_start3A_235 = arith.constant 0 : i32
    %dma_start3A_236 = tpu.memref_slice %arg11[%dma_start3A_229, %dma_start3A_235] : memref<16x16xf32, #tpu.memory_space<vmem>> -> memref<1x16xf32, #tpu.memory_space<vmem>>
    %dma_start3A_237 = tpu.memref_squeeze %dma_start3A_236 : memref<1x16xf32, #tpu.memory_space<vmem>> -> memref<16xf32, #tpu.memory_space<vmem>>
    %dma_start3A_238 = tpu.memref_slice %arg4[%dma_start3A_228, %sub3A_227] : memref<16x160000xf32, #tpu.memory_space<hbm>> -> memref<1x16xf32, #tpu.memory_space<hbm>>
    %dma_start3A_239 = tpu.memref_squeeze %dma_start3A_238 : memref<1x16xf32, #tpu.memory_space<hbm>> -> memref<16xf32, #tpu.memory_space<hbm>>
    tpu.enqueue_dma source(%dma_start3A_239 : memref<16xf32, #tpu.memory_space<hbm>>) target(%dma_start3A_237 : memref<16xf32, #tpu.memory_space<vmem>>) target_semaphore(%arg17 : memref<!tpu.dma_semaphore, #tpu.memory_space<semaphore_mem>>)
    %dma_start3A_240 = arith.constant 8 : i32
    %dma_start3A_241 = arith.constant 8 : i32
    %dma_start3A_242 = arith.constant 0 : i32
    %dma_start3A_243 = tpu.memref_slice %arg10[%dma_start3A_241, %dma_start3A_242] : memref<16x4992xf32, #tpu.memory_space<vmem>> -> memref<1x4992xf32, #tpu.memory_space<vmem>>
    %dma_start3A_244 = tpu.memref_squeeze %dma_start3A_243 : memref<1x4992xf32, #tpu.memory_space<vmem>> -> memref<4992xf32, #tpu.memory_space<vmem>>
    %dma_start3A_245 = tpu.memref_slice %arg4[%dma_start3A_240, %mul3A_2] : memref<16x160000xf32, #tpu.memory_space<hbm>> -> memref<1x4992xf32, #tpu.memory_space<hbm>>
    %dma_start3A_246 = tpu.memref_squeeze %dma_start3A_245 : memref<1x4992xf32, #tpu.memory_space<hbm>> -> memref<4992xf32, #tpu.memory_space<hbm>>
    %dma_start3A_247 = arith.constant 0 : i32
    %dma_start3A_248 = tpu.memref_slice %arg10[%dma_start3A_241, %dma_start3A_247] : memref<16x4992xf32, #tpu.memory_space<vmem>> -> memref<1x4992xf32, #tpu.memory_space<vmem>>
    %dma_start3A_249 = tpu.memref_squeeze %dma_start3A_248 : memref<1x4992xf32, #tpu.memory_space<vmem>> -> memref<4992xf32, #tpu.memory_space<vmem>>
    %dma_start3A_250 = tpu.memref_slice %arg4[%dma_start3A_240, %mul3A_2] : memref<16x160000xf32, #tpu.memory_space<hbm>> -> memref<1x4992xf32, #tpu.memory_space<hbm>>
    %dma_start3A_251 = tpu.memref_squeeze %dma_start3A_250 : memref<1x4992xf32, #tpu.memory_space<hbm>> -> memref<4992xf32, #tpu.memory_space<hbm>>
    tpu.enqueue_dma source(%dma_start3A_251 : memref<4992xf32, #tpu.memory_space<hbm>>) target(%dma_start3A_249 : memref<4992xf32, #tpu.memory_space<vmem>>) target_semaphore(%arg17 : memref<!tpu.dma_semaphore, #tpu.memory_space<semaphore_mem>>)
    %add3A_252 = arith.constant 5000 : i32
    %add3A_253 = arith.addi %mul3A_2, %add3A_252 : i32
    %sub3A_254 = arith.constant 16 : i32
    %sub3A_255 = arith.subi %add3A_253, %sub3A_254 : i32
    %dma_start3A_256 = arith.constant 8 : i32
    %dma_start3A_257 = arith.constant 8 : i32
    %dma_start3A_258 = arith.constant 0 : i32
    %dma_start3A_259 = tpu.memref_slice %arg11[%dma_start3A_257, %dma_start3A_258] : memref<16x16xf32, #tpu.memory_space<vmem>> -> memref<1x16xf32, #tpu.memory_space<vmem>>
    %dma_start3A_260 = tpu.memref_squeeze %dma_start3A_259 : memref<1x16xf32, #tpu.memory_space<vmem>> -> memref<16xf32, #tpu.memory_space<vmem>>
    %dma_start3A_261 = tpu.memref_slice %arg4[%dma_start3A_256, %sub3A_255] : memref<16x160000xf32, #tpu.memory_space<hbm>> -> memref<1x16xf32, #tpu.memory_space<hbm>>
    %dma_start3A_262 = tpu.memref_squeeze %dma_start3A_261 : memref<1x16xf32, #tpu.memory_space<hbm>> -> memref<16xf32, #tpu.memory_space<hbm>>
    %dma_start3A_263 = arith.constant 0 : i32
    %dma_start3A_264 = tpu.memref_slice %arg11[%dma_start3A_257, %dma_start3A_263] : memref<16x16xf32, #tpu.memory_space<vmem>> -> memref<1x16xf32, #tpu.memory_space<vmem>>
    %dma_start3A_265 = tpu.memref_squeeze %dma_start3A_264 : memref<1x16xf32, #tpu.memory_space<vmem>> -> memref<16xf32, #tpu.memory_space<vmem>>
    %dma_start3A_266 = tpu.memref_slice %arg4[%dma_start3A_256, %sub3A_255] : memref<16x160000xf32, #tpu.memory_space<hbm>> -> memref<1x16xf32, #tpu.memory_space<hbm>>
    %dma_start3A_267 = tpu.memref_squeeze %dma_start3A_266 : memref<1x16xf32, #tpu.memory_space<hbm>> -> memref<16xf32, #tpu.memory_space<hbm>>
    tpu.enqueue_dma source(%dma_start3A_267 : memref<16xf32, #tpu.memory_space<hbm>>) target(%dma_start3A_265 : memref<16xf32, #tpu.memory_space<vmem>>) target_semaphore(%arg17 : memref<!tpu.dma_semaphore, #tpu.memory_space<semaphore_mem>>)
    %dma_start3A_268 = arith.constant 9 : i32
    %dma_start3A_269 = arith.constant 9 : i32
    %dma_start3A_270 = arith.constant 0 : i32
    %dma_start3A_271 = tpu.memref_slice %arg10[%dma_start3A_269, %dma_start3A_270] : memref<16x4992xf32, #tpu.memory_space<vmem>> -> memref<1x4992xf32, #tpu.memory_space<vmem>>
    %dma_start3A_272 = tpu.memref_squeeze %dma_start3A_271 : memref<1x4992xf32, #tpu.memory_space<vmem>> -> memref<4992xf32, #tpu.memory_space<vmem>>
    %dma_start3A_273 = tpu.memref_slice %arg4[%dma_start3A_268, %mul3A_2] : memref<16x160000xf32, #tpu.memory_space<hbm>> -> memref<1x4992xf32, #tpu.memory_space<hbm>>
    %dma_start3A_274 = tpu.memref_squeeze %dma_start3A_273 : memref<1x4992xf32, #tpu.memory_space<hbm>> -> memref<4992xf32, #tpu.memory_space<hbm>>
    %dma_start3A_275 = arith.constant 0 : i32
    %dma_start3A_276 = tpu.memref_slice %arg10[%dma_start3A_269, %dma_start3A_275] : memref<16x4992xf32, #tpu.memory_space<vmem>> -> memref<1x4992xf32, #tpu.memory_space<vmem>>
    %dma_start3A_277 = tpu.memref_squeeze %dma_start3A_276 : memref<1x4992xf32, #tpu.memory_space<vmem>> -> memref<4992xf32, #tpu.memory_space<vmem>>
    %dma_start3A_278 = tpu.memref_slice %arg4[%dma_start3A_268, %mul3A_2] : memref<16x160000xf32, #tpu.memory_space<hbm>> -> memref<1x4992xf32, #tpu.memory_space<hbm>>
    %dma_start3A_279 = tpu.memref_squeeze %dma_start3A_278 : memref<1x4992xf32, #tpu.memory_space<hbm>> -> memref<4992xf32, #tpu.memory_space<hbm>>
    tpu.enqueue_dma source(%dma_start3A_279 : memref<4992xf32, #tpu.memory_space<hbm>>) target(%dma_start3A_277 : memref<4992xf32, #tpu.memory_space<vmem>>) target_semaphore(%arg17 : memref<!tpu.dma_semaphore, #tpu.memory_space<semaphore_mem>>)
    %add3A_280 = arith.constant 5000 : i32
    %add3A_281 = arith.addi %mul3A_2, %add3A_280 : i32
    %sub3A_282 = arith.constant 16 : i32
    %sub3A_283 = arith.subi %add3A_281, %sub3A_282 : i32
    %dma_start3A_284 = arith.constant 9 : i32
    %dma_start3A_285 = arith.constant 9 : i32
    %dma_start3A_286 = arith.constant 0 : i32
    %dma_start3A_287 = tpu.memref_slice %arg11[%dma_start3A_285, %dma_start3A_286] : memref<16x16xf32, #tpu.memory_space<vmem>> -> memref<1x16xf32, #tpu.memory_space<vmem>>
    %dma_start3A_288 = tpu.memref_squeeze %dma_start3A_287 : memref<1x16xf32, #tpu.memory_space<vmem>> -> memref<16xf32, #tpu.memory_space<vmem>>
    %dma_start3A_289 = tpu.memref_slice %arg4[%dma_start3A_284, %sub3A_283] : memref<16x160000xf32, #tpu.memory_space<hbm>> -> memref<1x16xf32, #tpu.memory_space<hbm>>
    %dma_start3A_290 = tpu.memref_squeeze %dma_start3A_289 : memref<1x16xf32, #tpu.memory_space<hbm>> -> memref<16xf32, #tpu.memory_space<hbm>>
    %dma_start3A_291 = arith.constant 0 : i32
    %dma_start3A_292 = tpu.memref_slice %arg11[%dma_start3A_285, %dma_start3A_291] : memref<16x16xf32, #tpu.memory_space<vmem>> -> memref<1x16xf32, #tpu.memory_space<vmem>>
    %dma_start3A_293 = tpu.memref_squeeze %dma_start3A_292 : memref<1x16xf32, #tpu.memory_space<vmem>> -> memref<16xf32, #tpu.memory_space<vmem>>
    %dma_start3A_294 = tpu.memref_slice %arg4[%dma_start3A_284, %sub3A_283] : memref<16x160000xf32, #tpu.memory_space<hbm>> -> memref<1x16xf32, #tpu.memory_space<hbm>>
    %dma_start3A_295 = tpu.memref_squeeze %dma_start3A_294 : memref<1x16xf32, #tpu.memory_space<hbm>> -> memref<16xf32, #tpu.memory_space<hbm>>
    tpu.enqueue_dma source(%dma_start3A_295 : memref<16xf32, #tpu.memory_space<hbm>>) target(%dma_start3A_293 : memref<16xf32, #tpu.memory_space<vmem>>) target_semaphore(%arg17 : memref<!tpu.dma_semaphore, #tpu.memory_space<semaphore_mem>>)
    %dma_start3A_296 = arith.constant 10 : i32
    %dma_start3A_297 = arith.constant 10 : i32
    %dma_start3A_298 = arith.constant 0 : i32
    %dma_start3A_299 = tpu.memref_slice %arg10[%dma_start3A_297, %dma_start3A_298] : memref<16x4992xf32, #tpu.memory_space<vmem>> -> memref<1x4992xf32, #tpu.memory_space<vmem>>
    %dma_start3A_300 = tpu.memref_squeeze %dma_start3A_299 : memref<1x4992xf32, #tpu.memory_space<vmem>> -> memref<4992xf32, #tpu.memory_space<vmem>>
    %dma_start3A_301 = tpu.memref_slice %arg4[%dma_start3A_296, %mul3A_2] : memref<16x160000xf32, #tpu.memory_space<hbm>> -> memref<1x4992xf32, #tpu.memory_space<hbm>>
    %dma_start3A_302 = tpu.memref_squeeze %dma_start3A_301 : memref<1x4992xf32, #tpu.memory_space<hbm>> -> memref<4992xf32, #tpu.memory_space<hbm>>
    %dma_start3A_303 = arith.constant 0 : i32
    %dma_start3A_304 = tpu.memref_slice %arg10[%dma_start3A_297, %dma_start3A_303] : memref<16x4992xf32, #tpu.memory_space<vmem>> -> memref<1x4992xf32, #tpu.memory_space<vmem>>
    %dma_start3A_305 = tpu.memref_squeeze %dma_start3A_304 : memref<1x4992xf32, #tpu.memory_space<vmem>> -> memref<4992xf32, #tpu.memory_space<vmem>>
    %dma_start3A_306 = tpu.memref_slice %arg4[%dma_start3A_296, %mul3A_2] : memref<16x160000xf32, #tpu.memory_space<hbm>> -> memref<1x4992xf32, #tpu.memory_space<hbm>>
    %dma_start3A_307 = tpu.memref_squeeze %dma_start3A_306 : memref<1x4992xf32, #tpu.memory_space<hbm>> -> memref<4992xf32, #tpu.memory_space<hbm>>
    tpu.enqueue_dma source(%dma_start3A_307 : memref<4992xf32, #tpu.memory_space<hbm>>) target(%dma_start3A_305 : memref<4992xf32, #tpu.memory_space<vmem>>) target_semaphore(%arg17 : memref<!tpu.dma_semaphore, #tpu.memory_space<semaphore_mem>>)
    %add3A_308 = arith.constant 5000 : i32
    %add3A_309 = arith.addi %mul3A_2, %add3A_308 : i32
    %sub3A_310 = arith.constant 16 : i32
    %sub3A_311 = arith.subi %add3A_309, %sub3A_310 : i32
    %dma_start3A_312 = arith.constant 10 : i32
    %dma_start3A_313 = arith.constant 10 : i32
    %dma_start3A_314 = arith.constant 0 : i32
    %dma_start3A_315 = tpu.memref_slice %arg11[%dma_start3A_313, %dma_start3A_314] : memref<16x16xf32, #tpu.memory_space<vmem>> -> memref<1x16xf32, #tpu.memory_space<vmem>>
    %dma_start3A_316 = tpu.memref_squeeze %dma_start3A_315 : memref<1x16xf32, #tpu.memory_space<vmem>> -> memref<16xf32, #tpu.memory_space<vmem>>
    %dma_start3A_317 = tpu.memref_slice %arg4[%dma_start3A_312, %sub3A_311] : memref<16x160000xf32, #tpu.memory_space<hbm>> -> memref<1x16xf32, #tpu.memory_space<hbm>>
    %dma_start3A_318 = tpu.memref_squeeze %dma_start3A_317 : memref<1x16xf32, #tpu.memory_space<hbm>> -> memref<16xf32, #tpu.memory_space<hbm>>
    %dma_start3A_319 = arith.constant 0 : i32
    %dma_start3A_320 = tpu.memref_slice %arg11[%dma_start3A_313, %dma_start3A_319] : memref<16x16xf32, #tpu.memory_space<vmem>> -> memref<1x16xf32, #tpu.memory_space<vmem>>
    %dma_start3A_321 = tpu.memref_squeeze %dma_start3A_320 : memref<1x16xf32, #tpu.memory_space<vmem>> -> memref<16xf32, #tpu.memory_space<vmem>>
    %dma_start3A_322 = tpu.memref_slice %arg4[%dma_start3A_312, %sub3A_311] : memref<16x160000xf32, #tpu.memory_space<hbm>> -> memref<1x16xf32, #tpu.memory_space<hbm>>
    %dma_start3A_323 = tpu.memref_squeeze %dma_start3A_322 : memref<1x16xf32, #tpu.memory_space<hbm>> -> memref<16xf32, #tpu.memory_space<hbm>>
    tpu.enqueue_dma source(%dma_start3A_323 : memref<16xf32, #tpu.memory_space<hbm>>) target(%dma_start3A_321 : memref<16xf32, #tpu.memory_space<vmem>>) target_semaphore(%arg17 : memref<!tpu.dma_semaphore, #tpu.memory_space<semaphore_mem>>)
    %dma_start3A_324 = arith.constant 11 : i32
    %dma_start3A_325 = arith.constant 11 : i32
    %dma_start3A_326 = arith.constant 0 : i32
    %dma_start3A_327 = tpu.memref_slice %arg10[%dma_start3A_325, %dma_start3A_326] : memref<16x4992xf32, #tpu.memory_space<vmem>> -> memref<1x4992xf32, #tpu.memory_space<vmem>>
    %dma_start3A_328 = tpu.memref_squeeze %dma_start3A_327 : memref<1x4992xf32, #tpu.memory_space<vmem>> -> memref<4992xf32, #tpu.memory_space<vmem>>
    %dma_start3A_329 = tpu.memref_slice %arg4[%dma_start3A_324, %mul3A_2] : memref<16x160000xf32, #tpu.memory_space<hbm>> -> memref<1x4992xf32, #tpu.memory_space<hbm>>
    %dma_start3A_330 = tpu.memref_squeeze %dma_start3A_329 : memref<1x4992xf32, #tpu.memory_space<hbm>> -> memref<4992xf32, #tpu.memory_space<hbm>>
    %dma_start3A_331 = arith.constant 0 : i32
    %dma_start3A_332 = tpu.memref_slice %arg10[%dma_start3A_325, %dma_start3A_331] : memref<16x4992xf32, #tpu.memory_space<vmem>> -> memref<1x4992xf32, #tpu.memory_space<vmem>>
    %dma_start3A_333 = tpu.memref_squeeze %dma_start3A_332 : memref<1x4992xf32, #tpu.memory_space<vmem>> -> memref<4992xf32, #tpu.memory_space<vmem>>
    %dma_start3A_334 = tpu.memref_slice %arg4[%dma_start3A_324, %mul3A_2] : memref<16x160000xf32, #tpu.memory_space<hbm>> -> memref<1x4992xf32, #tpu.memory_space<hbm>>
    %dma_start3A_335 = tpu.memref_squeeze %dma_start3A_334 : memref<1x4992xf32, #tpu.memory_space<hbm>> -> memref<4992xf32, #tpu.memory_space<hbm>>
    tpu.enqueue_dma source(%dma_start3A_335 : memref<4992xf32, #tpu.memory_space<hbm>>) target(%dma_start3A_333 : memref<4992xf32, #tpu.memory_space<vmem>>) target_semaphore(%arg17 : memref<!tpu.dma_semaphore, #tpu.memory_space<semaphore_mem>>)
    %add3A_336 = arith.constant 5000 : i32
    %add3A_337 = arith.addi %mul3A_2, %add3A_336 : i32
    %sub3A_338 = arith.constant 16 : i32
    %sub3A_339 = arith.subi %add3A_337, %sub3A_338 : i32
    %dma_start3A_340 = arith.constant 11 : i32
    %dma_start3A_341 = arith.constant 11 : i32
    %dma_start3A_342 = arith.constant 0 : i32
    %dma_start3A_343 = tpu.memref_slice %arg11[%dma_start3A_341, %dma_start3A_342] : memref<16x16xf32, #tpu.memory_space<vmem>> -> memref<1x16xf32, #tpu.memory_space<vmem>>
    %dma_start3A_344 = tpu.memref_squeeze %dma_start3A_343 : memref<1x16xf32, #tpu.memory_space<vmem>> -> memref<16xf32, #tpu.memory_space<vmem>>
    %dma_start3A_345 = tpu.memref_slice %arg4[%dma_start3A_340, %sub3A_339] : memref<16x160000xf32, #tpu.memory_space<hbm>> -> memref<1x16xf32, #tpu.memory_space<hbm>>
    %dma_start3A_346 = tpu.memref_squeeze %dma_start3A_345 : memref<1x16xf32, #tpu.memory_space<hbm>> -> memref<16xf32, #tpu.memory_space<hbm>>
    %dma_start3A_347 = arith.constant 0 : i32
    %dma_start3A_348 = tpu.memref_slice %arg11[%dma_start3A_341, %dma_start3A_347] : memref<16x16xf32, #tpu.memory_space<vmem>> -> memref<1x16xf32, #tpu.memory_space<vmem>>
    %dma_start3A_349 = tpu.memref_squeeze %dma_start3A_348 : memref<1x16xf32, #tpu.memory_space<vmem>> -> memref<16xf32, #tpu.memory_space<vmem>>
    %dma_start3A_350 = tpu.memref_slice %arg4[%dma_start3A_340, %sub3A_339] : memref<16x160000xf32, #tpu.memory_space<hbm>> -> memref<1x16xf32, #tpu.memory_space<hbm>>
    %dma_start3A_351 = tpu.memref_squeeze %dma_start3A_350 : memref<1x16xf32, #tpu.memory_space<hbm>> -> memref<16xf32, #tpu.memory_space<hbm>>
    tpu.enqueue_dma source(%dma_start3A_351 : memref<16xf32, #tpu.memory_space<hbm>>) target(%dma_start3A_349 : memref<16xf32, #tpu.memory_space<vmem>>) target_semaphore(%arg17 : memref<!tpu.dma_semaphore, #tpu.memory_space<semaphore_mem>>)
    %dma_start3A_352 = arith.constant 12 : i32
    %dma_start3A_353 = arith.constant 12 : i32
    %dma_start3A_354 = arith.constant 0 : i32
    %dma_start3A_355 = tpu.memref_slice %arg10[%dma_start3A_353, %dma_start3A_354] : memref<16x4992xf32, #tpu.memory_space<vmem>> -> memref<1x4992xf32, #tpu.memory_space<vmem>>
    %dma_start3A_356 = tpu.memref_squeeze %dma_start3A_355 : memref<1x4992xf32, #tpu.memory_space<vmem>> -> memref<4992xf32, #tpu.memory_space<vmem>>
    %dma_start3A_357 = tpu.memref_slice %arg4[%dma_start3A_352, %mul3A_2] : memref<16x160000xf32, #tpu.memory_space<hbm>> -> memref<1x4992xf32, #tpu.memory_space<hbm>>
    %dma_start3A_358 = tpu.memref_squeeze %dma_start3A_357 : memref<1x4992xf32, #tpu.memory_space<hbm>> -> memref<4992xf32, #tpu.memory_space<hbm>>
    %dma_start3A_359 = arith.constant 0 : i32
    %dma_start3A_360 = tpu.memref_slice %arg10[%dma_start3A_353, %dma_start3A_359] : memref<16x4992xf32, #tpu.memory_space<vmem>> -> memref<1x4992xf32, #tpu.memory_space<vmem>>
    %dma_start3A_361 = tpu.memref_squeeze %dma_start3A_360 : memref<1x4992xf32, #tpu.memory_space<vmem>> -> memref<4992xf32, #tpu.memory_space<vmem>>
    %dma_start3A_362 = tpu.memref_slice %arg4[%dma_start3A_352, %mul3A_2] : memref<16x160000xf32, #tpu.memory_space<hbm>> -> memref<1x4992xf32, #tpu.memory_space<hbm>>
    %dma_start3A_363 = tpu.memref_squeeze %dma_start3A_362 : memref<1x4992xf32, #tpu.memory_space<hbm>> -> memref<4992xf32, #tpu.memory_space<hbm>>
    tpu.enqueue_dma source(%dma_start3A_363 : memref<4992xf32, #tpu.memory_space<hbm>>) target(%dma_start3A_361 : memref<4992xf32, #tpu.memory_space<vmem>>) target_semaphore(%arg17 : memref<!tpu.dma_semaphore, #tpu.memory_space<semaphore_mem>>)
    %add3A_364 = arith.constant 5000 : i32
    %add3A_365 = arith.addi %mul3A_2, %add3A_364 : i32
    %sub3A_366 = arith.constant 16 : i32
    %sub3A_367 = arith.subi %add3A_365, %sub3A_366 : i32
    %dma_start3A_368 = arith.constant 12 : i32
    %dma_start3A_369 = arith.constant 12 : i32
    %dma_start3A_370 = arith.constant 0 : i32
    %dma_start3A_371 = tpu.memref_slice %arg11[%dma_start3A_369, %dma_start3A_370] : memref<16x16xf32, #tpu.memory_space<vmem>> -> memref<1x16xf32, #tpu.memory_space<vmem>>
    %dma_start3A_372 = tpu.memref_squeeze %dma_start3A_371 : memref<1x16xf32, #tpu.memory_space<vmem>> -> memref<16xf32, #tpu.memory_space<vmem>>
    %dma_start3A_373 = tpu.memref_slice %arg4[%dma_start3A_368, %sub3A_367] : memref<16x160000xf32, #tpu.memory_space<hbm>> -> memref<1x16xf32, #tpu.memory_space<hbm>>
    %dma_start3A_374 = tpu.memref_squeeze %dma_start3A_373 : memref<1x16xf32, #tpu.memory_space<hbm>> -> memref<16xf32, #tpu.memory_space<hbm>>
    %dma_start3A_375 = arith.constant 0 : i32
    %dma_start3A_376 = tpu.memref_slice %arg11[%dma_start3A_369, %dma_start3A_375] : memref<16x16xf32, #tpu.memory_space<vmem>> -> memref<1x16xf32, #tpu.memory_space<vmem>>
    %dma_start3A_377 = tpu.memref_squeeze %dma_start3A_376 : memref<1x16xf32, #tpu.memory_space<vmem>> -> memref<16xf32, #tpu.memory_space<vmem>>
    %dma_start3A_378 = tpu.memref_slice %arg4[%dma_start3A_368, %sub3A_367] : memref<16x160000xf32, #tpu.memory_space<hbm>> -> memref<1x16xf32, #tpu.memory_space<hbm>>
    %dma_start3A_379 = tpu.memref_squeeze %dma_start3A_378 : memref<1x16xf32, #tpu.memory_space<hbm>> -> memref<16xf32, #tpu.memory_space<hbm>>
    tpu.enqueue_dma source(%dma_start3A_379 : memref<16xf32, #tpu.memory_space<hbm>>) target(%dma_start3A_377 : memref<16xf32, #tpu.memory_space<vmem>>) target_semaphore(%arg17 : memref<!tpu.dma_semaphore, #tpu.memory_space<semaphore_mem>>)
    %dma_start3A_380 = arith.constant 13 : i32
    %dma_start3A_381 = arith.constant 13 : i32
    %dma_start3A_382 = arith.constant 0 : i32
    %dma_start3A_383 = tpu.memref_slice %arg10[%dma_start3A_381, %dma_start3A_382] : memref<16x4992xf32, #tpu.memory_space<vmem>> -> memref<1x4992xf32, #tpu.memory_space<vmem>>
    %dma_start3A_384 = tpu.memref_squeeze %dma_start3A_383 : memref<1x4992xf32, #tpu.memory_space<vmem>> -> memref<4992xf32, #tpu.memory_space<vmem>>
    %dma_start3A_385 = tpu.memref_slice %arg4[%dma_start3A_380, %mul3A_2] : memref<16x160000xf32, #tpu.memory_space<hbm>> -> memref<1x4992xf32, #tpu.memory_space<hbm>>
    %dma_start3A_386 = tpu.memref_squeeze %dma_start3A_385 : memref<1x4992xf32, #tpu.memory_space<hbm>> -> memref<4992xf32, #tpu.memory_space<hbm>>
    %dma_start3A_387 = arith.constant 0 : i32
    %dma_start3A_388 = tpu.memref_slice %arg10[%dma_start3A_381, %dma_start3A_387] : memref<16x4992xf32, #tpu.memory_space<vmem>> -> memref<1x4992xf32, #tpu.memory_space<vmem>>
    %dma_start3A_389 = tpu.memref_squeeze %dma_start3A_388 : memref<1x4992xf32, #tpu.memory_space<vmem>> -> memref<4992xf32, #tpu.memory_space<vmem>>
    %dma_start3A_390 = tpu.memref_slice %arg4[%dma_start3A_380, %mul3A_2] : memref<16x160000xf32, #tpu.memory_space<hbm>> -> memref<1x4992xf32, #tpu.memory_space<hbm>>
    %dma_start3A_391 = tpu.memref_squeeze %dma_start3A_390 : memref<1x4992xf32, #tpu.memory_space<hbm>> -> memref<4992xf32, #tpu.memory_space<hbm>>
    tpu.enqueue_dma source(%dma_start3A_391 : memref<4992xf32, #tpu.memory_space<hbm>>) target(%dma_start3A_389 : memref<4992xf32, #tpu.memory_space<vmem>>) target_semaphore(%arg17 : memref<!tpu.dma_semaphore, #tpu.memory_space<semaphore_mem>>)
    %add3A_392 = arith.constant 5000 : i32
    %add3A_393 = arith.addi %mul3A_2, %add3A_392 : i32
    %sub3A_394 = arith.constant 16 : i32
    %sub3A_395 = arith.subi %add3A_393, %sub3A_394 : i32
    %dma_start3A_396 = arith.constant 13 : i32
    %dma_start3A_397 = arith.constant 13 : i32
    %dma_start3A_398 = arith.constant 0 : i32
    %dma_start3A_399 = tpu.memref_slice %arg11[%dma_start3A_397, %dma_start3A_398] : memref<16x16xf32, #tpu.memory_space<vmem>> -> memref<1x16xf32, #tpu.memory_space<vmem>>
    %dma_start3A_400 = tpu.memref_squeeze %dma_start3A_399 : memref<1x16xf32, #tpu.memory_space<vmem>> -> memref<16xf32, #tpu.memory_space<vmem>>
    %dma_start3A_401 = tpu.memref_slice %arg4[%dma_start3A_396, %sub3A_395] : memref<16x160000xf32, #tpu.memory_space<hbm>> -> memref<1x16xf32, #tpu.memory_space<hbm>>
    %dma_start3A_402 = tpu.memref_squeeze %dma_start3A_401 : memref<1x16xf32, #tpu.memory_space<hbm>> -> memref<16xf32, #tpu.memory_space<hbm>>
    %dma_start3A_403 = arith.constant 0 : i32
    %dma_start3A_404 = tpu.memref_slice %arg11[%dma_start3A_397, %dma_start3A_403] : memref<16x16xf32, #tpu.memory_space<vmem>> -> memref<1x16xf32, #tpu.memory_space<vmem>>
    %dma_start3A_405 = tpu.memref_squeeze %dma_start3A_404 : memref<1x16xf32, #tpu.memory_space<vmem>> -> memref<16xf32, #tpu.memory_space<vmem>>
    %dma_start3A_406 = tpu.memref_slice %arg4[%dma_start3A_396, %sub3A_395] : memref<16x160000xf32, #tpu.memory_space<hbm>> -> memref<1x16xf32, #tpu.memory_space<hbm>>
    %dma_start3A_407 = tpu.memref_squeeze %dma_start3A_406 : memref<1x16xf32, #tpu.memory_space<hbm>> -> memref<16xf32, #tpu.memory_space<hbm>>
    tpu.enqueue_dma source(%dma_start3A_407 : memref<16xf32, #tpu.memory_space<hbm>>) target(%dma_start3A_405 : memref<16xf32, #tpu.memory_space<vmem>>) target_semaphore(%arg17 : memref<!tpu.dma_semaphore, #tpu.memory_space<semaphore_mem>>)
    %dma_start3A_408 = arith.constant 14 : i32
    %dma_start3A_409 = arith.constant 14 : i32
    %dma_start3A_410 = arith.constant 0 : i32
    %dma_start3A_411 = tpu.memref_slice %arg10[%dma_start3A_409, %dma_start3A_410] : memref<16x4992xf32, #tpu.memory_space<vmem>> -> memref<1x4992xf32, #tpu.memory_space<vmem>>
    %dma_start3A_412 = tpu.memref_squeeze %dma_start3A_411 : memref<1x4992xf32, #tpu.memory_space<vmem>> -> memref<4992xf32, #tpu.memory_space<vmem>>
    %dma_start3A_413 = tpu.memref_slice %arg4[%dma_start3A_408, %mul3A_2] : memref<16x160000xf32, #tpu.memory_space<hbm>> -> memref<1x4992xf32, #tpu.memory_space<hbm>>
    %dma_start3A_414 = tpu.memref_squeeze %dma_start3A_413 : memref<1x4992xf32, #tpu.memory_space<hbm>> -> memref<4992xf32, #tpu.memory_space<hbm>>
    %dma_start3A_415 = arith.constant 0 : i32
    %dma_start3A_416 = tpu.memref_slice %arg10[%dma_start3A_409, %dma_start3A_415] : memref<16x4992xf32, #tpu.memory_space<vmem>> -> memref<1x4992xf32, #tpu.memory_space<vmem>>
    %dma_start3A_417 = tpu.memref_squeeze %dma_start3A_416 : memref<1x4992xf32, #tpu.memory_space<vmem>> -> memref<4992xf32, #tpu.memory_space<vmem>>
    %dma_start3A_418 = tpu.memref_slice %arg4[%dma_start3A_408, %mul3A_2] : memref<16x160000xf32, #tpu.memory_space<hbm>> -> memref<1x4992xf32, #tpu.memory_space<hbm>>
    %dma_start3A_419 = tpu.memref_squeeze %dma_start3A_418 : memref<1x4992xf32, #tpu.memory_space<hbm>> -> memref<4992xf32, #tpu.memory_space<hbm>>
    tpu.enqueue_dma source(%dma_start3A_419 : memref<4992xf32, #tpu.memory_space<hbm>>) target(%dma_start3A_417 : memref<4992xf32, #tpu.memory_space<vmem>>) target_semaphore(%arg17 : memref<!tpu.dma_semaphore, #tpu.memory_space<semaphore_mem>>)
    %add3A_420 = arith.constant 5000 : i32
    %add3A_421 = arith.addi %mul3A_2, %add3A_420 : i32
    %sub3A_422 = arith.constant 16 : i32
    %sub3A_423 = arith.subi %add3A_421, %sub3A_422 : i32
    %dma_start3A_424 = arith.constant 14 : i32
    %dma_start3A_425 = arith.constant 14 : i32
    %dma_start3A_426 = arith.constant 0 : i32
    %dma_start3A_427 = tpu.memref_slice %arg11[%dma_start3A_425, %dma_start3A_426] : memref<16x16xf32, #tpu.memory_space<vmem>> -> memref<1x16xf32, #tpu.memory_space<vmem>>
    %dma_start3A_428 = tpu.memref_squeeze %dma_start3A_427 : memref<1x16xf32, #tpu.memory_space<vmem>> -> memref<16xf32, #tpu.memory_space<vmem>>
    %dma_start3A_429 = tpu.memref_slice %arg4[%dma_start3A_424, %sub3A_423] : memref<16x160000xf32, #tpu.memory_space<hbm>> -> memref<1x16xf32, #tpu.memory_space<hbm>>
    %dma_start3A_430 = tpu.memref_squeeze %dma_start3A_429 : memref<1x16xf32, #tpu.memory_space<hbm>> -> memref<16xf32, #tpu.memory_space<hbm>>
    %dma_start3A_431 = arith.constant 0 : i32
    %dma_start3A_432 = tpu.memref_slice %arg11[%dma_start3A_425, %dma_start3A_431] : memref<16x16xf32, #tpu.memory_space<vmem>> -> memref<1x16xf32, #tpu.memory_space<vmem>>
    %dma_start3A_433 = tpu.memref_squeeze %dma_start3A_432 : memref<1x16xf32, #tpu.memory_space<vmem>> -> memref<16xf32, #tpu.memory_space<vmem>>
    %dma_start3A_434 = tpu.memref_slice %arg4[%dma_start3A_424, %sub3A_423] : memref<16x160000xf32, #tpu.memory_space<hbm>> -> memref<1x16xf32, #tpu.memory_space<hbm>>
    %dma_start3A_435 = tpu.memref_squeeze %dma_start3A_434 : memref<1x16xf32, #tpu.memory_space<hbm>> -> memref<16xf32, #tpu.memory_space<hbm>>
    tpu.enqueue_dma source(%dma_start3A_435 : memref<16xf32, #tpu.memory_space<hbm>>) target(%dma_start3A_433 : memref<16xf32, #tpu.memory_space<vmem>>) target_semaphore(%arg17 : memref<!tpu.dma_semaphore, #tpu.memory_space<semaphore_mem>>)
    %dma_start3A_436 = arith.constant 15 : i32
    %dma_start3A_437 = arith.constant 15 : i32
    %dma_start3A_438 = arith.constant 0 : i32
    %dma_start3A_439 = tpu.memref_slice %arg10[%dma_start3A_437, %dma_start3A_438] : memref<16x4992xf32, #tpu.memory_space<vmem>> -> memref<1x4992xf32, #tpu.memory_space<vmem>>
    %dma_start3A_440 = tpu.memref_squeeze %dma_start3A_439 : memref<1x4992xf32, #tpu.memory_space<vmem>> -> memref<4992xf32, #tpu.memory_space<vmem>>
    %dma_start3A_441 = tpu.memref_slice %arg4[%dma_start3A_436, %mul3A_2] : memref<16x160000xf32, #tpu.memory_space<hbm>> -> memref<1x4992xf32, #tpu.memory_space<hbm>>
    %dma_start3A_442 = tpu.memref_squeeze %dma_start3A_441 : memref<1x4992xf32, #tpu.memory_space<hbm>> -> memref<4992xf32, #tpu.memory_space<hbm>>
    %dma_start3A_443 = arith.constant 0 : i32
    %dma_start3A_444 = tpu.memref_slice %arg10[%dma_start3A_437, %dma_start3A_443] : memref<16x4992xf32, #tpu.memory_space<vmem>> -> memref<1x4992xf32, #tpu.memory_space<vmem>>
    %dma_start3A_445 = tpu.memref_squeeze %dma_start3A_444 : memref<1x4992xf32, #tpu.memory_space<vmem>> -> memref<4992xf32, #tpu.memory_space<vmem>>
    %dma_start3A_446 = tpu.memref_slice %arg4[%dma_start3A_436, %mul3A_2] : memref<16x160000xf32, #tpu.memory_space<hbm>> -> memref<1x4992xf32, #tpu.memory_space<hbm>>
    %dma_start3A_447 = tpu.memref_squeeze %dma_start3A_446 : memref<1x4992xf32, #tpu.memory_space<hbm>> -> memref<4992xf32, #tpu.memory_space<hbm>>
    tpu.enqueue_dma source(%dma_start3A_447 : memref<4992xf32, #tpu.memory_space<hbm>>) target(%dma_start3A_445 : memref<4992xf32, #tpu.memory_space<vmem>>) target_semaphore(%arg17 : memref<!tpu.dma_semaphore, #tpu.memory_space<semaphore_mem>>)
    %add3A_448 = arith.constant 5000 : i32
    %add3A_449 = arith.addi %mul3A_2, %add3A_448 : i32
    %sub3A_450 = arith.constant 16 : i32
    %sub3A_451 = arith.subi %add3A_449, %sub3A_450 : i32
    %dma_start3A_452 = arith.constant 15 : i32
    %dma_start3A_453 = arith.constant 15 : i32
    %dma_start3A_454 = arith.constant 0 : i32
    %dma_start3A_455 = tpu.memref_slice %arg11[%dma_start3A_453, %dma_start3A_454] : memref<16x16xf32, #tpu.memory_space<vmem>> -> memref<1x16xf32, #tpu.memory_space<vmem>>
    %dma_start3A_456 = tpu.memref_squeeze %dma_start3A_455 : memref<1x16xf32, #tpu.memory_space<vmem>> -> memref<16xf32, #tpu.memory_space<vmem>>
    %dma_start3A_457 = tpu.memref_slice %arg4[%dma_start3A_452, %sub3A_451] : memref<16x160000xf32, #tpu.memory_space<hbm>> -> memref<1x16xf32, #tpu.memory_space<hbm>>
    %dma_start3A_458 = tpu.memref_squeeze %dma_start3A_457 : memref<1x16xf32, #tpu.memory_space<hbm>> -> memref<16xf32, #tpu.memory_space<hbm>>
    %dma_start3A_459 = arith.constant 0 : i32
    %dma_start3A_460 = tpu.memref_slice %arg11[%dma_start3A_453, %dma_start3A_459] : memref<16x16xf32, #tpu.memory_space<vmem>> -> memref<1x16xf32, #tpu.memory_space<vmem>>
    %dma_start3A_461 = tpu.memref_squeeze %dma_start3A_460 : memref<1x16xf32, #tpu.memory_space<vmem>> -> memref<16xf32, #tpu.memory_space<vmem>>
    %dma_start3A_462 = tpu.memref_slice %arg4[%dma_start3A_452, %sub3A_451] : memref<16x160000xf32, #tpu.memory_space<hbm>> -> memref<1x16xf32, #tpu.memory_space<hbm>>
    %dma_start3A_463 = tpu.memref_squeeze %dma_start3A_462 : memref<1x16xf32, #tpu.memory_space<hbm>> -> memref<16xf32, #tpu.memory_space<hbm>>
    tpu.enqueue_dma source(%dma_start3A_463 : memref<16xf32, #tpu.memory_space<hbm>>) target(%dma_start3A_461 : memref<16xf32, #tpu.memory_space<vmem>>) target_semaphore(%arg17 : memref<!tpu.dma_semaphore, #tpu.memory_space<semaphore_mem>>)
    %eq3A = arith.constant 0 : i32
    %eq3A_464 = arith.cmpi eq, %arg1, %eq3A : i32
    %convert_element_type3A = arith.extui %eq3A_464 : i1 to i32
    %cond3A = arith.constant 0 : i32
    %cond3A_465 = arith.cmpi ne, %convert_element_type3A, %cond3A : i32
    scf.if %cond3A_465 {
      %swap3A_1851 = arith.constant 0 : i32
      %swap3A_1852 = arith.index_cast %swap3A_1851 : i32 to index
      %swap3A_1853 = arith.constant 0 : index
      %swap3A_1854 = tpu.vector_load %arg14[%swap3A_1852, %swap3A_1853] {strides = array<i32>} : memref<16x80xf32, #tpu.memory_space<vmem>>, vector<16xf32>,
      tpu.vector_store %arg14[%swap3A_1852, %swap3A_1853], %broadcast_in_dim3A_3 {strides = array<i32>} : memref<16x80xf32, #tpu.memory_space<vmem>>, vector<16xf32>,
      %swap3A_1855 = arith.constant 0 : i32
      %swap3A_1856 = arith.index_cast %swap3A_1855 : i32 to index
      %swap3A_1857 = arith.constant 16 : index
      %swap3A_1858 = tpu.vector_load %arg14[%swap3A_1856, %swap3A_1857] {strides = array<i32>} : memref<16x80xf32, #tpu.memory_space<vmem>>, vector<16xf32>,
      tpu.vector_store %arg14[%swap3A_1856, %swap3A_1857], %broadcast_in_dim3A_3 {strides = array<i32>} : memref<16x80xf32, #tpu.memory_space<vmem>>, vector<16xf32>,
      %swap3A_1859 = arith.constant 0 : i32
      %swap3A_1860 = arith.index_cast %swap3A_1859 : i32 to index
      %swap3A_1861 = arith.constant 32 : index
      %swap3A_1862 = tpu.vector_load %arg14[%swap3A_1860, %swap3A_1861] {strides = array<i32>} : memref<16x80xf32, #tpu.memory_space<vmem>>, vector<16xf32>,
      tpu.vector_store %arg14[%swap3A_1860, %swap3A_1861], %broadcast_in_dim3A_3 {strides = array<i32>} : memref<16x80xf32, #tpu.memory_space<vmem>>, vector<16xf32>,
      %swap3A_1863 = arith.constant 0 : i32
      %swap3A_1864 = arith.index_cast %swap3A_1863 : i32 to index
      %swap3A_1865 = arith.constant 48 : index
      %swap3A_1866 = tpu.vector_load %arg14[%swap3A_1864, %swap3A_1865] {strides = array<i32>} : memref<16x80xf32, #tpu.memory_space<vmem>>, vector<16xf32>,
      tpu.vector_store %arg14[%swap3A_1864, %swap3A_1865], %broadcast_in_dim3A_3 {strides = array<i32>} : memref<16x80xf32, #tpu.memory_space<vmem>>, vector<16xf32>,
      %swap3A_1867 = arith.constant 0 : i32
      %swap3A_1868 = arith.index_cast %swap3A_1867 : i32 to index
      %swap3A_1869 = arith.constant 64 : index
      %swap3A_1870 = tpu.vector_load %arg14[%swap3A_1868, %swap3A_1869] {strides = array<i32>} : memref<16x80xf32, #tpu.memory_space<vmem>>, vector<16xf32>,
      tpu.vector_store %arg14[%swap3A_1868, %swap3A_1869], %broadcast_in_dim3A_3 {strides = array<i32>} : memref<16x80xf32, #tpu.memory_space<vmem>>, vector<16xf32>,
      %swap3A_1871 = arith.constant 1 : i32
      %swap3A_1872 = arith.index_cast %swap3A_1871 : i32 to index
      %swap3A_1873 = arith.constant 0 : index
      %swap3A_1874 = tpu.vector_load %arg14[%swap3A_1872, %swap3A_1873] {strides = array<i32>} : memref<16x80xf32, #tpu.memory_space<vmem>>, vector<16xf32>,
      tpu.vector_store %arg14[%swap3A_1872, %swap3A_1873], %broadcast_in_dim3A_3 {strides = array<i32>} : memref<16x80xf32, #tpu.memory_space<vmem>>, vector<16xf32>,
      %swap3A_1875 = arith.constant 1 : i32
      %swap3A_1876 = arith.index_cast %swap3A_1875 : i32 to index
      %swap3A_1877 = arith.constant 16 : index
      %swap3A_1878 = tpu.vector_load %arg14[%swap3A_1876, %swap3A_1877] {strides = array<i32>} : memref<16x80xf32, #tpu.memory_space<vmem>>, vector<16xf32>,
      tpu.vector_store %arg14[%swap3A_1876, %swap3A_1877], %broadcast_in_dim3A_3 {strides = array<i32>} : memref<16x80xf32, #tpu.memory_space<vmem>>, vector<16xf32>,
      %swap3A_1879 = arith.constant 1 : i32
      %swap3A_1880 = arith.index_cast %swap3A_1879 : i32 to index
      %swap3A_1881 = arith.constant 32 : index
      %swap3A_1882 = tpu.vector_load %arg14[%swap3A_1880, %swap3A_1881] {strides = array<i32>} : memref<16x80xf32, #tpu.memory_space<vmem>>, vector<16xf32>,
      tpu.vector_store %arg14[%swap3A_1880, %swap3A_1881], %broadcast_in_dim3A_3 {strides = array<i32>} : memref<16x80xf32, #tpu.memory_space<vmem>>, vector<16xf32>,
      %swap3A_1883 = arith.constant 1 : i32
      %swap3A_1884 = arith.index_cast %swap3A_1883 : i32 to index
      %swap3A_1885 = arith.constant 48 : index
      %swap3A_1886 = tpu.vector_load %arg14[%swap3A_1884, %swap3A_1885] {strides = array<i32>} : memref<16x80xf32, #tpu.memory_space<vmem>>, vector<16xf32>,
      tpu.vector_store %arg14[%swap3A_1884, %swap3A_1885], %broadcast_in_dim3A_3 {strides = array<i32>} : memref<16x80xf32, #tpu.memory_space<vmem>>, vector<16xf32>,
      %swap3A_1887 = arith.constant 1 : i32
      %swap3A_1888 = arith.index_cast %swap3A_1887 : i32 to index
      %swap3A_1889 = arith.constant 64 : index
      %swap3A_1890 = tpu.vector_load %arg14[%swap3A_1888, %swap3A_1889] {strides = array<i32>} : memref<16x80xf32, #tpu.memory_space<vmem>>, vector<16xf32>,
      tpu.vector_store %arg14[%swap3A_1888, %swap3A_1889], %broadcast_in_dim3A_3 {strides = array<i32>} : memref<16x80xf32, #tpu.memory_space<vmem>>, vector<16xf32>,
      %swap3A_1891 = arith.constant 2 : i32
      %swap3A_1892 = arith.index_cast %swap3A_1891 : i32 to index
      %swap3A_1893 = arith.constant 0 : index
      %swap3A_1894 = tpu.vector_load %arg14[%swap3A_1892, %swap3A_1893] {strides = array<i32>} : memref<16x80xf32, #tpu.memory_space<vmem>>, vector<16xf32>,
      tpu.vector_store %arg14[%swap3A_1892, %swap3A_1893], %broadcast_in_dim3A_3 {strides = array<i32>} : memref<16x80xf32, #tpu.memory_space<vmem>>, vector<16xf32>,
      %swap3A_1895 = arith.constant 2 : i32
      %swap3A_1896 = arith.index_cast %swap3A_1895 : i32 to index
      %swap3A_1897 = arith.constant 16 : index
      %swap3A_1898 = tpu.vector_load %arg14[%swap3A_1896, %swap3A_1897] {strides = array<i32>} : memref<16x80xf32, #tpu.memory_space<vmem>>, vector<16xf32>,
      tpu.vector_store %arg14[%swap3A_1896, %swap3A_1897], %broadcast_in_dim3A_3 {strides = array<i32>} : memref<16x80xf32, #tpu.memory_space<vmem>>, vector<16xf32>,
      %swap3A_1899 = arith.constant 2 : i32
      %swap3A_1900 = arith.index_cast %swap3A_1899 : i32 to index
      %swap3A_1901 = arith.constant 32 : index
      %swap3A_1902 = tpu.vector_load %arg14[%swap3A_1900, %swap3A_1901] {strides = array<i32>} : memref<16x80xf32, #tpu.memory_space<vmem>>, vector<16xf32>,
      tpu.vector_store %arg14[%swap3A_1900, %swap3A_1901], %broadcast_in_dim3A_3 {strides = array<i32>} : memref<16x80xf32, #tpu.memory_space<vmem>>, vector<16xf32>,
      %swap3A_1903 = arith.constant 2 : i32
      %swap3A_1904 = arith.index_cast %swap3A_1903 : i32 to index
      %swap3A_1905 = arith.constant 48 : index
      %swap3A_1906 = tpu.vector_load %arg14[%swap3A_1904, %swap3A_1905] {strides = array<i32>} : memref<16x80xf32, #tpu.memory_space<vmem>>, vector<16xf32>,
      tpu.vector_store %arg14[%swap3A_1904, %swap3A_1905], %broadcast_in_dim3A_3 {strides = array<i32>} : memref<16x80xf32, #tpu.memory_space<vmem>>, vector<16xf32>,
      %swap3A_1907 = arith.constant 2 : i32
      %swap3A_1908 = arith.index_cast %swap3A_1907 : i32 to index
      %swap3A_1909 = arith.constant 64 : index
      %swap3A_1910 = tpu.vector_load %arg14[%swap3A_1908, %swap3A_1909] {strides = array<i32>} : memref<16x80xf32, #tpu.memory_space<vmem>>, vector<16xf32>,
      tpu.vector_store %arg14[%swap3A_1908, %swap3A_1909], %broadcast_in_dim3A_3 {strides = array<i32>} : memref<16x80xf32, #tpu.memory_space<vmem>>, vector<16xf32>,
      %swap3A_1911 = arith.constant 3 : i32
      %swap3A_1912 = arith.index_cast %swap3A_1911 : i32 to index
      %swap3A_1913 = arith.constant 0 : index
      %swap3A_1914 = tpu.vector_load %arg14[%swap3A_1912, %swap3A_1913] {strides = array<i32>} : memref<16x80xf32, #tpu.memory_space<vmem>>, vector<16xf32>,
      tpu.vector_store %arg14[%swap3A_1912, %swap3A_1913], %broadcast_in_dim3A_3 {strides = array<i32>} : memref<16x80xf32, #tpu.memory_space<vmem>>, vector<16xf32>,
      %swap3A_1915 = arith.constant 3 : i32
      %swap3A_1916 = arith.index_cast %swap3A_1915 : i32 to index
      %swap3A_1917 = arith.constant 16 : index
      %swap3A_1918 = tpu.vector_load %arg14[%swap3A_1916, %swap3A_1917] {strides = array<i32>} : memref<16x80xf32, #tpu.memory_space<vmem>>, vector<16xf32>,
      tpu.vector_store %arg14[%swap3A_1916, %swap3A_1917], %broadcast_in_dim3A_3 {strides = array<i32>} : memref<16x80xf32, #tpu.memory_space<vmem>>, vector<16xf32>,
      %swap3A_1919 = arith.constant 3 : i32
      %swap3A_1920 = arith.index_cast %swap3A_1919 : i32 to index
      %swap3A_1921 = arith.constant 32 : index
      %swap3A_1922 = tpu.vector_load %arg14[%swap3A_1920, %swap3A_1921] {strides = array<i32>} : memref<16x80xf32, #tpu.memory_space<vmem>>, vector<16xf32>,
      tpu.vector_store %arg14[%swap3A_1920, %swap3A_1921], %broadcast_in_dim3A_3 {strides = array<i32>} : memref<16x80xf32, #tpu.memory_space<vmem>>, vector<16xf32>,
      %swap3A_1923 = arith.constant 3 : i32
      %swap3A_1924 = arith.index_cast %swap3A_1923 : i32 to index
      %swap3A_1925 = arith.constant 48 : index
      %swap3A_1926 = tpu.vector_load %arg14[%swap3A_1924, %swap3A_1925] {strides = array<i32>} : memref<16x80xf32, #tpu.memory_space<vmem>>, vector<16xf32>,
      tpu.vector_store %arg14[%swap3A_1924, %swap3A_1925], %broadcast_in_dim3A_3 {strides = array<i32>} : memref<16x80xf32, #tpu.memory_space<vmem>>, vector<16xf32>,
      %swap3A_1927 = arith.constant 3 : i32
      %swap3A_1928 = arith.index_cast %swap3A_1927 : i32 to index
      %swap3A_1929 = arith.constant 64 : index
      %swap3A_1930 = tpu.vector_load %arg14[%swap3A_1928, %swap3A_1929] {strides = array<i32>} : memref<16x80xf32, #tpu.memory_space<vmem>>, vector<16xf32>,
      tpu.vector_store %arg14[%swap3A_1928, %swap3A_1929], %broadcast_in_dim3A_3 {strides = array<i32>} : memref<16x80xf32, #tpu.memory_space<vmem>>, vector<16xf32>,
      %swap3A_1931 = arith.constant 4 : i32
      %swap3A_1932 = arith.index_cast %swap3A_1931 : i32 to index
      %swap3A_1933 = arith.constant 0 : index
      %swap3A_1934 = tpu.vector_load %arg14[%swap3A_1932, %swap3A_1933] {strides = array<i32>} : memref<16x80xf32, #tpu.memory_space<vmem>>, vector<16xf32>,
      tpu.vector_store %arg14[%swap3A_1932, %swap3A_1933], %broadcast_in_dim3A_3 {strides = array<i32>} : memref<16x80xf32, #tpu.memory_space<vmem>>, vector<16xf32>,
      %swap3A_1935 = arith.constant 4 : i32
      %swap3A_1936 = arith.index_cast %swap3A_1935 : i32 to index
      %swap3A_1937 = arith.constant 16 : index
      %swap3A_1938 = tpu.vector_load %arg14[%swap3A_1936, %swap3A_1937] {strides = array<i32>} : memref<16x80xf32, #tpu.memory_space<vmem>>, vector<16xf32>,
      tpu.vector_store %arg14[%swap3A_1936, %swap3A_1937], %broadcast_in_dim3A_3 {strides = array<i32>} : memref<16x80xf32, #tpu.memory_space<vmem>>, vector<16xf32>,
      %swap3A_1939 = arith.constant 4 : i32
      %swap3A_1940 = arith.index_cast %swap3A_1939 : i32 to index
      %swap3A_1941 = arith.constant 32 : index
      %swap3A_1942 = tpu.vector_load %arg14[%swap3A_1940, %swap3A_1941] {strides = array<i32>} : memref<16x80xf32, #tpu.memory_space<vmem>>, vector<16xf32>,
      tpu.vector_store %arg14[%swap3A_1940, %swap3A_1941], %broadcast_in_dim3A_3 {strides = array<i32>} : memref<16x80xf32, #tpu.memory_space<vmem>>, vector<16xf32>,
      %swap3A_1943 = arith.constant 4 : i32
      %swap3A_1944 = arith.index_cast %swap3A_1943 : i32 to index
      %swap3A_1945 = arith.constant 48 : index
      %swap3A_1946 = tpu.vector_load %arg14[%swap3A_1944, %swap3A_1945] {strides = array<i32>} : memref<16x80xf32, #tpu.memory_space<vmem>>, vector<16xf32>,
      tpu.vector_store %arg14[%swap3A_1944, %swap3A_1945], %broadcast_in_dim3A_3 {strides = array<i32>} : memref<16x80xf32, #tpu.memory_space<vmem>>, vector<16xf32>,
      %swap3A_1947 = arith.constant 4 : i32
      %swap3A_1948 = arith.index_cast %swap3A_1947 : i32 to index
      %swap3A_1949 = arith.constant 64 : index
      %swap3A_1950 = tpu.vector_load %arg14[%swap3A_1948, %swap3A_1949] {strides = array<i32>} : memref<16x80xf32, #tpu.memory_space<vmem>>, vector<16xf32>,
      tpu.vector_store %arg14[%swap3A_1948, %swap3A_1949], %broadcast_in_dim3A_3 {strides = array<i32>} : memref<16x80xf32, #tpu.memory_space<vmem>>, vector<16xf32>,
      %swap3A_1951 = arith.constant 5 : i32
      %swap3A_1952 = arith.index_cast %swap3A_1951 : i32 to index
      %swap3A_1953 = arith.constant 0 : index
      %swap3A_1954 = tpu.vector_load %arg14[%swap3A_1952, %swap3A_1953] {strides = array<i32>} : memref<16x80xf32, #tpu.memory_space<vmem>>, vector<16xf32>,
      tpu.vector_store %arg14[%swap3A_1952, %swap3A_1953], %broadcast_in_dim3A_3 {strides = array<i32>} : memref<16x80xf32, #tpu.memory_space<vmem>>, vector<16xf32>,
      %swap3A_1955 = arith.constant 5 : i32
      %swap3A_1956 = arith.index_cast %swap3A_1955 : i32 to index
      %swap3A_1957 = arith.constant 16 : index
      %swap3A_1958 = tpu.vector_load %arg14[%swap3A_1956, %swap3A_1957] {strides = array<i32>} : memref<16x80xf32, #tpu.memory_space<vmem>>, vector<16xf32>,
      tpu.vector_store %arg14[%swap3A_1956, %swap3A_1957], %broadcast_in_dim3A_3 {strides = array<i32>} : memref<16x80xf32, #tpu.memory_space<vmem>>, vector<16xf32>,
      %swap3A_1959 = arith.constant 5 : i32
      %swap3A_1960 = arith.index_cast %swap3A_1959 : i32 to index
      %swap3A_1961 = arith.constant 32 : index
      %swap3A_1962 = tpu.vector_load %arg14[%swap3A_1960, %swap3A_1961] {strides = array<i32>} : memref<16x80xf32, #tpu.memory_space<vmem>>, vector<16xf32>,
      tpu.vector_store %arg14[%swap3A_1960, %swap3A_1961], %broadcast_in_dim3A_3 {strides = array<i32>} : memref<16x80xf32, #tpu.memory_space<vmem>>, vector<16xf32>,
      %swap3A_1963 = arith.constant 5 : i32
      %swap3A_1964 = arith.index_cast %swap3A_1963 : i32 to index
      %swap3A_1965 = arith.constant 48 : index
      %swap3A_1966 = tpu.vector_load %arg14[%swap3A_1964, %swap3A_1965] {strides = array<i32>} : memref<16x80xf32, #tpu.memory_space<vmem>>, vector<16xf32>,
      tpu.vector_store %arg14[%swap3A_1964, %swap3A_1965], %broadcast_in_dim3A_3 {strides = array<i32>} : memref<16x80xf32, #tpu.memory_space<vmem>>, vector<16xf32>,
      %swap3A_1967 = arith.constant 5 : i32
      %swap3A_1968 = arith.index_cast %swap3A_1967 : i32 to index
      %swap3A_1969 = arith.constant 64 : index
      %swap3A_1970 = tpu.vector_load %arg14[%swap3A_1968, %swap3A_1969] {strides = array<i32>} : memref<16x80xf32, #tpu.memory_space<vmem>>, vector<16xf32>,
      tpu.vector_store %arg14[%swap3A_1968, %swap3A_1969], %broadcast_in_dim3A_3 {strides = array<i32>} : memref<16x80xf32, #tpu.memory_space<vmem>>, vector<16xf32>,
      %swap3A_1971 = arith.constant 6 : i32
      %swap3A_1972 = arith.index_cast %swap3A_1971 : i32 to index
      %swap3A_1973 = arith.constant 0 : index
      %swap3A_1974 = tpu.vector_load %arg14[%swap3A_1972, %swap3A_1973] {strides = array<i32>} : memref<16x80xf32, #tpu.memory_space<vmem>>, vector<16xf32>,
      tpu.vector_store %arg14[%swap3A_1972, %swap3A_1973], %broadcast_in_dim3A_3 {strides = array<i32>} : memref<16x80xf32, #tpu.memory_space<vmem>>, vector<16xf32>,
      %swap3A_1975 = arith.constant 6 : i32
      %swap3A_1976 = arith.index_cast %swap3A_1975 : i32 to index
      %swap3A_1977 = arith.constant 16 : index
      %swap3A_1978 = tpu.vector_load %arg14[%swap3A_1976, %swap3A_1977] {strides = array<i32>} : memref<16x80xf32, #tpu.memory_space<vmem>>, vector<16xf32>,
      tpu.vector_store %arg14[%swap3A_1976, %swap3A_1977], %broadcast_in_dim3A_3 {strides = array<i32>} : memref<16x80xf32, #tpu.memory_space<vmem>>, vector<16xf32>,
      %swap3A_1979 = arith.constant 6 : i32
      %swap3A_1980 = arith.index_cast %swap3A_1979 : i32 to index
      %swap3A_1981 = arith.constant 32 : index
      %swap3A_1982 = tpu.vector_load %arg14[%swap3A_1980, %swap3A_1981] {strides = array<i32>} : memref<16x80xf32, #tpu.memory_space<vmem>>, vector<16xf32>,
      tpu.vector_store %arg14[%swap3A_1980, %swap3A_1981], %broadcast_in_dim3A_3 {strides = array<i32>} : memref<16x80xf32, #tpu.memory_space<vmem>>, vector<16xf32>,
      %swap3A_1983 = arith.constant 6 : i32
      %swap3A_1984 = arith.index_cast %swap3A_1983 : i32 to index
      %swap3A_1985 = arith.constant 48 : index
      %swap3A_1986 = tpu.vector_load %arg14[%swap3A_1984, %swap3A_1985] {strides = array<i32>} : memref<16x80xf32, #tpu.memory_space<vmem>>, vector<16xf32>,
      tpu.vector_store %arg14[%swap3A_1984, %swap3A_1985], %broadcast_in_dim3A_3 {strides = array<i32>} : memref<16x80xf32, #tpu.memory_space<vmem>>, vector<16xf32>,
      %swap3A_1987 = arith.constant 6 : i32
      %swap3A_1988 = arith.index_cast %swap3A_1987 : i32 to index
      %swap3A_1989 = arith.constant 64 : index
      %swap3A_1990 = tpu.vector_load %arg14[%swap3A_1988, %swap3A_1989] {strides = array<i32>} : memref<16x80xf32, #tpu.memory_space<vmem>>, vector<16xf32>,
      tpu.vector_store %arg14[%swap3A_1988, %swap3A_1989], %broadcast_in_dim3A_3 {strides = array<i32>} : memref<16x80xf32, #tpu.memory_space<vmem>>, vector<16xf32>,
      %swap3A_1991 = arith.constant 7 : i32
      %swap3A_1992 = arith.index_cast %swap3A_1991 : i32 to index
      %swap3A_1993 = arith.constant 0 : index
      %swap3A_1994 = tpu.vector_load %arg14[%swap3A_1992, %swap3A_1993] {strides = array<i32>} : memref<16x80xf32, #tpu.memory_space<vmem>>, vector<16xf32>,
      tpu.vector_store %arg14[%swap3A_1992, %swap3A_1993], %broadcast_in_dim3A_3 {strides = array<i32>} : memref<16x80xf32, #tpu.memory_space<vmem>>, vector<16xf32>,
      %swap3A_1995 = arith.constant 7 : i32
      %swap3A_1996 = arith.index_cast %swap3A_1995 : i32 to index
      %swap3A_1997 = arith.constant 16 : index
      %swap3A_1998 = tpu.vector_load %arg14[%swap3A_1996, %swap3A_1997] {strides = array<i32>} : memref<16x80xf32, #tpu.memory_space<vmem>>, vector<16xf32>,
      tpu.vector_store %arg14[%swap3A_1996, %swap3A_1997], %broadcast_in_dim3A_3 {strides = array<i32>} : memref<16x80xf32, #tpu.memory_space<vmem>>, vector<16xf32>,
      %swap3A_1999 = arith.constant 7 : i32
      %swap3A_2000 = arith.index_cast %swap3A_1999 : i32 to index
      %swap3A_2001 = arith.constant 32 : index
      %swap3A_2002 = tpu.vector_load %arg14[%swap3A_2000, %swap3A_2001] {strides = array<i32>} : memref<16x80xf32, #tpu.memory_space<vmem>>, vector<16xf32>,
      tpu.vector_store %arg14[%swap3A_2000, %swap3A_2001], %broadcast_in_dim3A_3 {strides = array<i32>} : memref<16x80xf32, #tpu.memory_space<vmem>>, vector<16xf32>,
      %swap3A_2003 = arith.constant 7 : i32
      %swap3A_2004 = arith.index_cast %swap3A_2003 : i32 to index
      %swap3A_2005 = arith.constant 48 : index
      %swap3A_2006 = tpu.vector_load %arg14[%swap3A_2004, %swap3A_2005] {strides = array<i32>} : memref<16x80xf32, #tpu.memory_space<vmem>>, vector<16xf32>,
      tpu.vector_store %arg14[%swap3A_2004, %swap3A_2005], %broadcast_in_dim3A_3 {strides = array<i32>} : memref<16x80xf32, #tpu.memory_space<vmem>>, vector<16xf32>,
      %swap3A_2007 = arith.constant 7 : i32
      %swap3A_2008 = arith.index_cast %swap3A_2007 : i32 to index
      %swap3A_2009 = arith.constant 64 : index
      %swap3A_2010 = tpu.vector_load %arg14[%swap3A_2008, %swap3A_2009] {strides = array<i32>} : memref<16x80xf32, #tpu.memory_space<vmem>>, vector<16xf32>,
      tpu.vector_store %arg14[%swap3A_2008, %swap3A_2009], %broadcast_in_dim3A_3 {strides = array<i32>} : memref<16x80xf32, #tpu.memory_space<vmem>>, vector<16xf32>,
      %swap3A_2011 = arith.constant 8 : i32
      %swap3A_2012 = arith.index_cast %swap3A_2011 : i32 to index
      %swap3A_2013 = arith.constant 0 : index
      %swap3A_2014 = tpu.vector_load %arg14[%swap3A_2012, %swap3A_2013] {strides = array<i32>} : memref<16x80xf32, #tpu.memory_space<vmem>>, vector<16xf32>,
      tpu.vector_store %arg14[%swap3A_2012, %swap3A_2013], %broadcast_in_dim3A_3 {strides = array<i32>} : memref<16x80xf32, #tpu.memory_space<vmem>>, vector<16xf32>,
      %swap3A_2015 = arith.constant 8 : i32
      %swap3A_2016 = arith.index_cast %swap3A_2015 : i32 to index
      %swap3A_2017 = arith.constant 16 : index
      %swap3A_2018 = tpu.vector_load %arg14[%swap3A_2016, %swap3A_2017] {strides = array<i32>} : memref<16x80xf32, #tpu.memory_space<vmem>>, vector<16xf32>,
      tpu.vector_store %arg14[%swap3A_2016, %swap3A_2017], %broadcast_in_dim3A_3 {strides = array<i32>} : memref<16x80xf32, #tpu.memory_space<vmem>>, vector<16xf32>,
      %swap3A_2019 = arith.constant 8 : i32
      %swap3A_2020 = arith.index_cast %swap3A_2019 : i32 to index
      %swap3A_2021 = arith.constant 32 : index
      %swap3A_2022 = tpu.vector_load %arg14[%swap3A_2020, %swap3A_2021] {strides = array<i32>} : memref<16x80xf32, #tpu.memory_space<vmem>>, vector<16xf32>,
      tpu.vector_store %arg14[%swap3A_2020, %swap3A_2021], %broadcast_in_dim3A_3 {strides = array<i32>} : memref<16x80xf32, #tpu.memory_space<vmem>>, vector<16xf32>,
      %swap3A_2023 = arith.constant 8 : i32
      %swap3A_2024 = arith.index_cast %swap3A_2023 : i32 to index
      %swap3A_2025 = arith.constant 48 : index
      %swap3A_2026 = tpu.vector_load %arg14[%swap3A_2024, %swap3A_2025] {strides = array<i32>} : memref<16x80xf32, #tpu.memory_space<vmem>>, vector<16xf32>,
      tpu.vector_store %arg14[%swap3A_2024, %swap3A_2025], %broadcast_in_dim3A_3 {strides = array<i32>} : memref<16x80xf32, #tpu.memory_space<vmem>>, vector<16xf32>,
      %swap3A_2027 = arith.constant 8 : i32
      %swap3A_2028 = arith.index_cast %swap3A_2027 : i32 to index
      %swap3A_2029 = arith.constant 64 : index
      %swap3A_2030 = tpu.vector_load %arg14[%swap3A_2028, %swap3A_2029] {strides = array<i32>} : memref<16x80xf32, #tpu.memory_space<vmem>>, vector<16xf32>,
      tpu.vector_store %arg14[%swap3A_2028, %swap3A_2029], %broadcast_in_dim3A_3 {strides = array<i32>} : memref<16x80xf32, #tpu.memory_space<vmem>>, vector<16xf32>,
      %swap3A_2031 = arith.constant 9 : i32
      %swap3A_2032 = arith.index_cast %swap3A_2031 : i32 to index
      %swap3A_2033 = arith.constant 0 : index
      %swap3A_2034 = tpu.vector_load %arg14[%swap3A_2032, %swap3A_2033] {strides = array<i32>} : memref<16x80xf32, #tpu.memory_space<vmem>>, vector<16xf32>,
      tpu.vector_store %arg14[%swap3A_2032, %swap3A_2033], %broadcast_in_dim3A_3 {strides = array<i32>} : memref<16x80xf32, #tpu.memory_space<vmem>>, vector<16xf32>,
      %swap3A_2035 = arith.constant 9 : i32
      %swap3A_2036 = arith.index_cast %swap3A_2035 : i32 to index
      %swap3A_2037 = arith.constant 16 : index
      %swap3A_2038 = tpu.vector_load %arg14[%swap3A_2036, %swap3A_2037] {strides = array<i32>} : memref<16x80xf32, #tpu.memory_space<vmem>>, vector<16xf32>,
      tpu.vector_store %arg14[%swap3A_2036, %swap3A_2037], %broadcast_in_dim3A_3 {strides = array<i32>} : memref<16x80xf32, #tpu.memory_space<vmem>>, vector<16xf32>,
      %swap3A_2039 = arith.constant 9 : i32
      %swap3A_2040 = arith.index_cast %swap3A_2039 : i32 to index
      %swap3A_2041 = arith.constant 32 : index
      %swap3A_2042 = tpu.vector_load %arg14[%swap3A_2040, %swap3A_2041] {strides = array<i32>} : memref<16x80xf32, #tpu.memory_space<vmem>>, vector<16xf32>,
      tpu.vector_store %arg14[%swap3A_2040, %swap3A_2041], %broadcast_in_dim3A_3 {strides = array<i32>} : memref<16x80xf32, #tpu.memory_space<vmem>>, vector<16xf32>,
      %swap3A_2043 = arith.constant 9 : i32
      %swap3A_2044 = arith.index_cast %swap3A_2043 : i32 to index
      %swap3A_2045 = arith.constant 48 : index
      %swap3A_2046 = tpu.vector_load %arg14[%swap3A_2044, %swap3A_2045] {strides = array<i32>} : memref<16x80xf32, #tpu.memory_space<vmem>>, vector<16xf32>,
      tpu.vector_store %arg14[%swap3A_2044, %swap3A_2045], %broadcast_in_dim3A_3 {strides = array<i32>} : memref<16x80xf32, #tpu.memory_space<vmem>>, vector<16xf32>,
      %swap3A_2047 = arith.constant 9 : i32
      %swap3A_2048 = arith.index_cast %swap3A_2047 : i32 to index
      %swap3A_2049 = arith.constant 64 : index
      %swap3A_2050 = tpu.vector_load %arg14[%swap3A_2048, %swap3A_2049] {strides = array<i32>} : memref<16x80xf32, #tpu.memory_space<vmem>>, vector<16xf32>,
      tpu.vector_store %arg14[%swap3A_2048, %swap3A_2049], %broadcast_in_dim3A_3 {strides = array<i32>} : memref<16x80xf32, #tpu.memory_space<vmem>>, vector<16xf32>,
      %swap3A_2051 = arith.constant 10 : i32
      %swap3A_2052 = arith.index_cast %swap3A_2051 : i32 to index
      %swap3A_2053 = arith.constant 0 : index
      %swap3A_2054 = tpu.vector_load %arg14[%swap3A_2052, %swap3A_2053] {strides = array<i32>} : memref<16x80xf32, #tpu.memory_space<vmem>>, vector<16xf32>,
      tpu.vector_store %arg14[%swap3A_2052, %swap3A_2053], %broadcast_in_dim3A_3 {strides = array<i32>} : memref<16x80xf32, #tpu.memory_space<vmem>>, vector<16xf32>,
      %swap3A_2055 = arith.constant 10 : i32
      %swap3A_2056 = arith.index_cast %swap3A_2055 : i32 to index
      %swap3A_2057 = arith.constant 16 : index
      %swap3A_2058 = tpu.vector_load %arg14[%swap3A_2056, %swap3A_2057] {strides = array<i32>} : memref<16x80xf32, #tpu.memory_space<vmem>>, vector<16xf32>,
      tpu.vector_store %arg14[%swap3A_2056, %swap3A_2057], %broadcast_in_dim3A_3 {strides = array<i32>} : memref<16x80xf32, #tpu.memory_space<vmem>>, vector<16xf32>,
      %swap3A_2059 = arith.constant 10 : i32
      %swap3A_2060 = arith.index_cast %swap3A_2059 : i32 to index
      %swap3A_2061 = arith.constant 32 : index
      %swap3A_2062 = tpu.vector_load %arg14[%swap3A_2060, %swap3A_2061] {strides = array<i32>} : memref<16x80xf32, #tpu.memory_space<vmem>>, vector<16xf32>,
      tpu.vector_store %arg14[%swap3A_2060, %swap3A_2061], %broadcast_in_dim3A_3 {strides = array<i32>} : memref<16x80xf32, #tpu.memory_space<vmem>>, vector<16xf32>,
      %swap3A_2063 = arith.constant 10 : i32
      %swap3A_2064 = arith.index_cast %swap3A_2063 : i32 to index
      %swap3A_2065 = arith.constant 48 : index
      %swap3A_2066 = tpu.vector_load %arg14[%swap3A_2064, %swap3A_2065] {strides = array<i32>} : memref<16x80xf32, #tpu.memory_space<vmem>>, vector<16xf32>,
      tpu.vector_store %arg14[%swap3A_2064, %swap3A_2065], %broadcast_in_dim3A_3 {strides = array<i32>} : memref<16x80xf32, #tpu.memory_space<vmem>>, vector<16xf32>,
      %swap3A_2067 = arith.constant 10 : i32
      %swap3A_2068 = arith.index_cast %swap3A_2067 : i32 to index
      %swap3A_2069 = arith.constant 64 : index
      %swap3A_2070 = tpu.vector_load %arg14[%swap3A_2068, %swap3A_2069] {strides = array<i32>} : memref<16x80xf32, #tpu.memory_space<vmem>>, vector<16xf32>,
      tpu.vector_store %arg14[%swap3A_2068, %swap3A_2069], %broadcast_in_dim3A_3 {strides = array<i32>} : memref<16x80xf32, #tpu.memory_space<vmem>>, vector<16xf32>,
      %swap3A_2071 = arith.constant 11 : i32
      %swap3A_2072 = arith.index_cast %swap3A_2071 : i32 to index
      %swap3A_2073 = arith.constant 0 : index
      %swap3A_2074 = tpu.vector_load %arg14[%swap3A_2072, %swap3A_2073] {strides = array<i32>} : memref<16x80xf32, #tpu.memory_space<vmem>>, vector<16xf32>,
      tpu.vector_store %arg14[%swap3A_2072, %swap3A_2073], %broadcast_in_dim3A_3 {strides = array<i32>} : memref<16x80xf32, #tpu.memory_space<vmem>>, vector<16xf32>,
      %swap3A_2075 = arith.constant 11 : i32
      %swap3A_2076 = arith.index_cast %swap3A_2075 : i32 to index
      %swap3A_2077 = arith.constant 16 : index
      %swap3A_2078 = tpu.vector_load %arg14[%swap3A_2076, %swap3A_2077] {strides = array<i32>} : memref<16x80xf32, #tpu.memory_space<vmem>>, vector<16xf32>,
      tpu.vector_store %arg14[%swap3A_2076, %swap3A_2077], %broadcast_in_dim3A_3 {strides = array<i32>} : memref<16x80xf32, #tpu.memory_space<vmem>>, vector<16xf32>,
      %swap3A_2079 = arith.constant 11 : i32
      %swap3A_2080 = arith.index_cast %swap3A_2079 : i32 to index
      %swap3A_2081 = arith.constant 32 : index
      %swap3A_2082 = tpu.vector_load %arg14[%swap3A_2080, %swap3A_2081] {strides = array<i32>} : memref<16x80xf32, #tpu.memory_space<vmem>>, vector<16xf32>,
      tpu.vector_store %arg14[%swap3A_2080, %swap3A_2081], %broadcast_in_dim3A_3 {strides = array<i32>} : memref<16x80xf32, #tpu.memory_space<vmem>>, vector<16xf32>,
      %swap3A_2083 = arith.constant 11 : i32
      %swap3A_2084 = arith.index_cast %swap3A_2083 : i32 to index
      %swap3A_2085 = arith.constant 48 : index
      %swap3A_2086 = tpu.vector_load %arg14[%swap3A_2084, %swap3A_2085] {strides = array<i32>} : memref<16x80xf32, #tpu.memory_space<vmem>>, vector<16xf32>,
      tpu.vector_store %arg14[%swap3A_2084, %swap3A_2085], %broadcast_in_dim3A_3 {strides = array<i32>} : memref<16x80xf32, #tpu.memory_space<vmem>>, vector<16xf32>,
      %swap3A_2087 = arith.constant 11 : i32
      %swap3A_2088 = arith.index_cast %swap3A_2087 : i32 to index
      %swap3A_2089 = arith.constant 64 : index
      %swap3A_2090 = tpu.vector_load %arg14[%swap3A_2088, %swap3A_2089] {strides = array<i32>} : memref<16x80xf32, #tpu.memory_space<vmem>>, vector<16xf32>,
      tpu.vector_store %arg14[%swap3A_2088, %swap3A_2089], %broadcast_in_dim3A_3 {strides = array<i32>} : memref<16x80xf32, #tpu.memory_space<vmem>>, vector<16xf32>,
      %swap3A_2091 = arith.constant 12 : i32
      %swap3A_2092 = arith.index_cast %swap3A_2091 : i32 to index
      %swap3A_2093 = arith.constant 0 : index
      %swap3A_2094 = tpu.vector_load %arg14[%swap3A_2092, %swap3A_2093] {strides = array<i32>} : memref<16x80xf32, #tpu.memory_space<vmem>>, vector<16xf32>,
      tpu.vector_store %arg14[%swap3A_2092, %swap3A_2093], %broadcast_in_dim3A_3 {strides = array<i32>} : memref<16x80xf32, #tpu.memory_space<vmem>>, vector<16xf32>,
      %swap3A_2095 = arith.constant 12 : i32
      %swap3A_2096 = arith.index_cast %swap3A_2095 : i32 to index
      %swap3A_2097 = arith.constant 16 : index
      %swap3A_2098 = tpu.vector_load %arg14[%swap3A_2096, %swap3A_2097] {strides = array<i32>} : memref<16x80xf32, #tpu.memory_space<vmem>>, vector<16xf32>,
      tpu.vector_store %arg14[%swap3A_2096, %swap3A_2097], %broadcast_in_dim3A_3 {strides = array<i32>} : memref<16x80xf32, #tpu.memory_space<vmem>>, vector<16xf32>,
      %swap3A_2099 = arith.constant 12 : i32
      %swap3A_2100 = arith.index_cast %swap3A_2099 : i32 to index
      %swap3A_2101 = arith.constant 32 : index
      %swap3A_2102 = tpu.vector_load %arg14[%swap3A_2100, %swap3A_2101] {strides = array<i32>} : memref<16x80xf32, #tpu.memory_space<vmem>>, vector<16xf32>,
      tpu.vector_store %arg14[%swap3A_2100, %swap3A_2101], %broadcast_in_dim3A_3 {strides = array<i32>} : memref<16x80xf32, #tpu.memory_space<vmem>>, vector<16xf32>,
      %swap3A_2103 = arith.constant 12 : i32
      %swap3A_2104 = arith.index_cast %swap3A_2103 : i32 to index
      %swap3A_2105 = arith.constant 48 : index
      %swap3A_2106 = tpu.vector_load %arg14[%swap3A_2104, %swap3A_2105] {strides = array<i32>} : memref<16x80xf32, #tpu.memory_space<vmem>>, vector<16xf32>,
      tpu.vector_store %arg14[%swap3A_2104, %swap3A_2105], %broadcast_in_dim3A_3 {strides = array<i32>} : memref<16x80xf32, #tpu.memory_space<vmem>>, vector<16xf32>,
      %swap3A_2107 = arith.constant 12 : i32
      %swap3A_2108 = arith.index_cast %swap3A_2107 : i32 to index
      %swap3A_2109 = arith.constant 64 : index
      %swap3A_2110 = tpu.vector_load %arg14[%swap3A_2108, %swap3A_2109] {strides = array<i32>} : memref<16x80xf32, #tpu.memory_space<vmem>>, vector<16xf32>,
      tpu.vector_store %arg14[%swap3A_2108, %swap3A_2109], %broadcast_in_dim3A_3 {strides = array<i32>} : memref<16x80xf32, #tpu.memory_space<vmem>>, vector<16xf32>,
      %swap3A_2111 = arith.constant 13 : i32
      %swap3A_2112 = arith.index_cast %swap3A_2111 : i32 to index
      %swap3A_2113 = arith.constant 0 : index
      %swap3A_2114 = tpu.vector_load %arg14[%swap3A_2112, %swap3A_2113] {strides = array<i32>} : memref<16x80xf32, #tpu.memory_space<vmem>>, vector<16xf32>,
      tpu.vector_store %arg14[%swap3A_2112, %swap3A_2113], %broadcast_in_dim3A_3 {strides = array<i32>} : memref<16x80xf32, #tpu.memory_space<vmem>>, vector<16xf32>,
      %swap3A_2115 = arith.constant 13 : i32
      %swap3A_2116 = arith.index_cast %swap3A_2115 : i32 to index
      %swap3A_2117 = arith.constant 16 : index
      %swap3A_2118 = tpu.vector_load %arg14[%swap3A_2116, %swap3A_2117] {strides = array<i32>} : memref<16x80xf32, #tpu.memory_space<vmem>>, vector<16xf32>,
      tpu.vector_store %arg14[%swap3A_2116, %swap3A_2117], %broadcast_in_dim3A_3 {strides = array<i32>} : memref<16x80xf32, #tpu.memory_space<vmem>>, vector<16xf32>,
      %swap3A_2119 = arith.constant 13 : i32
      %swap3A_2120 = arith.index_cast %swap3A_2119 : i32 to index
      %swap3A_2121 = arith.constant 32 : index
      %swap3A_2122 = tpu.vector_load %arg14[%swap3A_2120, %swap3A_2121] {strides = array<i32>} : memref<16x80xf32, #tpu.memory_space<vmem>>, vector<16xf32>,
      tpu.vector_store %arg14[%swap3A_2120, %swap3A_2121], %broadcast_in_dim3A_3 {strides = array<i32>} : memref<16x80xf32, #tpu.memory_space<vmem>>, vector<16xf32>,
      %swap3A_2123 = arith.constant 13 : i32
      %swap3A_2124 = arith.index_cast %swap3A_2123 : i32 to index
      %swap3A_2125 = arith.constant 48 : index
      %swap3A_2126 = tpu.vector_load %arg14[%swap3A_2124, %swap3A_2125] {strides = array<i32>} : memref<16x80xf32, #tpu.memory_space<vmem>>, vector<16xf32>,
      tpu.vector_store %arg14[%swap3A_2124, %swap3A_2125], %broadcast_in_dim3A_3 {strides = array<i32>} : memref<16x80xf32, #tpu.memory_space<vmem>>, vector<16xf32>,
      %swap3A_2127 = arith.constant 13 : i32
      %swap3A_2128 = arith.index_cast %swap3A_2127 : i32 to index
      %swap3A_2129 = arith.constant 64 : index
      %swap3A_2130 = tpu.vector_load %arg14[%swap3A_2128, %swap3A_2129] {strides = array<i32>} : memref<16x80xf32, #tpu.memory_space<vmem>>, vector<16xf32>,
      tpu.vector_store %arg14[%swap3A_2128, %swap3A_2129], %broadcast_in_dim3A_3 {strides = array<i32>} : memref<16x80xf32, #tpu.memory_space<vmem>>, vector<16xf32>,
      %swap3A_2131 = arith.constant 14 : i32
      %swap3A_2132 = arith.index_cast %swap3A_2131 : i32 to index
      %swap3A_2133 = arith.constant 0 : index
      %swap3A_2134 = tpu.vector_load %arg14[%swap3A_2132, %swap3A_2133] {strides = array<i32>} : memref<16x80xf32, #tpu.memory_space<vmem>>, vector<16xf32>,
      tpu.vector_store %arg14[%swap3A_2132, %swap3A_2133], %broadcast_in_dim3A_3 {strides = array<i32>} : memref<16x80xf32, #tpu.memory_space<vmem>>, vector<16xf32>,
      %swap3A_2135 = arith.constant 14 : i32
      %swap3A_2136 = arith.index_cast %swap3A_2135 : i32 to index
      %swap3A_2137 = arith.constant 16 : index
      %swap3A_2138 = tpu.vector_load %arg14[%swap3A_2136, %swap3A_2137] {strides = array<i32>} : memref<16x80xf32, #tpu.memory_space<vmem>>, vector<16xf32>,
      tpu.vector_store %arg14[%swap3A_2136, %swap3A_2137], %broadcast_in_dim3A_3 {strides = array<i32>} : memref<16x80xf32, #tpu.memory_space<vmem>>, vector<16xf32>,
      %swap3A_2139 = arith.constant 14 : i32
      %swap3A_2140 = arith.index_cast %swap3A_2139 : i32 to index
      %swap3A_2141 = arith.constant 32 : index
      %swap3A_2142 = tpu.vector_load %arg14[%swap3A_2140, %swap3A_2141] {strides = array<i32>} : memref<16x80xf32, #tpu.memory_space<vmem>>, vector<16xf32>,
      tpu.vector_store %arg14[%swap3A_2140, %swap3A_2141], %broadcast_in_dim3A_3 {strides = array<i32>} : memref<16x80xf32, #tpu.memory_space<vmem>>, vector<16xf32>,
      %swap3A_2143 = arith.constant 14 : i32
      %swap3A_2144 = arith.index_cast %swap3A_2143 : i32 to index
      %swap3A_2145 = arith.constant 48 : index
      %swap3A_2146 = tpu.vector_load %arg14[%swap3A_2144, %swap3A_2145] {strides = array<i32>} : memref<16x80xf32, #tpu.memory_space<vmem>>, vector<16xf32>,
      tpu.vector_store %arg14[%swap3A_2144, %swap3A_2145], %broadcast_in_dim3A_3 {strides = array<i32>} : memref<16x80xf32, #tpu.memory_space<vmem>>, vector<16xf32>,
      %swap3A_2147 = arith.constant 14 : i32
      %swap3A_2148 = arith.index_cast %swap3A_2147 : i32 to index
      %swap3A_2149 = arith.constant 64 : index
      %swap3A_2150 = tpu.vector_load %arg14[%swap3A_2148, %swap3A_2149] {strides = array<i32>} : memref<16x80xf32, #tpu.memory_space<vmem>>, vector<16xf32>,
      tpu.vector_store %arg14[%swap3A_2148, %swap3A_2149], %broadcast_in_dim3A_3 {strides = array<i32>} : memref<16x80xf32, #tpu.memory_space<vmem>>, vector<16xf32>,
      %swap3A_2151 = arith.constant 15 : i32
      %swap3A_2152 = arith.index_cast %swap3A_2151 : i32 to index
      %swap3A_2153 = arith.constant 0 : index
      %swap3A_2154 = tpu.vector_load %arg14[%swap3A_2152, %swap3A_2153] {strides = array<i32>} : memref<16x80xf32, #tpu.memory_space<vmem>>, vector<16xf32>,
      tpu.vector_store %arg14[%swap3A_2152, %swap3A_2153], %broadcast_in_dim3A_3 {strides = array<i32>} : memref<16x80xf32, #tpu.memory_space<vmem>>, vector<16xf32>,
      %swap3A_2155 = arith.constant 15 : i32
      %swap3A_2156 = arith.index_cast %swap3A_2155 : i32 to index
      %swap3A_2157 = arith.constant 16 : index
      %swap3A_2158 = tpu.vector_load %arg14[%swap3A_2156, %swap3A_2157] {strides = array<i32>} : memref<16x80xf32, #tpu.memory_space<vmem>>, vector<16xf32>,
      tpu.vector_store %arg14[%swap3A_2156, %swap3A_2157], %broadcast_in_dim3A_3 {strides = array<i32>} : memref<16x80xf32, #tpu.memory_space<vmem>>, vector<16xf32>,
      %swap3A_2159 = arith.constant 15 : i32
      %swap3A_2160 = arith.index_cast %swap3A_2159 : i32 to index
      %swap3A_2161 = arith.constant 32 : index
      %swap3A_2162 = tpu.vector_load %arg14[%swap3A_2160, %swap3A_2161] {strides = array<i32>} : memref<16x80xf32, #tpu.memory_space<vmem>>, vector<16xf32>,
      tpu.vector_store %arg14[%swap3A_2160, %swap3A_2161], %broadcast_in_dim3A_3 {strides = array<i32>} : memref<16x80xf32, #tpu.memory_space<vmem>>, vector<16xf32>,
      %swap3A_2163 = arith.constant 15 : i32
      %swap3A_2164 = arith.index_cast %swap3A_2163 : i32 to index
      %swap3A_2165 = arith.constant 48 : index
      %swap3A_2166 = tpu.vector_load %arg14[%swap3A_2164, %swap3A_2165] {strides = array<i32>} : memref<16x80xf32, #tpu.memory_space<vmem>>, vector<16xf32>,
      tpu.vector_store %arg14[%swap3A_2164, %swap3A_2165], %broadcast_in_dim3A_3 {strides = array<i32>} : memref<16x80xf32, #tpu.memory_space<vmem>>, vector<16xf32>,
      %swap3A_2167 = arith.constant 15 : i32
      %swap3A_2168 = arith.index_cast %swap3A_2167 : i32 to index
      %swap3A_2169 = arith.constant 64 : index
      %swap3A_2170 = tpu.vector_load %arg14[%swap3A_2168, %swap3A_2169] {strides = array<i32>} : memref<16x80xf32, #tpu.memory_space<vmem>>, vector<16xf32>,
      tpu.vector_store %arg14[%swap3A_2168, %swap3A_2169], %broadcast_in_dim3A_3 {strides = array<i32>} : memref<16x80xf32, #tpu.memory_space<vmem>>, vector<16xf32>,
      "tpu.region"() ({
        %run_scoped3A = tpu.sem_alloc : memref<!tpu.dma_semaphore, #tpu.memory_space<semaphore_mem>>
        tpu.enqueue_dma source(%arg14 : memref<16x80xf32, #tpu.memory_space<vmem>>) target(%arg16 : memref<16x80xf32, #tpu.memory_space<vmem_shared>>) target_semaphore(%run_scoped3A : memref<!tpu.dma_semaphore, #tpu.memory_space<semaphore_mem>>)
        tpu.wait_dma2 semaphore(%run_scoped3A : memref<!tpu.dma_semaphore, #tpu.memory_space<semaphore_mem>>) src(%arg14 : memref<16x80xf32, #tpu.memory_space<vmem>>) dst(%arg16 : memref<16x80xf32, #tpu.memory_space<vmem_shared>>)
        tpu.yield
      }) : () -> ()
    } else {
    }
    %swap3A = arith.constant 0 : index
    %swap3A_466 = tpu.vector_load %arg15[%swap3A] {strides = array<i32>} : memref<64xf32, #tpu.memory_space<vmem>>, vector<16xf32>,
    tpu.vector_store %arg15[%swap3A], %broadcast_in_dim3A_3 {strides = array<i32>} : memref<64xf32, #tpu.memory_space<vmem>>, vector<16xf32>,
    %swap3A_467 = arith.constant 16 : index
    %swap3A_468 = tpu.vector_load %arg15[%swap3A_467] {strides = array<i32>} : memref<64xf32, #tpu.memory_space<vmem>>, vector<16xf32>,
    tpu.vector_store %arg15[%swap3A_467], %broadcast_in_dim3A_3 {strides = array<i32>} : memref<64xf32, #tpu.memory_space<vmem>>, vector<16xf32>,
    %swap3A_469 = arith.constant 32 : index
    %swap3A_470 = tpu.vector_load %arg15[%swap3A_469] {strides = array<i32>} : memref<64xf32, #tpu.memory_space<vmem>>, vector<16xf32>,
    tpu.vector_store %arg15[%swap3A_469], %broadcast_in_dim3A_3 {strides = array<i32>} : memref<64xf32, #tpu.memory_space<vmem>>, vector<16xf32>,
    %swap3A_471 = arith.constant 48 : index
    %swap3A_472 = tpu.vector_load %arg15[%swap3A_471] {strides = array<i32>} : memref<64xf32, #tpu.memory_space<vmem>>, vector<16xf32>,
    tpu.vector_store %arg15[%swap3A_471], %broadcast_in_dim3A_3 {strides = array<i32>} : memref<64xf32, #tpu.memory_space<vmem>>, vector<16xf32>,
    tpu.wait_dma2 semaphore(%arg17 : memref<!tpu.dma_semaphore, #tpu.memory_space<semaphore_mem>>) src(%arg3 : memref<10000xi32, #tpu.memory_space<hbm>>) dst(%arg7 : memref<10000xi32, #tpu.memory_space<vmem>>)
    %dma_wait3A = arith.constant 0 : i32
    %dma_wait3A_473 = tpu.memref_slice %arg2[%dma_wait3A, %mul3A_2] : memref<2x160000xi32, #tpu.memory_space<hbm>> -> memref<1x4992xi32, #tpu.memory_space<hbm>>
    %dma_wait3A_474 = tpu.memref_squeeze %dma_wait3A_473 : memref<1x4992xi32, #tpu.memory_space<hbm>> -> memref<4992xi32, #tpu.memory_space<hbm>>
    %dma_wait3A_475 = tpu.memref_slice %arg2[%dma_wait3A, %mul3A_2] : memref<2x160000xi32, #tpu.memory_space<hbm>> -> memref<1x4992xi32, #tpu.memory_space<hbm>>
    %dma_wait3A_476 = tpu.memref_squeeze %dma_wait3A_475 : memref<1x4992xi32, #tpu.memory_space<hbm>> -> memref<4992xi32, #tpu.memory_space<hbm>>
    tpu.wait_dma2 semaphore(%arg17 : memref<!tpu.dma_semaphore, #tpu.memory_space<semaphore_mem>>) src(%dma_wait3A_476 : memref<4992xi32, #tpu.memory_space<hbm>>) dst(%arg8 : memref<4992xi32, #tpu.memory_space<vmem>>)
    %add3A_477 = arith.constant 5000 : i32
    %add3A_478 = arith.addi %mul3A_2, %add3A_477 : i32
    %sub3A_479 = arith.constant 16 : i32
    %sub3A_480 = arith.subi %add3A_478, %sub3A_479 : i32
    %dma_wait3A_481 = arith.constant 0 : i32
    %dma_wait3A_482 = tpu.memref_slice %arg2[%dma_wait3A_481, %sub3A_480] : memref<2x160000xi32, #tpu.memory_space<hbm>> -> memref<1x16xi32, #tpu.memory_space<hbm>>
    %dma_wait3A_483 = tpu.memref_squeeze %dma_wait3A_482 : memref<1x16xi32, #tpu.memory_space<hbm>> -> memref<16xi32, #tpu.memory_space<hbm>>
    %dma_wait3A_484 = tpu.memref_slice %arg2[%dma_wait3A_481, %sub3A_480] : memref<2x160000xi32, #tpu.memory_space<hbm>> -> memref<1x16xi32, #tpu.memory_space<hbm>>
    %dma_wait3A_485 = tpu.memref_squeeze %dma_wait3A_484 : memref<1x16xi32, #tpu.memory_space<hbm>> -> memref<16xi32, #tpu.memory_space<hbm>>
    tpu.wait_dma2 semaphore(%arg17 : memref<!tpu.dma_semaphore, #tpu.memory_space<semaphore_mem>>) src(%dma_wait3A_485 : memref<16xi32, #tpu.memory_space<hbm>>) dst(%arg9 : memref<16xi32, #tpu.memory_space<vmem>>)
    %dma_wait3A_486 = arith.constant 0 : i32
    %dma_wait3A_487 = arith.constant 0 : i32
    %dma_wait3A_488 = arith.constant 0 : i32
    %dma_wait3A_489 = tpu.memref_slice %arg10[%dma_wait3A_487, %dma_wait3A_488] : memref<16x4992xf32, #tpu.memory_space<vmem>> -> memref<1x4992xf32, #tpu.memory_space<vmem>>
    %dma_wait3A_490 = tpu.memref_squeeze %dma_wait3A_489 : memref<1x4992xf32, #tpu.memory_space<vmem>> -> memref<4992xf32, #tpu.memory_space<vmem>>
    %dma_wait3A_491 = tpu.memref_slice %arg4[%dma_wait3A_486, %mul3A_2] : memref<16x160000xf32, #tpu.memory_space<hbm>> -> memref<1x4992xf32, #tpu.memory_space<hbm>>
    %dma_wait3A_492 = tpu.memref_squeeze %dma_wait3A_491 : memref<1x4992xf32, #tpu.memory_space<hbm>> -> memref<4992xf32, #tpu.memory_space<hbm>>
    %dma_wait3A_493 = arith.constant 0 : i32
    %dma_wait3A_494 = tpu.memref_slice %arg10[%dma_wait3A_487, %dma_wait3A_493] : memref<16x4992xf32, #tpu.memory_space<vmem>> -> memref<1x4992xf32, #tpu.memory_space<vmem>>
    %dma_wait3A_495 = tpu.memref_squeeze %dma_wait3A_494 : memref<1x4992xf32, #tpu.memory_space<vmem>> -> memref<4992xf32, #tpu.memory_space<vmem>>
    %dma_wait3A_496 = tpu.memref_slice %arg4[%dma_wait3A_486, %mul3A_2] : memref<16x160000xf32, #tpu.memory_space<hbm>> -> memref<1x4992xf32, #tpu.memory_space<hbm>>
    %dma_wait3A_497 = tpu.memref_squeeze %dma_wait3A_496 : memref<1x4992xf32, #tpu.memory_space<hbm>> -> memref<4992xf32, #tpu.memory_space<hbm>>
    tpu.wait_dma2 semaphore(%arg17 : memref<!tpu.dma_semaphore, #tpu.memory_space<semaphore_mem>>) src(%dma_wait3A_497 : memref<4992xf32, #tpu.memory_space<hbm>>) dst(%dma_wait3A_495 : memref<4992xf32, #tpu.memory_space<vmem>>)
    %add3A_498 = arith.constant 5000 : i32
    %add3A_499 = arith.addi %mul3A_2, %add3A_498 : i32
    %sub3A_500 = arith.constant 16 : i32
    %sub3A_501 = arith.subi %add3A_499, %sub3A_500 : i32
    %dma_wait3A_502 = arith.constant 0 : i32
    %dma_wait3A_503 = arith.constant 0 : i32
    %dma_wait3A_504 = arith.constant 0 : i32
    %dma_wait3A_505 = tpu.memref_slice %arg11[%dma_wait3A_503, %dma_wait3A_504] : memref<16x16xf32, #tpu.memory_space<vmem>> -> memref<1x16xf32, #tpu.memory_space<vmem>>
    %dma_wait3A_506 = tpu.memref_squeeze %dma_wait3A_505 : memref<1x16xf32, #tpu.memory_space<vmem>> -> memref<16xf32, #tpu.memory_space<vmem>>
    %dma_wait3A_507 = tpu.memref_slice %arg4[%dma_wait3A_502, %sub3A_501] : memref<16x160000xf32, #tpu.memory_space<hbm>> -> memref<1x16xf32, #tpu.memory_space<hbm>>
    %dma_wait3A_508 = tpu.memref_squeeze %dma_wait3A_507 : memref<1x16xf32, #tpu.memory_space<hbm>> -> memref<16xf32, #tpu.memory_space<hbm>>
    %dma_wait3A_509 = arith.constant 0 : i32
    %dma_wait3A_510 = tpu.memref_slice %arg11[%dma_wait3A_503, %dma_wait3A_509] : memref<16x16xf32, #tpu.memory_space<vmem>> -> memref<1x16xf32, #tpu.memory_space<vmem>>
    %dma_wait3A_511 = tpu.memref_squeeze %dma_wait3A_510 : memref<1x16xf32, #tpu.memory_space<vmem>> -> memref<16xf32, #tpu.memory_space<vmem>>
    %dma_wait3A_512 = tpu.memref_slice %arg4[%dma_wait3A_502, %sub3A_501] : memref<16x160000xf32, #tpu.memory_space<hbm>> -> memref<1x16xf32, #tpu.memory_space<hbm>>
    %dma_wait3A_513 = tpu.memref_squeeze %dma_wait3A_512 : memref<1x16xf32, #tpu.memory_space<hbm>> -> memref<16xf32, #tpu.memory_space<hbm>>
    tpu.wait_dma2 semaphore(%arg17 : memref<!tpu.dma_semaphore, #tpu.memory_space<semaphore_mem>>) src(%dma_wait3A_513 : memref<16xf32, #tpu.memory_space<hbm>>) dst(%dma_wait3A_511 : memref<16xf32, #tpu.memory_space<vmem>>)
    %dma_wait3A_514 = arith.constant 1 : i32
    %dma_wait3A_515 = arith.constant 1 : i32
    %dma_wait3A_516 = arith.constant 0 : i32
    %dma_wait3A_517 = tpu.memref_slice %arg10[%dma_wait3A_515, %dma_wait3A_516] : memref<16x4992xf32, #tpu.memory_space<vmem>> -> memref<1x4992xf32, #tpu.memory_space<vmem>>
    %dma_wait3A_518 = tpu.memref_squeeze %dma_wait3A_517 : memref<1x4992xf32, #tpu.memory_space<vmem>> -> memref<4992xf32, #tpu.memory_space<vmem>>
    %dma_wait3A_519 = tpu.memref_slice %arg4[%dma_wait3A_514, %mul3A_2] : memref<16x160000xf32, #tpu.memory_space<hbm>> -> memref<1x4992xf32, #tpu.memory_space<hbm>>
    %dma_wait3A_520 = tpu.memref_squeeze %dma_wait3A_519 : memref<1x4992xf32, #tpu.memory_space<hbm>> -> memref<4992xf32, #tpu.memory_space<hbm>>
    %dma_wait3A_521 = arith.constant 0 : i32
    %dma_wait3A_522 = tpu.memref_slice %arg10[%dma_wait3A_515, %dma_wait3A_521] : memref<16x4992xf32, #tpu.memory_space<vmem>> -> memref<1x4992xf32, #tpu.memory_space<vmem>>
    %dma_wait3A_523 = tpu.memref_squeeze %dma_wait3A_522 : memref<1x4992xf32, #tpu.memory_space<vmem>> -> memref<4992xf32, #tpu.memory_space<vmem>>
    %dma_wait3A_524 = tpu.memref_slice %arg4[%dma_wait3A_514, %mul3A_2] : memref<16x160000xf32, #tpu.memory_space<hbm>> -> memref<1x4992xf32, #tpu.memory_space<hbm>>
    %dma_wait3A_525 = tpu.memref_squeeze %dma_wait3A_524 : memref<1x4992xf32, #tpu.memory_space<hbm>> -> memref<4992xf32, #tpu.memory_space<hbm>>
    tpu.wait_dma2 semaphore(%arg17 : memref<!tpu.dma_semaphore, #tpu.memory_space<semaphore_mem>>) src(%dma_wait3A_525 : memref<4992xf32, #tpu.memory_space<hbm>>) dst(%dma_wait3A_523 : memref<4992xf32, #tpu.memory_space<vmem>>)
    %add3A_526 = arith.constant 5000 : i32
    %add3A_527 = arith.addi %mul3A_2, %add3A_526 : i32
    %sub3A_528 = arith.constant 16 : i32
    %sub3A_529 = arith.subi %add3A_527, %sub3A_528 : i32
    %dma_wait3A_530 = arith.constant 1 : i32
    %dma_wait3A_531 = arith.constant 1 : i32
    %dma_wait3A_532 = arith.constant 0 : i32
    %dma_wait3A_533 = tpu.memref_slice %arg11[%dma_wait3A_531, %dma_wait3A_532] : memref<16x16xf32, #tpu.memory_space<vmem>> -> memref<1x16xf32, #tpu.memory_space<vmem>>
    %dma_wait3A_534 = tpu.memref_squeeze %dma_wait3A_533 : memref<1x16xf32, #tpu.memory_space<vmem>> -> memref<16xf32, #tpu.memory_space<vmem>>
    %dma_wait3A_535 = tpu.memref_slice %arg4[%dma_wait3A_530, %sub3A_529] : memref<16x160000xf32, #tpu.memory_space<hbm>> -> memref<1x16xf32, #tpu.memory_space<hbm>>
    %dma_wait3A_536 = tpu.memref_squeeze %dma_wait3A_535 : memref<1x16xf32, #tpu.memory_space<hbm>> -> memref<16xf32, #tpu.memory_space<hbm>>
    %dma_wait3A_537 = arith.constant 0 : i32
    %dma_wait3A_538 = tpu.memref_slice %arg11[%dma_wait3A_531, %dma_wait3A_537] : memref<16x16xf32, #tpu.memory_space<vmem>> -> memref<1x16xf32, #tpu.memory_space<vmem>>
    %dma_wait3A_539 = tpu.memref_squeeze %dma_wait3A_538 : memref<1x16xf32, #tpu.memory_space<vmem>> -> memref<16xf32, #tpu.memory_space<vmem>>
    %dma_wait3A_540 = tpu.memref_slice %arg4[%dma_wait3A_530, %sub3A_529] : memref<16x160000xf32, #tpu.memory_space<hbm>> -> memref<1x16xf32, #tpu.memory_space<hbm>>
    %dma_wait3A_541 = tpu.memref_squeeze %dma_wait3A_540 : memref<1x16xf32, #tpu.memory_space<hbm>> -> memref<16xf32, #tpu.memory_space<hbm>>
    tpu.wait_dma2 semaphore(%arg17 : memref<!tpu.dma_semaphore, #tpu.memory_space<semaphore_mem>>) src(%dma_wait3A_541 : memref<16xf32, #tpu.memory_space<hbm>>) dst(%dma_wait3A_539 : memref<16xf32, #tpu.memory_space<vmem>>)
    %dma_wait3A_542 = arith.constant 2 : i32
    %dma_wait3A_543 = arith.constant 2 : i32
    %dma_wait3A_544 = arith.constant 0 : i32
    %dma_wait3A_545 = tpu.memref_slice %arg10[%dma_wait3A_543, %dma_wait3A_544] : memref<16x4992xf32, #tpu.memory_space<vmem>> -> memref<1x4992xf32, #tpu.memory_space<vmem>>
    %dma_wait3A_546 = tpu.memref_squeeze %dma_wait3A_545 : memref<1x4992xf32, #tpu.memory_space<vmem>> -> memref<4992xf32, #tpu.memory_space<vmem>>
    %dma_wait3A_547 = tpu.memref_slice %arg4[%dma_wait3A_542, %mul3A_2] : memref<16x160000xf32, #tpu.memory_space<hbm>> -> memref<1x4992xf32, #tpu.memory_space<hbm>>
    %dma_wait3A_548 = tpu.memref_squeeze %dma_wait3A_547 : memref<1x4992xf32, #tpu.memory_space<hbm>> -> memref<4992xf32, #tpu.memory_space<hbm>>
    %dma_wait3A_549 = arith.constant 0 : i32
    %dma_wait3A_550 = tpu.memref_slice %arg10[%dma_wait3A_543, %dma_wait3A_549] : memref<16x4992xf32, #tpu.memory_space<vmem>> -> memref<1x4992xf32, #tpu.memory_space<vmem>>
    %dma_wait3A_551 = tpu.memref_squeeze %dma_wait3A_550 : memref<1x4992xf32, #tpu.memory_space<vmem>> -> memref<4992xf32, #tpu.memory_space<vmem>>
    %dma_wait3A_552 = tpu.memref_slice %arg4[%dma_wait3A_542, %mul3A_2] : memref<16x160000xf32, #tpu.memory_space<hbm>> -> memref<1x4992xf32, #tpu.memory_space<hbm>>
    %dma_wait3A_553 = tpu.memref_squeeze %dma_wait3A_552 : memref<1x4992xf32, #tpu.memory_space<hbm>> -> memref<4992xf32, #tpu.memory_space<hbm>>
    tpu.wait_dma2 semaphore(%arg17 : memref<!tpu.dma_semaphore, #tpu.memory_space<semaphore_mem>>) src(%dma_wait3A_553 : memref<4992xf32, #tpu.memory_space<hbm>>) dst(%dma_wait3A_551 : memref<4992xf32, #tpu.memory_space<vmem>>)
    %add3A_554 = arith.constant 5000 : i32
    %add3A_555 = arith.addi %mul3A_2, %add3A_554 : i32
    %sub3A_556 = arith.constant 16 : i32
    %sub3A_557 = arith.subi %add3A_555, %sub3A_556 : i32
    %dma_wait3A_558 = arith.constant 2 : i32
    %dma_wait3A_559 = arith.constant 2 : i32
    %dma_wait3A_560 = arith.constant 0 : i32
    %dma_wait3A_561 = tpu.memref_slice %arg11[%dma_wait3A_559, %dma_wait3A_560] : memref<16x16xf32, #tpu.memory_space<vmem>> -> memref<1x16xf32, #tpu.memory_space<vmem>>
    %dma_wait3A_562 = tpu.memref_squeeze %dma_wait3A_561 : memref<1x16xf32, #tpu.memory_space<vmem>> -> memref<16xf32, #tpu.memory_space<vmem>>
    %dma_wait3A_563 = tpu.memref_slice %arg4[%dma_wait3A_558, %sub3A_557] : memref<16x160000xf32, #tpu.memory_space<hbm>> -> memref<1x16xf32, #tpu.memory_space<hbm>>
    %dma_wait3A_564 = tpu.memref_squeeze %dma_wait3A_563 : memref<1x16xf32, #tpu.memory_space<hbm>> -> memref<16xf32, #tpu.memory_space<hbm>>
    %dma_wait3A_565 = arith.constant 0 : i32
    %dma_wait3A_566 = tpu.memref_slice %arg11[%dma_wait3A_559, %dma_wait3A_565] : memref<16x16xf32, #tpu.memory_space<vmem>> -> memref<1x16xf32, #tpu.memory_space<vmem>>
    %dma_wait3A_567 = tpu.memref_squeeze %dma_wait3A_566 : memref<1x16xf32, #tpu.memory_space<vmem>> -> memref<16xf32, #tpu.memory_space<vmem>>
    %dma_wait3A_568 = tpu.memref_slice %arg4[%dma_wait3A_558, %sub3A_557] : memref<16x160000xf32, #tpu.memory_space<hbm>> -> memref<1x16xf32, #tpu.memory_space<hbm>>
    %dma_wait3A_569 = tpu.memref_squeeze %dma_wait3A_568 : memref<1x16xf32, #tpu.memory_space<hbm>> -> memref<16xf32, #tpu.memory_space<hbm>>
    tpu.wait_dma2 semaphore(%arg17 : memref<!tpu.dma_semaphore, #tpu.memory_space<semaphore_mem>>) src(%dma_wait3A_569 : memref<16xf32, #tpu.memory_space<hbm>>) dst(%dma_wait3A_567 : memref<16xf32, #tpu.memory_space<vmem>>)
    %dma_wait3A_570 = arith.constant 3 : i32
    %dma_wait3A_571 = arith.constant 3 : i32
    %dma_wait3A_572 = arith.constant 0 : i32
    %dma_wait3A_573 = tpu.memref_slice %arg10[%dma_wait3A_571, %dma_wait3A_572] : memref<16x4992xf32, #tpu.memory_space<vmem>> -> memref<1x4992xf32, #tpu.memory_space<vmem>>
    %dma_wait3A_574 = tpu.memref_squeeze %dma_wait3A_573 : memref<1x4992xf32, #tpu.memory_space<vmem>> -> memref<4992xf32, #tpu.memory_space<vmem>>
    %dma_wait3A_575 = tpu.memref_slice %arg4[%dma_wait3A_570, %mul3A_2] : memref<16x160000xf32, #tpu.memory_space<hbm>> -> memref<1x4992xf32, #tpu.memory_space<hbm>>
    %dma_wait3A_576 = tpu.memref_squeeze %dma_wait3A_575 : memref<1x4992xf32, #tpu.memory_space<hbm>> -> memref<4992xf32, #tpu.memory_space<hbm>>
    %dma_wait3A_577 = arith.constant 0 : i32
    %dma_wait3A_578 = tpu.memref_slice %arg10[%dma_wait3A_571, %dma_wait3A_577] : memref<16x4992xf32, #tpu.memory_space<vmem>> -> memref<1x4992xf32, #tpu.memory_space<vmem>>
    %dma_wait3A_579 = tpu.memref_squeeze %dma_wait3A_578 : memref<1x4992xf32, #tpu.memory_space<vmem>> -> memref<4992xf32, #tpu.memory_space<vmem>>
    %dma_wait3A_580 = tpu.memref_slice %arg4[%dma_wait3A_570, %mul3A_2] : memref<16x160000xf32, #tpu.memory_space<hbm>> -> memref<1x4992xf32, #tpu.memory_space<hbm>>
    %dma_wait3A_581 = tpu.memref_squeeze %dma_wait3A_580 : memref<1x4992xf32, #tpu.memory_space<hbm>> -> memref<4992xf32, #tpu.memory_space<hbm>>
    tpu.wait_dma2 semaphore(%arg17 : memref<!tpu.dma_semaphore, #tpu.memory_space<semaphore_mem>>) src(%dma_wait3A_581 : memref<4992xf32, #tpu.memory_space<hbm>>) dst(%dma_wait3A_579 : memref<4992xf32, #tpu.memory_space<vmem>>)
    %add3A_582 = arith.constant 5000 : i32
    %add3A_583 = arith.addi %mul3A_2, %add3A_582 : i32
    %sub3A_584 = arith.constant 16 : i32
    %sub3A_585 = arith.subi %add3A_583, %sub3A_584 : i32
    %dma_wait3A_586 = arith.constant 3 : i32
    %dma_wait3A_587 = arith.constant 3 : i32
    %dma_wait3A_588 = arith.constant 0 : i32
    %dma_wait3A_589 = tpu.memref_slice %arg11[%dma_wait3A_587, %dma_wait3A_588] : memref<16x16xf32, #tpu.memory_space<vmem>> -> memref<1x16xf32, #tpu.memory_space<vmem>>
    %dma_wait3A_590 = tpu.memref_squeeze %dma_wait3A_589 : memref<1x16xf32, #tpu.memory_space<vmem>> -> memref<16xf32, #tpu.memory_space<vmem>>
    %dma_wait3A_591 = tpu.memref_slice %arg4[%dma_wait3A_586, %sub3A_585] : memref<16x160000xf32, #tpu.memory_space<hbm>> -> memref<1x16xf32, #tpu.memory_space<hbm>>
    %dma_wait3A_592 = tpu.memref_squeeze %dma_wait3A_591 : memref<1x16xf32, #tpu.memory_space<hbm>> -> memref<16xf32, #tpu.memory_space<hbm>>
    %dma_wait3A_593 = arith.constant 0 : i32
    %dma_wait3A_594 = tpu.memref_slice %arg11[%dma_wait3A_587, %dma_wait3A_593] : memref<16x16xf32, #tpu.memory_space<vmem>> -> memref<1x16xf32, #tpu.memory_space<vmem>>
    %dma_wait3A_595 = tpu.memref_squeeze %dma_wait3A_594 : memref<1x16xf32, #tpu.memory_space<vmem>> -> memref<16xf32, #tpu.memory_space<vmem>>
    %dma_wait3A_596 = tpu.memref_slice %arg4[%dma_wait3A_586, %sub3A_585] : memref<16x160000xf32, #tpu.memory_space<hbm>> -> memref<1x16xf32, #tpu.memory_space<hbm>>
    %dma_wait3A_597 = tpu.memref_squeeze %dma_wait3A_596 : memref<1x16xf32, #tpu.memory_space<hbm>> -> memref<16xf32, #tpu.memory_space<hbm>>
    tpu.wait_dma2 semaphore(%arg17 : memref<!tpu.dma_semaphore, #tpu.memory_space<semaphore_mem>>) src(%dma_wait3A_597 : memref<16xf32, #tpu.memory_space<hbm>>) dst(%dma_wait3A_595 : memref<16xf32, #tpu.memory_space<vmem>>)
    %dma_wait3A_598 = arith.constant 4 : i32
    %dma_wait3A_599 = arith.constant 4 : i32
    %dma_wait3A_600 = arith.constant 0 : i32
    %dma_wait3A_601 = tpu.memref_slice %arg10[%dma_wait3A_599, %dma_wait3A_600] : memref<16x4992xf32, #tpu.memory_space<vmem>> -> memref<1x4992xf32, #tpu.memory_space<vmem>>
    %dma_wait3A_602 = tpu.memref_squeeze %dma_wait3A_601 : memref<1x4992xf32, #tpu.memory_space<vmem>> -> memref<4992xf32, #tpu.memory_space<vmem>>
    %dma_wait3A_603 = tpu.memref_slice %arg4[%dma_wait3A_598, %mul3A_2] : memref<16x160000xf32, #tpu.memory_space<hbm>> -> memref<1x4992xf32, #tpu.memory_space<hbm>>
    %dma_wait3A_604 = tpu.memref_squeeze %dma_wait3A_603 : memref<1x4992xf32, #tpu.memory_space<hbm>> -> memref<4992xf32, #tpu.memory_space<hbm>>
    %dma_wait3A_605 = arith.constant 0 : i32
    %dma_wait3A_606 = tpu.memref_slice %arg10[%dma_wait3A_599, %dma_wait3A_605] : memref<16x4992xf32, #tpu.memory_space<vmem>> -> memref<1x4992xf32, #tpu.memory_space<vmem>>
    %dma_wait3A_607 = tpu.memref_squeeze %dma_wait3A_606 : memref<1x4992xf32, #tpu.memory_space<vmem>> -> memref<4992xf32, #tpu.memory_space<vmem>>
    %dma_wait3A_608 = tpu.memref_slice %arg4[%dma_wait3A_598, %mul3A_2] : memref<16x160000xf32, #tpu.memory_space<hbm>> -> memref<1x4992xf32, #tpu.memory_space<hbm>>
    %dma_wait3A_609 = tpu.memref_squeeze %dma_wait3A_608 : memref<1x4992xf32, #tpu.memory_space<hbm>> -> memref<4992xf32, #tpu.memory_space<hbm>>
    tpu.wait_dma2 semaphore(%arg17 : memref<!tpu.dma_semaphore, #tpu.memory_space<semaphore_mem>>) src(%dma_wait3A_609 : memref<4992xf32, #tpu.memory_space<hbm>>) dst(%dma_wait3A_607 : memref<4992xf32, #tpu.memory_space<vmem>>)
    %add3A_610 = arith.constant 5000 : i32
    %add3A_611 = arith.addi %mul3A_2, %add3A_610 : i32
    %sub3A_612 = arith.constant 16 : i32
    %sub3A_613 = arith.subi %add3A_611, %sub3A_612 : i32
    %dma_wait3A_614 = arith.constant 4 : i32
    %dma_wait3A_615 = arith.constant 4 : i32
    %dma_wait3A_616 = arith.constant 0 : i32
    %dma_wait3A_617 = tpu.memref_slice %arg11[%dma_wait3A_615, %dma_wait3A_616] : memref<16x16xf32, #tpu.memory_space<vmem>> -> memref<1x16xf32, #tpu.memory_space<vmem>>
    %dma_wait3A_618 = tpu.memref_squeeze %dma_wait3A_617 : memref<1x16xf32, #tpu.memory_space<vmem>> -> memref<16xf32, #tpu.memory_space<vmem>>
    %dma_wait3A_619 = tpu.memref_slice %arg4[%dma_wait3A_614, %sub3A_613] : memref<16x160000xf32, #tpu.memory_space<hbm>> -> memref<1x16xf32, #tpu.memory_space<hbm>>
    %dma_wait3A_620 = tpu.memref_squeeze %dma_wait3A_619 : memref<1x16xf32, #tpu.memory_space<hbm>> -> memref<16xf32, #tpu.memory_space<hbm>>
    %dma_wait3A_621 = arith.constant 0 : i32
    %dma_wait3A_622 = tpu.memref_slice %arg11[%dma_wait3A_615, %dma_wait3A_621] : memref<16x16xf32, #tpu.memory_space<vmem>> -> memref<1x16xf32, #tpu.memory_space<vmem>>
    %dma_wait3A_623 = tpu.memref_squeeze %dma_wait3A_622 : memref<1x16xf32, #tpu.memory_space<vmem>> -> memref<16xf32, #tpu.memory_space<vmem>>
    %dma_wait3A_624 = tpu.memref_slice %arg4[%dma_wait3A_614, %sub3A_613] : memref<16x160000xf32, #tpu.memory_space<hbm>> -> memref<1x16xf32, #tpu.memory_space<hbm>>
    %dma_wait3A_625 = tpu.memref_squeeze %dma_wait3A_624 : memref<1x16xf32, #tpu.memory_space<hbm>> -> memref<16xf32, #tpu.memory_space<hbm>>
    tpu.wait_dma2 semaphore(%arg17 : memref<!tpu.dma_semaphore, #tpu.memory_space<semaphore_mem>>) src(%dma_wait3A_625 : memref<16xf32, #tpu.memory_space<hbm>>) dst(%dma_wait3A_623 : memref<16xf32, #tpu.memory_space<vmem>>)
    %dma_wait3A_626 = arith.constant 5 : i32
    %dma_wait3A_627 = arith.constant 5 : i32
    %dma_wait3A_628 = arith.constant 0 : i32
    %dma_wait3A_629 = tpu.memref_slice %arg10[%dma_wait3A_627, %dma_wait3A_628] : memref<16x4992xf32, #tpu.memory_space<vmem>> -> memref<1x4992xf32, #tpu.memory_space<vmem>>
    %dma_wait3A_630 = tpu.memref_squeeze %dma_wait3A_629 : memref<1x4992xf32, #tpu.memory_space<vmem>> -> memref<4992xf32, #tpu.memory_space<vmem>>
    %dma_wait3A_631 = tpu.memref_slice %arg4[%dma_wait3A_626, %mul3A_2] : memref<16x160000xf32, #tpu.memory_space<hbm>> -> memref<1x4992xf32, #tpu.memory_space<hbm>>
    %dma_wait3A_632 = tpu.memref_squeeze %dma_wait3A_631 : memref<1x4992xf32, #tpu.memory_space<hbm>> -> memref<4992xf32, #tpu.memory_space<hbm>>
    %dma_wait3A_633 = arith.constant 0 : i32
    %dma_wait3A_634 = tpu.memref_slice %arg10[%dma_wait3A_627, %dma_wait3A_633] : memref<16x4992xf32, #tpu.memory_space<vmem>> -> memref<1x4992xf32, #tpu.memory_space<vmem>>
    %dma_wait3A_635 = tpu.memref_squeeze %dma_wait3A_634 : memref<1x4992xf32, #tpu.memory_space<vmem>> -> memref<4992xf32, #tpu.memory_space<vmem>>
    %dma_wait3A_636 = tpu.memref_slice %arg4[%dma_wait3A_626, %mul3A_2] : memref<16x160000xf32, #tpu.memory_space<hbm>> -> memref<1x4992xf32, #tpu.memory_space<hbm>>
    %dma_wait3A_637 = tpu.memref_squeeze %dma_wait3A_636 : memref<1x4992xf32, #tpu.memory_space<hbm>> -> memref<4992xf32, #tpu.memory_space<hbm>>
    tpu.wait_dma2 semaphore(%arg17 : memref<!tpu.dma_semaphore, #tpu.memory_space<semaphore_mem>>) src(%dma_wait3A_637 : memref<4992xf32, #tpu.memory_space<hbm>>) dst(%dma_wait3A_635 : memref<4992xf32, #tpu.memory_space<vmem>>)
    %add3A_638 = arith.constant 5000 : i32
    %add3A_639 = arith.addi %mul3A_2, %add3A_638 : i32
    %sub3A_640 = arith.constant 16 : i32
    %sub3A_641 = arith.subi %add3A_639, %sub3A_640 : i32
    %dma_wait3A_642 = arith.constant 5 : i32
    %dma_wait3A_643 = arith.constant 5 : i32
    %dma_wait3A_644 = arith.constant 0 : i32
    %dma_wait3A_645 = tpu.memref_slice %arg11[%dma_wait3A_643, %dma_wait3A_644] : memref<16x16xf32, #tpu.memory_space<vmem>> -> memref<1x16xf32, #tpu.memory_space<vmem>>
    %dma_wait3A_646 = tpu.memref_squeeze %dma_wait3A_645 : memref<1x16xf32, #tpu.memory_space<vmem>> -> memref<16xf32, #tpu.memory_space<vmem>>
    %dma_wait3A_647 = tpu.memref_slice %arg4[%dma_wait3A_642, %sub3A_641] : memref<16x160000xf32, #tpu.memory_space<hbm>> -> memref<1x16xf32, #tpu.memory_space<hbm>>
    %dma_wait3A_648 = tpu.memref_squeeze %dma_wait3A_647 : memref<1x16xf32, #tpu.memory_space<hbm>> -> memref<16xf32, #tpu.memory_space<hbm>>
    %dma_wait3A_649 = arith.constant 0 : i32
    %dma_wait3A_650 = tpu.memref_slice %arg11[%dma_wait3A_643, %dma_wait3A_649] : memref<16x16xf32, #tpu.memory_space<vmem>> -> memref<1x16xf32, #tpu.memory_space<vmem>>
    %dma_wait3A_651 = tpu.memref_squeeze %dma_wait3A_650 : memref<1x16xf32, #tpu.memory_space<vmem>> -> memref<16xf32, #tpu.memory_space<vmem>>
    %dma_wait3A_652 = tpu.memref_slice %arg4[%dma_wait3A_642, %sub3A_641] : memref<16x160000xf32, #tpu.memory_space<hbm>> -> memref<1x16xf32, #tpu.memory_space<hbm>>
    %dma_wait3A_653 = tpu.memref_squeeze %dma_wait3A_652 : memref<1x16xf32, #tpu.memory_space<hbm>> -> memref<16xf32, #tpu.memory_space<hbm>>
    tpu.wait_dma2 semaphore(%arg17 : memref<!tpu.dma_semaphore, #tpu.memory_space<semaphore_mem>>) src(%dma_wait3A_653 : memref<16xf32, #tpu.memory_space<hbm>>) dst(%dma_wait3A_651 : memref<16xf32, #tpu.memory_space<vmem>>)
    %dma_wait3A_654 = arith.constant 6 : i32
    %dma_wait3A_655 = arith.constant 6 : i32
    %dma_wait3A_656 = arith.constant 0 : i32
    %dma_wait3A_657 = tpu.memref_slice %arg10[%dma_wait3A_655, %dma_wait3A_656] : memref<16x4992xf32, #tpu.memory_space<vmem>> -> memref<1x4992xf32, #tpu.memory_space<vmem>>
    %dma_wait3A_658 = tpu.memref_squeeze %dma_wait3A_657 : memref<1x4992xf32, #tpu.memory_space<vmem>> -> memref<4992xf32, #tpu.memory_space<vmem>>
    %dma_wait3A_659 = tpu.memref_slice %arg4[%dma_wait3A_654, %mul3A_2] : memref<16x160000xf32, #tpu.memory_space<hbm>> -> memref<1x4992xf32, #tpu.memory_space<hbm>>
    %dma_wait3A_660 = tpu.memref_squeeze %dma_wait3A_659 : memref<1x4992xf32, #tpu.memory_space<hbm>> -> memref<4992xf32, #tpu.memory_space<hbm>>
    %dma_wait3A_661 = arith.constant 0 : i32
    %dma_wait3A_662 = tpu.memref_slice %arg10[%dma_wait3A_655, %dma_wait3A_661] : memref<16x4992xf32, #tpu.memory_space<vmem>> -> memref<1x4992xf32, #tpu.memory_space<vmem>>
    %dma_wait3A_663 = tpu.memref_squeeze %dma_wait3A_662 : memref<1x4992xf32, #tpu.memory_space<vmem>> -> memref<4992xf32, #tpu.memory_space<vmem>>
    %dma_wait3A_664 = tpu.memref_slice %arg4[%dma_wait3A_654, %mul3A_2] : memref<16x160000xf32, #tpu.memory_space<hbm>> -> memref<1x4992xf32, #tpu.memory_space<hbm>>
    %dma_wait3A_665 = tpu.memref_squeeze %dma_wait3A_664 : memref<1x4992xf32, #tpu.memory_space<hbm>> -> memref<4992xf32, #tpu.memory_space<hbm>>
    tpu.wait_dma2 semaphore(%arg17 : memref<!tpu.dma_semaphore, #tpu.memory_space<semaphore_mem>>) src(%dma_wait3A_665 : memref<4992xf32, #tpu.memory_space<hbm>>) dst(%dma_wait3A_663 : memref<4992xf32, #tpu.memory_space<vmem>>)
    %add3A_666 = arith.constant 5000 : i32
    %add3A_667 = arith.addi %mul3A_2, %add3A_666 : i32
    %sub3A_668 = arith.constant 16 : i32
    %sub3A_669 = arith.subi %add3A_667, %sub3A_668 : i32
    %dma_wait3A_670 = arith.constant 6 : i32
    %dma_wait3A_671 = arith.constant 6 : i32
    %dma_wait3A_672 = arith.constant 0 : i32
    %dma_wait3A_673 = tpu.memref_slice %arg11[%dma_wait3A_671, %dma_wait3A_672] : memref<16x16xf32, #tpu.memory_space<vmem>> -> memref<1x16xf32, #tpu.memory_space<vmem>>
    %dma_wait3A_674 = tpu.memref_squeeze %dma_wait3A_673 : memref<1x16xf32, #tpu.memory_space<vmem>> -> memref<16xf32, #tpu.memory_space<vmem>>
    %dma_wait3A_675 = tpu.memref_slice %arg4[%dma_wait3A_670, %sub3A_669] : memref<16x160000xf32, #tpu.memory_space<hbm>> -> memref<1x16xf32, #tpu.memory_space<hbm>>
    %dma_wait3A_676 = tpu.memref_squeeze %dma_wait3A_675 : memref<1x16xf32, #tpu.memory_space<hbm>> -> memref<16xf32, #tpu.memory_space<hbm>>
    %dma_wait3A_677 = arith.constant 0 : i32
    %dma_wait3A_678 = tpu.memref_slice %arg11[%dma_wait3A_671, %dma_wait3A_677] : memref<16x16xf32, #tpu.memory_space<vmem>> -> memref<1x16xf32, #tpu.memory_space<vmem>>
    %dma_wait3A_679 = tpu.memref_squeeze %dma_wait3A_678 : memref<1x16xf32, #tpu.memory_space<vmem>> -> memref<16xf32, #tpu.memory_space<vmem>>
    %dma_wait3A_680 = tpu.memref_slice %arg4[%dma_wait3A_670, %sub3A_669] : memref<16x160000xf32, #tpu.memory_space<hbm>> -> memref<1x16xf32, #tpu.memory_space<hbm>>
    %dma_wait3A_681 = tpu.memref_squeeze %dma_wait3A_680 : memref<1x16xf32, #tpu.memory_space<hbm>> -> memref<16xf32, #tpu.memory_space<hbm>>
    tpu.wait_dma2 semaphore(%arg17 : memref<!tpu.dma_semaphore, #tpu.memory_space<semaphore_mem>>) src(%dma_wait3A_681 : memref<16xf32, #tpu.memory_space<hbm>>) dst(%dma_wait3A_679 : memref<16xf32, #tpu.memory_space<vmem>>)
    %dma_wait3A_682 = arith.constant 7 : i32
    %dma_wait3A_683 = arith.constant 7 : i32
    %dma_wait3A_684 = arith.constant 0 : i32
    %dma_wait3A_685 = tpu.memref_slice %arg10[%dma_wait3A_683, %dma_wait3A_684] : memref<16x4992xf32, #tpu.memory_space<vmem>> -> memref<1x4992xf32, #tpu.memory_space<vmem>>
    %dma_wait3A_686 = tpu.memref_squeeze %dma_wait3A_685 : memref<1x4992xf32, #tpu.memory_space<vmem>> -> memref<4992xf32, #tpu.memory_space<vmem>>
    %dma_wait3A_687 = tpu.memref_slice %arg4[%dma_wait3A_682, %mul3A_2] : memref<16x160000xf32, #tpu.memory_space<hbm>> -> memref<1x4992xf32, #tpu.memory_space<hbm>>
    %dma_wait3A_688 = tpu.memref_squeeze %dma_wait3A_687 : memref<1x4992xf32, #tpu.memory_space<hbm>> -> memref<4992xf32, #tpu.memory_space<hbm>>
    %dma_wait3A_689 = arith.constant 0 : i32
    %dma_wait3A_690 = tpu.memref_slice %arg10[%dma_wait3A_683, %dma_wait3A_689] : memref<16x4992xf32, #tpu.memory_space<vmem>> -> memref<1x4992xf32, #tpu.memory_space<vmem>>
    %dma_wait3A_691 = tpu.memref_squeeze %dma_wait3A_690 : memref<1x4992xf32, #tpu.memory_space<vmem>> -> memref<4992xf32, #tpu.memory_space<vmem>>
    %dma_wait3A_692 = tpu.memref_slice %arg4[%dma_wait3A_682, %mul3A_2] : memref<16x160000xf32, #tpu.memory_space<hbm>> -> memref<1x4992xf32, #tpu.memory_space<hbm>>
    %dma_wait3A_693 = tpu.memref_squeeze %dma_wait3A_692 : memref<1x4992xf32, #tpu.memory_space<hbm>> -> memref<4992xf32, #tpu.memory_space<hbm>>
    tpu.wait_dma2 semaphore(%arg17 : memref<!tpu.dma_semaphore, #tpu.memory_space<semaphore_mem>>) src(%dma_wait3A_693 : memref<4992xf32, #tpu.memory_space<hbm>>) dst(%dma_wait3A_691 : memref<4992xf32, #tpu.memory_space<vmem>>)
    %add3A_694 = arith.constant 5000 : i32
    %add3A_695 = arith.addi %mul3A_2, %add3A_694 : i32
    %sub3A_696 = arith.constant 16 : i32
    %sub3A_697 = arith.subi %add3A_695, %sub3A_696 : i32
    %dma_wait3A_698 = arith.constant 7 : i32
    %dma_wait3A_699 = arith.constant 7 : i32
    %dma_wait3A_700 = arith.constant 0 : i32
    %dma_wait3A_701 = tpu.memref_slice %arg11[%dma_wait3A_699, %dma_wait3A_700] : memref<16x16xf32, #tpu.memory_space<vmem>> -> memref<1x16xf32, #tpu.memory_space<vmem>>
    %dma_wait3A_702 = tpu.memref_squeeze %dma_wait3A_701 : memref<1x16xf32, #tpu.memory_space<vmem>> -> memref<16xf32, #tpu.memory_space<vmem>>
    %dma_wait3A_703 = tpu.memref_slice %arg4[%dma_wait3A_698, %sub3A_697] : memref<16x160000xf32, #tpu.memory_space<hbm>> -> memref<1x16xf32, #tpu.memory_space<hbm>>
    %dma_wait3A_704 = tpu.memref_squeeze %dma_wait3A_703 : memref<1x16xf32, #tpu.memory_space<hbm>> -> memref<16xf32, #tpu.memory_space<hbm>>
    %dma_wait3A_705 = arith.constant 0 : i32
    %dma_wait3A_706 = tpu.memref_slice %arg11[%dma_wait3A_699, %dma_wait3A_705] : memref<16x16xf32, #tpu.memory_space<vmem>> -> memref<1x16xf32, #tpu.memory_space<vmem>>
    %dma_wait3A_707 = tpu.memref_squeeze %dma_wait3A_706 : memref<1x16xf32, #tpu.memory_space<vmem>> -> memref<16xf32, #tpu.memory_space<vmem>>
    %dma_wait3A_708 = tpu.memref_slice %arg4[%dma_wait3A_698, %sub3A_697] : memref<16x160000xf32, #tpu.memory_space<hbm>> -> memref<1x16xf32, #tpu.memory_space<hbm>>
    %dma_wait3A_709 = tpu.memref_squeeze %dma_wait3A_708 : memref<1x16xf32, #tpu.memory_space<hbm>> -> memref<16xf32, #tpu.memory_space<hbm>>
    tpu.wait_dma2 semaphore(%arg17 : memref<!tpu.dma_semaphore, #tpu.memory_space<semaphore_mem>>) src(%dma_wait3A_709 : memref<16xf32, #tpu.memory_space<hbm>>) dst(%dma_wait3A_707 : memref<16xf32, #tpu.memory_space<vmem>>)
    %dma_wait3A_710 = arith.constant 8 : i32
    %dma_wait3A_711 = arith.constant 8 : i32
    %dma_wait3A_712 = arith.constant 0 : i32
    %dma_wait3A_713 = tpu.memref_slice %arg10[%dma_wait3A_711, %dma_wait3A_712] : memref<16x4992xf32, #tpu.memory_space<vmem>> -> memref<1x4992xf32, #tpu.memory_space<vmem>>
    %dma_wait3A_714 = tpu.memref_squeeze %dma_wait3A_713 : memref<1x4992xf32, #tpu.memory_space<vmem>> -> memref<4992xf32, #tpu.memory_space<vmem>>
    %dma_wait3A_715 = tpu.memref_slice %arg4[%dma_wait3A_710, %mul3A_2] : memref<16x160000xf32, #tpu.memory_space<hbm>> -> memref<1x4992xf32, #tpu.memory_space<hbm>>
    %dma_wait3A_716 = tpu.memref_squeeze %dma_wait3A_715 : memref<1x4992xf32, #tpu.memory_space<hbm>> -> memref<4992xf32, #tpu.memory_space<hbm>>
    %dma_wait3A_717 = arith.constant 0 : i32
    %dma_wait3A_718 = tpu.memref_slice %arg10[%dma_wait3A_711, %dma_wait3A_717] : memref<16x4992xf32, #tpu.memory_space<vmem>> -> memref<1x4992xf32, #tpu.memory_space<vmem>>
    %dma_wait3A_719 = tpu.memref_squeeze %dma_wait3A_718 : memref<1x4992xf32, #tpu.memory_space<vmem>> -> memref<4992xf32, #tpu.memory_space<vmem>>
    %dma_wait3A_720 = tpu.memref_slice %arg4[%dma_wait3A_710, %mul3A_2] : memref<16x160000xf32, #tpu.memory_space<hbm>> -> memref<1x4992xf32, #tpu.memory_space<hbm>>
    %dma_wait3A_721 = tpu.memref_squeeze %dma_wait3A_720 : memref<1x4992xf32, #tpu.memory_space<hbm>> -> memref<4992xf32, #tpu.memory_space<hbm>>
    tpu.wait_dma2 semaphore(%arg17 : memref<!tpu.dma_semaphore, #tpu.memory_space<semaphore_mem>>) src(%dma_wait3A_721 : memref<4992xf32, #tpu.memory_space<hbm>>) dst(%dma_wait3A_719 : memref<4992xf32, #tpu.memory_space<vmem>>)
    %add3A_722 = arith.constant 5000 : i32
    %add3A_723 = arith.addi %mul3A_2, %add3A_722 : i32
    %sub3A_724 = arith.constant 16 : i32
    %sub3A_725 = arith.subi %add3A_723, %sub3A_724 : i32
    %dma_wait3A_726 = arith.constant 8 : i32
    %dma_wait3A_727 = arith.constant 8 : i32
    %dma_wait3A_728 = arith.constant 0 : i32
    %dma_wait3A_729 = tpu.memref_slice %arg11[%dma_wait3A_727, %dma_wait3A_728] : memref<16x16xf32, #tpu.memory_space<vmem>> -> memref<1x16xf32, #tpu.memory_space<vmem>>
    %dma_wait3A_730 = tpu.memref_squeeze %dma_wait3A_729 : memref<1x16xf32, #tpu.memory_space<vmem>> -> memref<16xf32, #tpu.memory_space<vmem>>
    %dma_wait3A_731 = tpu.memref_slice %arg4[%dma_wait3A_726, %sub3A_725] : memref<16x160000xf32, #tpu.memory_space<hbm>> -> memref<1x16xf32, #tpu.memory_space<hbm>>
    %dma_wait3A_732 = tpu.memref_squeeze %dma_wait3A_731 : memref<1x16xf32, #tpu.memory_space<hbm>> -> memref<16xf32, #tpu.memory_space<hbm>>
    %dma_wait3A_733 = arith.constant 0 : i32
    %dma_wait3A_734 = tpu.memref_slice %arg11[%dma_wait3A_727, %dma_wait3A_733] : memref<16x16xf32, #tpu.memory_space<vmem>> -> memref<1x16xf32, #tpu.memory_space<vmem>>
    %dma_wait3A_735 = tpu.memref_squeeze %dma_wait3A_734 : memref<1x16xf32, #tpu.memory_space<vmem>> -> memref<16xf32, #tpu.memory_space<vmem>>
    %dma_wait3A_736 = tpu.memref_slice %arg4[%dma_wait3A_726, %sub3A_725] : memref<16x160000xf32, #tpu.memory_space<hbm>> -> memref<1x16xf32, #tpu.memory_space<hbm>>
    %dma_wait3A_737 = tpu.memref_squeeze %dma_wait3A_736 : memref<1x16xf32, #tpu.memory_space<hbm>> -> memref<16xf32, #tpu.memory_space<hbm>>
    tpu.wait_dma2 semaphore(%arg17 : memref<!tpu.dma_semaphore, #tpu.memory_space<semaphore_mem>>) src(%dma_wait3A_737 : memref<16xf32, #tpu.memory_space<hbm>>) dst(%dma_wait3A_735 : memref<16xf32, #tpu.memory_space<vmem>>)
    %dma_wait3A_738 = arith.constant 9 : i32
    %dma_wait3A_739 = arith.constant 9 : i32
    %dma_wait3A_740 = arith.constant 0 : i32
    %dma_wait3A_741 = tpu.memref_slice %arg10[%dma_wait3A_739, %dma_wait3A_740] : memref<16x4992xf32, #tpu.memory_space<vmem>> -> memref<1x4992xf32, #tpu.memory_space<vmem>>
    %dma_wait3A_742 = tpu.memref_squeeze %dma_wait3A_741 : memref<1x4992xf32, #tpu.memory_space<vmem>> -> memref<4992xf32, #tpu.memory_space<vmem>>
    %dma_wait3A_743 = tpu.memref_slice %arg4[%dma_wait3A_738, %mul3A_2] : memref<16x160000xf32, #tpu.memory_space<hbm>> -> memref<1x4992xf32, #tpu.memory_space<hbm>>
    %dma_wait3A_744 = tpu.memref_squeeze %dma_wait3A_743 : memref<1x4992xf32, #tpu.memory_space<hbm>> -> memref<4992xf32, #tpu.memory_space<hbm>>
    %dma_wait3A_745 = arith.constant 0 : i32
    %dma_wait3A_746 = tpu.memref_slice %arg10[%dma_wait3A_739, %dma_wait3A_745] : memref<16x4992xf32, #tpu.memory_space<vmem>> -> memref<1x4992xf32, #tpu.memory_space<vmem>>
    %dma_wait3A_747 = tpu.memref_squeeze %dma_wait3A_746 : memref<1x4992xf32, #tpu.memory_space<vmem>> -> memref<4992xf32, #tpu.memory_space<vmem>>
    %dma_wait3A_748 = tpu.memref_slice %arg4[%dma_wait3A_738, %mul3A_2] : memref<16x160000xf32, #tpu.memory_space<hbm>> -> memref<1x4992xf32, #tpu.memory_space<hbm>>
    %dma_wait3A_749 = tpu.memref_squeeze %dma_wait3A_748 : memref<1x4992xf32, #tpu.memory_space<hbm>> -> memref<4992xf32, #tpu.memory_space<hbm>>
    tpu.wait_dma2 semaphore(%arg17 : memref<!tpu.dma_semaphore, #tpu.memory_space<semaphore_mem>>) src(%dma_wait3A_749 : memref<4992xf32, #tpu.memory_space<hbm>>) dst(%dma_wait3A_747 : memref<4992xf32, #tpu.memory_space<vmem>>)
    %add3A_750 = arith.constant 5000 : i32
    %add3A_751 = arith.addi %mul3A_2, %add3A_750 : i32
    %sub3A_752 = arith.constant 16 : i32
    %sub3A_753 = arith.subi %add3A_751, %sub3A_752 : i32
    %dma_wait3A_754 = arith.constant 9 : i32
    %dma_wait3A_755 = arith.constant 9 : i32
    %dma_wait3A_756 = arith.constant 0 : i32
    %dma_wait3A_757 = tpu.memref_slice %arg11[%dma_wait3A_755, %dma_wait3A_756] : memref<16x16xf32, #tpu.memory_space<vmem>> -> memref<1x16xf32, #tpu.memory_space<vmem>>
    %dma_wait3A_758 = tpu.memref_squeeze %dma_wait3A_757 : memref<1x16xf32, #tpu.memory_space<vmem>> -> memref<16xf32, #tpu.memory_space<vmem>>
    %dma_wait3A_759 = tpu.memref_slice %arg4[%dma_wait3A_754, %sub3A_753] : memref<16x160000xf32, #tpu.memory_space<hbm>> -> memref<1x16xf32, #tpu.memory_space<hbm>>
    %dma_wait3A_760 = tpu.memref_squeeze %dma_wait3A_759 : memref<1x16xf32, #tpu.memory_space<hbm>> -> memref<16xf32, #tpu.memory_space<hbm>>
    %dma_wait3A_761 = arith.constant 0 : i32
    %dma_wait3A_762 = tpu.memref_slice %arg11[%dma_wait3A_755, %dma_wait3A_761] : memref<16x16xf32, #tpu.memory_space<vmem>> -> memref<1x16xf32, #tpu.memory_space<vmem>>
    %dma_wait3A_763 = tpu.memref_squeeze %dma_wait3A_762 : memref<1x16xf32, #tpu.memory_space<vmem>> -> memref<16xf32, #tpu.memory_space<vmem>>
    %dma_wait3A_764 = tpu.memref_slice %arg4[%dma_wait3A_754, %sub3A_753] : memref<16x160000xf32, #tpu.memory_space<hbm>> -> memref<1x16xf32, #tpu.memory_space<hbm>>
    %dma_wait3A_765 = tpu.memref_squeeze %dma_wait3A_764 : memref<1x16xf32, #tpu.memory_space<hbm>> -> memref<16xf32, #tpu.memory_space<hbm>>
    tpu.wait_dma2 semaphore(%arg17 : memref<!tpu.dma_semaphore, #tpu.memory_space<semaphore_mem>>) src(%dma_wait3A_765 : memref<16xf32, #tpu.memory_space<hbm>>) dst(%dma_wait3A_763 : memref<16xf32, #tpu.memory_space<vmem>>)
    %dma_wait3A_766 = arith.constant 10 : i32
    %dma_wait3A_767 = arith.constant 10 : i32
    %dma_wait3A_768 = arith.constant 0 : i32
    %dma_wait3A_769 = tpu.memref_slice %arg10[%dma_wait3A_767, %dma_wait3A_768] : memref<16x4992xf32, #tpu.memory_space<vmem>> -> memref<1x4992xf32, #tpu.memory_space<vmem>>
    %dma_wait3A_770 = tpu.memref_squeeze %dma_wait3A_769 : memref<1x4992xf32, #tpu.memory_space<vmem>> -> memref<4992xf32, #tpu.memory_space<vmem>>
    %dma_wait3A_771 = tpu.memref_slice %arg4[%dma_wait3A_766, %mul3A_2] : memref<16x160000xf32, #tpu.memory_space<hbm>> -> memref<1x4992xf32, #tpu.memory_space<hbm>>
    %dma_wait3A_772 = tpu.memref_squeeze %dma_wait3A_771 : memref<1x4992xf32, #tpu.memory_space<hbm>> -> memref<4992xf32, #tpu.memory_space<hbm>>
    %dma_wait3A_773 = arith.constant 0 : i32
    %dma_wait3A_774 = tpu.memref_slice %arg10[%dma_wait3A_767, %dma_wait3A_773] : memref<16x4992xf32, #tpu.memory_space<vmem>> -> memref<1x4992xf32, #tpu.memory_space<vmem>>
    %dma_wait3A_775 = tpu.memref_squeeze %dma_wait3A_774 : memref<1x4992xf32, #tpu.memory_space<vmem>> -> memref<4992xf32, #tpu.memory_space<vmem>>
    %dma_wait3A_776 = tpu.memref_slice %arg4[%dma_wait3A_766, %mul3A_2] : memref<16x160000xf32, #tpu.memory_space<hbm>> -> memref<1x4992xf32, #tpu.memory_space<hbm>>
    %dma_wait3A_777 = tpu.memref_squeeze %dma_wait3A_776 : memref<1x4992xf32, #tpu.memory_space<hbm>> -> memref<4992xf32, #tpu.memory_space<hbm>>
    tpu.wait_dma2 semaphore(%arg17 : memref<!tpu.dma_semaphore, #tpu.memory_space<semaphore_mem>>) src(%dma_wait3A_777 : memref<4992xf32, #tpu.memory_space<hbm>>) dst(%dma_wait3A_775 : memref<4992xf32, #tpu.memory_space<vmem>>)
    %add3A_778 = arith.constant 5000 : i32
    %add3A_779 = arith.addi %mul3A_2, %add3A_778 : i32
    %sub3A_780 = arith.constant 16 : i32
    %sub3A_781 = arith.subi %add3A_779, %sub3A_780 : i32
    %dma_wait3A_782 = arith.constant 10 : i32
    %dma_wait3A_783 = arith.constant 10 : i32
    %dma_wait3A_784 = arith.constant 0 : i32
    %dma_wait3A_785 = tpu.memref_slice %arg11[%dma_wait3A_783, %dma_wait3A_784] : memref<16x16xf32, #tpu.memory_space<vmem>> -> memref<1x16xf32, #tpu.memory_space<vmem>>
    %dma_wait3A_786 = tpu.memref_squeeze %dma_wait3A_785 : memref<1x16xf32, #tpu.memory_space<vmem>> -> memref<16xf32, #tpu.memory_space<vmem>>
    %dma_wait3A_787 = tpu.memref_slice %arg4[%dma_wait3A_782, %sub3A_781] : memref<16x160000xf32, #tpu.memory_space<hbm>> -> memref<1x16xf32, #tpu.memory_space<hbm>>
    %dma_wait3A_788 = tpu.memref_squeeze %dma_wait3A_787 : memref<1x16xf32, #tpu.memory_space<hbm>> -> memref<16xf32, #tpu.memory_space<hbm>>
    %dma_wait3A_789 = arith.constant 0 : i32
    %dma_wait3A_790 = tpu.memref_slice %arg11[%dma_wait3A_783, %dma_wait3A_789] : memref<16x16xf32, #tpu.memory_space<vmem>> -> memref<1x16xf32, #tpu.memory_space<vmem>>
    %dma_wait3A_791 = tpu.memref_squeeze %dma_wait3A_790 : memref<1x16xf32, #tpu.memory_space<vmem>> -> memref<16xf32, #tpu.memory_space<vmem>>
    %dma_wait3A_792 = tpu.memref_slice %arg4[%dma_wait3A_782, %sub3A_781] : memref<16x160000xf32, #tpu.memory_space<hbm>> -> memref<1x16xf32, #tpu.memory_space<hbm>>
    %dma_wait3A_793 = tpu.memref_squeeze %dma_wait3A_792 : memref<1x16xf32, #tpu.memory_space<hbm>> -> memref<16xf32, #tpu.memory_space<hbm>>
    tpu.wait_dma2 semaphore(%arg17 : memref<!tpu.dma_semaphore, #tpu.memory_space<semaphore_mem>>) src(%dma_wait3A_793 : memref<16xf32, #tpu.memory_space<hbm>>) dst(%dma_wait3A_791 : memref<16xf32, #tpu.memory_space<vmem>>)
    %dma_wait3A_794 = arith.constant 11 : i32
    %dma_wait3A_795 = arith.constant 11 : i32
    %dma_wait3A_796 = arith.constant 0 : i32
    %dma_wait3A_797 = tpu.memref_slice %arg10[%dma_wait3A_795, %dma_wait3A_796] : memref<16x4992xf32, #tpu.memory_space<vmem>> -> memref<1x4992xf32, #tpu.memory_space<vmem>>
    %dma_wait3A_798 = tpu.memref_squeeze %dma_wait3A_797 : memref<1x4992xf32, #tpu.memory_space<vmem>> -> memref<4992xf32, #tpu.memory_space<vmem>>
    %dma_wait3A_799 = tpu.memref_slice %arg4[%dma_wait3A_794, %mul3A_2] : memref<16x160000xf32, #tpu.memory_space<hbm>> -> memref<1x4992xf32, #tpu.memory_space<hbm>>
    %dma_wait3A_800 = tpu.memref_squeeze %dma_wait3A_799 : memref<1x4992xf32, #tpu.memory_space<hbm>> -> memref<4992xf32, #tpu.memory_space<hbm>>
    %dma_wait3A_801 = arith.constant 0 : i32
    %dma_wait3A_802 = tpu.memref_slice %arg10[%dma_wait3A_795, %dma_wait3A_801] : memref<16x4992xf32, #tpu.memory_space<vmem>> -> memref<1x4992xf32, #tpu.memory_space<vmem>>
    %dma_wait3A_803 = tpu.memref_squeeze %dma_wait3A_802 : memref<1x4992xf32, #tpu.memory_space<vmem>> -> memref<4992xf32, #tpu.memory_space<vmem>>
    %dma_wait3A_804 = tpu.memref_slice %arg4[%dma_wait3A_794, %mul3A_2] : memref<16x160000xf32, #tpu.memory_space<hbm>> -> memref<1x4992xf32, #tpu.memory_space<hbm>>
    %dma_wait3A_805 = tpu.memref_squeeze %dma_wait3A_804 : memref<1x4992xf32, #tpu.memory_space<hbm>> -> memref<4992xf32, #tpu.memory_space<hbm>>
    tpu.wait_dma2 semaphore(%arg17 : memref<!tpu.dma_semaphore, #tpu.memory_space<semaphore_mem>>) src(%dma_wait3A_805 : memref<4992xf32, #tpu.memory_space<hbm>>) dst(%dma_wait3A_803 : memref<4992xf32, #tpu.memory_space<vmem>>)
    %add3A_806 = arith.constant 5000 : i32
    %add3A_807 = arith.addi %mul3A_2, %add3A_806 : i32
    %sub3A_808 = arith.constant 16 : i32
    %sub3A_809 = arith.subi %add3A_807, %sub3A_808 : i32
    %dma_wait3A_810 = arith.constant 11 : i32
    %dma_wait3A_811 = arith.constant 11 : i32
    %dma_wait3A_812 = arith.constant 0 : i32
    %dma_wait3A_813 = tpu.memref_slice %arg11[%dma_wait3A_811, %dma_wait3A_812] : memref<16x16xf32, #tpu.memory_space<vmem>> -> memref<1x16xf32, #tpu.memory_space<vmem>>
    %dma_wait3A_814 = tpu.memref_squeeze %dma_wait3A_813 : memref<1x16xf32, #tpu.memory_space<vmem>> -> memref<16xf32, #tpu.memory_space<vmem>>
    %dma_wait3A_815 = tpu.memref_slice %arg4[%dma_wait3A_810, %sub3A_809] : memref<16x160000xf32, #tpu.memory_space<hbm>> -> memref<1x16xf32, #tpu.memory_space<hbm>>
    %dma_wait3A_816 = tpu.memref_squeeze %dma_wait3A_815 : memref<1x16xf32, #tpu.memory_space<hbm>> -> memref<16xf32, #tpu.memory_space<hbm>>
    %dma_wait3A_817 = arith.constant 0 : i32
    %dma_wait3A_818 = tpu.memref_slice %arg11[%dma_wait3A_811, %dma_wait3A_817] : memref<16x16xf32, #tpu.memory_space<vmem>> -> memref<1x16xf32, #tpu.memory_space<vmem>>
    %dma_wait3A_819 = tpu.memref_squeeze %dma_wait3A_818 : memref<1x16xf32, #tpu.memory_space<vmem>> -> memref<16xf32, #tpu.memory_space<vmem>>
    %dma_wait3A_820 = tpu.memref_slice %arg4[%dma_wait3A_810, %sub3A_809] : memref<16x160000xf32, #tpu.memory_space<hbm>> -> memref<1x16xf32, #tpu.memory_space<hbm>>
    %dma_wait3A_821 = tpu.memref_squeeze %dma_wait3A_820 : memref<1x16xf32, #tpu.memory_space<hbm>> -> memref<16xf32, #tpu.memory_space<hbm>>
    tpu.wait_dma2 semaphore(%arg17 : memref<!tpu.dma_semaphore, #tpu.memory_space<semaphore_mem>>) src(%dma_wait3A_821 : memref<16xf32, #tpu.memory_space<hbm>>) dst(%dma_wait3A_819 : memref<16xf32, #tpu.memory_space<vmem>>)
    %dma_wait3A_822 = arith.constant 12 : i32
    %dma_wait3A_823 = arith.constant 12 : i32
    %dma_wait3A_824 = arith.constant 0 : i32
    %dma_wait3A_825 = tpu.memref_slice %arg10[%dma_wait3A_823, %dma_wait3A_824] : memref<16x4992xf32, #tpu.memory_space<vmem>> -> memref<1x4992xf32, #tpu.memory_space<vmem>>
    %dma_wait3A_826 = tpu.memref_squeeze %dma_wait3A_825 : memref<1x4992xf32, #tpu.memory_space<vmem>> -> memref<4992xf32, #tpu.memory_space<vmem>>
    %dma_wait3A_827 = tpu.memref_slice %arg4[%dma_wait3A_822, %mul3A_2] : memref<16x160000xf32, #tpu.memory_space<hbm>> -> memref<1x4992xf32, #tpu.memory_space<hbm>>
    %dma_wait3A_828 = tpu.memref_squeeze %dma_wait3A_827 : memref<1x4992xf32, #tpu.memory_space<hbm>> -> memref<4992xf32, #tpu.memory_space<hbm>>
    %dma_wait3A_829 = arith.constant 0 : i32
    %dma_wait3A_830 = tpu.memref_slice %arg10[%dma_wait3A_823, %dma_wait3A_829] : memref<16x4992xf32, #tpu.memory_space<vmem>> -> memref<1x4992xf32, #tpu.memory_space<vmem>>
    %dma_wait3A_831 = tpu.memref_squeeze %dma_wait3A_830 : memref<1x4992xf32, #tpu.memory_space<vmem>> -> memref<4992xf32, #tpu.memory_space<vmem>>
    %dma_wait3A_832 = tpu.memref_slice %arg4[%dma_wait3A_822, %mul3A_2] : memref<16x160000xf32, #tpu.memory_space<hbm>> -> memref<1x4992xf32, #tpu.memory_space<hbm>>
    %dma_wait3A_833 = tpu.memref_squeeze %dma_wait3A_832 : memref<1x4992xf32, #tpu.memory_space<hbm>> -> memref<4992xf32, #tpu.memory_space<hbm>>
    tpu.wait_dma2 semaphore(%arg17 : memref<!tpu.dma_semaphore, #tpu.memory_space<semaphore_mem>>) src(%dma_wait3A_833 : memref<4992xf32, #tpu.memory_space<hbm>>) dst(%dma_wait3A_831 : memref<4992xf32, #tpu.memory_space<vmem>>)
    %add3A_834 = arith.constant 5000 : i32
    %add3A_835 = arith.addi %mul3A_2, %add3A_834 : i32
    %sub3A_836 = arith.constant 16 : i32
    %sub3A_837 = arith.subi %add3A_835, %sub3A_836 : i32
    %dma_wait3A_838 = arith.constant 12 : i32
    %dma_wait3A_839 = arith.constant 12 : i32
    %dma_wait3A_840 = arith.constant 0 : i32
    %dma_wait3A_841 = tpu.memref_slice %arg11[%dma_wait3A_839, %dma_wait3A_840] : memref<16x16xf32, #tpu.memory_space<vmem>> -> memref<1x16xf32, #tpu.memory_space<vmem>>
    %dma_wait3A_842 = tpu.memref_squeeze %dma_wait3A_841 : memref<1x16xf32, #tpu.memory_space<vmem>> -> memref<16xf32, #tpu.memory_space<vmem>>
    %dma_wait3A_843 = tpu.memref_slice %arg4[%dma_wait3A_838, %sub3A_837] : memref<16x160000xf32, #tpu.memory_space<hbm>> -> memref<1x16xf32, #tpu.memory_space<hbm>>
    %dma_wait3A_844 = tpu.memref_squeeze %dma_wait3A_843 : memref<1x16xf32, #tpu.memory_space<hbm>> -> memref<16xf32, #tpu.memory_space<hbm>>
    %dma_wait3A_845 = arith.constant 0 : i32
    %dma_wait3A_846 = tpu.memref_slice %arg11[%dma_wait3A_839, %dma_wait3A_845] : memref<16x16xf32, #tpu.memory_space<vmem>> -> memref<1x16xf32, #tpu.memory_space<vmem>>
    %dma_wait3A_847 = tpu.memref_squeeze %dma_wait3A_846 : memref<1x16xf32, #tpu.memory_space<vmem>> -> memref<16xf32, #tpu.memory_space<vmem>>
    %dma_wait3A_848 = tpu.memref_slice %arg4[%dma_wait3A_838, %sub3A_837] : memref<16x160000xf32, #tpu.memory_space<hbm>> -> memref<1x16xf32, #tpu.memory_space<hbm>>
    %dma_wait3A_849 = tpu.memref_squeeze %dma_wait3A_848 : memref<1x16xf32, #tpu.memory_space<hbm>> -> memref<16xf32, #tpu.memory_space<hbm>>
    tpu.wait_dma2 semaphore(%arg17 : memref<!tpu.dma_semaphore, #tpu.memory_space<semaphore_mem>>) src(%dma_wait3A_849 : memref<16xf32, #tpu.memory_space<hbm>>) dst(%dma_wait3A_847 : memref<16xf32, #tpu.memory_space<vmem>>)
    %dma_wait3A_850 = arith.constant 13 : i32
    %dma_wait3A_851 = arith.constant 13 : i32
    %dma_wait3A_852 = arith.constant 0 : i32
    %dma_wait3A_853 = tpu.memref_slice %arg10[%dma_wait3A_851, %dma_wait3A_852] : memref<16x4992xf32, #tpu.memory_space<vmem>> -> memref<1x4992xf32, #tpu.memory_space<vmem>>
    %dma_wait3A_854 = tpu.memref_squeeze %dma_wait3A_853 : memref<1x4992xf32, #tpu.memory_space<vmem>> -> memref<4992xf32, #tpu.memory_space<vmem>>
    %dma_wait3A_855 = tpu.memref_slice %arg4[%dma_wait3A_850, %mul3A_2] : memref<16x160000xf32, #tpu.memory_space<hbm>> -> memref<1x4992xf32, #tpu.memory_space<hbm>>
    %dma_wait3A_856 = tpu.memref_squeeze %dma_wait3A_855 : memref<1x4992xf32, #tpu.memory_space<hbm>> -> memref<4992xf32, #tpu.memory_space<hbm>>
    %dma_wait3A_857 = arith.constant 0 : i32
    %dma_wait3A_858 = tpu.memref_slice %arg10[%dma_wait3A_851, %dma_wait3A_857] : memref<16x4992xf32, #tpu.memory_space<vmem>> -> memref<1x4992xf32, #tpu.memory_space<vmem>>
    %dma_wait3A_859 = tpu.memref_squeeze %dma_wait3A_858 : memref<1x4992xf32, #tpu.memory_space<vmem>> -> memref<4992xf32, #tpu.memory_space<vmem>>
    %dma_wait3A_860 = tpu.memref_slice %arg4[%dma_wait3A_850, %mul3A_2] : memref<16x160000xf32, #tpu.memory_space<hbm>> -> memref<1x4992xf32, #tpu.memory_space<hbm>>
    %dma_wait3A_861 = tpu.memref_squeeze %dma_wait3A_860 : memref<1x4992xf32, #tpu.memory_space<hbm>> -> memref<4992xf32, #tpu.memory_space<hbm>>
    tpu.wait_dma2 semaphore(%arg17 : memref<!tpu.dma_semaphore, #tpu.memory_space<semaphore_mem>>) src(%dma_wait3A_861 : memref<4992xf32, #tpu.memory_space<hbm>>) dst(%dma_wait3A_859 : memref<4992xf32, #tpu.memory_space<vmem>>)
    %add3A_862 = arith.constant 5000 : i32
    %add3A_863 = arith.addi %mul3A_2, %add3A_862 : i32
    %sub3A_864 = arith.constant 16 : i32
    %sub3A_865 = arith.subi %add3A_863, %sub3A_864 : i32
    %dma_wait3A_866 = arith.constant 13 : i32
    %dma_wait3A_867 = arith.constant 13 : i32
    %dma_wait3A_868 = arith.constant 0 : i32
    %dma_wait3A_869 = tpu.memref_slice %arg11[%dma_wait3A_867, %dma_wait3A_868] : memref<16x16xf32, #tpu.memory_space<vmem>> -> memref<1x16xf32, #tpu.memory_space<vmem>>
    %dma_wait3A_870 = tpu.memref_squeeze %dma_wait3A_869 : memref<1x16xf32, #tpu.memory_space<vmem>> -> memref<16xf32, #tpu.memory_space<vmem>>
    %dma_wait3A_871 = tpu.memref_slice %arg4[%dma_wait3A_866, %sub3A_865] : memref<16x160000xf32, #tpu.memory_space<hbm>> -> memref<1x16xf32, #tpu.memory_space<hbm>>
    %dma_wait3A_872 = tpu.memref_squeeze %dma_wait3A_871 : memref<1x16xf32, #tpu.memory_space<hbm>> -> memref<16xf32, #tpu.memory_space<hbm>>
    %dma_wait3A_873 = arith.constant 0 : i32
    %dma_wait3A_874 = tpu.memref_slice %arg11[%dma_wait3A_867, %dma_wait3A_873] : memref<16x16xf32, #tpu.memory_space<vmem>> -> memref<1x16xf32, #tpu.memory_space<vmem>>
    %dma_wait3A_875 = tpu.memref_squeeze %dma_wait3A_874 : memref<1x16xf32, #tpu.memory_space<vmem>> -> memref<16xf32, #tpu.memory_space<vmem>>
    %dma_wait3A_876 = tpu.memref_slice %arg4[%dma_wait3A_866, %sub3A_865] : memref<16x160000xf32, #tpu.memory_space<hbm>> -> memref<1x16xf32, #tpu.memory_space<hbm>>
    %dma_wait3A_877 = tpu.memref_squeeze %dma_wait3A_876 : memref<1x16xf32, #tpu.memory_space<hbm>> -> memref<16xf32, #tpu.memory_space<hbm>>
    tpu.wait_dma2 semaphore(%arg17 : memref<!tpu.dma_semaphore, #tpu.memory_space<semaphore_mem>>) src(%dma_wait3A_877 : memref<16xf32, #tpu.memory_space<hbm>>) dst(%dma_wait3A_875 : memref<16xf32, #tpu.memory_space<vmem>>)
    %dma_wait3A_878 = arith.constant 14 : i32
    %dma_wait3A_879 = arith.constant 14 : i32
    %dma_wait3A_880 = arith.constant 0 : i32
    %dma_wait3A_881 = tpu.memref_slice %arg10[%dma_wait3A_879, %dma_wait3A_880] : memref<16x4992xf32, #tpu.memory_space<vmem>> -> memref<1x4992xf32, #tpu.memory_space<vmem>>
    %dma_wait3A_882 = tpu.memref_squeeze %dma_wait3A_881 : memref<1x4992xf32, #tpu.memory_space<vmem>> -> memref<4992xf32, #tpu.memory_space<vmem>>
    %dma_wait3A_883 = tpu.memref_slice %arg4[%dma_wait3A_878, %mul3A_2] : memref<16x160000xf32, #tpu.memory_space<hbm>> -> memref<1x4992xf32, #tpu.memory_space<hbm>>
    %dma_wait3A_884 = tpu.memref_squeeze %dma_wait3A_883 : memref<1x4992xf32, #tpu.memory_space<hbm>> -> memref<4992xf32, #tpu.memory_space<hbm>>
    %dma_wait3A_885 = arith.constant 0 : i32
    %dma_wait3A_886 = tpu.memref_slice %arg10[%dma_wait3A_879, %dma_wait3A_885] : memref<16x4992xf32, #tpu.memory_space<vmem>> -> memref<1x4992xf32, #tpu.memory_space<vmem>>
    %dma_wait3A_887 = tpu.memref_squeeze %dma_wait3A_886 : memref<1x4992xf32, #tpu.memory_space<vmem>> -> memref<4992xf32, #tpu.memory_space<vmem>>
    %dma_wait3A_888 = tpu.memref_slice %arg4[%dma_wait3A_878, %mul3A_2] : memref<16x160000xf32, #tpu.memory_space<hbm>> -> memref<1x4992xf32, #tpu.memory_space<hbm>>
    %dma_wait3A_889 = tpu.memref_squeeze %dma_wait3A_888 : memref<1x4992xf32, #tpu.memory_space<hbm>> -> memref<4992xf32, #tpu.memory_space<hbm>>
    tpu.wait_dma2 semaphore(%arg17 : memref<!tpu.dma_semaphore, #tpu.memory_space<semaphore_mem>>) src(%dma_wait3A_889 : memref<4992xf32, #tpu.memory_space<hbm>>) dst(%dma_wait3A_887 : memref<4992xf32, #tpu.memory_space<vmem>>)
    %add3A_890 = arith.constant 5000 : i32
    %add3A_891 = arith.addi %mul3A_2, %add3A_890 : i32
    %sub3A_892 = arith.constant 16 : i32
    %sub3A_893 = arith.subi %add3A_891, %sub3A_892 : i32
    %dma_wait3A_894 = arith.constant 14 : i32
    %dma_wait3A_895 = arith.constant 14 : i32
    %dma_wait3A_896 = arith.constant 0 : i32
    %dma_wait3A_897 = tpu.memref_slice %arg11[%dma_wait3A_895, %dma_wait3A_896] : memref<16x16xf32, #tpu.memory_space<vmem>> -> memref<1x16xf32, #tpu.memory_space<vmem>>
    %dma_wait3A_898 = tpu.memref_squeeze %dma_wait3A_897 : memref<1x16xf32, #tpu.memory_space<vmem>> -> memref<16xf32, #tpu.memory_space<vmem>>
    %dma_wait3A_899 = tpu.memref_slice %arg4[%dma_wait3A_894, %sub3A_893] : memref<16x160000xf32, #tpu.memory_space<hbm>> -> memref<1x16xf32, #tpu.memory_space<hbm>>
    %dma_wait3A_900 = tpu.memref_squeeze %dma_wait3A_899 : memref<1x16xf32, #tpu.memory_space<hbm>> -> memref<16xf32, #tpu.memory_space<hbm>>
    %dma_wait3A_901 = arith.constant 0 : i32
    %dma_wait3A_902 = tpu.memref_slice %arg11[%dma_wait3A_895, %dma_wait3A_901] : memref<16x16xf32, #tpu.memory_space<vmem>> -> memref<1x16xf32, #tpu.memory_space<vmem>>
    %dma_wait3A_903 = tpu.memref_squeeze %dma_wait3A_902 : memref<1x16xf32, #tpu.memory_space<vmem>> -> memref<16xf32, #tpu.memory_space<vmem>>
    %dma_wait3A_904 = tpu.memref_slice %arg4[%dma_wait3A_894, %sub3A_893] : memref<16x160000xf32, #tpu.memory_space<hbm>> -> memref<1x16xf32, #tpu.memory_space<hbm>>
    %dma_wait3A_905 = tpu.memref_squeeze %dma_wait3A_904 : memref<1x16xf32, #tpu.memory_space<hbm>> -> memref<16xf32, #tpu.memory_space<hbm>>
    tpu.wait_dma2 semaphore(%arg17 : memref<!tpu.dma_semaphore, #tpu.memory_space<semaphore_mem>>) src(%dma_wait3A_905 : memref<16xf32, #tpu.memory_space<hbm>>) dst(%dma_wait3A_903 : memref<16xf32, #tpu.memory_space<vmem>>)
    %dma_wait3A_906 = arith.constant 15 : i32
    %dma_wait3A_907 = arith.constant 15 : i32
    %dma_wait3A_908 = arith.constant 0 : i32
    %dma_wait3A_909 = tpu.memref_slice %arg10[%dma_wait3A_907, %dma_wait3A_908] : memref<16x4992xf32, #tpu.memory_space<vmem>> -> memref<1x4992xf32, #tpu.memory_space<vmem>>
    %dma_wait3A_910 = tpu.memref_squeeze %dma_wait3A_909 : memref<1x4992xf32, #tpu.memory_space<vmem>> -> memref<4992xf32, #tpu.memory_space<vmem>>
    %dma_wait3A_911 = tpu.memref_slice %arg4[%dma_wait3A_906, %mul3A_2] : memref<16x160000xf32, #tpu.memory_space<hbm>> -> memref<1x4992xf32, #tpu.memory_space<hbm>>
    %dma_wait3A_912 = tpu.memref_squeeze %dma_wait3A_911 : memref<1x4992xf32, #tpu.memory_space<hbm>> -> memref<4992xf32, #tpu.memory_space<hbm>>
    %dma_wait3A_913 = arith.constant 0 : i32
    %dma_wait3A_914 = tpu.memref_slice %arg10[%dma_wait3A_907, %dma_wait3A_913] : memref<16x4992xf32, #tpu.memory_space<vmem>> -> memref<1x4992xf32, #tpu.memory_space<vmem>>
    %dma_wait3A_915 = tpu.memref_squeeze %dma_wait3A_914 : memref<1x4992xf32, #tpu.memory_space<vmem>> -> memref<4992xf32, #tpu.memory_space<vmem>>
    %dma_wait3A_916 = tpu.memref_slice %arg4[%dma_wait3A_906, %mul3A_2] : memref<16x160000xf32, #tpu.memory_space<hbm>> -> memref<1x4992xf32, #tpu.memory_space<hbm>>
    %dma_wait3A_917 = tpu.memref_squeeze %dma_wait3A_916 : memref<1x4992xf32, #tpu.memory_space<hbm>> -> memref<4992xf32, #tpu.memory_space<hbm>>
    tpu.wait_dma2 semaphore(%arg17 : memref<!tpu.dma_semaphore, #tpu.memory_space<semaphore_mem>>) src(%dma_wait3A_917 : memref<4992xf32, #tpu.memory_space<hbm>>) dst(%dma_wait3A_915 : memref<4992xf32, #tpu.memory_space<vmem>>)
    %add3A_918 = arith.constant 5000 : i32
    %add3A_919 = arith.addi %mul3A_2, %add3A_918 : i32
    %sub3A_920 = arith.constant 16 : i32
    %sub3A_921 = arith.subi %add3A_919, %sub3A_920 : i32
    %dma_wait3A_922 = arith.constant 15 : i32
    %dma_wait3A_923 = arith.constant 15 : i32
    %dma_wait3A_924 = arith.constant 0 : i32
    %dma_wait3A_925 = tpu.memref_slice %arg11[%dma_wait3A_923, %dma_wait3A_924] : memref<16x16xf32, #tpu.memory_space<vmem>> -> memref<1x16xf32, #tpu.memory_space<vmem>>
    %dma_wait3A_926 = tpu.memref_squeeze %dma_wait3A_925 : memref<1x16xf32, #tpu.memory_space<vmem>> -> memref<16xf32, #tpu.memory_space<vmem>>
    %dma_wait3A_927 = tpu.memref_slice %arg4[%dma_wait3A_922, %sub3A_921] : memref<16x160000xf32, #tpu.memory_space<hbm>> -> memref<1x16xf32, #tpu.memory_space<hbm>>
    %dma_wait3A_928 = tpu.memref_squeeze %dma_wait3A_927 : memref<1x16xf32, #tpu.memory_space<hbm>> -> memref<16xf32, #tpu.memory_space<hbm>>
    %dma_wait3A_929 = arith.constant 0 : i32
    %dma_wait3A_930 = tpu.memref_slice %arg11[%dma_wait3A_923, %dma_wait3A_929] : memref<16x16xf32, #tpu.memory_space<vmem>> -> memref<1x16xf32, #tpu.memory_space<vmem>>
    %dma_wait3A_931 = tpu.memref_squeeze %dma_wait3A_930 : memref<1x16xf32, #tpu.memory_space<vmem>> -> memref<16xf32, #tpu.memory_space<vmem>>
    %dma_wait3A_932 = tpu.memref_slice %arg4[%dma_wait3A_922, %sub3A_921] : memref<16x160000xf32, #tpu.memory_space<hbm>> -> memref<1x16xf32, #tpu.memory_space<hbm>>
    %dma_wait3A_933 = tpu.memref_squeeze %dma_wait3A_932 : memref<1x16xf32, #tpu.memory_space<hbm>> -> memref<16xf32, #tpu.memory_space<hbm>>
    tpu.wait_dma2 semaphore(%arg17 : memref<!tpu.dma_semaphore, #tpu.memory_space<semaphore_mem>>) src(%dma_wait3A_933 : memref<16xf32, #tpu.memory_space<hbm>>) dst(%dma_wait3A_931 : memref<16xf32, #tpu.memory_space<vmem>>)
    %barrier3A = arith.constant 0 : index
    tpu.barrier barrier_id(%barrier3A)
    %scan3A = arith.constant 0 : i32
    %scan3A_934 = arith.constant 0 : i32
    %scan3A_935 = arith.constant 39 : i32
    %scan3A_936 = arith.addi %scan3A_934, %scan3A_935 : i32
    %scan3A_937 = arith.constant 1 : i32
    scf.for %scan3A_1851 = %scan3A_934 to %scan3A_936 step %scan3A_937  : i32 {
      %ge3A_1852 = arith.constant 2 : i32
      %ge3A_1853 = arith.cmpi sge, %scan3A_1851, %ge3A_1852 : i32
      %convert_element_type3A_1854 = arith.extui %ge3A_1853 : i1 to i32
      %cond3A_1855 = arith.constant 0 : i32
      %cond3A_1856 = arith.cmpi ne, %convert_element_type3A_1854, %cond3A_1855 : i32
      scf.if %cond3A_1856 {
        %dma_wait3A_2201 = arith.constant 0 : i32
        %dma_wait3A_2202 = arith.constant 0 : i32
        %dma_wait3A_2203 = arith.constant 0 : i32
        %dma_wait3A_2204 = tpu.memref_slice %arg10[%dma_wait3A_2201, %dma_wait3A_2203] : memref<16x4992xf32, #tpu.memory_space<vmem>> -> memref<1x128xf32, #tpu.memory_space<vmem>>
        %dma_wait3A_2205 = tpu.memref_squeeze %dma_wait3A_2204 : memref<1x128xf32, #tpu.memory_space<vmem>> -> memref<128xf32, #tpu.memory_space<vmem>>
        %dma_wait3A_2206 = arith.constant 0 : i32
        %dma_wait3A_2207 = tpu.memref_slice %arg16[%dma_wait3A_2202, %dma_wait3A_2206] : memref<16x80xf32, #tpu.memory_space<vmem_shared>> -> memref<1x80xf32, #tpu.memory_space<vmem_shared>>
        %dma_wait3A_2208 = tpu.memref_squeeze %dma_wait3A_2207 : memref<1x80xf32, #tpu.memory_space<vmem_shared>> -> memref<80xf32, #tpu.memory_space<vmem_shared>>
        %dma_wait3A_2209 = arith.constant 0 : i32
        %dma_wait3A_2210 = tpu.memref_slice %arg16[%dma_wait3A_2202, %dma_wait3A_2209] : memref<16x80xf32, #tpu.memory_space<vmem_shared>> -> memref<1x80xf32, #tpu.memory_space<vmem_shared>>
        %dma_wait3A_2211 = tpu.memref_squeeze %dma_wait3A_2210 : memref<1x80xf32, #tpu.memory_space<vmem_shared>> -> memref<80xf32, #tpu.memory_space<vmem_shared>>
        %dma_wait3A_2212 = arith.constant 0 : i32
        %dma_wait3A_2213 = tpu.memref_slice %arg10[%dma_wait3A_2201, %dma_wait3A_2212] : memref<16x4992xf32, #tpu.memory_space<vmem>> -> memref<1x128xf32, #tpu.memory_space<vmem>>
        %dma_wait3A_2214 = tpu.memref_squeeze %dma_wait3A_2213 : memref<1x128xf32, #tpu.memory_space<vmem>> -> memref<128xf32, #tpu.memory_space<vmem>>
        tpu.wait_dma2 semaphore(%arg18 : memref<!tpu.dma_semaphore, #tpu.memory_space<semaphore_mem>>) src(%dma_wait3A_2214 : memref<128xf32, #tpu.memory_space<vmem>>) dst(%dma_wait3A_2211 : memref<80xf32, #tpu.memory_space<vmem_shared>>)
        %dma_wait3A_2215 = arith.constant 0 : i32
        %dma_wait3A_2216 = arith.constant 0 : i32
        %dma_wait3A_2217 = arith.constant 0 : i32
        %dma_wait3A_2218 = tpu.memref_slice %arg10[%dma_wait3A_2215, %dma_wait3A_2217] : memref<16x4992xf32, #tpu.memory_space<vmem>> -> memref<1x128xf32, #tpu.memory_space<vmem>>
        %dma_wait3A_2219 = tpu.memref_squeeze %dma_wait3A_2218 : memref<1x128xf32, #tpu.memory_space<vmem>> -> memref<128xf32, #tpu.memory_space<vmem>>
        %dma_wait3A_2220 = arith.constant 0 : i32
        %dma_wait3A_2221 = tpu.memref_slice %arg16[%dma_wait3A_2216, %dma_wait3A_2220] : memref<16x80xf32, #tpu.memory_space<vmem_shared>> -> memref<1x80xf32, #tpu.memory_space<vmem_shared>>
        %dma_wait3A_2222 = tpu.memref_squeeze %dma_wait3A_2221 : memref<1x80xf32, #tpu.memory_space<vmem_shared>> -> memref<80xf32, #tpu.memory_space<vmem_shared>>
        %dma_wait3A_2223 = arith.constant 0 : i32
        %dma_wait3A_2224 = tpu.memref_slice %arg16[%dma_wait3A_2216, %dma_wait3A_2223] : memref<16x80xf32, #tpu.memory_space<vmem_shared>> -> memref<1x80xf32, #tpu.memory_space<vmem_shared>>
        %dma_wait3A_2225 = tpu.memref_squeeze %dma_wait3A_2224 : memref<1x80xf32, #tpu.memory_space<vmem_shared>> -> memref<80xf32, #tpu.memory_space<vmem_shared>>
        %dma_wait3A_2226 = arith.constant 0 : i32
        %dma_wait3A_2227 = tpu.memref_slice %arg10[%dma_wait3A_2215, %dma_wait3A_2226] : memref<16x4992xf32, #tpu.memory_space<vmem>> -> memref<1x128xf32, #tpu.memory_space<vmem>>
        %dma_wait3A_2228 = tpu.memref_squeeze %dma_wait3A_2227 : memref<1x128xf32, #tpu.memory_space<vmem>> -> memref<128xf32, #tpu.memory_space<vmem>>
        tpu.wait_dma2 semaphore(%arg18 : memref<!tpu.dma_semaphore, #tpu.memory_space<semaphore_mem>>) src(%dma_wait3A_2228 : memref<128xf32, #tpu.memory_space<vmem>>) dst(%dma_wait3A_2225 : memref<80xf32, #tpu.memory_space<vmem_shared>>)
        %dma_wait3A_2229 = arith.constant 0 : i32
        %dma_wait3A_2230 = arith.constant 0 : i32
        %dma_wait3A_2231 = arith.constant 0 : i32
        %dma_wait3A_2232 = tpu.memref_slice %arg10[%dma_wait3A_2229, %dma_wait3A_2231] : memref<16x4992xf32, #tpu.memory_space<vmem>> -> memref<1x128xf32, #tpu.memory_space<vmem>>
        %dma_wait3A_2233 = tpu.memref_squeeze %dma_wait3A_2232 : memref<1x128xf32, #tpu.memory_space<vmem>> -> memref<128xf32, #tpu.memory_space<vmem>>
        %dma_wait3A_2234 = arith.constant 0 : i32
        %dma_wait3A_2235 = tpu.memref_slice %arg16[%dma_wait3A_2230, %dma_wait3A_2234] : memref<16x80xf32, #tpu.memory_space<vmem_shared>> -> memref<1x80xf32, #tpu.memory_space<vmem_shared>>
        %dma_wait3A_2236 = tpu.memref_squeeze %dma_wait3A_2235 : memref<1x80xf32, #tpu.memory_space<vmem_shared>> -> memref<80xf32, #tpu.memory_space<vmem_shared>>
        %dma_wait3A_2237 = arith.constant 0 : i32
        %dma_wait3A_2238 = tpu.memref_slice %arg16[%dma_wait3A_2230, %dma_wait3A_2237] : memref<16x80xf32, #tpu.memory_space<vmem_shared>> -> memref<1x80xf32, #tpu.memory_space<vmem_shared>>
        %dma_wait3A_2239 = tpu.memref_squeeze %dma_wait3A_2238 : memref<1x80xf32, #tpu.memory_space<vmem_shared>> -> memref<80xf32, #tpu.memory_space<vmem_shared>>
        %dma_wait3A_2240 = arith.constant 0 : i32
        %dma_wait3A_2241 = tpu.memref_slice %arg10[%dma_wait3A_2229, %dma_wait3A_2240] : memref<16x4992xf32, #tpu.memory_space<vmem>> -> memref<1x128xf32, #tpu.memory_space<vmem>>
        %dma_wait3A_2242 = tpu.memref_squeeze %dma_wait3A_2241 : memref<1x128xf32, #tpu.memory_space<vmem>> -> memref<128xf32, #tpu.memory_space<vmem>>
        tpu.wait_dma2 semaphore(%arg18 : memref<!tpu.dma_semaphore, #tpu.memory_space<semaphore_mem>>) src(%dma_wait3A_2242 : memref<128xf32, #tpu.memory_space<vmem>>) dst(%dma_wait3A_2239 : memref<80xf32, #tpu.memory_space<vmem_shared>>)
        %dma_wait3A_2243 = arith.constant 0 : i32
        %dma_wait3A_2244 = arith.constant 0 : i32
        %dma_wait3A_2245 = arith.constant 0 : i32
        %dma_wait3A_2246 = tpu.memref_slice %arg10[%dma_wait3A_2243, %dma_wait3A_2245] : memref<16x4992xf32, #tpu.memory_space<vmem>> -> memref<1x128xf32, #tpu.memory_space<vmem>>
        %dma_wait3A_2247 = tpu.memref_squeeze %dma_wait3A_2246 : memref<1x128xf32, #tpu.memory_space<vmem>> -> memref<128xf32, #tpu.memory_space<vmem>>
        %dma_wait3A_2248 = arith.constant 0 : i32
        %dma_wait3A_2249 = tpu.memref_slice %arg16[%dma_wait3A_2244, %dma_wait3A_2248] : memref<16x80xf32, #tpu.memory_space<vmem_shared>> -> memref<1x80xf32, #tpu.memory_space<vmem_shared>>
        %dma_wait3A_2250 = tpu.memref_squeeze %dma_wait3A_2249 : memref<1x80xf32, #tpu.memory_space<vmem_shared>> -> memref<80xf32, #tpu.memory_space<vmem_shared>>
        %dma_wait3A_2251 = arith.constant 0 : i32
        %dma_wait3A_2252 = tpu.memref_slice %arg16[%dma_wait3A_2244, %dma_wait3A_2251] : memref<16x80xf32, #tpu.memory_space<vmem_shared>> -> memref<1x80xf32, #tpu.memory_space<vmem_shared>>
        %dma_wait3A_2253 = tpu.memref_squeeze %dma_wait3A_2252 : memref<1x80xf32, #tpu.memory_space<vmem_shared>> -> memref<80xf32, #tpu.memory_space<vmem_shared>>
        %dma_wait3A_2254 = arith.constant 0 : i32
        %dma_wait3A_2255 = tpu.memref_slice %arg10[%dma_wait3A_2243, %dma_wait3A_2254] : memref<16x4992xf32, #tpu.memory_space<vmem>> -> memref<1x128xf32, #tpu.memory_space<vmem>>
        %dma_wait3A_2256 = tpu.memref_squeeze %dma_wait3A_2255 : memref<1x128xf32, #tpu.memory_space<vmem>> -> memref<128xf32, #tpu.memory_space<vmem>>
        tpu.wait_dma2 semaphore(%arg18 : memref<!tpu.dma_semaphore, #tpu.memory_space<semaphore_mem>>) src(%dma_wait3A_2256 : memref<128xf32, #tpu.memory_space<vmem>>) dst(%dma_wait3A_2253 : memref<80xf32, #tpu.memory_space<vmem_shared>>)
        %dma_wait3A_2257 = arith.constant 0 : i32
        %dma_wait3A_2258 = arith.constant 0 : i32
        %dma_wait3A_2259 = arith.constant 0 : i32
        %dma_wait3A_2260 = tpu.memref_slice %arg10[%dma_wait3A_2257, %dma_wait3A_2259] : memref<16x4992xf32, #tpu.memory_space<vmem>> -> memref<1x128xf32, #tpu.memory_space<vmem>>
        %dma_wait3A_2261 = tpu.memref_squeeze %dma_wait3A_2260 : memref<1x128xf32, #tpu.memory_space<vmem>> -> memref<128xf32, #tpu.memory_space<vmem>>
        %dma_wait3A_2262 = arith.constant 0 : i32
        %dma_wait3A_2263 = tpu.memref_slice %arg16[%dma_wait3A_2258, %dma_wait3A_2262] : memref<16x80xf32, #tpu.memory_space<vmem_shared>> -> memref<1x80xf32, #tpu.memory_space<vmem_shared>>
        %dma_wait3A_2264 = tpu.memref_squeeze %dma_wait3A_2263 : memref<1x80xf32, #tpu.memory_space<vmem_shared>> -> memref<80xf32, #tpu.memory_space<vmem_shared>>
        %dma_wait3A_2265 = arith.constant 0 : i32
        %dma_wait3A_2266 = tpu.memref_slice %arg16[%dma_wait3A_2258, %dma_wait3A_2265] : memref<16x80xf32, #tpu.memory_space<vmem_shared>> -> memref<1x80xf32, #tpu.memory_space<vmem_shared>>
        %dma_wait3A_2267 = tpu.memref_squeeze %dma_wait3A_2266 : memref<1x80xf32, #tpu.memory_space<vmem_shared>> -> memref<80xf32, #tpu.memory_space<vmem_shared>>
        %dma_wait3A_2268 = arith.constant 0 : i32
        %dma_wait3A_2269 = tpu.memref_slice %arg10[%dma_wait3A_2257, %dma_wait3A_2268] : memref<16x4992xf32, #tpu.memory_space<vmem>> -> memref<1x128xf32, #tpu.memory_space<vmem>>
        %dma_wait3A_2270 = tpu.memref_squeeze %dma_wait3A_2269 : memref<1x128xf32, #tpu.memory_space<vmem>> -> memref<128xf32, #tpu.memory_space<vmem>>
        tpu.wait_dma2 semaphore(%arg18 : memref<!tpu.dma_semaphore, #tpu.memory_space<semaphore_mem>>) src(%dma_wait3A_2270 : memref<128xf32, #tpu.memory_space<vmem>>) dst(%dma_wait3A_2267 : memref<80xf32, #tpu.memory_space<vmem_shared>>)
        %dma_wait3A_2271 = arith.constant 0 : i32
        %dma_wait3A_2272 = arith.constant 0 : i32
        %dma_wait3A_2273 = arith.constant 0 : i32
        %dma_wait3A_2274 = tpu.memref_slice %arg10[%dma_wait3A_2271, %dma_wait3A_2273] : memref<16x4992xf32, #tpu.memory_space<vmem>> -> memref<1x128xf32, #tpu.memory_space<vmem>>
        %dma_wait3A_2275 = tpu.memref_squeeze %dma_wait3A_2274 : memref<1x128xf32, #tpu.memory_space<vmem>> -> memref<128xf32, #tpu.memory_space<vmem>>
        %dma_wait3A_2276 = arith.constant 0 : i32
        %dma_wait3A_2277 = tpu.memref_slice %arg16[%dma_wait3A_2272, %dma_wait3A_2276] : memref<16x80xf32, #tpu.memory_space<vmem_shared>> -> memref<1x80xf32, #tpu.memory_space<vmem_shared>>
        %dma_wait3A_2278 = tpu.memref_squeeze %dma_wait3A_2277 : memref<1x80xf32, #tpu.memory_space<vmem_shared>> -> memref<80xf32, #tpu.memory_space<vmem_shared>>
        %dma_wait3A_2279 = arith.constant 0 : i32
        %dma_wait3A_2280 = tpu.memref_slice %arg16[%dma_wait3A_2272, %dma_wait3A_2279] : memref<16x80xf32, #tpu.memory_space<vmem_shared>> -> memref<1x80xf32, #tpu.memory_space<vmem_shared>>
        %dma_wait3A_2281 = tpu.memref_squeeze %dma_wait3A_2280 : memref<1x80xf32, #tpu.memory_space<vmem_shared>> -> memref<80xf32, #tpu.memory_space<vmem_shared>>
        %dma_wait3A_2282 = arith.constant 0 : i32
        %dma_wait3A_2283 = tpu.memref_slice %arg10[%dma_wait3A_2271, %dma_wait3A_2282] : memref<16x4992xf32, #tpu.memory_space<vmem>> -> memref<1x128xf32, #tpu.memory_space<vmem>>
        %dma_wait3A_2284 = tpu.memref_squeeze %dma_wait3A_2283 : memref<1x128xf32, #tpu.memory_space<vmem>> -> memref<128xf32, #tpu.memory_space<vmem>>
        tpu.wait_dma2 semaphore(%arg18 : memref<!tpu.dma_semaphore, #tpu.memory_space<semaphore_mem>>) src(%dma_wait3A_2284 : memref<128xf32, #tpu.memory_space<vmem>>) dst(%dma_wait3A_2281 : memref<80xf32, #tpu.memory_space<vmem_shared>>)
        %dma_wait3A_2285 = arith.constant 0 : i32
        %dma_wait3A_2286 = arith.constant 0 : i32
        %dma_wait3A_2287 = arith.constant 0 : i32
        %dma_wait3A_2288 = tpu.memref_slice %arg10[%dma_wait3A_2285, %dma_wait3A_2287] : memref<16x4992xf32, #tpu.memory_space<vmem>> -> memref<1x128xf32, #tpu.memory_space<vmem>>
        %dma_wait3A_2289 = tpu.memref_squeeze %dma_wait3A_2288 : memref<1x128xf32, #tpu.memory_space<vmem>> -> memref<128xf32, #tpu.memory_space<vmem>>
        %dma_wait3A_2290 = arith.constant 0 : i32
        %dma_wait3A_2291 = tpu.memref_slice %arg16[%dma_wait3A_2286, %dma_wait3A_2290] : memref<16x80xf32, #tpu.memory_space<vmem_shared>> -> memref<1x80xf32, #tpu.memory_space<vmem_shared>>
        %dma_wait3A_2292 = tpu.memref_squeeze %dma_wait3A_2291 : memref<1x80xf32, #tpu.memory_space<vmem_shared>> -> memref<80xf32, #tpu.memory_space<vmem_shared>>
        %dma_wait3A_2293 = arith.constant 0 : i32
        %dma_wait3A_2294 = tpu.memref_slice %arg16[%dma_wait3A_2286, %dma_wait3A_2293] : memref<16x80xf32, #tpu.memory_space<vmem_shared>> -> memref<1x80xf32, #tpu.memory_space<vmem_shared>>
        %dma_wait3A_2295 = tpu.memref_squeeze %dma_wait3A_2294 : memref<1x80xf32, #tpu.memory_space<vmem_shared>> -> memref<80xf32, #tpu.memory_space<vmem_shared>>
        %dma_wait3A_2296 = arith.constant 0 : i32
        %dma_wait3A_2297 = tpu.memref_slice %arg10[%dma_wait3A_2285, %dma_wait3A_2296] : memref<16x4992xf32, #tpu.memory_space<vmem>> -> memref<1x128xf32, #tpu.memory_space<vmem>>
        %dma_wait3A_2298 = tpu.memref_squeeze %dma_wait3A_2297 : memref<1x128xf32, #tpu.memory_space<vmem>> -> memref<128xf32, #tpu.memory_space<vmem>>
        tpu.wait_dma2 semaphore(%arg18 : memref<!tpu.dma_semaphore, #tpu.memory_space<semaphore_mem>>) src(%dma_wait3A_2298 : memref<128xf32, #tpu.memory_space<vmem>>) dst(%dma_wait3A_2295 : memref<80xf32, #tpu.memory_space<vmem_shared>>)
        %dma_wait3A_2299 = arith.constant 0 : i32
        %dma_wait3A_2300 = arith.constant 0 : i32
        %dma_wait3A_2301 = arith.constant 0 : i32
        %dma_wait3A_2302 = tpu.memref_slice %arg10[%dma_wait3A_2299, %dma_wait3A_2301] : memref<16x4992xf32, #tpu.memory_space<vmem>> -> memref<1x128xf32, #tpu.memory_space<vmem>>
        %dma_wait3A_2303 = tpu.memref_squeeze %dma_wait3A_2302 : memref<1x128xf32, #tpu.memory_space<vmem>> -> memref<128xf32, #tpu.memory_space<vmem>>
        %dma_wait3A_2304 = arith.constant 0 : i32
        %dma_wait3A_2305 = tpu.memref_slice %arg16[%dma_wait3A_2300, %dma_wait3A_2304] : memref<16x80xf32, #tpu.memory_space<vmem_shared>> -> memref<1x80xf32, #tpu.memory_space<vmem_shared>>
        %dma_wait3A_2306 = tpu.memref_squeeze %dma_wait3A_2305 : memref<1x80xf32, #tpu.memory_space<vmem_shared>> -> memref<80xf32, #tpu.memory_space<vmem_shared>>
        %dma_wait3A_2307 = arith.constant 0 : i32
        %dma_wait3A_2308 = tpu.memref_slice %arg16[%dma_wait3A_2300, %dma_wait3A_2307] : memref<16x80xf32, #tpu.memory_space<vmem_shared>> -> memref<1x80xf32, #tpu.memory_space<vmem_shared>>
        %dma_wait3A_2309 = tpu.memref_squeeze %dma_wait3A_2308 : memref<1x80xf32, #tpu.memory_space<vmem_shared>> -> memref<80xf32, #tpu.memory_space<vmem_shared>>
        %dma_wait3A_2310 = arith.constant 0 : i32
        %dma_wait3A_2311 = tpu.memref_slice %arg10[%dma_wait3A_2299, %dma_wait3A_2310] : memref<16x4992xf32, #tpu.memory_space<vmem>> -> memref<1x128xf32, #tpu.memory_space<vmem>>
        %dma_wait3A_2312 = tpu.memref_squeeze %dma_wait3A_2311 : memref<1x128xf32, #tpu.memory_space<vmem>> -> memref<128xf32, #tpu.memory_space<vmem>>
        tpu.wait_dma2 semaphore(%arg18 : memref<!tpu.dma_semaphore, #tpu.memory_space<semaphore_mem>>) src(%dma_wait3A_2312 : memref<128xf32, #tpu.memory_space<vmem>>) dst(%dma_wait3A_2309 : memref<80xf32, #tpu.memory_space<vmem_shared>>)
        %dma_wait3A_2313 = arith.constant 0 : i32
        %dma_wait3A_2314 = arith.constant 0 : i32
        %dma_wait3A_2315 = arith.constant 0 : i32
        %dma_wait3A_2316 = tpu.memref_slice %arg10[%dma_wait3A_2313, %dma_wait3A_2315] : memref<16x4992xf32, #tpu.memory_space<vmem>> -> memref<1x128xf32, #tpu.memory_space<vmem>>
        %dma_wait3A_2317 = tpu.memref_squeeze %dma_wait3A_2316 : memref<1x128xf32, #tpu.memory_space<vmem>> -> memref<128xf32, #tpu.memory_space<vmem>>
        %dma_wait3A_2318 = arith.constant 0 : i32
        %dma_wait3A_2319 = tpu.memref_slice %arg16[%dma_wait3A_2314, %dma_wait3A_2318] : memref<16x80xf32, #tpu.memory_space<vmem_shared>> -> memref<1x80xf32, #tpu.memory_space<vmem_shared>>
        %dma_wait3A_2320 = tpu.memref_squeeze %dma_wait3A_2319 : memref<1x80xf32, #tpu.memory_space<vmem_shared>> -> memref<80xf32, #tpu.memory_space<vmem_shared>>
        %dma_wait3A_2321 = arith.constant 0 : i32
        %dma_wait3A_2322 = tpu.memref_slice %arg16[%dma_wait3A_2314, %dma_wait3A_2321] : memref<16x80xf32, #tpu.memory_space<vmem_shared>> -> memref<1x80xf32, #tpu.memory_space<vmem_shared>>
        %dma_wait3A_2323 = tpu.memref_squeeze %dma_wait3A_2322 : memref<1x80xf32, #tpu.memory_space<vmem_shared>> -> memref<80xf32, #tpu.memory_space<vmem_shared>>
        %dma_wait3A_2324 = arith.constant 0 : i32
        %dma_wait3A_2325 = tpu.memref_slice %arg10[%dma_wait3A_2313, %dma_wait3A_2324] : memref<16x4992xf32, #tpu.memory_space<vmem>> -> memref<1x128xf32, #tpu.memory_space<vmem>>
        %dma_wait3A_2326 = tpu.memref_squeeze %dma_wait3A_2325 : memref<1x128xf32, #tpu.memory_space<vmem>> -> memref<128xf32, #tpu.memory_space<vmem>>
        tpu.wait_dma2 semaphore(%arg18 : memref<!tpu.dma_semaphore, #tpu.memory_space<semaphore_mem>>) src(%dma_wait3A_2326 : memref<128xf32, #tpu.memory_space<vmem>>) dst(%dma_wait3A_2323 : memref<80xf32, #tpu.memory_space<vmem_shared>>)
        %dma_wait3A_2327 = arith.constant 0 : i32
        %dma_wait3A_2328 = arith.constant 0 : i32
        %dma_wait3A_2329 = arith.constant 0 : i32
        %dma_wait3A_2330 = tpu.memref_slice %arg10[%dma_wait3A_2327, %dma_wait3A_2329] : memref<16x4992xf32, #tpu.memory_space<vmem>> -> memref<1x128xf32, #tpu.memory_space<vmem>>
        %dma_wait3A_2331 = tpu.memref_squeeze %dma_wait3A_2330 : memref<1x128xf32, #tpu.memory_space<vmem>> -> memref<128xf32, #tpu.memory_space<vmem>>
        %dma_wait3A_2332 = arith.constant 0 : i32
        %dma_wait3A_2333 = tpu.memref_slice %arg16[%dma_wait3A_2328, %dma_wait3A_2332] : memref<16x80xf32, #tpu.memory_space<vmem_shared>> -> memref<1x80xf32, #tpu.memory_space<vmem_shared>>
        %dma_wait3A_2334 = tpu.memref_squeeze %dma_wait3A_2333 : memref<1x80xf32, #tpu.memory_space<vmem_shared>> -> memref<80xf32, #tpu.memory_space<vmem_shared>>
        %dma_wait3A_2335 = arith.constant 0 : i32
        %dma_wait3A_2336 = tpu.memref_slice %arg16[%dma_wait3A_2328, %dma_wait3A_2335] : memref<16x80xf32, #tpu.memory_space<vmem_shared>> -> memref<1x80xf32, #tpu.memory_space<vmem_shared>>
        %dma_wait3A_2337 = tpu.memref_squeeze %dma_wait3A_2336 : memref<1x80xf32, #tpu.memory_space<vmem_shared>> -> memref<80xf32, #tpu.memory_space<vmem_shared>>
        %dma_wait3A_2338 = arith.constant 0 : i32
        %dma_wait3A_2339 = tpu.memref_slice %arg10[%dma_wait3A_2327, %dma_wait3A_2338] : memref<16x4992xf32, #tpu.memory_space<vmem>> -> memref<1x128xf32, #tpu.memory_space<vmem>>
        %dma_wait3A_2340 = tpu.memref_squeeze %dma_wait3A_2339 : memref<1x128xf32, #tpu.memory_space<vmem>> -> memref<128xf32, #tpu.memory_space<vmem>>
        tpu.wait_dma2 semaphore(%arg18 : memref<!tpu.dma_semaphore, #tpu.memory_space<semaphore_mem>>) src(%dma_wait3A_2340 : memref<128xf32, #tpu.memory_space<vmem>>) dst(%dma_wait3A_2337 : memref<80xf32, #tpu.memory_space<vmem_shared>>)
        %dma_wait3A_2341 = arith.constant 0 : i32
        %dma_wait3A_2342 = arith.constant 0 : i32
        %dma_wait3A_2343 = arith.constant 0 : i32
        %dma_wait3A_2344 = tpu.memref_slice %arg10[%dma_wait3A_2341, %dma_wait3A_2343] : memref<16x4992xf32, #tpu.memory_space<vmem>> -> memref<1x128xf32, #tpu.memory_space<vmem>>
        %dma_wait3A_2345 = tpu.memref_squeeze %dma_wait3A_2344 : memref<1x128xf32, #tpu.memory_space<vmem>> -> memref<128xf32, #tpu.memory_space<vmem>>
        %dma_wait3A_2346 = arith.constant 0 : i32
        %dma_wait3A_2347 = tpu.memref_slice %arg16[%dma_wait3A_2342, %dma_wait3A_2346] : memref<16x80xf32, #tpu.memory_space<vmem_shared>> -> memref<1x80xf32, #tpu.memory_space<vmem_shared>>
        %dma_wait3A_2348 = tpu.memref_squeeze %dma_wait3A_2347 : memref<1x80xf32, #tpu.memory_space<vmem_shared>> -> memref<80xf32, #tpu.memory_space<vmem_shared>>
        %dma_wait3A_2349 = arith.constant 0 : i32
        %dma_wait3A_2350 = tpu.memref_slice %arg16[%dma_wait3A_2342, %dma_wait3A_2349] : memref<16x80xf32, #tpu.memory_space<vmem_shared>> -> memref<1x80xf32, #tpu.memory_space<vmem_shared>>
        %dma_wait3A_2351 = tpu.memref_squeeze %dma_wait3A_2350 : memref<1x80xf32, #tpu.memory_space<vmem_shared>> -> memref<80xf32, #tpu.memory_space<vmem_shared>>
        %dma_wait3A_2352 = arith.constant 0 : i32
        %dma_wait3A_2353 = tpu.memref_slice %arg10[%dma_wait3A_2341, %dma_wait3A_2352] : memref<16x4992xf32, #tpu.memory_space<vmem>> -> memref<1x128xf32, #tpu.memory_space<vmem>>
        %dma_wait3A_2354 = tpu.memref_squeeze %dma_wait3A_2353 : memref<1x128xf32, #tpu.memory_space<vmem>> -> memref<128xf32, #tpu.memory_space<vmem>>
        tpu.wait_dma2 semaphore(%arg18 : memref<!tpu.dma_semaphore, #tpu.memory_space<semaphore_mem>>) src(%dma_wait3A_2354 : memref<128xf32, #tpu.memory_space<vmem>>) dst(%dma_wait3A_2351 : memref<80xf32, #tpu.memory_space<vmem_shared>>)
        %dma_wait3A_2355 = arith.constant 0 : i32
        %dma_wait3A_2356 = arith.constant 0 : i32
        %dma_wait3A_2357 = arith.constant 0 : i32
        %dma_wait3A_2358 = tpu.memref_slice %arg10[%dma_wait3A_2355, %dma_wait3A_2357] : memref<16x4992xf32, #tpu.memory_space<vmem>> -> memref<1x128xf32, #tpu.memory_space<vmem>>
        %dma_wait3A_2359 = tpu.memref_squeeze %dma_wait3A_2358 : memref<1x128xf32, #tpu.memory_space<vmem>> -> memref<128xf32, #tpu.memory_space<vmem>>
        %dma_wait3A_2360 = arith.constant 0 : i32
        %dma_wait3A_2361 = tpu.memref_slice %arg16[%dma_wait3A_2356, %dma_wait3A_2360] : memref<16x80xf32, #tpu.memory_space<vmem_shared>> -> memref<1x80xf32, #tpu.memory_space<vmem_shared>>
        %dma_wait3A_2362 = tpu.memref_squeeze %dma_wait3A_2361 : memref<1x80xf32, #tpu.memory_space<vmem_shared>> -> memref<80xf32, #tpu.memory_space<vmem_shared>>
        %dma_wait3A_2363 = arith.constant 0 : i32
        %dma_wait3A_2364 = tpu.memref_slice %arg16[%dma_wait3A_2356, %dma_wait3A_2363] : memref<16x80xf32, #tpu.memory_space<vmem_shared>> -> memref<1x80xf32, #tpu.memory_space<vmem_shared>>
        %dma_wait3A_2365 = tpu.memref_squeeze %dma_wait3A_2364 : memref<1x80xf32, #tpu.memory_space<vmem_shared>> -> memref<80xf32, #tpu.memory_space<vmem_shared>>
        %dma_wait3A_2366 = arith.constant 0 : i32
        %dma_wait3A_2367 = tpu.memref_slice %arg10[%dma_wait3A_2355, %dma_wait3A_2366] : memref<16x4992xf32, #tpu.memory_space<vmem>> -> memref<1x128xf32, #tpu.memory_space<vmem>>
        %dma_wait3A_2368 = tpu.memref_squeeze %dma_wait3A_2367 : memref<1x128xf32, #tpu.memory_space<vmem>> -> memref<128xf32, #tpu.memory_space<vmem>>
        tpu.wait_dma2 semaphore(%arg18 : memref<!tpu.dma_semaphore, #tpu.memory_space<semaphore_mem>>) src(%dma_wait3A_2368 : memref<128xf32, #tpu.memory_space<vmem>>) dst(%dma_wait3A_2365 : memref<80xf32, #tpu.memory_space<vmem_shared>>)
        %dma_wait3A_2369 = arith.constant 0 : i32
        %dma_wait3A_2370 = arith.constant 0 : i32
        %dma_wait3A_2371 = arith.constant 0 : i32
        %dma_wait3A_2372 = tpu.memref_slice %arg10[%dma_wait3A_2369, %dma_wait3A_2371] : memref<16x4992xf32, #tpu.memory_space<vmem>> -> memref<1x128xf32, #tpu.memory_space<vmem>>
        %dma_wait3A_2373 = tpu.memref_squeeze %dma_wait3A_2372 : memref<1x128xf32, #tpu.memory_space<vmem>> -> memref<128xf32, #tpu.memory_space<vmem>>
        %dma_wait3A_2374 = arith.constant 0 : i32
        %dma_wait3A_2375 = tpu.memref_slice %arg16[%dma_wait3A_2370, %dma_wait3A_2374] : memref<16x80xf32, #tpu.memory_space<vmem_shared>> -> memref<1x80xf32, #tpu.memory_space<vmem_shared>>
        %dma_wait3A_2376 = tpu.memref_squeeze %dma_wait3A_2375 : memref<1x80xf32, #tpu.memory_space<vmem_shared>> -> memref<80xf32, #tpu.memory_space<vmem_shared>>
        %dma_wait3A_2377 = arith.constant 0 : i32
        %dma_wait3A_2378 = tpu.memref_slice %arg16[%dma_wait3A_2370, %dma_wait3A_2377] : memref<16x80xf32, #tpu.memory_space<vmem_shared>> -> memref<1x80xf32, #tpu.memory_space<vmem_shared>>
        %dma_wait3A_2379 = tpu.memref_squeeze %dma_wait3A_2378 : memref<1x80xf32, #tpu.memory_space<vmem_shared>> -> memref<80xf32, #tpu.memory_space<vmem_shared>>
        %dma_wait3A_2380 = arith.constant 0 : i32
        %dma_wait3A_2381 = tpu.memref_slice %arg10[%dma_wait3A_2369, %dma_wait3A_2380] : memref<16x4992xf32, #tpu.memory_space<vmem>> -> memref<1x128xf32, #tpu.memory_space<vmem>>
        %dma_wait3A_2382 = tpu.memref_squeeze %dma_wait3A_2381 : memref<1x128xf32, #tpu.memory_space<vmem>> -> memref<128xf32, #tpu.memory_space<vmem>>
        tpu.wait_dma2 semaphore(%arg18 : memref<!tpu.dma_semaphore, #tpu.memory_space<semaphore_mem>>) src(%dma_wait3A_2382 : memref<128xf32, #tpu.memory_space<vmem>>) dst(%dma_wait3A_2379 : memref<80xf32, #tpu.memory_space<vmem_shared>>)
        %dma_wait3A_2383 = arith.constant 0 : i32
        %dma_wait3A_2384 = arith.constant 0 : i32
        %dma_wait3A_2385 = arith.constant 0 : i32
        %dma_wait3A_2386 = tpu.memref_slice %arg10[%dma_wait3A_2383, %dma_wait3A_2385] : memref<16x4992xf32, #tpu.memory_space<vmem>> -> memref<1x128xf32, #tpu.memory_space<vmem>>
        %dma_wait3A_2387 = tpu.memref_squeeze %dma_wait3A_2386 : memref<1x128xf32, #tpu.memory_space<vmem>> -> memref<128xf32, #tpu.memory_space<vmem>>
        %dma_wait3A_2388 = arith.constant 0 : i32
        %dma_wait3A_2389 = tpu.memref_slice %arg16[%dma_wait3A_2384, %dma_wait3A_2388] : memref<16x80xf32, #tpu.memory_space<vmem_shared>> -> memref<1x80xf32, #tpu.memory_space<vmem_shared>>
        %dma_wait3A_2390 = tpu.memref_squeeze %dma_wait3A_2389 : memref<1x80xf32, #tpu.memory_space<vmem_shared>> -> memref<80xf32, #tpu.memory_space<vmem_shared>>
        %dma_wait3A_2391 = arith.constant 0 : i32
        %dma_wait3A_2392 = tpu.memref_slice %arg16[%dma_wait3A_2384, %dma_wait3A_2391] : memref<16x80xf32, #tpu.memory_space<vmem_shared>> -> memref<1x80xf32, #tpu.memory_space<vmem_shared>>
        %dma_wait3A_2393 = tpu.memref_squeeze %dma_wait3A_2392 : memref<1x80xf32, #tpu.memory_space<vmem_shared>> -> memref<80xf32, #tpu.memory_space<vmem_shared>>
        %dma_wait3A_2394 = arith.constant 0 : i32
        %dma_wait3A_2395 = tpu.memref_slice %arg10[%dma_wait3A_2383, %dma_wait3A_2394] : memref<16x4992xf32, #tpu.memory_space<vmem>> -> memref<1x128xf32, #tpu.memory_space<vmem>>
        %dma_wait3A_2396 = tpu.memref_squeeze %dma_wait3A_2395 : memref<1x128xf32, #tpu.memory_space<vmem>> -> memref<128xf32, #tpu.memory_space<vmem>>
        tpu.wait_dma2 semaphore(%arg18 : memref<!tpu.dma_semaphore, #tpu.memory_space<semaphore_mem>>) src(%dma_wait3A_2396 : memref<128xf32, #tpu.memory_space<vmem>>) dst(%dma_wait3A_2393 : memref<80xf32, #tpu.memory_space<vmem_shared>>)
        %dma_wait3A_2397 = arith.constant 0 : i32
        %dma_wait3A_2398 = arith.constant 0 : i32
        %dma_wait3A_2399 = arith.constant 0 : i32
        %dma_wait3A_2400 = tpu.memref_slice %arg10[%dma_wait3A_2397, %dma_wait3A_2399] : memref<16x4992xf32, #tpu.memory_space<vmem>> -> memref<1x128xf32, #tpu.memory_space<vmem>>
        %dma_wait3A_2401 = tpu.memref_squeeze %dma_wait3A_2400 : memref<1x128xf32, #tpu.memory_space<vmem>> -> memref<128xf32, #tpu.memory_space<vmem>>
        %dma_wait3A_2402 = arith.constant 0 : i32
        %dma_wait3A_2403 = tpu.memref_slice %arg16[%dma_wait3A_2398, %dma_wait3A_2402] : memref<16x80xf32, #tpu.memory_space<vmem_shared>> -> memref<1x80xf32, #tpu.memory_space<vmem_shared>>
        %dma_wait3A_2404 = tpu.memref_squeeze %dma_wait3A_2403 : memref<1x80xf32, #tpu.memory_space<vmem_shared>> -> memref<80xf32, #tpu.memory_space<vmem_shared>>
        %dma_wait3A_2405 = arith.constant 0 : i32
        %dma_wait3A_2406 = tpu.memref_slice %arg16[%dma_wait3A_2398, %dma_wait3A_2405] : memref<16x80xf32, #tpu.memory_space<vmem_shared>> -> memref<1x80xf32, #tpu.memory_space<vmem_shared>>
        %dma_wait3A_2407 = tpu.memref_squeeze %dma_wait3A_2406 : memref<1x80xf32, #tpu.memory_space<vmem_shared>> -> memref<80xf32, #tpu.memory_space<vmem_shared>>
        %dma_wait3A_2408 = arith.constant 0 : i32
        %dma_wait3A_2409 = tpu.memref_slice %arg10[%dma_wait3A_2397, %dma_wait3A_2408] : memref<16x4992xf32, #tpu.memory_space<vmem>> -> memref<1x128xf32, #tpu.memory_space<vmem>>
        %dma_wait3A_2410 = tpu.memref_squeeze %dma_wait3A_2409 : memref<1x128xf32, #tpu.memory_space<vmem>> -> memref<128xf32, #tpu.memory_space<vmem>>
        tpu.wait_dma2 semaphore(%arg18 : memref<!tpu.dma_semaphore, #tpu.memory_space<semaphore_mem>>) src(%dma_wait3A_2410 : memref<128xf32, #tpu.memory_space<vmem>>) dst(%dma_wait3A_2407 : memref<80xf32, #tpu.memory_space<vmem_shared>>)
        %dma_wait3A_2411 = arith.constant 0 : i32
        %dma_wait3A_2412 = arith.constant 0 : i32
        %dma_wait3A_2413 = arith.constant 0 : i32
        %dma_wait3A_2414 = tpu.memref_slice %arg10[%dma_wait3A_2411, %dma_wait3A_2413] : memref<16x4992xf32, #tpu.memory_space<vmem>> -> memref<1x128xf32, #tpu.memory_space<vmem>>
        %dma_wait3A_2415 = tpu.memref_squeeze %dma_wait3A_2414 : memref<1x128xf32, #tpu.memory_space<vmem>> -> memref<128xf32, #tpu.memory_space<vmem>>
        %dma_wait3A_2416 = arith.constant 0 : i32
        %dma_wait3A_2417 = tpu.memref_slice %arg16[%dma_wait3A_2412, %dma_wait3A_2416] : memref<16x80xf32, #tpu.memory_space<vmem_shared>> -> memref<1x80xf32, #tpu.memory_space<vmem_shared>>
        %dma_wait3A_2418 = tpu.memref_squeeze %dma_wait3A_2417 : memref<1x80xf32, #tpu.memory_space<vmem_shared>> -> memref<80xf32, #tpu.memory_space<vmem_shared>>
        %dma_wait3A_2419 = arith.constant 0 : i32
        %dma_wait3A_2420 = tpu.memref_slice %arg16[%dma_wait3A_2412, %dma_wait3A_2419] : memref<16x80xf32, #tpu.memory_space<vmem_shared>> -> memref<1x80xf32, #tpu.memory_space<vmem_shared>>
        %dma_wait3A_2421 = tpu.memref_squeeze %dma_wait3A_2420 : memref<1x80xf32, #tpu.memory_space<vmem_shared>> -> memref<80xf32, #tpu.memory_space<vmem_shared>>
        %dma_wait3A_2422 = arith.constant 0 : i32
        %dma_wait3A_2423 = tpu.memref_slice %arg10[%dma_wait3A_2411, %dma_wait3A_2422] : memref<16x4992xf32, #tpu.memory_space<vmem>> -> memref<1x128xf32, #tpu.memory_space<vmem>>
        %dma_wait3A_2424 = tpu.memref_squeeze %dma_wait3A_2423 : memref<1x128xf32, #tpu.memory_space<vmem>> -> memref<128xf32, #tpu.memory_space<vmem>>
        tpu.wait_dma2 semaphore(%arg18 : memref<!tpu.dma_semaphore, #tpu.memory_space<semaphore_mem>>) src(%dma_wait3A_2424 : memref<128xf32, #tpu.memory_space<vmem>>) dst(%dma_wait3A_2421 : memref<80xf32, #tpu.memory_space<vmem_shared>>)
      } else {
      }
      %mul3A_1857 = arith.constant 128 : i32
      %mul3A_1858 = arith.muli %scan3A_1851, %mul3A_1857 : i32
      %add3A_1859 = arith.constant 0 : i32
      %add3A_1860 = arith.addi %mul3A_1858, %add3A_1859 : i32
      %get3A_1861 = arith.index_cast %add3A_1860 : i32 to index
      %get3A_1862 = tpu.vector_load %arg8[%get3A_1861] {strides = array<i32>} : memref<4992xi32, #tpu.memory_space<vmem>>, vector<16xi32>,
      %gather3A_1863 = tpu.vector_load_idx %arg7[%get3A_1862] : memref<10000xi32, #tpu.memory_space<vmem>>[vector<16xi32>], vector<16xi32>,
      %swap3A_1864 = arith.index_cast %scan3A_1851 : i32 to index
      %swap3A_1865 = arith.constant 0 : index
      %swap3A_1866 = tpu.vector_load %arg12[%swap3A_1864, %swap3A_1865] {strides = array<i32>} : memref<39x128xi32, #tpu.memory_space<vmem>>, vector<16xi32>,
      tpu.vector_store %arg12[%swap3A_1864, %swap3A_1865], %gather3A_1863 {strides = array<i32>} : memref<39x128xi32, #tpu.memory_space<vmem>>, vector<16xi32>,
      %broadcast_in_dim3A_1867 = arith.constant true
      %broadcast_in_dim3A_1868 = vector.broadcast %broadcast_in_dim3A_1867 : i1 to vector<16xi1>
      %unique3A_1869, %unique3A_1870 = tpu.scan_count mask(%broadcast_in_dim3A_1868 : vector<16xi1>) value(%gather3A_1863 : vector<16xi32>) : vector<16xi1>, vector<16xi32>
      %convert_element_type3A_1871 = arith.sitofp %unique3A_1870 : vector<16xi32> to vector<16xf32>
      tpu.vector_store_idx %arg15[%gather3A_1863], %convert_element_type3A_1871 masked %unique3A_1869 {add = true} : memref<64xf32, #tpu.memory_space<vmem>>[vector<16xi32>], vector<16xf32>, vector<16xi1>
      %mul3A_1872 = arith.constant 128 : i32
      %mul3A_1873 = arith.muli %scan3A_1851, %mul3A_1872 : i32
      %add3A_1874 = arith.constant 16 : i32
      %add3A_1875 = arith.addi %mul3A_1873, %add3A_1874 : i32
      %get3A_1876 = arith.index_cast %add3A_1875 : i32 to index
      %get3A_1877 = tpu.vector_load %arg8[%get3A_1876] {strides = array<i32>} : memref<4992xi32, #tpu.memory_space<vmem>>, vector<16xi32>,
      %gather3A_1878 = tpu.vector_load_idx %arg7[%get3A_1877] : memref<10000xi32, #tpu.memory_space<vmem>>[vector<16xi32>], vector<16xi32>,
      %swap3A_1879 = arith.index_cast %scan3A_1851 : i32 to index
      %swap3A_1880 = arith.constant 16 : index
      %swap3A_1881 = tpu.vector_load %arg12[%swap3A_1879, %swap3A_1880] {strides = array<i32>} : memref<39x128xi32, #tpu.memory_space<vmem>>, vector<16xi32>,
      tpu.vector_store %arg12[%swap3A_1879, %swap3A_1880], %gather3A_1878 {strides = array<i32>} : memref<39x128xi32, #tpu.memory_space<vmem>>, vector<16xi32>,
      %broadcast_in_dim3A_1882 = arith.constant true
      %broadcast_in_dim3A_1883 = vector.broadcast %broadcast_in_dim3A_1882 : i1 to vector<16xi1>
      %unique3A_1884, %unique3A_1885 = tpu.scan_count mask(%broadcast_in_dim3A_1883 : vector<16xi1>) value(%gather3A_1878 : vector<16xi32>) : vector<16xi1>, vector<16xi32>
      %convert_element_type3A_1886 = arith.sitofp %unique3A_1885 : vector<16xi32> to vector<16xf32>
      tpu.vector_store_idx %arg15[%gather3A_1878], %convert_element_type3A_1886 masked %unique3A_1884 {add = true} : memref<64xf32, #tpu.memory_space<vmem>>[vector<16xi32>], vector<16xf32>, vector<16xi1>
      %mul3A_1887 = arith.constant 128 : i32
      %mul3A_1888 = arith.muli %scan3A_1851, %mul3A_1887 : i32
      %add3A_1889 = arith.constant 32 : i32
      %add3A_1890 = arith.addi %mul3A_1888, %add3A_1889 : i32
      %get3A_1891 = arith.index_cast %add3A_1890 : i32 to index
      %get3A_1892 = tpu.vector_load %arg8[%get3A_1891] {strides = array<i32>} : memref<4992xi32, #tpu.memory_space<vmem>>, vector<16xi32>,
      %gather3A_1893 = tpu.vector_load_idx %arg7[%get3A_1892] : memref<10000xi32, #tpu.memory_space<vmem>>[vector<16xi32>], vector<16xi32>,
      %swap3A_1894 = arith.index_cast %scan3A_1851 : i32 to index
      %swap3A_1895 = arith.constant 32 : index
      %swap3A_1896 = tpu.vector_load %arg12[%swap3A_1894, %swap3A_1895] {strides = array<i32>} : memref<39x128xi32, #tpu.memory_space<vmem>>, vector<16xi32>,
      tpu.vector_store %arg12[%swap3A_1894, %swap3A_1895], %gather3A_1893 {strides = array<i32>} : memref<39x128xi32, #tpu.memory_space<vmem>>, vector<16xi32>,
      %broadcast_in_dim3A_1897 = arith.constant true
      %broadcast_in_dim3A_1898 = vector.broadcast %broadcast_in_dim3A_1897 : i1 to vector<16xi1>
      %unique3A_1899, %unique3A_1900 = tpu.scan_count mask(%broadcast_in_dim3A_1898 : vector<16xi1>) value(%gather3A_1893 : vector<16xi32>) : vector<16xi1>, vector<16xi32>
      %convert_element_type3A_1901 = arith.sitofp %unique3A_1900 : vector<16xi32> to vector<16xf32>
      tpu.vector_store_idx %arg15[%gather3A_1893], %convert_element_type3A_1901 masked %unique3A_1899 {add = true} : memref<64xf32, #tpu.memory_space<vmem>>[vector<16xi32>], vector<16xf32>, vector<16xi1>
      %mul3A_1902 = arith.constant 128 : i32
      %mul3A_1903 = arith.muli %scan3A_1851, %mul3A_1902 : i32
      %add3A_1904 = arith.constant 48 : i32
      %add3A_1905 = arith.addi %mul3A_1903, %add3A_1904 : i32
      %get3A_1906 = arith.index_cast %add3A_1905 : i32 to index
      %get3A_1907 = tpu.vector_load %arg8[%get3A_1906] {strides = array<i32>} : memref<4992xi32, #tpu.memory_space<vmem>>, vector<16xi32>,
      %gather3A_1908 = tpu.vector_load_idx %arg7[%get3A_1907] : memref<10000xi32, #tpu.memory_space<vmem>>[vector<16xi32>], vector<16xi32>,
      %swap3A_1909 = arith.index_cast %scan3A_1851 : i32 to index
      %swap3A_1910 = arith.constant 48 : index
      %swap3A_1911 = tpu.vector_load %arg12[%swap3A_1909, %swap3A_1910] {strides = array<i32>} : memref<39x128xi32, #tpu.memory_space<vmem>>, vector<16xi32>,
      tpu.vector_store %arg12[%swap3A_1909, %swap3A_1910], %gather3A_1908 {strides = array<i32>} : memref<39x128xi32, #tpu.memory_space<vmem>>, vector<16xi32>,
      %broadcast_in_dim3A_1912 = arith.constant true
      %broadcast_in_dim3A_1913 = vector.broadcast %broadcast_in_dim3A_1912 : i1 to vector<16xi1>
      %unique3A_1914, %unique3A_1915 = tpu.scan_count mask(%broadcast_in_dim3A_1913 : vector<16xi1>) value(%gather3A_1908 : vector<16xi32>) : vector<16xi1>, vector<16xi32>
      %convert_element_type3A_1916 = arith.sitofp %unique3A_1915 : vector<16xi32> to vector<16xf32>
      tpu.vector_store_idx %arg15[%gather3A_1908], %convert_element_type3A_1916 masked %unique3A_1914 {add = true} : memref<64xf32, #tpu.memory_space<vmem>>[vector<16xi32>], vector<16xf32>, vector<16xi1>
      %mul3A_1917 = arith.constant 128 : i32
      %mul3A_1918 = arith.muli %scan3A_1851, %mul3A_1917 : i32
      %add3A_1919 = arith.constant 64 : i32
      %add3A_1920 = arith.addi %mul3A_1918, %add3A_1919 : i32
      %get3A_1921 = arith.index_cast %add3A_1920 : i32 to index
      %get3A_1922 = tpu.vector_load %arg8[%get3A_1921] {strides = array<i32>} : memref<4992xi32, #tpu.memory_space<vmem>>, vector<16xi32>,
      %gather3A_1923 = tpu.vector_load_idx %arg7[%get3A_1922] : memref<10000xi32, #tpu.memory_space<vmem>>[vector<16xi32>], vector<16xi32>,
      %swap3A_1924 = arith.index_cast %scan3A_1851 : i32 to index
      %swap3A_1925 = arith.constant 64 : index
      %swap3A_1926 = tpu.vector_load %arg12[%swap3A_1924, %swap3A_1925] {strides = array<i32>} : memref<39x128xi32, #tpu.memory_space<vmem>>, vector<16xi32>,
      tpu.vector_store %arg12[%swap3A_1924, %swap3A_1925], %gather3A_1923 {strides = array<i32>} : memref<39x128xi32, #tpu.memory_space<vmem>>, vector<16xi32>,
      %broadcast_in_dim3A_1927 = arith.constant true
      %broadcast_in_dim3A_1928 = vector.broadcast %broadcast_in_dim3A_1927 : i1 to vector<16xi1>
      %unique3A_1929, %unique3A_1930 = tpu.scan_count mask(%broadcast_in_dim3A_1928 : vector<16xi1>) value(%gather3A_1923 : vector<16xi32>) : vector<16xi1>, vector<16xi32>
      %convert_element_type3A_1931 = arith.sitofp %unique3A_1930 : vector<16xi32> to vector<16xf32>
      tpu.vector_store_idx %arg15[%gather3A_1923], %convert_element_type3A_1931 masked %unique3A_1929 {add = true} : memref<64xf32, #tpu.memory_space<vmem>>[vector<16xi32>], vector<16xf32>, vector<16xi1>
      %mul3A_1932 = arith.constant 128 : i32
      %mul3A_1933 = arith.muli %scan3A_1851, %mul3A_1932 : i32
      %add3A_1934 = arith.constant 80 : i32
      %add3A_1935 = arith.addi %mul3A_1933, %add3A_1934 : i32
      %get3A_1936 = arith.index_cast %add3A_1935 : i32 to index
      %get3A_1937 = tpu.vector_load %arg8[%get3A_1936] {strides = array<i32>} : memref<4992xi32, #tpu.memory_space<vmem>>, vector<16xi32>,
      %gather3A_1938 = tpu.vector_load_idx %arg7[%get3A_1937] : memref<10000xi32, #tpu.memory_space<vmem>>[vector<16xi32>], vector<16xi32>,
      %swap3A_1939 = arith.index_cast %scan3A_1851 : i32 to index
      %swap3A_1940 = arith.constant 80 : index
      %swap3A_1941 = tpu.vector_load %arg12[%swap3A_1939, %swap3A_1940] {strides = array<i32>} : memref<39x128xi32, #tpu.memory_space<vmem>>, vector<16xi32>,
      tpu.vector_store %arg12[%swap3A_1939, %swap3A_1940], %gather3A_1938 {strides = array<i32>} : memref<39x128xi32, #tpu.memory_space<vmem>>, vector<16xi32>,
      %broadcast_in_dim3A_1942 = arith.constant true
      %broadcast_in_dim3A_1943 = vector.broadcast %broadcast_in_dim3A_1942 : i1 to vector<16xi1>
      %unique3A_1944, %unique3A_1945 = tpu.scan_count mask(%broadcast_in_dim3A_1943 : vector<16xi1>) value(%gather3A_1938 : vector<16xi32>) : vector<16xi1>, vector<16xi32>
      %convert_element_type3A_1946 = arith.sitofp %unique3A_1945 : vector<16xi32> to vector<16xf32>
      tpu.vector_store_idx %arg15[%gather3A_1938], %convert_element_type3A_1946 masked %unique3A_1944 {add = true} : memref<64xf32, #tpu.memory_space<vmem>>[vector<16xi32>], vector<16xf32>, vector<16xi1>
      %mul3A_1947 = arith.constant 128 : i32
      %mul3A_1948 = arith.muli %scan3A_1851, %mul3A_1947 : i32
      %add3A_1949 = arith.constant 96 : i32
      %add3A_1950 = arith.addi %mul3A_1948, %add3A_1949 : i32
      %get3A_1951 = arith.index_cast %add3A_1950 : i32 to index
      %get3A_1952 = tpu.vector_load %arg8[%get3A_1951] {strides = array<i32>} : memref<4992xi32, #tpu.memory_space<vmem>>, vector<16xi32>,
      %gather3A_1953 = tpu.vector_load_idx %arg7[%get3A_1952] : memref<10000xi32, #tpu.memory_space<vmem>>[vector<16xi32>], vector<16xi32>,
      %swap3A_1954 = arith.index_cast %scan3A_1851 : i32 to index
      %swap3A_1955 = arith.constant 96 : index
      %swap3A_1956 = tpu.vector_load %arg12[%swap3A_1954, %swap3A_1955] {strides = array<i32>} : memref<39x128xi32, #tpu.memory_space<vmem>>, vector<16xi32>,
      tpu.vector_store %arg12[%swap3A_1954, %swap3A_1955], %gather3A_1953 {strides = array<i32>} : memref<39x128xi32, #tpu.memory_space<vmem>>, vector<16xi32>,
      %broadcast_in_dim3A_1957 = arith.constant true
      %broadcast_in_dim3A_1958 = vector.broadcast %broadcast_in_dim3A_1957 : i1 to vector<16xi1>
      %unique3A_1959, %unique3A_1960 = tpu.scan_count mask(%broadcast_in_dim3A_1958 : vector<16xi1>) value(%gather3A_1953 : vector<16xi32>) : vector<16xi1>, vector<16xi32>
      %convert_element_type3A_1961 = arith.sitofp %unique3A_1960 : vector<16xi32> to vector<16xf32>
      tpu.vector_store_idx %arg15[%gather3A_1953], %convert_element_type3A_1961 masked %unique3A_1959 {add = true} : memref<64xf32, #tpu.memory_space<vmem>>[vector<16xi32>], vector<16xf32>, vector<16xi1>
      %mul3A_1962 = arith.constant 128 : i32
      %mul3A_1963 = arith.muli %scan3A_1851, %mul3A_1962 : i32
      %add3A_1964 = arith.constant 112 : i32
      %add3A_1965 = arith.addi %mul3A_1963, %add3A_1964 : i32
      %get3A_1966 = arith.index_cast %add3A_1965 : i32 to index
      %get3A_1967 = tpu.vector_load %arg8[%get3A_1966] {strides = array<i32>} : memref<4992xi32, #tpu.memory_space<vmem>>, vector<16xi32>,
      %gather3A_1968 = tpu.vector_load_idx %arg7[%get3A_1967] : memref<10000xi32, #tpu.memory_space<vmem>>[vector<16xi32>], vector<16xi32>,
      %swap3A_1969 = arith.index_cast %scan3A_1851 : i32 to index
      %swap3A_1970 = arith.constant 112 : index
      %swap3A_1971 = tpu.vector_load %arg12[%swap3A_1969, %swap3A_1970] {strides = array<i32>} : memref<39x128xi32, #tpu.memory_space<vmem>>, vector<16xi32>,
      tpu.vector_store %arg12[%swap3A_1969, %swap3A_1970], %gather3A_1968 {strides = array<i32>} : memref<39x128xi32, #tpu.memory_space<vmem>>, vector<16xi32>,
      %broadcast_in_dim3A_1972 = arith.constant true
      %broadcast_in_dim3A_1973 = vector.broadcast %broadcast_in_dim3A_1972 : i1 to vector<16xi1>
      %unique3A_1974, %unique3A_1975 = tpu.scan_count mask(%broadcast_in_dim3A_1973 : vector<16xi1>) value(%gather3A_1968 : vector<16xi32>) : vector<16xi1>, vector<16xi32>
      %convert_element_type3A_1976 = arith.sitofp %unique3A_1975 : vector<16xi32> to vector<16xf32>
      tpu.vector_store_idx %arg15[%gather3A_1968], %convert_element_type3A_1976 masked %unique3A_1974 {add = true} : memref<64xf32, #tpu.memory_space<vmem>>[vector<16xi32>], vector<16xf32>, vector<16xi1>
      %mul3A_1977 = arith.constant 128 : i32
      %mul3A_1978 = arith.muli %scan3A_1851, %mul3A_1977 : i32
      %dma_start3A_1979 = arith.constant 0 : i32
      %dma_start3A_1980 = arith.constant 0 : i32
      %dma_start3A_1981 = tpu.memref_slice %arg10[%dma_start3A_1979, %mul3A_1978] : memref<16x4992xf32, #tpu.memory_space<vmem>> -> memref<1x128xf32, #tpu.memory_space<vmem>>
      %dma_start3A_1982 = tpu.memref_squeeze %dma_start3A_1981 : memref<1x128xf32, #tpu.memory_space<vmem>> -> memref<128xf32, #tpu.memory_space<vmem>>
      %dma_start3A_1983 = arith.constant 0 : i32
      %dma_start3A_1984 = tpu.memref_slice %arg12[%scan3A_1851, %dma_start3A_1983] : memref<39x128xi32, #tpu.memory_space<vmem>> -> memref<1x128xi32, #tpu.memory_space<vmem>>
      %dma_start3A_1985 = tpu.memref_squeeze %dma_start3A_1984 : memref<1x128xi32, #tpu.memory_space<vmem>> -> memref<128xi32, #tpu.memory_space<vmem>>
      %dma_start3A_1986 = arith.constant 0 : i32
      %dma_start3A_1987 = tpu.memref_slice %arg16[%dma_start3A_1980, %dma_start3A_1986] : memref<16x80xf32, #tpu.memory_space<vmem_shared>> -> memref<1x80xf32, #tpu.memory_space<vmem_shared>>
      %dma_start3A_1988 = tpu.memref_squeeze %dma_start3A_1987 : memref<1x80xf32, #tpu.memory_space<vmem_shared>> -> memref<80xf32, #tpu.memory_space<vmem_shared>>
      %dma_start3A_1989 = arith.constant 0 : i32
      %dma_start3A_1990 = tpu.memref_slice %dma_start3A_1988[%dma_start3A_1989] : memref<80xf32, #tpu.memory_space<vmem_shared>> -> memref<80xf32, #tpu.memory_space<vmem_shared>>
      tpu.enqueue_indirect_dma source(%dma_start3A_1982 : memref<128xf32, #tpu.memory_space<vmem>>) target(%dma_start3A_1990 : memref<80xf32, #tpu.memory_space<vmem_shared>>) offsets(%dma_start3A_1985 : memref<128xi32, #tpu.memory_space<vmem>>) semaphore(%arg18 : memref<!tpu.dma_semaphore, #tpu.memory_space<semaphore_mem>>) {add = true}
      %mul3A_1991 = arith.constant 128 : i32
      %mul3A_1992 = arith.muli %scan3A_1851, %mul3A_1991 : i32
      %dma_start3A_1993 = arith.constant 1 : i32
      %dma_start3A_1994 = arith.constant 1 : i32
      %dma_start3A_1995 = tpu.memref_slice %arg10[%dma_start3A_1993, %mul3A_1992] : memref<16x4992xf32, #tpu.memory_space<vmem>> -> memref<1x128xf32, #tpu.memory_space<vmem>>
      %dma_start3A_1996 = tpu.memref_squeeze %dma_start3A_1995 : memref<1x128xf32, #tpu.memory_space<vmem>> -> memref<128xf32, #tpu.memory_space<vmem>>
      %dma_start3A_1997 = arith.constant 0 : i32
      %dma_start3A_1998 = tpu.memref_slice %arg12[%scan3A_1851, %dma_start3A_1997] : memref<39x128xi32, #tpu.memory_space<vmem>> -> memref<1x128xi32, #tpu.memory_space<vmem>>
      %dma_start3A_1999 = tpu.memref_squeeze %dma_start3A_1998 : memref<1x128xi32, #tpu.memory_space<vmem>> -> memref<128xi32, #tpu.memory_space<vmem>>
      %dma_start3A_2000 = arith.constant 0 : i32
      %dma_start3A_2001 = tpu.memref_slice %arg16[%dma_start3A_1994, %dma_start3A_2000] : memref<16x80xf32, #tpu.memory_space<vmem_shared>> -> memref<1x80xf32, #tpu.memory_space<vmem_shared>>
      %dma_start3A_2002 = tpu.memref_squeeze %dma_start3A_2001 : memref<1x80xf32, #tpu.memory_space<vmem_shared>> -> memref<80xf32, #tpu.memory_space<vmem_shared>>
      %dma_start3A_2003 = arith.constant 0 : i32
      %dma_start3A_2004 = tpu.memref_slice %dma_start3A_2002[%dma_start3A_2003] : memref<80xf32, #tpu.memory_space<vmem_shared>> -> memref<80xf32, #tpu.memory_space<vmem_shared>>
      tpu.enqueue_indirect_dma source(%dma_start3A_1996 : memref<128xf32, #tpu.memory_space<vmem>>) target(%dma_start3A_2004 : memref<80xf32, #tpu.memory_space<vmem_shared>>) offsets(%dma_start3A_1999 : memref<128xi32, #tpu.memory_space<vmem>>) semaphore(%arg18 : memref<!tpu.dma_semaphore, #tpu.memory_space<semaphore_mem>>) {add = true}
      %mul3A_2005 = arith.constant 128 : i32
      %mul3A_2006 = arith.muli %scan3A_1851, %mul3A_2005 : i32
      %dma_start3A_2007 = arith.constant 2 : i32
      %dma_start3A_2008 = arith.constant 2 : i32
      %dma_start3A_2009 = tpu.memref_slice %arg10[%dma_start3A_2007, %mul3A_2006] : memref<16x4992xf32, #tpu.memory_space<vmem>> -> memref<1x128xf32, #tpu.memory_space<vmem>>
      %dma_start3A_2010 = tpu.memref_squeeze %dma_start3A_2009 : memref<1x128xf32, #tpu.memory_space<vmem>> -> memref<128xf32, #tpu.memory_space<vmem>>
      %dma_start3A_2011 = arith.constant 0 : i32
      %dma_start3A_2012 = tpu.memref_slice %arg12[%scan3A_1851, %dma_start3A_2011] : memref<39x128xi32, #tpu.memory_space<vmem>> -> memref<1x128xi32, #tpu.memory_space<vmem>>
      %dma_start3A_2013 = tpu.memref_squeeze %dma_start3A_2012 : memref<1x128xi32, #tpu.memory_space<vmem>> -> memref<128xi32, #tpu.memory_space<vmem>>
      %dma_start3A_2014 = arith.constant 0 : i32
      %dma_start3A_2015 = tpu.memref_slice %arg16[%dma_start3A_2008, %dma_start3A_2014] : memref<16x80xf32, #tpu.memory_space<vmem_shared>> -> memref<1x80xf32, #tpu.memory_space<vmem_shared>>
      %dma_start3A_2016 = tpu.memref_squeeze %dma_start3A_2015 : memref<1x80xf32, #tpu.memory_space<vmem_shared>> -> memref<80xf32, #tpu.memory_space<vmem_shared>>
      %dma_start3A_2017 = arith.constant 0 : i32
      %dma_start3A_2018 = tpu.memref_slice %dma_start3A_2016[%dma_start3A_2017] : memref<80xf32, #tpu.memory_space<vmem_shared>> -> memref<80xf32, #tpu.memory_space<vmem_shared>>
      tpu.enqueue_indirect_dma source(%dma_start3A_2010 : memref<128xf32, #tpu.memory_space<vmem>>) target(%dma_start3A_2018 : memref<80xf32, #tpu.memory_space<vmem_shared>>) offsets(%dma_start3A_2013 : memref<128xi32, #tpu.memory_space<vmem>>) semaphore(%arg18 : memref<!tpu.dma_semaphore, #tpu.memory_space<semaphore_mem>>) {add = true}
      %mul3A_2019 = arith.constant 128 : i32
      %mul3A_2020 = arith.muli %scan3A_1851, %mul3A_2019 : i32
      %dma_start3A_2021 = arith.constant 3 : i32
      %dma_start3A_2022 = arith.constant 3 : i32
      %dma_start3A_2023 = tpu.memref_slice %arg10[%dma_start3A_2021, %mul3A_2020] : memref<16x4992xf32, #tpu.memory_space<vmem>> -> memref<1x128xf32, #tpu.memory_space<vmem>>
      %dma_start3A_2024 = tpu.memref_squeeze %dma_start3A_2023 : memref<1x128xf32, #tpu.memory_space<vmem>> -> memref<128xf32, #tpu.memory_space<vmem>>
      %dma_start3A_2025 = arith.constant 0 : i32
      %dma_start3A_2026 = tpu.memref_slice %arg12[%scan3A_1851, %dma_start3A_2025] : memref<39x128xi32, #tpu.memory_space<vmem>> -> memref<1x128xi32, #tpu.memory_space<vmem>>
      %dma_start3A_2027 = tpu.memref_squeeze %dma_start3A_2026 : memref<1x128xi32, #tpu.memory_space<vmem>> -> memref<128xi32, #tpu.memory_space<vmem>>
      %dma_start3A_2028 = arith.constant 0 : i32
      %dma_start3A_2029 = tpu.memref_slice %arg16[%dma_start3A_2022, %dma_start3A_2028] : memref<16x80xf32, #tpu.memory_space<vmem_shared>> -> memref<1x80xf32, #tpu.memory_space<vmem_shared>>
      %dma_start3A_2030 = tpu.memref_squeeze %dma_start3A_2029 : memref<1x80xf32, #tpu.memory_space<vmem_shared>> -> memref<80xf32, #tpu.memory_space<vmem_shared>>
      %dma_start3A_2031 = arith.constant 0 : i32
      %dma_start3A_2032 = tpu.memref_slice %dma_start3A_2030[%dma_start3A_2031] : memref<80xf32, #tpu.memory_space<vmem_shared>> -> memref<80xf32, #tpu.memory_space<vmem_shared>>
      tpu.enqueue_indirect_dma source(%dma_start3A_2024 : memref<128xf32, #tpu.memory_space<vmem>>) target(%dma_start3A_2032 : memref<80xf32, #tpu.memory_space<vmem_shared>>) offsets(%dma_start3A_2027 : memref<128xi32, #tpu.memory_space<vmem>>) semaphore(%arg18 : memref<!tpu.dma_semaphore, #tpu.memory_space<semaphore_mem>>) {add = true}
      %mul3A_2033 = arith.constant 128 : i32
      %mul3A_2034 = arith.muli %scan3A_1851, %mul3A_2033 : i32
      %dma_start3A_2035 = arith.constant 4 : i32
      %dma_start3A_2036 = arith.constant 4 : i32
      %dma_start3A_2037 = tpu.memref_slice %arg10[%dma_start3A_2035, %mul3A_2034] : memref<16x4992xf32, #tpu.memory_space<vmem>> -> memref<1x128xf32, #tpu.memory_space<vmem>>
      %dma_start3A_2038 = tpu.memref_squeeze %dma_start3A_2037 : memref<1x128xf32, #tpu.memory_space<vmem>> -> memref<128xf32, #tpu.memory_space<vmem>>
      %dma_start3A_2039 = arith.constant 0 : i32
      %dma_start3A_2040 = tpu.memref_slice %arg12[%scan3A_1851, %dma_start3A_2039] : memref<39x128xi32, #tpu.memory_space<vmem>> -> memref<1x128xi32, #tpu.memory_space<vmem>>
      %dma_start3A_2041 = tpu.memref_squeeze %dma_start3A_2040 : memref<1x128xi32, #tpu.memory_space<vmem>> -> memref<128xi32, #tpu.memory_space<vmem>>
      %dma_start3A_2042 = arith.constant 0 : i32
      %dma_start3A_2043 = tpu.memref_slice %arg16[%dma_start3A_2036, %dma_start3A_2042] : memref<16x80xf32, #tpu.memory_space<vmem_shared>> -> memref<1x80xf32, #tpu.memory_space<vmem_shared>>
      %dma_start3A_2044 = tpu.memref_squeeze %dma_start3A_2043 : memref<1x80xf32, #tpu.memory_space<vmem_shared>> -> memref<80xf32, #tpu.memory_space<vmem_shared>>
      %dma_start3A_2045 = arith.constant 0 : i32
      %dma_start3A_2046 = tpu.memref_slice %dma_start3A_2044[%dma_start3A_2045] : memref<80xf32, #tpu.memory_space<vmem_shared>> -> memref<80xf32, #tpu.memory_space<vmem_shared>>
      tpu.enqueue_indirect_dma source(%dma_start3A_2038 : memref<128xf32, #tpu.memory_space<vmem>>) target(%dma_start3A_2046 : memref<80xf32, #tpu.memory_space<vmem_shared>>) offsets(%dma_start3A_2041 : memref<128xi32, #tpu.memory_space<vmem>>) semaphore(%arg18 : memref<!tpu.dma_semaphore, #tpu.memory_space<semaphore_mem>>) {add = true}
      %mul3A_2047 = arith.constant 128 : i32
      %mul3A_2048 = arith.muli %scan3A_1851, %mul3A_2047 : i32
      %dma_start3A_2049 = arith.constant 5 : i32
      %dma_start3A_2050 = arith.constant 5 : i32
      %dma_start3A_2051 = tpu.memref_slice %arg10[%dma_start3A_2049, %mul3A_2048] : memref<16x4992xf32, #tpu.memory_space<vmem>> -> memref<1x128xf32, #tpu.memory_space<vmem>>
      %dma_start3A_2052 = tpu.memref_squeeze %dma_start3A_2051 : memref<1x128xf32, #tpu.memory_space<vmem>> -> memref<128xf32, #tpu.memory_space<vmem>>
      %dma_start3A_2053 = arith.constant 0 : i32
      %dma_start3A_2054 = tpu.memref_slice %arg12[%scan3A_1851, %dma_start3A_2053] : memref<39x128xi32, #tpu.memory_space<vmem>> -> memref<1x128xi32, #tpu.memory_space<vmem>>
      %dma_start3A_2055 = tpu.memref_squeeze %dma_start3A_2054 : memref<1x128xi32, #tpu.memory_space<vmem>> -> memref<128xi32, #tpu.memory_space<vmem>>
      %dma_start3A_2056 = arith.constant 0 : i32
      %dma_start3A_2057 = tpu.memref_slice %arg16[%dma_start3A_2050, %dma_start3A_2056] : memref<16x80xf32, #tpu.memory_space<vmem_shared>> -> memref<1x80xf32, #tpu.memory_space<vmem_shared>>
      %dma_start3A_2058 = tpu.memref_squeeze %dma_start3A_2057 : memref<1x80xf32, #tpu.memory_space<vmem_shared>> -> memref<80xf32, #tpu.memory_space<vmem_shared>>
      %dma_start3A_2059 = arith.constant 0 : i32
      %dma_start3A_2060 = tpu.memref_slice %dma_start3A_2058[%dma_start3A_2059] : memref<80xf32, #tpu.memory_space<vmem_shared>> -> memref<80xf32, #tpu.memory_space<vmem_shared>>
      tpu.enqueue_indirect_dma source(%dma_start3A_2052 : memref<128xf32, #tpu.memory_space<vmem>>) target(%dma_start3A_2060 : memref<80xf32, #tpu.memory_space<vmem_shared>>) offsets(%dma_start3A_2055 : memref<128xi32, #tpu.memory_space<vmem>>) semaphore(%arg18 : memref<!tpu.dma_semaphore, #tpu.memory_space<semaphore_mem>>) {add = true}
      %mul3A_2061 = arith.constant 128 : i32
      %mul3A_2062 = arith.muli %scan3A_1851, %mul3A_2061 : i32
      %dma_start3A_2063 = arith.constant 6 : i32
      %dma_start3A_2064 = arith.constant 6 : i32
      %dma_start3A_2065 = tpu.memref_slice %arg10[%dma_start3A_2063, %mul3A_2062] : memref<16x4992xf32, #tpu.memory_space<vmem>> -> memref<1x128xf32, #tpu.memory_space<vmem>>
      %dma_start3A_2066 = tpu.memref_squeeze %dma_start3A_2065 : memref<1x128xf32, #tpu.memory_space<vmem>> -> memref<128xf32, #tpu.memory_space<vmem>>
      %dma_start3A_2067 = arith.constant 0 : i32
      %dma_start3A_2068 = tpu.memref_slice %arg12[%scan3A_1851, %dma_start3A_2067] : memref<39x128xi32, #tpu.memory_space<vmem>> -> memref<1x128xi32, #tpu.memory_space<vmem>>
      %dma_start3A_2069 = tpu.memref_squeeze %dma_start3A_2068 : memref<1x128xi32, #tpu.memory_space<vmem>> -> memref<128xi32, #tpu.memory_space<vmem>>
      %dma_start3A_2070 = arith.constant 0 : i32
      %dma_start3A_2071 = tpu.memref_slice %arg16[%dma_start3A_2064, %dma_start3A_2070] : memref<16x80xf32, #tpu.memory_space<vmem_shared>> -> memref<1x80xf32, #tpu.memory_space<vmem_shared>>
      %dma_start3A_2072 = tpu.memref_squeeze %dma_start3A_2071 : memref<1x80xf32, #tpu.memory_space<vmem_shared>> -> memref<80xf32, #tpu.memory_space<vmem_shared>>
      %dma_start3A_2073 = arith.constant 0 : i32
      %dma_start3A_2074 = tpu.memref_slice %dma_start3A_2072[%dma_start3A_2073] : memref<80xf32, #tpu.memory_space<vmem_shared>> -> memref<80xf32, #tpu.memory_space<vmem_shared>>
      tpu.enqueue_indirect_dma source(%dma_start3A_2066 : memref<128xf32, #tpu.memory_space<vmem>>) target(%dma_start3A_2074 : memref<80xf32, #tpu.memory_space<vmem_shared>>) offsets(%dma_start3A_2069 : memref<128xi32, #tpu.memory_space<vmem>>) semaphore(%arg18 : memref<!tpu.dma_semaphore, #tpu.memory_space<semaphore_mem>>) {add = true}
      %mul3A_2075 = arith.constant 128 : i32
      %mul3A_2076 = arith.muli %scan3A_1851, %mul3A_2075 : i32
      %dma_start3A_2077 = arith.constant 7 : i32
      %dma_start3A_2078 = arith.constant 7 : i32
      %dma_start3A_2079 = tpu.memref_slice %arg10[%dma_start3A_2077, %mul3A_2076] : memref<16x4992xf32, #tpu.memory_space<vmem>> -> memref<1x128xf32, #tpu.memory_space<vmem>>
      %dma_start3A_2080 = tpu.memref_squeeze %dma_start3A_2079 : memref<1x128xf32, #tpu.memory_space<vmem>> -> memref<128xf32, #tpu.memory_space<vmem>>
      %dma_start3A_2081 = arith.constant 0 : i32
      %dma_start3A_2082 = tpu.memref_slice %arg12[%scan3A_1851, %dma_start3A_2081] : memref<39x128xi32, #tpu.memory_space<vmem>> -> memref<1x128xi32, #tpu.memory_space<vmem>>
      %dma_start3A_2083 = tpu.memref_squeeze %dma_start3A_2082 : memref<1x128xi32, #tpu.memory_space<vmem>> -> memref<128xi32, #tpu.memory_space<vmem>>
      %dma_start3A_2084 = arith.constant 0 : i32
      %dma_start3A_2085 = tpu.memref_slice %arg16[%dma_start3A_2078, %dma_start3A_2084] : memref<16x80xf32, #tpu.memory_space<vmem_shared>> -> memref<1x80xf32, #tpu.memory_space<vmem_shared>>
      %dma_start3A_2086 = tpu.memref_squeeze %dma_start3A_2085 : memref<1x80xf32, #tpu.memory_space<vmem_shared>> -> memref<80xf32, #tpu.memory_space<vmem_shared>>
      %dma_start3A_2087 = arith.constant 0 : i32
      %dma_start3A_2088 = tpu.memref_slice %dma_start3A_2086[%dma_start3A_2087] : memref<80xf32, #tpu.memory_space<vmem_shared>> -> memref<80xf32, #tpu.memory_space<vmem_shared>>
      tpu.enqueue_indirect_dma source(%dma_start3A_2080 : memref<128xf32, #tpu.memory_space<vmem>>) target(%dma_start3A_2088 : memref<80xf32, #tpu.memory_space<vmem_shared>>) offsets(%dma_start3A_2083 : memref<128xi32, #tpu.memory_space<vmem>>) semaphore(%arg18 : memref<!tpu.dma_semaphore, #tpu.memory_space<semaphore_mem>>) {add = true}
      %mul3A_2089 = arith.constant 128 : i32
      %mul3A_2090 = arith.muli %scan3A_1851, %mul3A_2089 : i32
      %dma_start3A_2091 = arith.constant 8 : i32
      %dma_start3A_2092 = arith.constant 8 : i32
      %dma_start3A_2093 = tpu.memref_slice %arg10[%dma_start3A_2091, %mul3A_2090] : memref<16x4992xf32, #tpu.memory_space<vmem>> -> memref<1x128xf32, #tpu.memory_space<vmem>>
      %dma_start3A_2094 = tpu.memref_squeeze %dma_start3A_2093 : memref<1x128xf32, #tpu.memory_space<vmem>> -> memref<128xf32, #tpu.memory_space<vmem>>
      %dma_start3A_2095 = arith.constant 0 : i32
      %dma_start3A_2096 = tpu.memref_slice %arg12[%scan3A_1851, %dma_start3A_2095] : memref<39x128xi32, #tpu.memory_space<vmem>> -> memref<1x128xi32, #tpu.memory_space<vmem>>
      %dma_start3A_2097 = tpu.memref_squeeze %dma_start3A_2096 : memref<1x128xi32, #tpu.memory_space<vmem>> -> memref<128xi32, #tpu.memory_space<vmem>>
      %dma_start3A_2098 = arith.constant 0 : i32
      %dma_start3A_2099 = tpu.memref_slice %arg16[%dma_start3A_2092, %dma_start3A_2098] : memref<16x80xf32, #tpu.memory_space<vmem_shared>> -> memref<1x80xf32, #tpu.memory_space<vmem_shared>>
      %dma_start3A_2100 = tpu.memref_squeeze %dma_start3A_2099 : memref<1x80xf32, #tpu.memory_space<vmem_shared>> -> memref<80xf32, #tpu.memory_space<vmem_shared>>
      %dma_start3A_2101 = arith.constant 0 : i32
      %dma_start3A_2102 = tpu.memref_slice %dma_start3A_2100[%dma_start3A_2101] : memref<80xf32, #tpu.memory_space<vmem_shared>> -> memref<80xf32, #tpu.memory_space<vmem_shared>>
      tpu.enqueue_indirect_dma source(%dma_start3A_2094 : memref<128xf32, #tpu.memory_space<vmem>>) target(%dma_start3A_2102 : memref<80xf32, #tpu.memory_space<vmem_shared>>) offsets(%dma_start3A_2097 : memref<128xi32, #tpu.memory_space<vmem>>) semaphore(%arg18 : memref<!tpu.dma_semaphore, #tpu.memory_space<semaphore_mem>>) {add = true}
      %mul3A_2103 = arith.constant 128 : i32
      %mul3A_2104 = arith.muli %scan3A_1851, %mul3A_2103 : i32
      %dma_start3A_2105 = arith.constant 9 : i32
      %dma_start3A_2106 = arith.constant 9 : i32
      %dma_start3A_2107 = tpu.memref_slice %arg10[%dma_start3A_2105, %mul3A_2104] : memref<16x4992xf32, #tpu.memory_space<vmem>> -> memref<1x128xf32, #tpu.memory_space<vmem>>
      %dma_start3A_2108 = tpu.memref_squeeze %dma_start3A_2107 : memref<1x128xf32, #tpu.memory_space<vmem>> -> memref<128xf32, #tpu.memory_space<vmem>>
      %dma_start3A_2109 = arith.constant 0 : i32
      %dma_start3A_2110 = tpu.memref_slice %arg12[%scan3A_1851, %dma_start3A_2109] : memref<39x128xi32, #tpu.memory_space<vmem>> -> memref<1x128xi32, #tpu.memory_space<vmem>>
      %dma_start3A_2111 = tpu.memref_squeeze %dma_start3A_2110 : memref<1x128xi32, #tpu.memory_space<vmem>> -> memref<128xi32, #tpu.memory_space<vmem>>
      %dma_start3A_2112 = arith.constant 0 : i32
      %dma_start3A_2113 = tpu.memref_slice %arg16[%dma_start3A_2106, %dma_start3A_2112] : memref<16x80xf32, #tpu.memory_space<vmem_shared>> -> memref<1x80xf32, #tpu.memory_space<vmem_shared>>
      %dma_start3A_2114 = tpu.memref_squeeze %dma_start3A_2113 : memref<1x80xf32, #tpu.memory_space<vmem_shared>> -> memref<80xf32, #tpu.memory_space<vmem_shared>>
      %dma_start3A_2115 = arith.constant 0 : i32
      %dma_start3A_2116 = tpu.memref_slice %dma_start3A_2114[%dma_start3A_2115] : memref<80xf32, #tpu.memory_space<vmem_shared>> -> memref<80xf32, #tpu.memory_space<vmem_shared>>
      tpu.enqueue_indirect_dma source(%dma_start3A_2108 : memref<128xf32, #tpu.memory_space<vmem>>) target(%dma_start3A_2116 : memref<80xf32, #tpu.memory_space<vmem_shared>>) offsets(%dma_start3A_2111 : memref<128xi32, #tpu.memory_space<vmem>>) semaphore(%arg18 : memref<!tpu.dma_semaphore, #tpu.memory_space<semaphore_mem>>) {add = true}
      %mul3A_2117 = arith.constant 128 : i32
      %mul3A_2118 = arith.muli %scan3A_1851, %mul3A_2117 : i32
      %dma_start3A_2119 = arith.constant 10 : i32
      %dma_start3A_2120 = arith.constant 10 : i32
      %dma_start3A_2121 = tpu.memref_slice %arg10[%dma_start3A_2119, %mul3A_2118] : memref<16x4992xf32, #tpu.memory_space<vmem>> -> memref<1x128xf32, #tpu.memory_space<vmem>>
      %dma_start3A_2122 = tpu.memref_squeeze %dma_start3A_2121 : memref<1x128xf32, #tpu.memory_space<vmem>> -> memref<128xf32, #tpu.memory_space<vmem>>
      %dma_start3A_2123 = arith.constant 0 : i32
      %dma_start3A_2124 = tpu.memref_slice %arg12[%scan3A_1851, %dma_start3A_2123] : memref<39x128xi32, #tpu.memory_space<vmem>> -> memref<1x128xi32, #tpu.memory_space<vmem>>
      %dma_start3A_2125 = tpu.memref_squeeze %dma_start3A_2124 : memref<1x128xi32, #tpu.memory_space<vmem>> -> memref<128xi32, #tpu.memory_space<vmem>>
      %dma_start3A_2126 = arith.constant 0 : i32
      %dma_start3A_2127 = tpu.memref_slice %arg16[%dma_start3A_2120, %dma_start3A_2126] : memref<16x80xf32, #tpu.memory_space<vmem_shared>> -> memref<1x80xf32, #tpu.memory_space<vmem_shared>>
      %dma_start3A_2128 = tpu.memref_squeeze %dma_start3A_2127 : memref<1x80xf32, #tpu.memory_space<vmem_shared>> -> memref<80xf32, #tpu.memory_space<vmem_shared>>
      %dma_start3A_2129 = arith.constant 0 : i32
      %dma_start3A_2130 = tpu.memref_slice %dma_start3A_2128[%dma_start3A_2129] : memref<80xf32, #tpu.memory_space<vmem_shared>> -> memref<80xf32, #tpu.memory_space<vmem_shared>>
      tpu.enqueue_indirect_dma source(%dma_start3A_2122 : memref<128xf32, #tpu.memory_space<vmem>>) target(%dma_start3A_2130 : memref<80xf32, #tpu.memory_space<vmem_shared>>) offsets(%dma_start3A_2125 : memref<128xi32, #tpu.memory_space<vmem>>) semaphore(%arg18 : memref<!tpu.dma_semaphore, #tpu.memory_space<semaphore_mem>>) {add = true}
      %mul3A_2131 = arith.constant 128 : i32
      %mul3A_2132 = arith.muli %scan3A_1851, %mul3A_2131 : i32
      %dma_start3A_2133 = arith.constant 11 : i32
      %dma_start3A_2134 = arith.constant 11 : i32
      %dma_start3A_2135 = tpu.memref_slice %arg10[%dma_start3A_2133, %mul3A_2132] : memref<16x4992xf32, #tpu.memory_space<vmem>> -> memref<1x128xf32, #tpu.memory_space<vmem>>
      %dma_start3A_2136 = tpu.memref_squeeze %dma_start3A_2135 : memref<1x128xf32, #tpu.memory_space<vmem>> -> memref<128xf32, #tpu.memory_space<vmem>>
      %dma_start3A_2137 = arith.constant 0 : i32
      %dma_start3A_2138 = tpu.memref_slice %arg12[%scan3A_1851, %dma_start3A_2137] : memref<39x128xi32, #tpu.memory_space<vmem>> -> memref<1x128xi32, #tpu.memory_space<vmem>>
      %dma_start3A_2139 = tpu.memref_squeeze %dma_start3A_2138 : memref<1x128xi32, #tpu.memory_space<vmem>> -> memref<128xi32, #tpu.memory_space<vmem>>
      %dma_start3A_2140 = arith.constant 0 : i32
      %dma_start3A_2141 = tpu.memref_slice %arg16[%dma_start3A_2134, %dma_start3A_2140] : memref<16x80xf32, #tpu.memory_space<vmem_shared>> -> memref<1x80xf32, #tpu.memory_space<vmem_shared>>
      %dma_start3A_2142 = tpu.memref_squeeze %dma_start3A_2141 : memref<1x80xf32, #tpu.memory_space<vmem_shared>> -> memref<80xf32, #tpu.memory_space<vmem_shared>>
      %dma_start3A_2143 = arith.constant 0 : i32
      %dma_start3A_2144 = tpu.memref_slice %dma_start3A_2142[%dma_start3A_2143] : memref<80xf32, #tpu.memory_space<vmem_shared>> -> memref<80xf32, #tpu.memory_space<vmem_shared>>
      tpu.enqueue_indirect_dma source(%dma_start3A_2136 : memref<128xf32, #tpu.memory_space<vmem>>) target(%dma_start3A_2144 : memref<80xf32, #tpu.memory_space<vmem_shared>>) offsets(%dma_start3A_2139 : memref<128xi32, #tpu.memory_space<vmem>>) semaphore(%arg18 : memref<!tpu.dma_semaphore, #tpu.memory_space<semaphore_mem>>) {add = true}
      %mul3A_2145 = arith.constant 128 : i32
      %mul3A_2146 = arith.muli %scan3A_1851, %mul3A_2145 : i32
      %dma_start3A_2147 = arith.constant 12 : i32
      %dma_start3A_2148 = arith.constant 12 : i32
      %dma_start3A_2149 = tpu.memref_slice %arg10[%dma_start3A_2147, %mul3A_2146] : memref<16x4992xf32, #tpu.memory_space<vmem>> -> memref<1x128xf32, #tpu.memory_space<vmem>>
      %dma_start3A_2150 = tpu.memref_squeeze %dma_start3A_2149 : memref<1x128xf32, #tpu.memory_space<vmem>> -> memref<128xf32, #tpu.memory_space<vmem>>
      %dma_start3A_2151 = arith.constant 0 : i32
      %dma_start3A_2152 = tpu.memref_slice %arg12[%scan3A_1851, %dma_start3A_2151] : memref<39x128xi32, #tpu.memory_space<vmem>> -> memref<1x128xi32, #tpu.memory_space<vmem>>
      %dma_start3A_2153 = tpu.memref_squeeze %dma_start3A_2152 : memref<1x128xi32, #tpu.memory_space<vmem>> -> memref<128xi32, #tpu.memory_space<vmem>>
      %dma_start3A_2154 = arith.constant 0 : i32
      %dma_start3A_2155 = tpu.memref_slice %arg16[%dma_start3A_2148, %dma_start3A_2154] : memref<16x80xf32, #tpu.memory_space<vmem_shared>> -> memref<1x80xf32, #tpu.memory_space<vmem_shared>>
      %dma_start3A_2156 = tpu.memref_squeeze %dma_start3A_2155 : memref<1x80xf32, #tpu.memory_space<vmem_shared>> -> memref<80xf32, #tpu.memory_space<vmem_shared>>
      %dma_start3A_2157 = arith.constant 0 : i32
      %dma_start3A_2158 = tpu.memref_slice %dma_start3A_2156[%dma_start3A_2157] : memref<80xf32, #tpu.memory_space<vmem_shared>> -> memref<80xf32, #tpu.memory_space<vmem_shared>>
      tpu.enqueue_indirect_dma source(%dma_start3A_2150 : memref<128xf32, #tpu.memory_space<vmem>>) target(%dma_start3A_2158 : memref<80xf32, #tpu.memory_space<vmem_shared>>) offsets(%dma_start3A_2153 : memref<128xi32, #tpu.memory_space<vmem>>) semaphore(%arg18 : memref<!tpu.dma_semaphore, #tpu.memory_space<semaphore_mem>>) {add = true}
      %mul3A_2159 = arith.constant 128 : i32
      %mul3A_2160 = arith.muli %scan3A_1851, %mul3A_2159 : i32
      %dma_start3A_2161 = arith.constant 13 : i32
      %dma_start3A_2162 = arith.constant 13 : i32
      %dma_start3A_2163 = tpu.memref_slice %arg10[%dma_start3A_2161, %mul3A_2160] : memref<16x4992xf32, #tpu.memory_space<vmem>> -> memref<1x128xf32, #tpu.memory_space<vmem>>
      %dma_start3A_2164 = tpu.memref_squeeze %dma_start3A_2163 : memref<1x128xf32, #tpu.memory_space<vmem>> -> memref<128xf32, #tpu.memory_space<vmem>>
      %dma_start3A_2165 = arith.constant 0 : i32
      %dma_start3A_2166 = tpu.memref_slice %arg12[%scan3A_1851, %dma_start3A_2165] : memref<39x128xi32, #tpu.memory_space<vmem>> -> memref<1x128xi32, #tpu.memory_space<vmem>>
      %dma_start3A_2167 = tpu.memref_squeeze %dma_start3A_2166 : memref<1x128xi32, #tpu.memory_space<vmem>> -> memref<128xi32, #tpu.memory_space<vmem>>
      %dma_start3A_2168 = arith.constant 0 : i32
      %dma_start3A_2169 = tpu.memref_slice %arg16[%dma_start3A_2162, %dma_start3A_2168] : memref<16x80xf32, #tpu.memory_space<vmem_shared>> -> memref<1x80xf32, #tpu.memory_space<vmem_shared>>
      %dma_start3A_2170 = tpu.memref_squeeze %dma_start3A_2169 : memref<1x80xf32, #tpu.memory_space<vmem_shared>> -> memref<80xf32, #tpu.memory_space<vmem_shared>>
      %dma_start3A_2171 = arith.constant 0 : i32
      %dma_start3A_2172 = tpu.memref_slice %dma_start3A_2170[%dma_start3A_2171] : memref<80xf32, #tpu.memory_space<vmem_shared>> -> memref<80xf32, #tpu.memory_space<vmem_shared>>
      tpu.enqueue_indirect_dma source(%dma_start3A_2164 : memref<128xf32, #tpu.memory_space<vmem>>) target(%dma_start3A_2172 : memref<80xf32, #tpu.memory_space<vmem_shared>>) offsets(%dma_start3A_2167 : memref<128xi32, #tpu.memory_space<vmem>>) semaphore(%arg18 : memref<!tpu.dma_semaphore, #tpu.memory_space<semaphore_mem>>) {add = true}
      %mul3A_2173 = arith.constant 128 : i32
      %mul3A_2174 = arith.muli %scan3A_1851, %mul3A_2173 : i32
      %dma_start3A_2175 = arith.constant 14 : i32
      %dma_start3A_2176 = arith.constant 14 : i32
      %dma_start3A_2177 = tpu.memref_slice %arg10[%dma_start3A_2175, %mul3A_2174] : memref<16x4992xf32, #tpu.memory_space<vmem>> -> memref<1x128xf32, #tpu.memory_space<vmem>>
      %dma_start3A_2178 = tpu.memref_squeeze %dma_start3A_2177 : memref<1x128xf32, #tpu.memory_space<vmem>> -> memref<128xf32, #tpu.memory_space<vmem>>
      %dma_start3A_2179 = arith.constant 0 : i32
      %dma_start3A_2180 = tpu.memref_slice %arg12[%scan3A_1851, %dma_start3A_2179] : memref<39x128xi32, #tpu.memory_space<vmem>> -> memref<1x128xi32, #tpu.memory_space<vmem>>
      %dma_start3A_2181 = tpu.memref_squeeze %dma_start3A_2180 : memref<1x128xi32, #tpu.memory_space<vmem>> -> memref<128xi32, #tpu.memory_space<vmem>>
      %dma_start3A_2182 = arith.constant 0 : i32
      %dma_start3A_2183 = tpu.memref_slice %arg16[%dma_start3A_2176, %dma_start3A_2182] : memref<16x80xf32, #tpu.memory_space<vmem_shared>> -> memref<1x80xf32, #tpu.memory_space<vmem_shared>>
      %dma_start3A_2184 = tpu.memref_squeeze %dma_start3A_2183 : memref<1x80xf32, #tpu.memory_space<vmem_shared>> -> memref<80xf32, #tpu.memory_space<vmem_shared>>
      %dma_start3A_2185 = arith.constant 0 : i32
      %dma_start3A_2186 = tpu.memref_slice %dma_start3A_2184[%dma_start3A_2185] : memref<80xf32, #tpu.memory_space<vmem_shared>> -> memref<80xf32, #tpu.memory_space<vmem_shared>>
      tpu.enqueue_indirect_dma source(%dma_start3A_2178 : memref<128xf32, #tpu.memory_space<vmem>>) target(%dma_start3A_2186 : memref<80xf32, #tpu.memory_space<vmem_shared>>) offsets(%dma_start3A_2181 : memref<128xi32, #tpu.memory_space<vmem>>) semaphore(%arg18 : memref<!tpu.dma_semaphore, #tpu.memory_space<semaphore_mem>>) {add = true}
      %mul3A_2187 = arith.constant 128 : i32
      %mul3A_2188 = arith.muli %scan3A_1851, %mul3A_2187 : i32
      %dma_start3A_2189 = arith.constant 15 : i32
      %dma_start3A_2190 = arith.constant 15 : i32
      %dma_start3A_2191 = tpu.memref_slice %arg10[%dma_start3A_2189, %mul3A_2188] : memref<16x4992xf32, #tpu.memory_space<vmem>> -> memref<1x128xf32, #tpu.memory_space<vmem>>
      %dma_start3A_2192 = tpu.memref_squeeze %dma_start3A_2191 : memref<1x128xf32, #tpu.memory_space<vmem>> -> memref<128xf32, #tpu.memory_space<vmem>>
      %dma_start3A_2193 = arith.constant 0 : i32
      %dma_start3A_2194 = tpu.memref_slice %arg12[%scan3A_1851, %dma_start3A_2193] : memref<39x128xi32, #tpu.memory_space<vmem>> -> memref<1x128xi32, #tpu.memory_space<vmem>>
      %dma_start3A_2195 = tpu.memref_squeeze %dma_start3A_2194 : memref<1x128xi32, #tpu.memory_space<vmem>> -> memref<128xi32, #tpu.memory_space<vmem>>
      %dma_start3A_2196 = arith.constant 0 : i32
      %dma_start3A_2197 = tpu.memref_slice %arg16[%dma_start3A_2190, %dma_start3A_2196] : memref<16x80xf32, #tpu.memory_space<vmem_shared>> -> memref<1x80xf32, #tpu.memory_space<vmem_shared>>
      %dma_start3A_2198 = tpu.memref_squeeze %dma_start3A_2197 : memref<1x80xf32, #tpu.memory_space<vmem_shared>> -> memref<80xf32, #tpu.memory_space<vmem_shared>>
      %dma_start3A_2199 = arith.constant 0 : i32
      %dma_start3A_2200 = tpu.memref_slice %dma_start3A_2198[%dma_start3A_2199] : memref<80xf32, #tpu.memory_space<vmem_shared>> -> memref<80xf32, #tpu.memory_space<vmem_shared>>
      tpu.enqueue_indirect_dma source(%dma_start3A_2192 : memref<128xf32, #tpu.memory_space<vmem>>) target(%dma_start3A_2200 : memref<80xf32, #tpu.memory_space<vmem_shared>>) offsets(%dma_start3A_2195 : memref<128xi32, #tpu.memory_space<vmem>>) semaphore(%arg18 : memref<!tpu.dma_semaphore, #tpu.memory_space<semaphore_mem>>) {add = true}
    }
    %scan3A_938 = arith.constant 39 : i32
    %ge3A = arith.constant 8 : i32
    %ge3A_939 = vector.broadcast %ge3A : i32 to vector<16xi32>
    %ge3A_940 = arith.cmpi sge, %iota3A, %ge3A_939 : vector<16xi32>
    %get3A = arith.constant 0 : index
    %get3A_941 = tpu.vector_load %arg9[%get3A] {strides = array<i32>} : memref<16xi32, #tpu.memory_space<vmem>>, vector<16xi32>,
    %gather3A = tpu.vector_load_idx %arg7[%get3A_941] : memref<10000xi32, #tpu.memory_space<vmem>>[vector<16xi32>], vector<16xi32>,
    %unique3A, %unique3A_942 = tpu.scan_count mask(%ge3A_940 : vector<16xi1>) value(%gather3A : vector<16xi32>) : vector<16xi1>, vector<16xi32>
    %convert_element_type3A_943 = arith.sitofp %unique3A_942 : vector<16xi32> to vector<16xf32>
    tpu.vector_store_idx %arg15[%gather3A], %convert_element_type3A_943 masked %unique3A {add = true} : memref<64xf32, #tpu.memory_space<vmem>>[vector<16xi32>], vector<16xf32>, vector<16xi1>
    %jit3A = arith.constant 64 : i32
    %broadcast_in_dim3A_944 = vector.broadcast %jit3A : i32 to vector<16xi32>
    %select_n3A = arith.select %ge3A_940, %gather3A, %broadcast_in_dim3A_944 : vector<16xi1>, vector<16xi32>
    %swap3A_945 = arith.constant 0 : i32
    %swap3A_946 = arith.index_cast %swap3A_945 : i32 to index
    %swap3A_947 = arith.constant 0 : index
    %swap3A_948 = tpu.vector_load %arg13[%swap3A_946, %swap3A_947] {strides = array<i32>} : memref<1x16xi32, #tpu.memory_space<vmem>>, vector<16xi32>,
    tpu.vector_store %arg13[%swap3A_946, %swap3A_947], %select_n3A {strides = array<i32>} : memref<1x16xi32, #tpu.memory_space<vmem>>, vector<16xi32>,
    %dma_start3A_949 = arith.constant 0 : i32
    %dma_start3A_950 = arith.constant 0 : i32
    %dma_start3A_951 = arith.constant 0 : i32
    %dma_start3A_952 = arith.constant 0 : i32
    %dma_start3A_953 = tpu.memref_slice %arg11[%dma_start3A_949, %dma_start3A_952] : memref<16x16xf32, #tpu.memory_space<vmem>> -> memref<1x16xf32, #tpu.memory_space<vmem>>
    %dma_start3A_954 = tpu.memref_squeeze %dma_start3A_953 : memref<1x16xf32, #tpu.memory_space<vmem>> -> memref<16xf32, #tpu.memory_space<vmem>>
    %dma_start3A_955 = arith.constant 0 : i32
    %dma_start3A_956 = tpu.memref_slice %arg13[%dma_start3A_951, %dma_start3A_955] : memref<1x16xi32, #tpu.memory_space<vmem>> -> memref<1x16xi32, #tpu.memory_space<vmem>>
    %dma_start3A_957 = tpu.memref_squeeze %dma_start3A_956 : memref<1x16xi32, #tpu.memory_space<vmem>> -> memref<16xi32, #tpu.memory_space<vmem>>
    %dma_start3A_958 = arith.constant 0 : i32
    %dma_start3A_959 = tpu.memref_slice %arg16[%dma_start3A_950, %dma_start3A_958] : memref<16x80xf32, #tpu.memory_space<vmem_shared>> -> memref<1x80xf32, #tpu.memory_space<vmem_shared>>
    %dma_start3A_960 = tpu.memref_squeeze %dma_start3A_959 : memref<1x80xf32, #tpu.memory_space<vmem_shared>> -> memref<80xf32, #tpu.memory_space<vmem_shared>>
    %dma_start3A_961 = arith.constant 0 : i32
    %dma_start3A_962 = tpu.memref_slice %dma_start3A_960[%dma_start3A_961] : memref<80xf32, #tpu.memory_space<vmem_shared>> -> memref<80xf32, #tpu.memory_space<vmem_shared>>
    tpu.enqueue_indirect_dma source(%dma_start3A_954 : memref<16xf32, #tpu.memory_space<vmem>>) target(%dma_start3A_962 : memref<80xf32, #tpu.memory_space<vmem_shared>>) offsets(%dma_start3A_957 : memref<16xi32, #tpu.memory_space<vmem>>) semaphore(%arg18 : memref<!tpu.dma_semaphore, #tpu.memory_space<semaphore_mem>>) {add = true}
    %dma_start3A_963 = arith.constant 1 : i32
    %dma_start3A_964 = arith.constant 1 : i32
    %dma_start3A_965 = arith.constant 0 : i32
    %dma_start3A_966 = arith.constant 0 : i32
    %dma_start3A_967 = tpu.memref_slice %arg11[%dma_start3A_963, %dma_start3A_966] : memref<16x16xf32, #tpu.memory_space<vmem>> -> memref<1x16xf32, #tpu.memory_space<vmem>>
    %dma_start3A_968 = tpu.memref_squeeze %dma_start3A_967 : memref<1x16xf32, #tpu.memory_space<vmem>> -> memref<16xf32, #tpu.memory_space<vmem>>
    %dma_start3A_969 = arith.constant 0 : i32
    %dma_start3A_970 = tpu.memref_slice %arg13[%dma_start3A_965, %dma_start3A_969] : memref<1x16xi32, #tpu.memory_space<vmem>> -> memref<1x16xi32, #tpu.memory_space<vmem>>
    %dma_start3A_971 = tpu.memref_squeeze %dma_start3A_970 : memref<1x16xi32, #tpu.memory_space<vmem>> -> memref<16xi32, #tpu.memory_space<vmem>>
    %dma_start3A_972 = arith.constant 0 : i32
    %dma_start3A_973 = tpu.memref_slice %arg16[%dma_start3A_964, %dma_start3A_972] : memref<16x80xf32, #tpu.memory_space<vmem_shared>> -> memref<1x80xf32, #tpu.memory_space<vmem_shared>>
    %dma_start3A_974 = tpu.memref_squeeze %dma_start3A_973 : memref<1x80xf32, #tpu.memory_space<vmem_shared>> -> memref<80xf32, #tpu.memory_space<vmem_shared>>
    %dma_start3A_975 = arith.constant 0 : i32
    %dma_start3A_976 = tpu.memref_slice %dma_start3A_974[%dma_start3A_975] : memref<80xf32, #tpu.memory_space<vmem_shared>> -> memref<80xf32, #tpu.memory_space<vmem_shared>>
    tpu.enqueue_indirect_dma source(%dma_start3A_968 : memref<16xf32, #tpu.memory_space<vmem>>) target(%dma_start3A_976 : memref<80xf32, #tpu.memory_space<vmem_shared>>) offsets(%dma_start3A_971 : memref<16xi32, #tpu.memory_space<vmem>>) semaphore(%arg18 : memref<!tpu.dma_semaphore, #tpu.memory_space<semaphore_mem>>) {add = true}
    %dma_start3A_977 = arith.constant 2 : i32
    %dma_start3A_978 = arith.constant 2 : i32
    %dma_start3A_979 = arith.constant 0 : i32
    %dma_start3A_980 = arith.constant 0 : i32
    %dma_start3A_981 = tpu.memref_slice %arg11[%dma_start3A_977, %dma_start3A_980] : memref<16x16xf32, #tpu.memory_space<vmem>> -> memref<1x16xf32, #tpu.memory_space<vmem>>
    %dma_start3A_982 = tpu.memref_squeeze %dma_start3A_981 : memref<1x16xf32, #tpu.memory_space<vmem>> -> memref<16xf32, #tpu.memory_space<vmem>>
    %dma_start3A_983 = arith.constant 0 : i32
    %dma_start3A_984 = tpu.memref_slice %arg13[%dma_start3A_979, %dma_start3A_983] : memref<1x16xi32, #tpu.memory_space<vmem>> -> memref<1x16xi32, #tpu.memory_space<vmem>>
    %dma_start3A_985 = tpu.memref_squeeze %dma_start3A_984 : memref<1x16xi32, #tpu.memory_space<vmem>> -> memref<16xi32, #tpu.memory_space<vmem>>
    %dma_start3A_986 = arith.constant 0 : i32
    %dma_start3A_987 = tpu.memref_slice %arg16[%dma_start3A_978, %dma_start3A_986] : memref<16x80xf32, #tpu.memory_space<vmem_shared>> -> memref<1x80xf32, #tpu.memory_space<vmem_shared>>
    %dma_start3A_988 = tpu.memref_squeeze %dma_start3A_987 : memref<1x80xf32, #tpu.memory_space<vmem_shared>> -> memref<80xf32, #tpu.memory_space<vmem_shared>>
    %dma_start3A_989 = arith.constant 0 : i32
    %dma_start3A_990 = tpu.memref_slice %dma_start3A_988[%dma_start3A_989] : memref<80xf32, #tpu.memory_space<vmem_shared>> -> memref<80xf32, #tpu.memory_space<vmem_shared>>
    tpu.enqueue_indirect_dma source(%dma_start3A_982 : memref<16xf32, #tpu.memory_space<vmem>>) target(%dma_start3A_990 : memref<80xf32, #tpu.memory_space<vmem_shared>>) offsets(%dma_start3A_985 : memref<16xi32, #tpu.memory_space<vmem>>) semaphore(%arg18 : memref<!tpu.dma_semaphore, #tpu.memory_space<semaphore_mem>>) {add = true}
    %dma_start3A_991 = arith.constant 3 : i32
    %dma_start3A_992 = arith.constant 3 : i32
    %dma_start3A_993 = arith.constant 0 : i32
    %dma_start3A_994 = arith.constant 0 : i32
    %dma_start3A_995 = tpu.memref_slice %arg11[%dma_start3A_991, %dma_start3A_994] : memref<16x16xf32, #tpu.memory_space<vmem>> -> memref<1x16xf32, #tpu.memory_space<vmem>>
    %dma_start3A_996 = tpu.memref_squeeze %dma_start3A_995 : memref<1x16xf32, #tpu.memory_space<vmem>> -> memref<16xf32, #tpu.memory_space<vmem>>
    %dma_start3A_997 = arith.constant 0 : i32
    %dma_start3A_998 = tpu.memref_slice %arg13[%dma_start3A_993, %dma_start3A_997] : memref<1x16xi32, #tpu.memory_space<vmem>> -> memref<1x16xi32, #tpu.memory_space<vmem>>
    %dma_start3A_999 = tpu.memref_squeeze %dma_start3A_998 : memref<1x16xi32, #tpu.memory_space<vmem>> -> memref<16xi32, #tpu.memory_space<vmem>>
    %dma_start3A_1000 = arith.constant 0 : i32
    %dma_start3A_1001 = tpu.memref_slice %arg16[%dma_start3A_992, %dma_start3A_1000] : memref<16x80xf32, #tpu.memory_space<vmem_shared>> -> memref<1x80xf32, #tpu.memory_space<vmem_shared>>
    %dma_start3A_1002 = tpu.memref_squeeze %dma_start3A_1001 : memref<1x80xf32, #tpu.memory_space<vmem_shared>> -> memref<80xf32, #tpu.memory_space<vmem_shared>>
    %dma_start3A_1003 = arith.constant 0 : i32
    %dma_start3A_1004 = tpu.memref_slice %dma_start3A_1002[%dma_start3A_1003] : memref<80xf32, #tpu.memory_space<vmem_shared>> -> memref<80xf32, #tpu.memory_space<vmem_shared>>
    tpu.enqueue_indirect_dma source(%dma_start3A_996 : memref<16xf32, #tpu.memory_space<vmem>>) target(%dma_start3A_1004 : memref<80xf32, #tpu.memory_space<vmem_shared>>) offsets(%dma_start3A_999 : memref<16xi32, #tpu.memory_space<vmem>>) semaphore(%arg18 : memref<!tpu.dma_semaphore, #tpu.memory_space<semaphore_mem>>) {add = true}
    %dma_start3A_1005 = arith.constant 4 : i32
    %dma_start3A_1006 = arith.constant 4 : i32
    %dma_start3A_1007 = arith.constant 0 : i32
    %dma_start3A_1008 = arith.constant 0 : i32
    %dma_start3A_1009 = tpu.memref_slice %arg11[%dma_start3A_1005, %dma_start3A_1008] : memref<16x16xf32, #tpu.memory_space<vmem>> -> memref<1x16xf32, #tpu.memory_space<vmem>>
    %dma_start3A_1010 = tpu.memref_squeeze %dma_start3A_1009 : memref<1x16xf32, #tpu.memory_space<vmem>> -> memref<16xf32, #tpu.memory_space<vmem>>
    %dma_start3A_1011 = arith.constant 0 : i32
    %dma_start3A_1012 = tpu.memref_slice %arg13[%dma_start3A_1007, %dma_start3A_1011] : memref<1x16xi32, #tpu.memory_space<vmem>> -> memref<1x16xi32, #tpu.memory_space<vmem>>
    %dma_start3A_1013 = tpu.memref_squeeze %dma_start3A_1012 : memref<1x16xi32, #tpu.memory_space<vmem>> -> memref<16xi32, #tpu.memory_space<vmem>>
    %dma_start3A_1014 = arith.constant 0 : i32
    %dma_start3A_1015 = tpu.memref_slice %arg16[%dma_start3A_1006, %dma_start3A_1014] : memref<16x80xf32, #tpu.memory_space<vmem_shared>> -> memref<1x80xf32, #tpu.memory_space<vmem_shared>>
    %dma_start3A_1016 = tpu.memref_squeeze %dma_start3A_1015 : memref<1x80xf32, #tpu.memory_space<vmem_shared>> -> memref<80xf32, #tpu.memory_space<vmem_shared>>
    %dma_start3A_1017 = arith.constant 0 : i32
    %dma_start3A_1018 = tpu.memref_slice %dma_start3A_1016[%dma_start3A_1017] : memref<80xf32, #tpu.memory_space<vmem_shared>> -> memref<80xf32, #tpu.memory_space<vmem_shared>>
    tpu.enqueue_indirect_dma source(%dma_start3A_1010 : memref<16xf32, #tpu.memory_space<vmem>>) target(%dma_start3A_1018 : memref<80xf32, #tpu.memory_space<vmem_shared>>) offsets(%dma_start3A_1013 : memref<16xi32, #tpu.memory_space<vmem>>) semaphore(%arg18 : memref<!tpu.dma_semaphore, #tpu.memory_space<semaphore_mem>>) {add = true}
    %dma_start3A_1019 = arith.constant 5 : i32
    %dma_start3A_1020 = arith.constant 5 : i32
    %dma_start3A_1021 = arith.constant 0 : i32
    %dma_start3A_1022 = arith.constant 0 : i32
    %dma_start3A_1023 = tpu.memref_slice %arg11[%dma_start3A_1019, %dma_start3A_1022] : memref<16x16xf32, #tpu.memory_space<vmem>> -> memref<1x16xf32, #tpu.memory_space<vmem>>
    %dma_start3A_1024 = tpu.memref_squeeze %dma_start3A_1023 : memref<1x16xf32, #tpu.memory_space<vmem>> -> memref<16xf32, #tpu.memory_space<vmem>>
    %dma_start3A_1025 = arith.constant 0 : i32
    %dma_start3A_1026 = tpu.memref_slice %arg13[%dma_start3A_1021, %dma_start3A_1025] : memref<1x16xi32, #tpu.memory_space<vmem>> -> memref<1x16xi32, #tpu.memory_space<vmem>>
    %dma_start3A_1027 = tpu.memref_squeeze %dma_start3A_1026 : memref<1x16xi32, #tpu.memory_space<vmem>> -> memref<16xi32, #tpu.memory_space<vmem>>
    %dma_start3A_1028 = arith.constant 0 : i32
    %dma_start3A_1029 = tpu.memref_slice %arg16[%dma_start3A_1020, %dma_start3A_1028] : memref<16x80xf32, #tpu.memory_space<vmem_shared>> -> memref<1x80xf32, #tpu.memory_space<vmem_shared>>
    %dma_start3A_1030 = tpu.memref_squeeze %dma_start3A_1029 : memref<1x80xf32, #tpu.memory_space<vmem_shared>> -> memref<80xf32, #tpu.memory_space<vmem_shared>>
    %dma_start3A_1031 = arith.constant 0 : i32
    %dma_start3A_1032 = tpu.memref_slice %dma_start3A_1030[%dma_start3A_1031] : memref<80xf32, #tpu.memory_space<vmem_shared>> -> memref<80xf32, #tpu.memory_space<vmem_shared>>
    tpu.enqueue_indirect_dma source(%dma_start3A_1024 : memref<16xf32, #tpu.memory_space<vmem>>) target(%dma_start3A_1032 : memref<80xf32, #tpu.memory_space<vmem_shared>>) offsets(%dma_start3A_1027 : memref<16xi32, #tpu.memory_space<vmem>>) semaphore(%arg18 : memref<!tpu.dma_semaphore, #tpu.memory_space<semaphore_mem>>) {add = true}
    %dma_start3A_1033 = arith.constant 6 : i32
    %dma_start3A_1034 = arith.constant 6 : i32
    %dma_start3A_1035 = arith.constant 0 : i32
    %dma_start3A_1036 = arith.constant 0 : i32
    %dma_start3A_1037 = tpu.memref_slice %arg11[%dma_start3A_1033, %dma_start3A_1036] : memref<16x16xf32, #tpu.memory_space<vmem>> -> memref<1x16xf32, #tpu.memory_space<vmem>>
    %dma_start3A_1038 = tpu.memref_squeeze %dma_start3A_1037 : memref<1x16xf32, #tpu.memory_space<vmem>> -> memref<16xf32, #tpu.memory_space<vmem>>
    %dma_start3A_1039 = arith.constant 0 : i32
    %dma_start3A_1040 = tpu.memref_slice %arg13[%dma_start3A_1035, %dma_start3A_1039] : memref<1x16xi32, #tpu.memory_space<vmem>> -> memref<1x16xi32, #tpu.memory_space<vmem>>
    %dma_start3A_1041 = tpu.memref_squeeze %dma_start3A_1040 : memref<1x16xi32, #tpu.memory_space<vmem>> -> memref<16xi32, #tpu.memory_space<vmem>>
    %dma_start3A_1042 = arith.constant 0 : i32
    %dma_start3A_1043 = tpu.memref_slice %arg16[%dma_start3A_1034, %dma_start3A_1042] : memref<16x80xf32, #tpu.memory_space<vmem_shared>> -> memref<1x80xf32, #tpu.memory_space<vmem_shared>>
    %dma_start3A_1044 = tpu.memref_squeeze %dma_start3A_1043 : memref<1x80xf32, #tpu.memory_space<vmem_shared>> -> memref<80xf32, #tpu.memory_space<vmem_shared>>
    %dma_start3A_1045 = arith.constant 0 : i32
    %dma_start3A_1046 = tpu.memref_slice %dma_start3A_1044[%dma_start3A_1045] : memref<80xf32, #tpu.memory_space<vmem_shared>> -> memref<80xf32, #tpu.memory_space<vmem_shared>>
    tpu.enqueue_indirect_dma source(%dma_start3A_1038 : memref<16xf32, #tpu.memory_space<vmem>>) target(%dma_start3A_1046 : memref<80xf32, #tpu.memory_space<vmem_shared>>) offsets(%dma_start3A_1041 : memref<16xi32, #tpu.memory_space<vmem>>) semaphore(%arg18 : memref<!tpu.dma_semaphore, #tpu.memory_space<semaphore_mem>>) {add = true}
    %dma_start3A_1047 = arith.constant 7 : i32
    %dma_start3A_1048 = arith.constant 7 : i32
    %dma_start3A_1049 = arith.constant 0 : i32
    %dma_start3A_1050 = arith.constant 0 : i32
    %dma_start3A_1051 = tpu.memref_slice %arg11[%dma_start3A_1047, %dma_start3A_1050] : memref<16x16xf32, #tpu.memory_space<vmem>> -> memref<1x16xf32, #tpu.memory_space<vmem>>
    %dma_start3A_1052 = tpu.memref_squeeze %dma_start3A_1051 : memref<1x16xf32, #tpu.memory_space<vmem>> -> memref<16xf32, #tpu.memory_space<vmem>>
    %dma_start3A_1053 = arith.constant 0 : i32
    %dma_start3A_1054 = tpu.memref_slice %arg13[%dma_start3A_1049, %dma_start3A_1053] : memref<1x16xi32, #tpu.memory_space<vmem>> -> memref<1x16xi32, #tpu.memory_space<vmem>>
    %dma_start3A_1055 = tpu.memref_squeeze %dma_start3A_1054 : memref<1x16xi32, #tpu.memory_space<vmem>> -> memref<16xi32, #tpu.memory_space<vmem>>
    %dma_start3A_1056 = arith.constant 0 : i32
    %dma_start3A_1057 = tpu.memref_slice %arg16[%dma_start3A_1048, %dma_start3A_1056] : memref<16x80xf32, #tpu.memory_space<vmem_shared>> -> memref<1x80xf32, #tpu.memory_space<vmem_shared>>
    %dma_start3A_1058 = tpu.memref_squeeze %dma_start3A_1057 : memref<1x80xf32, #tpu.memory_space<vmem_shared>> -> memref<80xf32, #tpu.memory_space<vmem_shared>>
    %dma_start3A_1059 = arith.constant 0 : i32
    %dma_start3A_1060 = tpu.memref_slice %dma_start3A_1058[%dma_start3A_1059] : memref<80xf32, #tpu.memory_space<vmem_shared>> -> memref<80xf32, #tpu.memory_space<vmem_shared>>
    tpu.enqueue_indirect_dma source(%dma_start3A_1052 : memref<16xf32, #tpu.memory_space<vmem>>) target(%dma_start3A_1060 : memref<80xf32, #tpu.memory_space<vmem_shared>>) offsets(%dma_start3A_1055 : memref<16xi32, #tpu.memory_space<vmem>>) semaphore(%arg18 : memref<!tpu.dma_semaphore, #tpu.memory_space<semaphore_mem>>) {add = true}
    %dma_start3A_1061 = arith.constant 8 : i32
    %dma_start3A_1062 = arith.constant 8 : i32
    %dma_start3A_1063 = arith.constant 0 : i32
    %dma_start3A_1064 = arith.constant 0 : i32
    %dma_start3A_1065 = tpu.memref_slice %arg11[%dma_start3A_1061, %dma_start3A_1064] : memref<16x16xf32, #tpu.memory_space<vmem>> -> memref<1x16xf32, #tpu.memory_space<vmem>>
    %dma_start3A_1066 = tpu.memref_squeeze %dma_start3A_1065 : memref<1x16xf32, #tpu.memory_space<vmem>> -> memref<16xf32, #tpu.memory_space<vmem>>
    %dma_start3A_1067 = arith.constant 0 : i32
    %dma_start3A_1068 = tpu.memref_slice %arg13[%dma_start3A_1063, %dma_start3A_1067] : memref<1x16xi32, #tpu.memory_space<vmem>> -> memref<1x16xi32, #tpu.memory_space<vmem>>
    %dma_start3A_1069 = tpu.memref_squeeze %dma_start3A_1068 : memref<1x16xi32, #tpu.memory_space<vmem>> -> memref<16xi32, #tpu.memory_space<vmem>>
    %dma_start3A_1070 = arith.constant 0 : i32
    %dma_start3A_1071 = tpu.memref_slice %arg16[%dma_start3A_1062, %dma_start3A_1070] : memref<16x80xf32, #tpu.memory_space<vmem_shared>> -> memref<1x80xf32, #tpu.memory_space<vmem_shared>>
    %dma_start3A_1072 = tpu.memref_squeeze %dma_start3A_1071 : memref<1x80xf32, #tpu.memory_space<vmem_shared>> -> memref<80xf32, #tpu.memory_space<vmem_shared>>
    %dma_start3A_1073 = arith.constant 0 : i32
    %dma_start3A_1074 = tpu.memref_slice %dma_start3A_1072[%dma_start3A_1073] : memref<80xf32, #tpu.memory_space<vmem_shared>> -> memref<80xf32, #tpu.memory_space<vmem_shared>>
    tpu.enqueue_indirect_dma source(%dma_start3A_1066 : memref<16xf32, #tpu.memory_space<vmem>>) target(%dma_start3A_1074 : memref<80xf32, #tpu.memory_space<vmem_shared>>) offsets(%dma_start3A_1069 : memref<16xi32, #tpu.memory_space<vmem>>) semaphore(%arg18 : memref<!tpu.dma_semaphore, #tpu.memory_space<semaphore_mem>>) {add = true}
    %dma_start3A_1075 = arith.constant 9 : i32
    %dma_start3A_1076 = arith.constant 9 : i32
    %dma_start3A_1077 = arith.constant 0 : i32
    %dma_start3A_1078 = arith.constant 0 : i32
    %dma_start3A_1079 = tpu.memref_slice %arg11[%dma_start3A_1075, %dma_start3A_1078] : memref<16x16xf32, #tpu.memory_space<vmem>> -> memref<1x16xf32, #tpu.memory_space<vmem>>
    %dma_start3A_1080 = tpu.memref_squeeze %dma_start3A_1079 : memref<1x16xf32, #tpu.memory_space<vmem>> -> memref<16xf32, #tpu.memory_space<vmem>>
    %dma_start3A_1081 = arith.constant 0 : i32
    %dma_start3A_1082 = tpu.memref_slice %arg13[%dma_start3A_1077, %dma_start3A_1081] : memref<1x16xi32, #tpu.memory_space<vmem>> -> memref<1x16xi32, #tpu.memory_space<vmem>>
    %dma_start3A_1083 = tpu.memref_squeeze %dma_start3A_1082 : memref<1x16xi32, #tpu.memory_space<vmem>> -> memref<16xi32, #tpu.memory_space<vmem>>
    %dma_start3A_1084 = arith.constant 0 : i32
    %dma_start3A_1085 = tpu.memref_slice %arg16[%dma_start3A_1076, %dma_start3A_1084] : memref<16x80xf32, #tpu.memory_space<vmem_shared>> -> memref<1x80xf32, #tpu.memory_space<vmem_shared>>
    %dma_start3A_1086 = tpu.memref_squeeze %dma_start3A_1085 : memref<1x80xf32, #tpu.memory_space<vmem_shared>> -> memref<80xf32, #tpu.memory_space<vmem_shared>>
    %dma_start3A_1087 = arith.constant 0 : i32
    %dma_start3A_1088 = tpu.memref_slice %dma_start3A_1086[%dma_start3A_1087] : memref<80xf32, #tpu.memory_space<vmem_shared>> -> memref<80xf32, #tpu.memory_space<vmem_shared>>
    tpu.enqueue_indirect_dma source(%dma_start3A_1080 : memref<16xf32, #tpu.memory_space<vmem>>) target(%dma_start3A_1088 : memref<80xf32, #tpu.memory_space<vmem_shared>>) offsets(%dma_start3A_1083 : memref<16xi32, #tpu.memory_space<vmem>>) semaphore(%arg18 : memref<!tpu.dma_semaphore, #tpu.memory_space<semaphore_mem>>) {add = true}
    %dma_start3A_1089 = arith.constant 10 : i32
    %dma_start3A_1090 = arith.constant 10 : i32
    %dma_start3A_1091 = arith.constant 0 : i32
    %dma_start3A_1092 = arith.constant 0 : i32
    %dma_start3A_1093 = tpu.memref_slice %arg11[%dma_start3A_1089, %dma_start3A_1092] : memref<16x16xf32, #tpu.memory_space<vmem>> -> memref<1x16xf32, #tpu.memory_space<vmem>>
    %dma_start3A_1094 = tpu.memref_squeeze %dma_start3A_1093 : memref<1x16xf32, #tpu.memory_space<vmem>> -> memref<16xf32, #tpu.memory_space<vmem>>
    %dma_start3A_1095 = arith.constant 0 : i32
    %dma_start3A_1096 = tpu.memref_slice %arg13[%dma_start3A_1091, %dma_start3A_1095] : memref<1x16xi32, #tpu.memory_space<vmem>> -> memref<1x16xi32, #tpu.memory_space<vmem>>
    %dma_start3A_1097 = tpu.memref_squeeze %dma_start3A_1096 : memref<1x16xi32, #tpu.memory_space<vmem>> -> memref<16xi32, #tpu.memory_space<vmem>>
    %dma_start3A_1098 = arith.constant 0 : i32
    %dma_start3A_1099 = tpu.memref_slice %arg16[%dma_start3A_1090, %dma_start3A_1098] : memref<16x80xf32, #tpu.memory_space<vmem_shared>> -> memref<1x80xf32, #tpu.memory_space<vmem_shared>>
    %dma_start3A_1100 = tpu.memref_squeeze %dma_start3A_1099 : memref<1x80xf32, #tpu.memory_space<vmem_shared>> -> memref<80xf32, #tpu.memory_space<vmem_shared>>
    %dma_start3A_1101 = arith.constant 0 : i32
    %dma_start3A_1102 = tpu.memref_slice %dma_start3A_1100[%dma_start3A_1101] : memref<80xf32, #tpu.memory_space<vmem_shared>> -> memref<80xf32, #tpu.memory_space<vmem_shared>>
    tpu.enqueue_indirect_dma source(%dma_start3A_1094 : memref<16xf32, #tpu.memory_space<vmem>>) target(%dma_start3A_1102 : memref<80xf32, #tpu.memory_space<vmem_shared>>) offsets(%dma_start3A_1097 : memref<16xi32, #tpu.memory_space<vmem>>) semaphore(%arg18 : memref<!tpu.dma_semaphore, #tpu.memory_space<semaphore_mem>>) {add = true}
    %dma_start3A_1103 = arith.constant 11 : i32
    %dma_start3A_1104 = arith.constant 11 : i32
    %dma_start3A_1105 = arith.constant 0 : i32
    %dma_start3A_1106 = arith.constant 0 : i32
    %dma_start3A_1107 = tpu.memref_slice %arg11[%dma_start3A_1103, %dma_start3A_1106] : memref<16x16xf32, #tpu.memory_space<vmem>> -> memref<1x16xf32, #tpu.memory_space<vmem>>
    %dma_start3A_1108 = tpu.memref_squeeze %dma_start3A_1107 : memref<1x16xf32, #tpu.memory_space<vmem>> -> memref<16xf32, #tpu.memory_space<vmem>>
    %dma_start3A_1109 = arith.constant 0 : i32
    %dma_start3A_1110 = tpu.memref_slice %arg13[%dma_start3A_1105, %dma_start3A_1109] : memref<1x16xi32, #tpu.memory_space<vmem>> -> memref<1x16xi32, #tpu.memory_space<vmem>>
    %dma_start3A_1111 = tpu.memref_squeeze %dma_start3A_1110 : memref<1x16xi32, #tpu.memory_space<vmem>> -> memref<16xi32, #tpu.memory_space<vmem>>
    %dma_start3A_1112 = arith.constant 0 : i32
    %dma_start3A_1113 = tpu.memref_slice %arg16[%dma_start3A_1104, %dma_start3A_1112] : memref<16x80xf32, #tpu.memory_space<vmem_shared>> -> memref<1x80xf32, #tpu.memory_space<vmem_shared>>
    %dma_start3A_1114 = tpu.memref_squeeze %dma_start3A_1113 : memref<1x80xf32, #tpu.memory_space<vmem_shared>> -> memref<80xf32, #tpu.memory_space<vmem_shared>>
    %dma_start3A_1115 = arith.constant 0 : i32
    %dma_start3A_1116 = tpu.memref_slice %dma_start3A_1114[%dma_start3A_1115] : memref<80xf32, #tpu.memory_space<vmem_shared>> -> memref<80xf32, #tpu.memory_space<vmem_shared>>
    tpu.enqueue_indirect_dma source(%dma_start3A_1108 : memref<16xf32, #tpu.memory_space<vmem>>) target(%dma_start3A_1116 : memref<80xf32, #tpu.memory_space<vmem_shared>>) offsets(%dma_start3A_1111 : memref<16xi32, #tpu.memory_space<vmem>>) semaphore(%arg18 : memref<!tpu.dma_semaphore, #tpu.memory_space<semaphore_mem>>) {add = true}
    %dma_start3A_1117 = arith.constant 12 : i32
    %dma_start3A_1118 = arith.constant 12 : i32
    %dma_start3A_1119 = arith.constant 0 : i32
    %dma_start3A_1120 = arith.constant 0 : i32
    %dma_start3A_1121 = tpu.memref_slice %arg11[%dma_start3A_1117, %dma_start3A_1120] : memref<16x16xf32, #tpu.memory_space<vmem>> -> memref<1x16xf32, #tpu.memory_space<vmem>>
    %dma_start3A_1122 = tpu.memref_squeeze %dma_start3A_1121 : memref<1x16xf32, #tpu.memory_space<vmem>> -> memref<16xf32, #tpu.memory_space<vmem>>
    %dma_start3A_1123 = arith.constant 0 : i32
    %dma_start3A_1124 = tpu.memref_slice %arg13[%dma_start3A_1119, %dma_start3A_1123] : memref<1x16xi32, #tpu.memory_space<vmem>> -> memref<1x16xi32, #tpu.memory_space<vmem>>
    %dma_start3A_1125 = tpu.memref_squeeze %dma_start3A_1124 : memref<1x16xi32, #tpu.memory_space<vmem>> -> memref<16xi32, #tpu.memory_space<vmem>>
    %dma_start3A_1126 = arith.constant 0 : i32
    %dma_start3A_1127 = tpu.memref_slice %arg16[%dma_start3A_1118, %dma_start3A_1126] : memref<16x80xf32, #tpu.memory_space<vmem_shared>> -> memref<1x80xf32, #tpu.memory_space<vmem_shared>>
    %dma_start3A_1128 = tpu.memref_squeeze %dma_start3A_1127 : memref<1x80xf32, #tpu.memory_space<vmem_shared>> -> memref<80xf32, #tpu.memory_space<vmem_shared>>
    %dma_start3A_1129 = arith.constant 0 : i32
    %dma_start3A_1130 = tpu.memref_slice %dma_start3A_1128[%dma_start3A_1129] : memref<80xf32, #tpu.memory_space<vmem_shared>> -> memref<80xf32, #tpu.memory_space<vmem_shared>>
    tpu.enqueue_indirect_dma source(%dma_start3A_1122 : memref<16xf32, #tpu.memory_space<vmem>>) target(%dma_start3A_1130 : memref<80xf32, #tpu.memory_space<vmem_shared>>) offsets(%dma_start3A_1125 : memref<16xi32, #tpu.memory_space<vmem>>) semaphore(%arg18 : memref<!tpu.dma_semaphore, #tpu.memory_space<semaphore_mem>>) {add = true}
    %dma_start3A_1131 = arith.constant 13 : i32
    %dma_start3A_1132 = arith.constant 13 : i32
    %dma_start3A_1133 = arith.constant 0 : i32
    %dma_start3A_1134 = arith.constant 0 : i32
    %dma_start3A_1135 = tpu.memref_slice %arg11[%dma_start3A_1131, %dma_start3A_1134] : memref<16x16xf32, #tpu.memory_space<vmem>> -> memref<1x16xf32, #tpu.memory_space<vmem>>
    %dma_start3A_1136 = tpu.memref_squeeze %dma_start3A_1135 : memref<1x16xf32, #tpu.memory_space<vmem>> -> memref<16xf32, #tpu.memory_space<vmem>>
    %dma_start3A_1137 = arith.constant 0 : i32
    %dma_start3A_1138 = tpu.memref_slice %arg13[%dma_start3A_1133, %dma_start3A_1137] : memref<1x16xi32, #tpu.memory_space<vmem>> -> memref<1x16xi32, #tpu.memory_space<vmem>>
    %dma_start3A_1139 = tpu.memref_squeeze %dma_start3A_1138 : memref<1x16xi32, #tpu.memory_space<vmem>> -> memref<16xi32, #tpu.memory_space<vmem>>
    %dma_start3A_1140 = arith.constant 0 : i32
    %dma_start3A_1141 = tpu.memref_slice %arg16[%dma_start3A_1132, %dma_start3A_1140] : memref<16x80xf32, #tpu.memory_space<vmem_shared>> -> memref<1x80xf32, #tpu.memory_space<vmem_shared>>
    %dma_start3A_1142 = tpu.memref_squeeze %dma_start3A_1141 : memref<1x80xf32, #tpu.memory_space<vmem_shared>> -> memref<80xf32, #tpu.memory_space<vmem_shared>>
    %dma_start3A_1143 = arith.constant 0 : i32
    %dma_start3A_1144 = tpu.memref_slice %dma_start3A_1142[%dma_start3A_1143] : memref<80xf32, #tpu.memory_space<vmem_shared>> -> memref<80xf32, #tpu.memory_space<vmem_shared>>
    tpu.enqueue_indirect_dma source(%dma_start3A_1136 : memref<16xf32, #tpu.memory_space<vmem>>) target(%dma_start3A_1144 : memref<80xf32, #tpu.memory_space<vmem_shared>>) offsets(%dma_start3A_1139 : memref<16xi32, #tpu.memory_space<vmem>>) semaphore(%arg18 : memref<!tpu.dma_semaphore, #tpu.memory_space<semaphore_mem>>) {add = true}
    %dma_start3A_1145 = arith.constant 14 : i32
    %dma_start3A_1146 = arith.constant 14 : i32
    %dma_start3A_1147 = arith.constant 0 : i32
    %dma_start3A_1148 = arith.constant 0 : i32
    %dma_start3A_1149 = tpu.memref_slice %arg11[%dma_start3A_1145, %dma_start3A_1148] : memref<16x16xf32, #tpu.memory_space<vmem>> -> memref<1x16xf32, #tpu.memory_space<vmem>>
    %dma_start3A_1150 = tpu.memref_squeeze %dma_start3A_1149 : memref<1x16xf32, #tpu.memory_space<vmem>> -> memref<16xf32, #tpu.memory_space<vmem>>
    %dma_start3A_1151 = arith.constant 0 : i32
    %dma_start3A_1152 = tpu.memref_slice %arg13[%dma_start3A_1147, %dma_start3A_1151] : memref<1x16xi32, #tpu.memory_space<vmem>> -> memref<1x16xi32, #tpu.memory_space<vmem>>
    %dma_start3A_1153 = tpu.memref_squeeze %dma_start3A_1152 : memref<1x16xi32, #tpu.memory_space<vmem>> -> memref<16xi32, #tpu.memory_space<vmem>>
    %dma_start3A_1154 = arith.constant 0 : i32
    %dma_start3A_1155 = tpu.memref_slice %arg16[%dma_start3A_1146, %dma_start3A_1154] : memref<16x80xf32, #tpu.memory_space<vmem_shared>> -> memref<1x80xf32, #tpu.memory_space<vmem_shared>>
    %dma_start3A_1156 = tpu.memref_squeeze %dma_start3A_1155 : memref<1x80xf32, #tpu.memory_space<vmem_shared>> -> memref<80xf32, #tpu.memory_space<vmem_shared>>
    %dma_start3A_1157 = arith.constant 0 : i32
    %dma_start3A_1158 = tpu.memref_slice %dma_start3A_1156[%dma_start3A_1157] : memref<80xf32, #tpu.memory_space<vmem_shared>> -> memref<80xf32, #tpu.memory_space<vmem_shared>>
    tpu.enqueue_indirect_dma source(%dma_start3A_1150 : memref<16xf32, #tpu.memory_space<vmem>>) target(%dma_start3A_1158 : memref<80xf32, #tpu.memory_space<vmem_shared>>) offsets(%dma_start3A_1153 : memref<16xi32, #tpu.memory_space<vmem>>) semaphore(%arg18 : memref<!tpu.dma_semaphore, #tpu.memory_space<semaphore_mem>>) {add = true}
    %dma_start3A_1159 = arith.constant 15 : i32
    %dma_start3A_1160 = arith.constant 15 : i32
    %dma_start3A_1161 = arith.constant 0 : i32
    %dma_start3A_1162 = arith.constant 0 : i32
    %dma_start3A_1163 = tpu.memref_slice %arg11[%dma_start3A_1159, %dma_start3A_1162] : memref<16x16xf32, #tpu.memory_space<vmem>> -> memref<1x16xf32, #tpu.memory_space<vmem>>
    %dma_start3A_1164 = tpu.memref_squeeze %dma_start3A_1163 : memref<1x16xf32, #tpu.memory_space<vmem>> -> memref<16xf32, #tpu.memory_space<vmem>>
    %dma_start3A_1165 = arith.constant 0 : i32
    %dma_start3A_1166 = tpu.memref_slice %arg13[%dma_start3A_1161, %dma_start3A_1165] : memref<1x16xi32, #tpu.memory_space<vmem>> -> memref<1x16xi32, #tpu.memory_space<vmem>>
    %dma_start3A_1167 = tpu.memref_squeeze %dma_start3A_1166 : memref<1x16xi32, #tpu.memory_space<vmem>> -> memref<16xi32, #tpu.memory_space<vmem>>
    %dma_start3A_1168 = arith.constant 0 : i32
    %dma_start3A_1169 = tpu.memref_slice %arg16[%dma_start3A_1160, %dma_start3A_1168] : memref<16x80xf32, #tpu.memory_space<vmem_shared>> -> memref<1x80xf32, #tpu.memory_space<vmem_shared>>
    %dma_start3A_1170 = tpu.memref_squeeze %dma_start3A_1169 : memref<1x80xf32, #tpu.memory_space<vmem_shared>> -> memref<80xf32, #tpu.memory_space<vmem_shared>>
    %dma_start3A_1171 = arith.constant 0 : i32
    %dma_start3A_1172 = tpu.memref_slice %dma_start3A_1170[%dma_start3A_1171] : memref<80xf32, #tpu.memory_space<vmem_shared>> -> memref<80xf32, #tpu.memory_space<vmem_shared>>
    tpu.enqueue_indirect_dma source(%dma_start3A_1164 : memref<16xf32, #tpu.memory_space<vmem>>) target(%dma_start3A_1172 : memref<80xf32, #tpu.memory_space<vmem_shared>>) offsets(%dma_start3A_1167 : memref<16xi32, #tpu.memory_space<vmem>>) semaphore(%arg18 : memref<!tpu.dma_semaphore, #tpu.memory_space<semaphore_mem>>) {add = true}
    %dma_wait3A_1173 = arith.constant 0 : i32
    %dma_wait3A_1174 = arith.constant 0 : i32
    %dma_wait3A_1175 = arith.constant 0 : i32
    %dma_wait3A_1176 = tpu.memref_slice %arg10[%dma_wait3A_1173, %dma_wait3A_1175] : memref<16x4992xf32, #tpu.memory_space<vmem>> -> memref<1x128xf32, #tpu.memory_space<vmem>>
    %dma_wait3A_1177 = tpu.memref_squeeze %dma_wait3A_1176 : memref<1x128xf32, #tpu.memory_space<vmem>> -> memref<128xf32, #tpu.memory_space<vmem>>
    %dma_wait3A_1178 = arith.constant 0 : i32
    %dma_wait3A_1179 = tpu.memref_slice %arg16[%dma_wait3A_1174, %dma_wait3A_1178] : memref<16x80xf32, #tpu.memory_space<vmem_shared>> -> memref<1x80xf32, #tpu.memory_space<vmem_shared>>
    %dma_wait3A_1180 = tpu.memref_squeeze %dma_wait3A_1179 : memref<1x80xf32, #tpu.memory_space<vmem_shared>> -> memref<80xf32, #tpu.memory_space<vmem_shared>>
    %dma_wait3A_1181 = arith.constant 0 : i32
    %dma_wait3A_1182 = tpu.memref_slice %arg16[%dma_wait3A_1174, %dma_wait3A_1181] : memref<16x80xf32, #tpu.memory_space<vmem_shared>> -> memref<1x80xf32, #tpu.memory_space<vmem_shared>>
    %dma_wait3A_1183 = tpu.memref_squeeze %dma_wait3A_1182 : memref<1x80xf32, #tpu.memory_space<vmem_shared>> -> memref<80xf32, #tpu.memory_space<vmem_shared>>
    %dma_wait3A_1184 = arith.constant 0 : i32
    %dma_wait3A_1185 = tpu.memref_slice %arg10[%dma_wait3A_1173, %dma_wait3A_1184] : memref<16x4992xf32, #tpu.memory_space<vmem>> -> memref<1x128xf32, #tpu.memory_space<vmem>>
    %dma_wait3A_1186 = tpu.memref_squeeze %dma_wait3A_1185 : memref<1x128xf32, #tpu.memory_space<vmem>> -> memref<128xf32, #tpu.memory_space<vmem>>
    tpu.wait_dma2 semaphore(%arg18 : memref<!tpu.dma_semaphore, #tpu.memory_space<semaphore_mem>>) src(%dma_wait3A_1186 : memref<128xf32, #tpu.memory_space<vmem>>) dst(%dma_wait3A_1183 : memref<80xf32, #tpu.memory_space<vmem_shared>>)
    %dma_wait3A_1187 = arith.constant 0 : i32
    %dma_wait3A_1188 = arith.constant 0 : i32
    %dma_wait3A_1189 = arith.constant 0 : i32
    %dma_wait3A_1190 = tpu.memref_slice %arg10[%dma_wait3A_1187, %dma_wait3A_1189] : memref<16x4992xf32, #tpu.memory_space<vmem>> -> memref<1x128xf32, #tpu.memory_space<vmem>>
    %dma_wait3A_1191 = tpu.memref_squeeze %dma_wait3A_1190 : memref<1x128xf32, #tpu.memory_space<vmem>> -> memref<128xf32, #tpu.memory_space<vmem>>
    %dma_wait3A_1192 = arith.constant 0 : i32
    %dma_wait3A_1193 = tpu.memref_slice %arg16[%dma_wait3A_1188, %dma_wait3A_1192] : memref<16x80xf32, #tpu.memory_space<vmem_shared>> -> memref<1x80xf32, #tpu.memory_space<vmem_shared>>
    %dma_wait3A_1194 = tpu.memref_squeeze %dma_wait3A_1193 : memref<1x80xf32, #tpu.memory_space<vmem_shared>> -> memref<80xf32, #tpu.memory_space<vmem_shared>>
    %dma_wait3A_1195 = arith.constant 0 : i32
    %dma_wait3A_1196 = tpu.memref_slice %arg16[%dma_wait3A_1188, %dma_wait3A_1195] : memref<16x80xf32, #tpu.memory_space<vmem_shared>> -> memref<1x80xf32, #tpu.memory_space<vmem_shared>>
    %dma_wait3A_1197 = tpu.memref_squeeze %dma_wait3A_1196 : memref<1x80xf32, #tpu.memory_space<vmem_shared>> -> memref<80xf32, #tpu.memory_space<vmem_shared>>
    %dma_wait3A_1198 = arith.constant 0 : i32
    %dma_wait3A_1199 = tpu.memref_slice %arg10[%dma_wait3A_1187, %dma_wait3A_1198] : memref<16x4992xf32, #tpu.memory_space<vmem>> -> memref<1x128xf32, #tpu.memory_space<vmem>>
    %dma_wait3A_1200 = tpu.memref_squeeze %dma_wait3A_1199 : memref<1x128xf32, #tpu.memory_space<vmem>> -> memref<128xf32, #tpu.memory_space<vmem>>
    tpu.wait_dma2 semaphore(%arg18 : memref<!tpu.dma_semaphore, #tpu.memory_space<semaphore_mem>>) src(%dma_wait3A_1200 : memref<128xf32, #tpu.memory_space<vmem>>) dst(%dma_wait3A_1197 : memref<80xf32, #tpu.memory_space<vmem_shared>>)
    %dma_wait3A_1201 = arith.constant 0 : i32
    %dma_wait3A_1202 = arith.constant 0 : i32
    %dma_wait3A_1203 = arith.constant 0 : i32
    %dma_wait3A_1204 = tpu.memref_slice %arg10[%dma_wait3A_1201, %dma_wait3A_1203] : memref<16x4992xf32, #tpu.memory_space<vmem>> -> memref<1x128xf32, #tpu.memory_space<vmem>>
    %dma_wait3A_1205 = tpu.memref_squeeze %dma_wait3A_1204 : memref<1x128xf32, #tpu.memory_space<vmem>> -> memref<128xf32, #tpu.memory_space<vmem>>
    %dma_wait3A_1206 = arith.constant 0 : i32
    %dma_wait3A_1207 = tpu.memref_slice %arg16[%dma_wait3A_1202, %dma_wait3A_1206] : memref<16x80xf32, #tpu.memory_space<vmem_shared>> -> memref<1x80xf32, #tpu.memory_space<vmem_shared>>
    %dma_wait3A_1208 = tpu.memref_squeeze %dma_wait3A_1207 : memref<1x80xf32, #tpu.memory_space<vmem_shared>> -> memref<80xf32, #tpu.memory_space<vmem_shared>>
    %dma_wait3A_1209 = arith.constant 0 : i32
    %dma_wait3A_1210 = tpu.memref_slice %arg16[%dma_wait3A_1202, %dma_wait3A_1209] : memref<16x80xf32, #tpu.memory_space<vmem_shared>> -> memref<1x80xf32, #tpu.memory_space<vmem_shared>>
    %dma_wait3A_1211 = tpu.memref_squeeze %dma_wait3A_1210 : memref<1x80xf32, #tpu.memory_space<vmem_shared>> -> memref<80xf32, #tpu.memory_space<vmem_shared>>
    %dma_wait3A_1212 = arith.constant 0 : i32
    %dma_wait3A_1213 = tpu.memref_slice %arg10[%dma_wait3A_1201, %dma_wait3A_1212] : memref<16x4992xf32, #tpu.memory_space<vmem>> -> memref<1x128xf32, #tpu.memory_space<vmem>>
    %dma_wait3A_1214 = tpu.memref_squeeze %dma_wait3A_1213 : memref<1x128xf32, #tpu.memory_space<vmem>> -> memref<128xf32, #tpu.memory_space<vmem>>
    tpu.wait_dma2 semaphore(%arg18 : memref<!tpu.dma_semaphore, #tpu.memory_space<semaphore_mem>>) src(%dma_wait3A_1214 : memref<128xf32, #tpu.memory_space<vmem>>) dst(%dma_wait3A_1211 : memref<80xf32, #tpu.memory_space<vmem_shared>>)
    %dma_wait3A_1215 = arith.constant 0 : i32
    %dma_wait3A_1216 = arith.constant 0 : i32
    %dma_wait3A_1217 = arith.constant 0 : i32
    %dma_wait3A_1218 = tpu.memref_slice %arg10[%dma_wait3A_1215, %dma_wait3A_1217] : memref<16x4992xf32, #tpu.memory_space<vmem>> -> memref<1x128xf32, #tpu.memory_space<vmem>>
    %dma_wait3A_1219 = tpu.memref_squeeze %dma_wait3A_1218 : memref<1x128xf32, #tpu.memory_space<vmem>> -> memref<128xf32, #tpu.memory_space<vmem>>
    %dma_wait3A_1220 = arith.constant 0 : i32
    %dma_wait3A_1221 = tpu.memref_slice %arg16[%dma_wait3A_1216, %dma_wait3A_1220] : memref<16x80xf32, #tpu.memory_space<vmem_shared>> -> memref<1x80xf32, #tpu.memory_space<vmem_shared>>
    %dma_wait3A_1222 = tpu.memref_squeeze %dma_wait3A_1221 : memref<1x80xf32, #tpu.memory_space<vmem_shared>> -> memref<80xf32, #tpu.memory_space<vmem_shared>>
    %dma_wait3A_1223 = arith.constant 0 : i32
    %dma_wait3A_1224 = tpu.memref_slice %arg16[%dma_wait3A_1216, %dma_wait3A_1223] : memref<16x80xf32, #tpu.memory_space<vmem_shared>> -> memref<1x80xf32, #tpu.memory_space<vmem_shared>>
    %dma_wait3A_1225 = tpu.memref_squeeze %dma_wait3A_1224 : memref<1x80xf32, #tpu.memory_space<vmem_shared>> -> memref<80xf32, #tpu.memory_space<vmem_shared>>
    %dma_wait3A_1226 = arith.constant 0 : i32
    %dma_wait3A_1227 = tpu.memref_slice %arg10[%dma_wait3A_1215, %dma_wait3A_1226] : memref<16x4992xf32, #tpu.memory_space<vmem>> -> memref<1x128xf32, #tpu.memory_space<vmem>>
    %dma_wait3A_1228 = tpu.memref_squeeze %dma_wait3A_1227 : memref<1x128xf32, #tpu.memory_space<vmem>> -> memref<128xf32, #tpu.memory_space<vmem>>
    tpu.wait_dma2 semaphore(%arg18 : memref<!tpu.dma_semaphore, #tpu.memory_space<semaphore_mem>>) src(%dma_wait3A_1228 : memref<128xf32, #tpu.memory_space<vmem>>) dst(%dma_wait3A_1225 : memref<80xf32, #tpu.memory_space<vmem_shared>>)
    %dma_wait3A_1229 = arith.constant 0 : i32
    %dma_wait3A_1230 = arith.constant 0 : i32
    %dma_wait3A_1231 = arith.constant 0 : i32
    %dma_wait3A_1232 = tpu.memref_slice %arg10[%dma_wait3A_1229, %dma_wait3A_1231] : memref<16x4992xf32, #tpu.memory_space<vmem>> -> memref<1x128xf32, #tpu.memory_space<vmem>>
    %dma_wait3A_1233 = tpu.memref_squeeze %dma_wait3A_1232 : memref<1x128xf32, #tpu.memory_space<vmem>> -> memref<128xf32, #tpu.memory_space<vmem>>
    %dma_wait3A_1234 = arith.constant 0 : i32
    %dma_wait3A_1235 = tpu.memref_slice %arg16[%dma_wait3A_1230, %dma_wait3A_1234] : memref<16x80xf32, #tpu.memory_space<vmem_shared>> -> memref<1x80xf32, #tpu.memory_space<vmem_shared>>
    %dma_wait3A_1236 = tpu.memref_squeeze %dma_wait3A_1235 : memref<1x80xf32, #tpu.memory_space<vmem_shared>> -> memref<80xf32, #tpu.memory_space<vmem_shared>>
    %dma_wait3A_1237 = arith.constant 0 : i32
    %dma_wait3A_1238 = tpu.memref_slice %arg16[%dma_wait3A_1230, %dma_wait3A_1237] : memref<16x80xf32, #tpu.memory_space<vmem_shared>> -> memref<1x80xf32, #tpu.memory_space<vmem_shared>>
    %dma_wait3A_1239 = tpu.memref_squeeze %dma_wait3A_1238 : memref<1x80xf32, #tpu.memory_space<vmem_shared>> -> memref<80xf32, #tpu.memory_space<vmem_shared>>
    %dma_wait3A_1240 = arith.constant 0 : i32
    %dma_wait3A_1241 = tpu.memref_slice %arg10[%dma_wait3A_1229, %dma_wait3A_1240] : memref<16x4992xf32, #tpu.memory_space<vmem>> -> memref<1x128xf32, #tpu.memory_space<vmem>>
    %dma_wait3A_1242 = tpu.memref_squeeze %dma_wait3A_1241 : memref<1x128xf32, #tpu.memory_space<vmem>> -> memref<128xf32, #tpu.memory_space<vmem>>
    tpu.wait_dma2 semaphore(%arg18 : memref<!tpu.dma_semaphore, #tpu.memory_space<semaphore_mem>>) src(%dma_wait3A_1242 : memref<128xf32, #tpu.memory_space<vmem>>) dst(%dma_wait3A_1239 : memref<80xf32, #tpu.memory_space<vmem_shared>>)
    %dma_wait3A_1243 = arith.constant 0 : i32
    %dma_wait3A_1244 = arith.constant 0 : i32
    %dma_wait3A_1245 = arith.constant 0 : i32
    %dma_wait3A_1246 = tpu.memref_slice %arg10[%dma_wait3A_1243, %dma_wait3A_1245] : memref<16x4992xf32, #tpu.memory_space<vmem>> -> memref<1x128xf32, #tpu.memory_space<vmem>>
    %dma_wait3A_1247 = tpu.memref_squeeze %dma_wait3A_1246 : memref<1x128xf32, #tpu.memory_space<vmem>> -> memref<128xf32, #tpu.memory_space<vmem>>
    %dma_wait3A_1248 = arith.constant 0 : i32
    %dma_wait3A_1249 = tpu.memref_slice %arg16[%dma_wait3A_1244, %dma_wait3A_1248] : memref<16x80xf32, #tpu.memory_space<vmem_shared>> -> memref<1x80xf32, #tpu.memory_space<vmem_shared>>
    %dma_wait3A_1250 = tpu.memref_squeeze %dma_wait3A_1249 : memref<1x80xf32, #tpu.memory_space<vmem_shared>> -> memref<80xf32, #tpu.memory_space<vmem_shared>>
    %dma_wait3A_1251 = arith.constant 0 : i32
    %dma_wait3A_1252 = tpu.memref_slice %arg16[%dma_wait3A_1244, %dma_wait3A_1251] : memref<16x80xf32, #tpu.memory_space<vmem_shared>> -> memref<1x80xf32, #tpu.memory_space<vmem_shared>>
    %dma_wait3A_1253 = tpu.memref_squeeze %dma_wait3A_1252 : memref<1x80xf32, #tpu.memory_space<vmem_shared>> -> memref<80xf32, #tpu.memory_space<vmem_shared>>
    %dma_wait3A_1254 = arith.constant 0 : i32
    %dma_wait3A_1255 = tpu.memref_slice %arg10[%dma_wait3A_1243, %dma_wait3A_1254] : memref<16x4992xf32, #tpu.memory_space<vmem>> -> memref<1x128xf32, #tpu.memory_space<vmem>>
    %dma_wait3A_1256 = tpu.memref_squeeze %dma_wait3A_1255 : memref<1x128xf32, #tpu.memory_space<vmem>> -> memref<128xf32, #tpu.memory_space<vmem>>
    tpu.wait_dma2 semaphore(%arg18 : memref<!tpu.dma_semaphore, #tpu.memory_space<semaphore_mem>>) src(%dma_wait3A_1256 : memref<128xf32, #tpu.memory_space<vmem>>) dst(%dma_wait3A_1253 : memref<80xf32, #tpu.memory_space<vmem_shared>>)
    %dma_wait3A_1257 = arith.constant 0 : i32
    %dma_wait3A_1258 = arith.constant 0 : i32
    %dma_wait3A_1259 = arith.constant 0 : i32
    %dma_wait3A_1260 = tpu.memref_slice %arg10[%dma_wait3A_1257, %dma_wait3A_1259] : memref<16x4992xf32, #tpu.memory_space<vmem>> -> memref<1x128xf32, #tpu.memory_space<vmem>>
    %dma_wait3A_1261 = tpu.memref_squeeze %dma_wait3A_1260 : memref<1x128xf32, #tpu.memory_space<vmem>> -> memref<128xf32, #tpu.memory_space<vmem>>
    %dma_wait3A_1262 = arith.constant 0 : i32
    %dma_wait3A_1263 = tpu.memref_slice %arg16[%dma_wait3A_1258, %dma_wait3A_1262] : memref<16x80xf32, #tpu.memory_space<vmem_shared>> -> memref<1x80xf32, #tpu.memory_space<vmem_shared>>
    %dma_wait3A_1264 = tpu.memref_squeeze %dma_wait3A_1263 : memref<1x80xf32, #tpu.memory_space<vmem_shared>> -> memref<80xf32, #tpu.memory_space<vmem_shared>>
    %dma_wait3A_1265 = arith.constant 0 : i32
    %dma_wait3A_1266 = tpu.memref_slice %arg16[%dma_wait3A_1258, %dma_wait3A_1265] : memref<16x80xf32, #tpu.memory_space<vmem_shared>> -> memref<1x80xf32, #tpu.memory_space<vmem_shared>>
    %dma_wait3A_1267 = tpu.memref_squeeze %dma_wait3A_1266 : memref<1x80xf32, #tpu.memory_space<vmem_shared>> -> memref<80xf32, #tpu.memory_space<vmem_shared>>
    %dma_wait3A_1268 = arith.constant 0 : i32
    %dma_wait3A_1269 = tpu.memref_slice %arg10[%dma_wait3A_1257, %dma_wait3A_1268] : memref<16x4992xf32, #tpu.memory_space<vmem>> -> memref<1x128xf32, #tpu.memory_space<vmem>>
    %dma_wait3A_1270 = tpu.memref_squeeze %dma_wait3A_1269 : memref<1x128xf32, #tpu.memory_space<vmem>> -> memref<128xf32, #tpu.memory_space<vmem>>
    tpu.wait_dma2 semaphore(%arg18 : memref<!tpu.dma_semaphore, #tpu.memory_space<semaphore_mem>>) src(%dma_wait3A_1270 : memref<128xf32, #tpu.memory_space<vmem>>) dst(%dma_wait3A_1267 : memref<80xf32, #tpu.memory_space<vmem_shared>>)
    %dma_wait3A_1271 = arith.constant 0 : i32
    %dma_wait3A_1272 = arith.constant 0 : i32
    %dma_wait3A_1273 = arith.constant 0 : i32
    %dma_wait3A_1274 = tpu.memref_slice %arg10[%dma_wait3A_1271, %dma_wait3A_1273] : memref<16x4992xf32, #tpu.memory_space<vmem>> -> memref<1x128xf32, #tpu.memory_space<vmem>>
    %dma_wait3A_1275 = tpu.memref_squeeze %dma_wait3A_1274 : memref<1x128xf32, #tpu.memory_space<vmem>> -> memref<128xf32, #tpu.memory_space<vmem>>
    %dma_wait3A_1276 = arith.constant 0 : i32
    %dma_wait3A_1277 = tpu.memref_slice %arg16[%dma_wait3A_1272, %dma_wait3A_1276] : memref<16x80xf32, #tpu.memory_space<vmem_shared>> -> memref<1x80xf32, #tpu.memory_space<vmem_shared>>
    %dma_wait3A_1278 = tpu.memref_squeeze %dma_wait3A_1277 : memref<1x80xf32, #tpu.memory_space<vmem_shared>> -> memref<80xf32, #tpu.memory_space<vmem_shared>>
    %dma_wait3A_1279 = arith.constant 0 : i32
    %dma_wait3A_1280 = tpu.memref_slice %arg16[%dma_wait3A_1272, %dma_wait3A_1279] : memref<16x80xf32, #tpu.memory_space<vmem_shared>> -> memref<1x80xf32, #tpu.memory_space<vmem_shared>>
    %dma_wait3A_1281 = tpu.memref_squeeze %dma_wait3A_1280 : memref<1x80xf32, #tpu.memory_space<vmem_shared>> -> memref<80xf32, #tpu.memory_space<vmem_shared>>
    %dma_wait3A_1282 = arith.constant 0 : i32
    %dma_wait3A_1283 = tpu.memref_slice %arg10[%dma_wait3A_1271, %dma_wait3A_1282] : memref<16x4992xf32, #tpu.memory_space<vmem>> -> memref<1x128xf32, #tpu.memory_space<vmem>>
    %dma_wait3A_1284 = tpu.memref_squeeze %dma_wait3A_1283 : memref<1x128xf32, #tpu.memory_space<vmem>> -> memref<128xf32, #tpu.memory_space<vmem>>
    tpu.wait_dma2 semaphore(%arg18 : memref<!tpu.dma_semaphore, #tpu.memory_space<semaphore_mem>>) src(%dma_wait3A_1284 : memref<128xf32, #tpu.memory_space<vmem>>) dst(%dma_wait3A_1281 : memref<80xf32, #tpu.memory_space<vmem_shared>>)
    %dma_wait3A_1285 = arith.constant 0 : i32
    %dma_wait3A_1286 = arith.constant 0 : i32
    %dma_wait3A_1287 = arith.constant 0 : i32
    %dma_wait3A_1288 = tpu.memref_slice %arg10[%dma_wait3A_1285, %dma_wait3A_1287] : memref<16x4992xf32, #tpu.memory_space<vmem>> -> memref<1x128xf32, #tpu.memory_space<vmem>>
    %dma_wait3A_1289 = tpu.memref_squeeze %dma_wait3A_1288 : memref<1x128xf32, #tpu.memory_space<vmem>> -> memref<128xf32, #tpu.memory_space<vmem>>
    %dma_wait3A_1290 = arith.constant 0 : i32
    %dma_wait3A_1291 = tpu.memref_slice %arg16[%dma_wait3A_1286, %dma_wait3A_1290] : memref<16x80xf32, #tpu.memory_space<vmem_shared>> -> memref<1x80xf32, #tpu.memory_space<vmem_shared>>
    %dma_wait3A_1292 = tpu.memref_squeeze %dma_wait3A_1291 : memref<1x80xf32, #tpu.memory_space<vmem_shared>> -> memref<80xf32, #tpu.memory_space<vmem_shared>>
    %dma_wait3A_1293 = arith.constant 0 : i32
    %dma_wait3A_1294 = tpu.memref_slice %arg16[%dma_wait3A_1286, %dma_wait3A_1293] : memref<16x80xf32, #tpu.memory_space<vmem_shared>> -> memref<1x80xf32, #tpu.memory_space<vmem_shared>>
    %dma_wait3A_1295 = tpu.memref_squeeze %dma_wait3A_1294 : memref<1x80xf32, #tpu.memory_space<vmem_shared>> -> memref<80xf32, #tpu.memory_space<vmem_shared>>
    %dma_wait3A_1296 = arith.constant 0 : i32
    %dma_wait3A_1297 = tpu.memref_slice %arg10[%dma_wait3A_1285, %dma_wait3A_1296] : memref<16x4992xf32, #tpu.memory_space<vmem>> -> memref<1x128xf32, #tpu.memory_space<vmem>>
    %dma_wait3A_1298 = tpu.memref_squeeze %dma_wait3A_1297 : memref<1x128xf32, #tpu.memory_space<vmem>> -> memref<128xf32, #tpu.memory_space<vmem>>
    tpu.wait_dma2 semaphore(%arg18 : memref<!tpu.dma_semaphore, #tpu.memory_space<semaphore_mem>>) src(%dma_wait3A_1298 : memref<128xf32, #tpu.memory_space<vmem>>) dst(%dma_wait3A_1295 : memref<80xf32, #tpu.memory_space<vmem_shared>>)
    %dma_wait3A_1299 = arith.constant 0 : i32
    %dma_wait3A_1300 = arith.constant 0 : i32
    %dma_wait3A_1301 = arith.constant 0 : i32
    %dma_wait3A_1302 = tpu.memref_slice %arg10[%dma_wait3A_1299, %dma_wait3A_1301] : memref<16x4992xf32, #tpu.memory_space<vmem>> -> memref<1x128xf32, #tpu.memory_space<vmem>>
    %dma_wait3A_1303 = tpu.memref_squeeze %dma_wait3A_1302 : memref<1x128xf32, #tpu.memory_space<vmem>> -> memref<128xf32, #tpu.memory_space<vmem>>
    %dma_wait3A_1304 = arith.constant 0 : i32
    %dma_wait3A_1305 = tpu.memref_slice %arg16[%dma_wait3A_1300, %dma_wait3A_1304] : memref<16x80xf32, #tpu.memory_space<vmem_shared>> -> memref<1x80xf32, #tpu.memory_space<vmem_shared>>
    %dma_wait3A_1306 = tpu.memref_squeeze %dma_wait3A_1305 : memref<1x80xf32, #tpu.memory_space<vmem_shared>> -> memref<80xf32, #tpu.memory_space<vmem_shared>>
    %dma_wait3A_1307 = arith.constant 0 : i32
    %dma_wait3A_1308 = tpu.memref_slice %arg16[%dma_wait3A_1300, %dma_wait3A_1307] : memref<16x80xf32, #tpu.memory_space<vmem_shared>> -> memref<1x80xf32, #tpu.memory_space<vmem_shared>>
    %dma_wait3A_1309 = tpu.memref_squeeze %dma_wait3A_1308 : memref<1x80xf32, #tpu.memory_space<vmem_shared>> -> memref<80xf32, #tpu.memory_space<vmem_shared>>
    %dma_wait3A_1310 = arith.constant 0 : i32
    %dma_wait3A_1311 = tpu.memref_slice %arg10[%dma_wait3A_1299, %dma_wait3A_1310] : memref<16x4992xf32, #tpu.memory_space<vmem>> -> memref<1x128xf32, #tpu.memory_space<vmem>>
    %dma_wait3A_1312 = tpu.memref_squeeze %dma_wait3A_1311 : memref<1x128xf32, #tpu.memory_space<vmem>> -> memref<128xf32, #tpu.memory_space<vmem>>
    tpu.wait_dma2 semaphore(%arg18 : memref<!tpu.dma_semaphore, #tpu.memory_space<semaphore_mem>>) src(%dma_wait3A_1312 : memref<128xf32, #tpu.memory_space<vmem>>) dst(%dma_wait3A_1309 : memref<80xf32, #tpu.memory_space<vmem_shared>>)
    %dma_wait3A_1313 = arith.constant 0 : i32
    %dma_wait3A_1314 = arith.constant 0 : i32
    %dma_wait3A_1315 = arith.constant 0 : i32
    %dma_wait3A_1316 = tpu.memref_slice %arg10[%dma_wait3A_1313, %dma_wait3A_1315] : memref<16x4992xf32, #tpu.memory_space<vmem>> -> memref<1x128xf32, #tpu.memory_space<vmem>>
    %dma_wait3A_1317 = tpu.memref_squeeze %dma_wait3A_1316 : memref<1x128xf32, #tpu.memory_space<vmem>> -> memref<128xf32, #tpu.memory_space<vmem>>
    %dma_wait3A_1318 = arith.constant 0 : i32
    %dma_wait3A_1319 = tpu.memref_slice %arg16[%dma_wait3A_1314, %dma_wait3A_1318] : memref<16x80xf32, #tpu.memory_space<vmem_shared>> -> memref<1x80xf32, #tpu.memory_space<vmem_shared>>
    %dma_wait3A_1320 = tpu.memref_squeeze %dma_wait3A_1319 : memref<1x80xf32, #tpu.memory_space<vmem_shared>> -> memref<80xf32, #tpu.memory_space<vmem_shared>>
    %dma_wait3A_1321 = arith.constant 0 : i32
    %dma_wait3A_1322 = tpu.memref_slice %arg16[%dma_wait3A_1314, %dma_wait3A_1321] : memref<16x80xf32, #tpu.memory_space<vmem_shared>> -> memref<1x80xf32, #tpu.memory_space<vmem_shared>>
    %dma_wait3A_1323 = tpu.memref_squeeze %dma_wait3A_1322 : memref<1x80xf32, #tpu.memory_space<vmem_shared>> -> memref<80xf32, #tpu.memory_space<vmem_shared>>
    %dma_wait3A_1324 = arith.constant 0 : i32
    %dma_wait3A_1325 = tpu.memref_slice %arg10[%dma_wait3A_1313, %dma_wait3A_1324] : memref<16x4992xf32, #tpu.memory_space<vmem>> -> memref<1x128xf32, #tpu.memory_space<vmem>>
    %dma_wait3A_1326 = tpu.memref_squeeze %dma_wait3A_1325 : memref<1x128xf32, #tpu.memory_space<vmem>> -> memref<128xf32, #tpu.memory_space<vmem>>
    tpu.wait_dma2 semaphore(%arg18 : memref<!tpu.dma_semaphore, #tpu.memory_space<semaphore_mem>>) src(%dma_wait3A_1326 : memref<128xf32, #tpu.memory_space<vmem>>) dst(%dma_wait3A_1323 : memref<80xf32, #tpu.memory_space<vmem_shared>>)
    %dma_wait3A_1327 = arith.constant 0 : i32
    %dma_wait3A_1328 = arith.constant 0 : i32
    %dma_wait3A_1329 = arith.constant 0 : i32
    %dma_wait3A_1330 = tpu.memref_slice %arg10[%dma_wait3A_1327, %dma_wait3A_1329] : memref<16x4992xf32, #tpu.memory_space<vmem>> -> memref<1x128xf32, #tpu.memory_space<vmem>>
    %dma_wait3A_1331 = tpu.memref_squeeze %dma_wait3A_1330 : memref<1x128xf32, #tpu.memory_space<vmem>> -> memref<128xf32, #tpu.memory_space<vmem>>
    %dma_wait3A_1332 = arith.constant 0 : i32
    %dma_wait3A_1333 = tpu.memref_slice %arg16[%dma_wait3A_1328, %dma_wait3A_1332] : memref<16x80xf32, #tpu.memory_space<vmem_shared>> -> memref<1x80xf32, #tpu.memory_space<vmem_shared>>
    %dma_wait3A_1334 = tpu.memref_squeeze %dma_wait3A_1333 : memref<1x80xf32, #tpu.memory_space<vmem_shared>> -> memref<80xf32, #tpu.memory_space<vmem_shared>>
    %dma_wait3A_1335 = arith.constant 0 : i32
    %dma_wait3A_1336 = tpu.memref_slice %arg16[%dma_wait3A_1328, %dma_wait3A_1335] : memref<16x80xf32, #tpu.memory_space<vmem_shared>> -> memref<1x80xf32, #tpu.memory_space<vmem_shared>>
    %dma_wait3A_1337 = tpu.memref_squeeze %dma_wait3A_1336 : memref<1x80xf32, #tpu.memory_space<vmem_shared>> -> memref<80xf32, #tpu.memory_space<vmem_shared>>
    %dma_wait3A_1338 = arith.constant 0 : i32
    %dma_wait3A_1339 = tpu.memref_slice %arg10[%dma_wait3A_1327, %dma_wait3A_1338] : memref<16x4992xf32, #tpu.memory_space<vmem>> -> memref<1x128xf32, #tpu.memory_space<vmem>>
    %dma_wait3A_1340 = tpu.memref_squeeze %dma_wait3A_1339 : memref<1x128xf32, #tpu.memory_space<vmem>> -> memref<128xf32, #tpu.memory_space<vmem>>
    tpu.wait_dma2 semaphore(%arg18 : memref<!tpu.dma_semaphore, #tpu.memory_space<semaphore_mem>>) src(%dma_wait3A_1340 : memref<128xf32, #tpu.memory_space<vmem>>) dst(%dma_wait3A_1337 : memref<80xf32, #tpu.memory_space<vmem_shared>>)
    %dma_wait3A_1341 = arith.constant 0 : i32
    %dma_wait3A_1342 = arith.constant 0 : i32
    %dma_wait3A_1343 = arith.constant 0 : i32
    %dma_wait3A_1344 = tpu.memref_slice %arg10[%dma_wait3A_1341, %dma_wait3A_1343] : memref<16x4992xf32, #tpu.memory_space<vmem>> -> memref<1x128xf32, #tpu.memory_space<vmem>>
    %dma_wait3A_1345 = tpu.memref_squeeze %dma_wait3A_1344 : memref<1x128xf32, #tpu.memory_space<vmem>> -> memref<128xf32, #tpu.memory_space<vmem>>
    %dma_wait3A_1346 = arith.constant 0 : i32
    %dma_wait3A_1347 = tpu.memref_slice %arg16[%dma_wait3A_1342, %dma_wait3A_1346] : memref<16x80xf32, #tpu.memory_space<vmem_shared>> -> memref<1x80xf32, #tpu.memory_space<vmem_shared>>
    %dma_wait3A_1348 = tpu.memref_squeeze %dma_wait3A_1347 : memref<1x80xf32, #tpu.memory_space<vmem_shared>> -> memref<80xf32, #tpu.memory_space<vmem_shared>>
    %dma_wait3A_1349 = arith.constant 0 : i32
    %dma_wait3A_1350 = tpu.memref_slice %arg16[%dma_wait3A_1342, %dma_wait3A_1349] : memref<16x80xf32, #tpu.memory_space<vmem_shared>> -> memref<1x80xf32, #tpu.memory_space<vmem_shared>>
    %dma_wait3A_1351 = tpu.memref_squeeze %dma_wait3A_1350 : memref<1x80xf32, #tpu.memory_space<vmem_shared>> -> memref<80xf32, #tpu.memory_space<vmem_shared>>
    %dma_wait3A_1352 = arith.constant 0 : i32
    %dma_wait3A_1353 = tpu.memref_slice %arg10[%dma_wait3A_1341, %dma_wait3A_1352] : memref<16x4992xf32, #tpu.memory_space<vmem>> -> memref<1x128xf32, #tpu.memory_space<vmem>>
    %dma_wait3A_1354 = tpu.memref_squeeze %dma_wait3A_1353 : memref<1x128xf32, #tpu.memory_space<vmem>> -> memref<128xf32, #tpu.memory_space<vmem>>
    tpu.wait_dma2 semaphore(%arg18 : memref<!tpu.dma_semaphore, #tpu.memory_space<semaphore_mem>>) src(%dma_wait3A_1354 : memref<128xf32, #tpu.memory_space<vmem>>) dst(%dma_wait3A_1351 : memref<80xf32, #tpu.memory_space<vmem_shared>>)
    %dma_wait3A_1355 = arith.constant 0 : i32
    %dma_wait3A_1356 = arith.constant 0 : i32
    %dma_wait3A_1357 = arith.constant 0 : i32
    %dma_wait3A_1358 = tpu.memref_slice %arg10[%dma_wait3A_1355, %dma_wait3A_1357] : memref<16x4992xf32, #tpu.memory_space<vmem>> -> memref<1x128xf32, #tpu.memory_space<vmem>>
    %dma_wait3A_1359 = tpu.memref_squeeze %dma_wait3A_1358 : memref<1x128xf32, #tpu.memory_space<vmem>> -> memref<128xf32, #tpu.memory_space<vmem>>
    %dma_wait3A_1360 = arith.constant 0 : i32
    %dma_wait3A_1361 = tpu.memref_slice %arg16[%dma_wait3A_1356, %dma_wait3A_1360] : memref<16x80xf32, #tpu.memory_space<vmem_shared>> -> memref<1x80xf32, #tpu.memory_space<vmem_shared>>
    %dma_wait3A_1362 = tpu.memref_squeeze %dma_wait3A_1361 : memref<1x80xf32, #tpu.memory_space<vmem_shared>> -> memref<80xf32, #tpu.memory_space<vmem_shared>>
    %dma_wait3A_1363 = arith.constant 0 : i32
    %dma_wait3A_1364 = tpu.memref_slice %arg16[%dma_wait3A_1356, %dma_wait3A_1363] : memref<16x80xf32, #tpu.memory_space<vmem_shared>> -> memref<1x80xf32, #tpu.memory_space<vmem_shared>>
    %dma_wait3A_1365 = tpu.memref_squeeze %dma_wait3A_1364 : memref<1x80xf32, #tpu.memory_space<vmem_shared>> -> memref<80xf32, #tpu.memory_space<vmem_shared>>
    %dma_wait3A_1366 = arith.constant 0 : i32
    %dma_wait3A_1367 = tpu.memref_slice %arg10[%dma_wait3A_1355, %dma_wait3A_1366] : memref<16x4992xf32, #tpu.memory_space<vmem>> -> memref<1x128xf32, #tpu.memory_space<vmem>>
    %dma_wait3A_1368 = tpu.memref_squeeze %dma_wait3A_1367 : memref<1x128xf32, #tpu.memory_space<vmem>> -> memref<128xf32, #tpu.memory_space<vmem>>
    tpu.wait_dma2 semaphore(%arg18 : memref<!tpu.dma_semaphore, #tpu.memory_space<semaphore_mem>>) src(%dma_wait3A_1368 : memref<128xf32, #tpu.memory_space<vmem>>) dst(%dma_wait3A_1365 : memref<80xf32, #tpu.memory_space<vmem_shared>>)
    %dma_wait3A_1369 = arith.constant 0 : i32
    %dma_wait3A_1370 = arith.constant 0 : i32
    %dma_wait3A_1371 = arith.constant 0 : i32
    %dma_wait3A_1372 = tpu.memref_slice %arg10[%dma_wait3A_1369, %dma_wait3A_1371] : memref<16x4992xf32, #tpu.memory_space<vmem>> -> memref<1x128xf32, #tpu.memory_space<vmem>>
    %dma_wait3A_1373 = tpu.memref_squeeze %dma_wait3A_1372 : memref<1x128xf32, #tpu.memory_space<vmem>> -> memref<128xf32, #tpu.memory_space<vmem>>
    %dma_wait3A_1374 = arith.constant 0 : i32
    %dma_wait3A_1375 = tpu.memref_slice %arg16[%dma_wait3A_1370, %dma_wait3A_1374] : memref<16x80xf32, #tpu.memory_space<vmem_shared>> -> memref<1x80xf32, #tpu.memory_space<vmem_shared>>
    %dma_wait3A_1376 = tpu.memref_squeeze %dma_wait3A_1375 : memref<1x80xf32, #tpu.memory_space<vmem_shared>> -> memref<80xf32, #tpu.memory_space<vmem_shared>>
    %dma_wait3A_1377 = arith.constant 0 : i32
    %dma_wait3A_1378 = tpu.memref_slice %arg16[%dma_wait3A_1370, %dma_wait3A_1377] : memref<16x80xf32, #tpu.memory_space<vmem_shared>> -> memref<1x80xf32, #tpu.memory_space<vmem_shared>>
    %dma_wait3A_1379 = tpu.memref_squeeze %dma_wait3A_1378 : memref<1x80xf32, #tpu.memory_space<vmem_shared>> -> memref<80xf32, #tpu.memory_space<vmem_shared>>
    %dma_wait3A_1380 = arith.constant 0 : i32
    %dma_wait3A_1381 = tpu.memref_slice %arg10[%dma_wait3A_1369, %dma_wait3A_1380] : memref<16x4992xf32, #tpu.memory_space<vmem>> -> memref<1x128xf32, #tpu.memory_space<vmem>>
    %dma_wait3A_1382 = tpu.memref_squeeze %dma_wait3A_1381 : memref<1x128xf32, #tpu.memory_space<vmem>> -> memref<128xf32, #tpu.memory_space<vmem>>
    tpu.wait_dma2 semaphore(%arg18 : memref<!tpu.dma_semaphore, #tpu.memory_space<semaphore_mem>>) src(%dma_wait3A_1382 : memref<128xf32, #tpu.memory_space<vmem>>) dst(%dma_wait3A_1379 : memref<80xf32, #tpu.memory_space<vmem_shared>>)
    %dma_wait3A_1383 = arith.constant 0 : i32
    %dma_wait3A_1384 = arith.constant 0 : i32
    %dma_wait3A_1385 = arith.constant 0 : i32
    %dma_wait3A_1386 = tpu.memref_slice %arg10[%dma_wait3A_1383, %dma_wait3A_1385] : memref<16x4992xf32, #tpu.memory_space<vmem>> -> memref<1x128xf32, #tpu.memory_space<vmem>>
    %dma_wait3A_1387 = tpu.memref_squeeze %dma_wait3A_1386 : memref<1x128xf32, #tpu.memory_space<vmem>> -> memref<128xf32, #tpu.memory_space<vmem>>
    %dma_wait3A_1388 = arith.constant 0 : i32
    %dma_wait3A_1389 = tpu.memref_slice %arg16[%dma_wait3A_1384, %dma_wait3A_1388] : memref<16x80xf32, #tpu.memory_space<vmem_shared>> -> memref<1x80xf32, #tpu.memory_space<vmem_shared>>
    %dma_wait3A_1390 = tpu.memref_squeeze %dma_wait3A_1389 : memref<1x80xf32, #tpu.memory_space<vmem_shared>> -> memref<80xf32, #tpu.memory_space<vmem_shared>>
    %dma_wait3A_1391 = arith.constant 0 : i32
    %dma_wait3A_1392 = tpu.memref_slice %arg16[%dma_wait3A_1384, %dma_wait3A_1391] : memref<16x80xf32, #tpu.memory_space<vmem_shared>> -> memref<1x80xf32, #tpu.memory_space<vmem_shared>>
    %dma_wait3A_1393 = tpu.memref_squeeze %dma_wait3A_1392 : memref<1x80xf32, #tpu.memory_space<vmem_shared>> -> memref<80xf32, #tpu.memory_space<vmem_shared>>
    %dma_wait3A_1394 = arith.constant 0 : i32
    %dma_wait3A_1395 = tpu.memref_slice %arg10[%dma_wait3A_1383, %dma_wait3A_1394] : memref<16x4992xf32, #tpu.memory_space<vmem>> -> memref<1x128xf32, #tpu.memory_space<vmem>>
    %dma_wait3A_1396 = tpu.memref_squeeze %dma_wait3A_1395 : memref<1x128xf32, #tpu.memory_space<vmem>> -> memref<128xf32, #tpu.memory_space<vmem>>
    tpu.wait_dma2 semaphore(%arg18 : memref<!tpu.dma_semaphore, #tpu.memory_space<semaphore_mem>>) src(%dma_wait3A_1396 : memref<128xf32, #tpu.memory_space<vmem>>) dst(%dma_wait3A_1393 : memref<80xf32, #tpu.memory_space<vmem_shared>>)
    %dma_wait3A_1397 = arith.constant 0 : i32
    %dma_wait3A_1398 = arith.constant 0 : i32
    %dma_wait3A_1399 = arith.constant 0 : i32
    %dma_wait3A_1400 = tpu.memref_slice %arg10[%dma_wait3A_1397, %dma_wait3A_1399] : memref<16x4992xf32, #tpu.memory_space<vmem>> -> memref<1x128xf32, #tpu.memory_space<vmem>>
    %dma_wait3A_1401 = tpu.memref_squeeze %dma_wait3A_1400 : memref<1x128xf32, #tpu.memory_space<vmem>> -> memref<128xf32, #tpu.memory_space<vmem>>
    %dma_wait3A_1402 = arith.constant 0 : i32
    %dma_wait3A_1403 = tpu.memref_slice %arg16[%dma_wait3A_1398, %dma_wait3A_1402] : memref<16x80xf32, #tpu.memory_space<vmem_shared>> -> memref<1x80xf32, #tpu.memory_space<vmem_shared>>
    %dma_wait3A_1404 = tpu.memref_squeeze %dma_wait3A_1403 : memref<1x80xf32, #tpu.memory_space<vmem_shared>> -> memref<80xf32, #tpu.memory_space<vmem_shared>>
    %dma_wait3A_1405 = arith.constant 0 : i32
    %dma_wait3A_1406 = tpu.memref_slice %arg16[%dma_wait3A_1398, %dma_wait3A_1405] : memref<16x80xf32, #tpu.memory_space<vmem_shared>> -> memref<1x80xf32, #tpu.memory_space<vmem_shared>>
    %dma_wait3A_1407 = tpu.memref_squeeze %dma_wait3A_1406 : memref<1x80xf32, #tpu.memory_space<vmem_shared>> -> memref<80xf32, #tpu.memory_space<vmem_shared>>
    %dma_wait3A_1408 = arith.constant 0 : i32
    %dma_wait3A_1409 = tpu.memref_slice %arg10[%dma_wait3A_1397, %dma_wait3A_1408] : memref<16x4992xf32, #tpu.memory_space<vmem>> -> memref<1x128xf32, #tpu.memory_space<vmem>>
    %dma_wait3A_1410 = tpu.memref_squeeze %dma_wait3A_1409 : memref<1x128xf32, #tpu.memory_space<vmem>> -> memref<128xf32, #tpu.memory_space<vmem>>
    tpu.wait_dma2 semaphore(%arg18 : memref<!tpu.dma_semaphore, #tpu.memory_space<semaphore_mem>>) src(%dma_wait3A_1410 : memref<128xf32, #tpu.memory_space<vmem>>) dst(%dma_wait3A_1407 : memref<80xf32, #tpu.memory_space<vmem_shared>>)
    %dma_wait3A_1411 = arith.constant 0 : i32
    %dma_wait3A_1412 = arith.constant 0 : i32
    %dma_wait3A_1413 = arith.constant 0 : i32
    %dma_wait3A_1414 = tpu.memref_slice %arg10[%dma_wait3A_1411, %dma_wait3A_1413] : memref<16x4992xf32, #tpu.memory_space<vmem>> -> memref<1x128xf32, #tpu.memory_space<vmem>>
    %dma_wait3A_1415 = tpu.memref_squeeze %dma_wait3A_1414 : memref<1x128xf32, #tpu.memory_space<vmem>> -> memref<128xf32, #tpu.memory_space<vmem>>
    %dma_wait3A_1416 = arith.constant 0 : i32
    %dma_wait3A_1417 = tpu.memref_slice %arg16[%dma_wait3A_1412, %dma_wait3A_1416] : memref<16x80xf32, #tpu.memory_space<vmem_shared>> -> memref<1x80xf32, #tpu.memory_space<vmem_shared>>
    %dma_wait3A_1418 = tpu.memref_squeeze %dma_wait3A_1417 : memref<1x80xf32, #tpu.memory_space<vmem_shared>> -> memref<80xf32, #tpu.memory_space<vmem_shared>>
    %dma_wait3A_1419 = arith.constant 0 : i32
    %dma_wait3A_1420 = tpu.memref_slice %arg16[%dma_wait3A_1412, %dma_wait3A_1419] : memref<16x80xf32, #tpu.memory_space<vmem_shared>> -> memref<1x80xf32, #tpu.memory_space<vmem_shared>>
    %dma_wait3A_1421 = tpu.memref_squeeze %dma_wait3A_1420 : memref<1x80xf32, #tpu.memory_space<vmem_shared>> -> memref<80xf32, #tpu.memory_space<vmem_shared>>
    %dma_wait3A_1422 = arith.constant 0 : i32
    %dma_wait3A_1423 = tpu.memref_slice %arg10[%dma_wait3A_1411, %dma_wait3A_1422] : memref<16x4992xf32, #tpu.memory_space<vmem>> -> memref<1x128xf32, #tpu.memory_space<vmem>>
    %dma_wait3A_1424 = tpu.memref_squeeze %dma_wait3A_1423 : memref<1x128xf32, #tpu.memory_space<vmem>> -> memref<128xf32, #tpu.memory_space<vmem>>
    tpu.wait_dma2 semaphore(%arg18 : memref<!tpu.dma_semaphore, #tpu.memory_space<semaphore_mem>>) src(%dma_wait3A_1424 : memref<128xf32, #tpu.memory_space<vmem>>) dst(%dma_wait3A_1421 : memref<80xf32, #tpu.memory_space<vmem_shared>>)
    %dma_wait3A_1425 = arith.constant 0 : i32
    %dma_wait3A_1426 = arith.constant 0 : i32
    %dma_wait3A_1427 = arith.constant 0 : i32
    %dma_wait3A_1428 = tpu.memref_slice %arg10[%dma_wait3A_1425, %dma_wait3A_1427] : memref<16x4992xf32, #tpu.memory_space<vmem>> -> memref<1x128xf32, #tpu.memory_space<vmem>>
    %dma_wait3A_1429 = tpu.memref_squeeze %dma_wait3A_1428 : memref<1x128xf32, #tpu.memory_space<vmem>> -> memref<128xf32, #tpu.memory_space<vmem>>
    %dma_wait3A_1430 = arith.constant 0 : i32
    %dma_wait3A_1431 = tpu.memref_slice %arg16[%dma_wait3A_1426, %dma_wait3A_1430] : memref<16x80xf32, #tpu.memory_space<vmem_shared>> -> memref<1x80xf32, #tpu.memory_space<vmem_shared>>
    %dma_wait3A_1432 = tpu.memref_squeeze %dma_wait3A_1431 : memref<1x80xf32, #tpu.memory_space<vmem_shared>> -> memref<80xf32, #tpu.memory_space<vmem_shared>>
    %dma_wait3A_1433 = arith.constant 0 : i32
    %dma_wait3A_1434 = tpu.memref_slice %arg16[%dma_wait3A_1426, %dma_wait3A_1433] : memref<16x80xf32, #tpu.memory_space<vmem_shared>> -> memref<1x80xf32, #tpu.memory_space<vmem_shared>>
    %dma_wait3A_1435 = tpu.memref_squeeze %dma_wait3A_1434 : memref<1x80xf32, #tpu.memory_space<vmem_shared>> -> memref<80xf32, #tpu.memory_space<vmem_shared>>
    %dma_wait3A_1436 = arith.constant 0 : i32
    %dma_wait3A_1437 = tpu.memref_slice %arg10[%dma_wait3A_1425, %dma_wait3A_1436] : memref<16x4992xf32, #tpu.memory_space<vmem>> -> memref<1x128xf32, #tpu.memory_space<vmem>>
    %dma_wait3A_1438 = tpu.memref_squeeze %dma_wait3A_1437 : memref<1x128xf32, #tpu.memory_space<vmem>> -> memref<128xf32, #tpu.memory_space<vmem>>
    tpu.wait_dma2 semaphore(%arg18 : memref<!tpu.dma_semaphore, #tpu.memory_space<semaphore_mem>>) src(%dma_wait3A_1438 : memref<128xf32, #tpu.memory_space<vmem>>) dst(%dma_wait3A_1435 : memref<80xf32, #tpu.memory_space<vmem_shared>>)
    %dma_wait3A_1439 = arith.constant 0 : i32
    %dma_wait3A_1440 = arith.constant 0 : i32
    %dma_wait3A_1441 = arith.constant 0 : i32
    %dma_wait3A_1442 = tpu.memref_slice %arg10[%dma_wait3A_1439, %dma_wait3A_1441] : memref<16x4992xf32, #tpu.memory_space<vmem>> -> memref<1x128xf32, #tpu.memory_space<vmem>>
    %dma_wait3A_1443 = tpu.memref_squeeze %dma_wait3A_1442 : memref<1x128xf32, #tpu.memory_space<vmem>> -> memref<128xf32, #tpu.memory_space<vmem>>
    %dma_wait3A_1444 = arith.constant 0 : i32
    %dma_wait3A_1445 = tpu.memref_slice %arg16[%dma_wait3A_1440, %dma_wait3A_1444] : memref<16x80xf32, #tpu.memory_space<vmem_shared>> -> memref<1x80xf32, #tpu.memory_space<vmem_shared>>
    %dma_wait3A_1446 = tpu.memref_squeeze %dma_wait3A_1445 : memref<1x80xf32, #tpu.memory_space<vmem_shared>> -> memref<80xf32, #tpu.memory_space<vmem_shared>>
    %dma_wait3A_1447 = arith.constant 0 : i32
    %dma_wait3A_1448 = tpu.memref_slice %arg16[%dma_wait3A_1440, %dma_wait3A_1447] : memref<16x80xf32, #tpu.memory_space<vmem_shared>> -> memref<1x80xf32, #tpu.memory_space<vmem_shared>>
    %dma_wait3A_1449 = tpu.memref_squeeze %dma_wait3A_1448 : memref<1x80xf32, #tpu.memory_space<vmem_shared>> -> memref<80xf32, #tpu.memory_space<vmem_shared>>
    %dma_wait3A_1450 = arith.constant 0 : i32
    %dma_wait3A_1451 = tpu.memref_slice %arg10[%dma_wait3A_1439, %dma_wait3A_1450] : memref<16x4992xf32, #tpu.memory_space<vmem>> -> memref<1x128xf32, #tpu.memory_space<vmem>>
    %dma_wait3A_1452 = tpu.memref_squeeze %dma_wait3A_1451 : memref<1x128xf32, #tpu.memory_space<vmem>> -> memref<128xf32, #tpu.memory_space<vmem>>
    tpu.wait_dma2 semaphore(%arg18 : memref<!tpu.dma_semaphore, #tpu.memory_space<semaphore_mem>>) src(%dma_wait3A_1452 : memref<128xf32, #tpu.memory_space<vmem>>) dst(%dma_wait3A_1449 : memref<80xf32, #tpu.memory_space<vmem_shared>>)
    %dma_wait3A_1453 = arith.constant 0 : i32
    %dma_wait3A_1454 = arith.constant 0 : i32
    %dma_wait3A_1455 = arith.constant 0 : i32
    %dma_wait3A_1456 = tpu.memref_slice %arg10[%dma_wait3A_1453, %dma_wait3A_1455] : memref<16x4992xf32, #tpu.memory_space<vmem>> -> memref<1x128xf32, #tpu.memory_space<vmem>>
    %dma_wait3A_1457 = tpu.memref_squeeze %dma_wait3A_1456 : memref<1x128xf32, #tpu.memory_space<vmem>> -> memref<128xf32, #tpu.memory_space<vmem>>
    %dma_wait3A_1458 = arith.constant 0 : i32
    %dma_wait3A_1459 = tpu.memref_slice %arg16[%dma_wait3A_1454, %dma_wait3A_1458] : memref<16x80xf32, #tpu.memory_space<vmem_shared>> -> memref<1x80xf32, #tpu.memory_space<vmem_shared>>
    %dma_wait3A_1460 = tpu.memref_squeeze %dma_wait3A_1459 : memref<1x80xf32, #tpu.memory_space<vmem_shared>> -> memref<80xf32, #tpu.memory_space<vmem_shared>>
    %dma_wait3A_1461 = arith.constant 0 : i32
    %dma_wait3A_1462 = tpu.memref_slice %arg16[%dma_wait3A_1454, %dma_wait3A_1461] : memref<16x80xf32, #tpu.memory_space<vmem_shared>> -> memref<1x80xf32, #tpu.memory_space<vmem_shared>>
    %dma_wait3A_1463 = tpu.memref_squeeze %dma_wait3A_1462 : memref<1x80xf32, #tpu.memory_space<vmem_shared>> -> memref<80xf32, #tpu.memory_space<vmem_shared>>
    %dma_wait3A_1464 = arith.constant 0 : i32
    %dma_wait3A_1465 = tpu.memref_slice %arg10[%dma_wait3A_1453, %dma_wait3A_1464] : memref<16x4992xf32, #tpu.memory_space<vmem>> -> memref<1x128xf32, #tpu.memory_space<vmem>>
    %dma_wait3A_1466 = tpu.memref_squeeze %dma_wait3A_1465 : memref<1x128xf32, #tpu.memory_space<vmem>> -> memref<128xf32, #tpu.memory_space<vmem>>
    tpu.wait_dma2 semaphore(%arg18 : memref<!tpu.dma_semaphore, #tpu.memory_space<semaphore_mem>>) src(%dma_wait3A_1466 : memref<128xf32, #tpu.memory_space<vmem>>) dst(%dma_wait3A_1463 : memref<80xf32, #tpu.memory_space<vmem_shared>>)
    %dma_wait3A_1467 = arith.constant 0 : i32
    %dma_wait3A_1468 = arith.constant 0 : i32
    %dma_wait3A_1469 = arith.constant 0 : i32
    %dma_wait3A_1470 = tpu.memref_slice %arg10[%dma_wait3A_1467, %dma_wait3A_1469] : memref<16x4992xf32, #tpu.memory_space<vmem>> -> memref<1x128xf32, #tpu.memory_space<vmem>>
    %dma_wait3A_1471 = tpu.memref_squeeze %dma_wait3A_1470 : memref<1x128xf32, #tpu.memory_space<vmem>> -> memref<128xf32, #tpu.memory_space<vmem>>
    %dma_wait3A_1472 = arith.constant 0 : i32
    %dma_wait3A_1473 = tpu.memref_slice %arg16[%dma_wait3A_1468, %dma_wait3A_1472] : memref<16x80xf32, #tpu.memory_space<vmem_shared>> -> memref<1x80xf32, #tpu.memory_space<vmem_shared>>
    %dma_wait3A_1474 = tpu.memref_squeeze %dma_wait3A_1473 : memref<1x80xf32, #tpu.memory_space<vmem_shared>> -> memref<80xf32, #tpu.memory_space<vmem_shared>>
    %dma_wait3A_1475 = arith.constant 0 : i32
    %dma_wait3A_1476 = tpu.memref_slice %arg16[%dma_wait3A_1468, %dma_wait3A_1475] : memref<16x80xf32, #tpu.memory_space<vmem_shared>> -> memref<1x80xf32, #tpu.memory_space<vmem_shared>>
    %dma_wait3A_1477 = tpu.memref_squeeze %dma_wait3A_1476 : memref<1x80xf32, #tpu.memory_space<vmem_shared>> -> memref<80xf32, #tpu.memory_space<vmem_shared>>
    %dma_wait3A_1478 = arith.constant 0 : i32
    %dma_wait3A_1479 = tpu.memref_slice %arg10[%dma_wait3A_1467, %dma_wait3A_1478] : memref<16x4992xf32, #tpu.memory_space<vmem>> -> memref<1x128xf32, #tpu.memory_space<vmem>>
    %dma_wait3A_1480 = tpu.memref_squeeze %dma_wait3A_1479 : memref<1x128xf32, #tpu.memory_space<vmem>> -> memref<128xf32, #tpu.memory_space<vmem>>
    tpu.wait_dma2 semaphore(%arg18 : memref<!tpu.dma_semaphore, #tpu.memory_space<semaphore_mem>>) src(%dma_wait3A_1480 : memref<128xf32, #tpu.memory_space<vmem>>) dst(%dma_wait3A_1477 : memref<80xf32, #tpu.memory_space<vmem_shared>>)
    %dma_wait3A_1481 = arith.constant 0 : i32
    %dma_wait3A_1482 = arith.constant 0 : i32
    %dma_wait3A_1483 = arith.constant 0 : i32
    %dma_wait3A_1484 = tpu.memref_slice %arg10[%dma_wait3A_1481, %dma_wait3A_1483] : memref<16x4992xf32, #tpu.memory_space<vmem>> -> memref<1x128xf32, #tpu.memory_space<vmem>>
    %dma_wait3A_1485 = tpu.memref_squeeze %dma_wait3A_1484 : memref<1x128xf32, #tpu.memory_space<vmem>> -> memref<128xf32, #tpu.memory_space<vmem>>
    %dma_wait3A_1486 = arith.constant 0 : i32
    %dma_wait3A_1487 = tpu.memref_slice %arg16[%dma_wait3A_1482, %dma_wait3A_1486] : memref<16x80xf32, #tpu.memory_space<vmem_shared>> -> memref<1x80xf32, #tpu.memory_space<vmem_shared>>
    %dma_wait3A_1488 = tpu.memref_squeeze %dma_wait3A_1487 : memref<1x80xf32, #tpu.memory_space<vmem_shared>> -> memref<80xf32, #tpu.memory_space<vmem_shared>>
    %dma_wait3A_1489 = arith.constant 0 : i32
    %dma_wait3A_1490 = tpu.memref_slice %arg16[%dma_wait3A_1482, %dma_wait3A_1489] : memref<16x80xf32, #tpu.memory_space<vmem_shared>> -> memref<1x80xf32, #tpu.memory_space<vmem_shared>>
    %dma_wait3A_1491 = tpu.memref_squeeze %dma_wait3A_1490 : memref<1x80xf32, #tpu.memory_space<vmem_shared>> -> memref<80xf32, #tpu.memory_space<vmem_shared>>
    %dma_wait3A_1492 = arith.constant 0 : i32
    %dma_wait3A_1493 = tpu.memref_slice %arg10[%dma_wait3A_1481, %dma_wait3A_1492] : memref<16x4992xf32, #tpu.memory_space<vmem>> -> memref<1x128xf32, #tpu.memory_space<vmem>>
    %dma_wait3A_1494 = tpu.memref_squeeze %dma_wait3A_1493 : memref<1x128xf32, #tpu.memory_space<vmem>> -> memref<128xf32, #tpu.memory_space<vmem>>
    tpu.wait_dma2 semaphore(%arg18 : memref<!tpu.dma_semaphore, #tpu.memory_space<semaphore_mem>>) src(%dma_wait3A_1494 : memref<128xf32, #tpu.memory_space<vmem>>) dst(%dma_wait3A_1491 : memref<80xf32, #tpu.memory_space<vmem_shared>>)
    %dma_wait3A_1495 = arith.constant 0 : i32
    %dma_wait3A_1496 = arith.constant 0 : i32
    %dma_wait3A_1497 = arith.constant 0 : i32
    %dma_wait3A_1498 = tpu.memref_slice %arg10[%dma_wait3A_1495, %dma_wait3A_1497] : memref<16x4992xf32, #tpu.memory_space<vmem>> -> memref<1x128xf32, #tpu.memory_space<vmem>>
    %dma_wait3A_1499 = tpu.memref_squeeze %dma_wait3A_1498 : memref<1x128xf32, #tpu.memory_space<vmem>> -> memref<128xf32, #tpu.memory_space<vmem>>
    %dma_wait3A_1500 = arith.constant 0 : i32
    %dma_wait3A_1501 = tpu.memref_slice %arg16[%dma_wait3A_1496, %dma_wait3A_1500] : memref<16x80xf32, #tpu.memory_space<vmem_shared>> -> memref<1x80xf32, #tpu.memory_space<vmem_shared>>
    %dma_wait3A_1502 = tpu.memref_squeeze %dma_wait3A_1501 : memref<1x80xf32, #tpu.memory_space<vmem_shared>> -> memref<80xf32, #tpu.memory_space<vmem_shared>>
    %dma_wait3A_1503 = arith.constant 0 : i32
    %dma_wait3A_1504 = tpu.memref_slice %arg16[%dma_wait3A_1496, %dma_wait3A_1503] : memref<16x80xf32, #tpu.memory_space<vmem_shared>> -> memref<1x80xf32, #tpu.memory_space<vmem_shared>>
    %dma_wait3A_1505 = tpu.memref_squeeze %dma_wait3A_1504 : memref<1x80xf32, #tpu.memory_space<vmem_shared>> -> memref<80xf32, #tpu.memory_space<vmem_shared>>
    %dma_wait3A_1506 = arith.constant 0 : i32
    %dma_wait3A_1507 = tpu.memref_slice %arg10[%dma_wait3A_1495, %dma_wait3A_1506] : memref<16x4992xf32, #tpu.memory_space<vmem>> -> memref<1x128xf32, #tpu.memory_space<vmem>>
    %dma_wait3A_1508 = tpu.memref_squeeze %dma_wait3A_1507 : memref<1x128xf32, #tpu.memory_space<vmem>> -> memref<128xf32, #tpu.memory_space<vmem>>
    tpu.wait_dma2 semaphore(%arg18 : memref<!tpu.dma_semaphore, #tpu.memory_space<semaphore_mem>>) src(%dma_wait3A_1508 : memref<128xf32, #tpu.memory_space<vmem>>) dst(%dma_wait3A_1505 : memref<80xf32, #tpu.memory_space<vmem_shared>>)
    %dma_wait3A_1509 = arith.constant 0 : i32
    %dma_wait3A_1510 = arith.constant 0 : i32
    %dma_wait3A_1511 = arith.constant 0 : i32
    %dma_wait3A_1512 = tpu.memref_slice %arg10[%dma_wait3A_1509, %dma_wait3A_1511] : memref<16x4992xf32, #tpu.memory_space<vmem>> -> memref<1x128xf32, #tpu.memory_space<vmem>>
    %dma_wait3A_1513 = tpu.memref_squeeze %dma_wait3A_1512 : memref<1x128xf32, #tpu.memory_space<vmem>> -> memref<128xf32, #tpu.memory_space<vmem>>
    %dma_wait3A_1514 = arith.constant 0 : i32
    %dma_wait3A_1515 = tpu.memref_slice %arg16[%dma_wait3A_1510, %dma_wait3A_1514] : memref<16x80xf32, #tpu.memory_space<vmem_shared>> -> memref<1x80xf32, #tpu.memory_space<vmem_shared>>
    %dma_wait3A_1516 = tpu.memref_squeeze %dma_wait3A_1515 : memref<1x80xf32, #tpu.memory_space<vmem_shared>> -> memref<80xf32, #tpu.memory_space<vmem_shared>>
    %dma_wait3A_1517 = arith.constant 0 : i32
    %dma_wait3A_1518 = tpu.memref_slice %arg16[%dma_wait3A_1510, %dma_wait3A_1517] : memref<16x80xf32, #tpu.memory_space<vmem_shared>> -> memref<1x80xf32, #tpu.memory_space<vmem_shared>>
    %dma_wait3A_1519 = tpu.memref_squeeze %dma_wait3A_1518 : memref<1x80xf32, #tpu.memory_space<vmem_shared>> -> memref<80xf32, #tpu.memory_space<vmem_shared>>
    %dma_wait3A_1520 = arith.constant 0 : i32
    %dma_wait3A_1521 = tpu.memref_slice %arg10[%dma_wait3A_1509, %dma_wait3A_1520] : memref<16x4992xf32, #tpu.memory_space<vmem>> -> memref<1x128xf32, #tpu.memory_space<vmem>>
    %dma_wait3A_1522 = tpu.memref_squeeze %dma_wait3A_1521 : memref<1x128xf32, #tpu.memory_space<vmem>> -> memref<128xf32, #tpu.memory_space<vmem>>
    tpu.wait_dma2 semaphore(%arg18 : memref<!tpu.dma_semaphore, #tpu.memory_space<semaphore_mem>>) src(%dma_wait3A_1522 : memref<128xf32, #tpu.memory_space<vmem>>) dst(%dma_wait3A_1519 : memref<80xf32, #tpu.memory_space<vmem_shared>>)
    %dma_wait3A_1523 = arith.constant 0 : i32
    %dma_wait3A_1524 = arith.constant 0 : i32
    %dma_wait3A_1525 = arith.constant 0 : i32
    %dma_wait3A_1526 = tpu.memref_slice %arg10[%dma_wait3A_1523, %dma_wait3A_1525] : memref<16x4992xf32, #tpu.memory_space<vmem>> -> memref<1x128xf32, #tpu.memory_space<vmem>>
    %dma_wait3A_1527 = tpu.memref_squeeze %dma_wait3A_1526 : memref<1x128xf32, #tpu.memory_space<vmem>> -> memref<128xf32, #tpu.memory_space<vmem>>
    %dma_wait3A_1528 = arith.constant 0 : i32
    %dma_wait3A_1529 = tpu.memref_slice %arg16[%dma_wait3A_1524, %dma_wait3A_1528] : memref<16x80xf32, #tpu.memory_space<vmem_shared>> -> memref<1x80xf32, #tpu.memory_space<vmem_shared>>
    %dma_wait3A_1530 = tpu.memref_squeeze %dma_wait3A_1529 : memref<1x80xf32, #tpu.memory_space<vmem_shared>> -> memref<80xf32, #tpu.memory_space<vmem_shared>>
    %dma_wait3A_1531 = arith.constant 0 : i32
    %dma_wait3A_1532 = tpu.memref_slice %arg16[%dma_wait3A_1524, %dma_wait3A_1531] : memref<16x80xf32, #tpu.memory_space<vmem_shared>> -> memref<1x80xf32, #tpu.memory_space<vmem_shared>>
    %dma_wait3A_1533 = tpu.memref_squeeze %dma_wait3A_1532 : memref<1x80xf32, #tpu.memory_space<vmem_shared>> -> memref<80xf32, #tpu.memory_space<vmem_shared>>
    %dma_wait3A_1534 = arith.constant 0 : i32
    %dma_wait3A_1535 = tpu.memref_slice %arg10[%dma_wait3A_1523, %dma_wait3A_1534] : memref<16x4992xf32, #tpu.memory_space<vmem>> -> memref<1x128xf32, #tpu.memory_space<vmem>>
    %dma_wait3A_1536 = tpu.memref_squeeze %dma_wait3A_1535 : memref<1x128xf32, #tpu.memory_space<vmem>> -> memref<128xf32, #tpu.memory_space<vmem>>
    tpu.wait_dma2 semaphore(%arg18 : memref<!tpu.dma_semaphore, #tpu.memory_space<semaphore_mem>>) src(%dma_wait3A_1536 : memref<128xf32, #tpu.memory_space<vmem>>) dst(%dma_wait3A_1533 : memref<80xf32, #tpu.memory_space<vmem_shared>>)
    %dma_wait3A_1537 = arith.constant 0 : i32
    %dma_wait3A_1538 = arith.constant 0 : i32
    %dma_wait3A_1539 = arith.constant 0 : i32
    %dma_wait3A_1540 = tpu.memref_slice %arg10[%dma_wait3A_1537, %dma_wait3A_1539] : memref<16x4992xf32, #tpu.memory_space<vmem>> -> memref<1x128xf32, #tpu.memory_space<vmem>>
    %dma_wait3A_1541 = tpu.memref_squeeze %dma_wait3A_1540 : memref<1x128xf32, #tpu.memory_space<vmem>> -> memref<128xf32, #tpu.memory_space<vmem>>
    %dma_wait3A_1542 = arith.constant 0 : i32
    %dma_wait3A_1543 = tpu.memref_slice %arg16[%dma_wait3A_1538, %dma_wait3A_1542] : memref<16x80xf32, #tpu.memory_space<vmem_shared>> -> memref<1x80xf32, #tpu.memory_space<vmem_shared>>
    %dma_wait3A_1544 = tpu.memref_squeeze %dma_wait3A_1543 : memref<1x80xf32, #tpu.memory_space<vmem_shared>> -> memref<80xf32, #tpu.memory_space<vmem_shared>>
    %dma_wait3A_1545 = arith.constant 0 : i32
    %dma_wait3A_1546 = tpu.memref_slice %arg16[%dma_wait3A_1538, %dma_wait3A_1545] : memref<16x80xf32, #tpu.memory_space<vmem_shared>> -> memref<1x80xf32, #tpu.memory_space<vmem_shared>>
    %dma_wait3A_1547 = tpu.memref_squeeze %dma_wait3A_1546 : memref<1x80xf32, #tpu.memory_space<vmem_shared>> -> memref<80xf32, #tpu.memory_space<vmem_shared>>
    %dma_wait3A_1548 = arith.constant 0 : i32
    %dma_wait3A_1549 = tpu.memref_slice %arg10[%dma_wait3A_1537, %dma_wait3A_1548] : memref<16x4992xf32, #tpu.memory_space<vmem>> -> memref<1x128xf32, #tpu.memory_space<vmem>>
    %dma_wait3A_1550 = tpu.memref_squeeze %dma_wait3A_1549 : memref<1x128xf32, #tpu.memory_space<vmem>> -> memref<128xf32, #tpu.memory_space<vmem>>
    tpu.wait_dma2 semaphore(%arg18 : memref<!tpu.dma_semaphore, #tpu.memory_space<semaphore_mem>>) src(%dma_wait3A_1550 : memref<128xf32, #tpu.memory_space<vmem>>) dst(%dma_wait3A_1547 : memref<80xf32, #tpu.memory_space<vmem_shared>>)
    %dma_wait3A_1551 = arith.constant 0 : i32
    %dma_wait3A_1552 = arith.constant 0 : i32
    %dma_wait3A_1553 = arith.constant 0 : i32
    %dma_wait3A_1554 = tpu.memref_slice %arg10[%dma_wait3A_1551, %dma_wait3A_1553] : memref<16x4992xf32, #tpu.memory_space<vmem>> -> memref<1x128xf32, #tpu.memory_space<vmem>>
    %dma_wait3A_1555 = tpu.memref_squeeze %dma_wait3A_1554 : memref<1x128xf32, #tpu.memory_space<vmem>> -> memref<128xf32, #tpu.memory_space<vmem>>
    %dma_wait3A_1556 = arith.constant 0 : i32
    %dma_wait3A_1557 = tpu.memref_slice %arg16[%dma_wait3A_1552, %dma_wait3A_1556] : memref<16x80xf32, #tpu.memory_space<vmem_shared>> -> memref<1x80xf32, #tpu.memory_space<vmem_shared>>
    %dma_wait3A_1558 = tpu.memref_squeeze %dma_wait3A_1557 : memref<1x80xf32, #tpu.memory_space<vmem_shared>> -> memref<80xf32, #tpu.memory_space<vmem_shared>>
    %dma_wait3A_1559 = arith.constant 0 : i32
    %dma_wait3A_1560 = tpu.memref_slice %arg16[%dma_wait3A_1552, %dma_wait3A_1559] : memref<16x80xf32, #tpu.memory_space<vmem_shared>> -> memref<1x80xf32, #tpu.memory_space<vmem_shared>>
    %dma_wait3A_1561 = tpu.memref_squeeze %dma_wait3A_1560 : memref<1x80xf32, #tpu.memory_space<vmem_shared>> -> memref<80xf32, #tpu.memory_space<vmem_shared>>
    %dma_wait3A_1562 = arith.constant 0 : i32
    %dma_wait3A_1563 = tpu.memref_slice %arg10[%dma_wait3A_1551, %dma_wait3A_1562] : memref<16x4992xf32, #tpu.memory_space<vmem>> -> memref<1x128xf32, #tpu.memory_space<vmem>>
    %dma_wait3A_1564 = tpu.memref_squeeze %dma_wait3A_1563 : memref<1x128xf32, #tpu.memory_space<vmem>> -> memref<128xf32, #tpu.memory_space<vmem>>
    tpu.wait_dma2 semaphore(%arg18 : memref<!tpu.dma_semaphore, #tpu.memory_space<semaphore_mem>>) src(%dma_wait3A_1564 : memref<128xf32, #tpu.memory_space<vmem>>) dst(%dma_wait3A_1561 : memref<80xf32, #tpu.memory_space<vmem_shared>>)
    %dma_wait3A_1565 = arith.constant 0 : i32
    %dma_wait3A_1566 = arith.constant 0 : i32
    %dma_wait3A_1567 = arith.constant 0 : i32
    %dma_wait3A_1568 = tpu.memref_slice %arg10[%dma_wait3A_1565, %dma_wait3A_1567] : memref<16x4992xf32, #tpu.memory_space<vmem>> -> memref<1x128xf32, #tpu.memory_space<vmem>>
    %dma_wait3A_1569 = tpu.memref_squeeze %dma_wait3A_1568 : memref<1x128xf32, #tpu.memory_space<vmem>> -> memref<128xf32, #tpu.memory_space<vmem>>
    %dma_wait3A_1570 = arith.constant 0 : i32
    %dma_wait3A_1571 = tpu.memref_slice %arg16[%dma_wait3A_1566, %dma_wait3A_1570] : memref<16x80xf32, #tpu.memory_space<vmem_shared>> -> memref<1x80xf32, #tpu.memory_space<vmem_shared>>
    %dma_wait3A_1572 = tpu.memref_squeeze %dma_wait3A_1571 : memref<1x80xf32, #tpu.memory_space<vmem_shared>> -> memref<80xf32, #tpu.memory_space<vmem_shared>>
    %dma_wait3A_1573 = arith.constant 0 : i32
    %dma_wait3A_1574 = tpu.memref_slice %arg16[%dma_wait3A_1566, %dma_wait3A_1573] : memref<16x80xf32, #tpu.memory_space<vmem_shared>> -> memref<1x80xf32, #tpu.memory_space<vmem_shared>>
    %dma_wait3A_1575 = tpu.memref_squeeze %dma_wait3A_1574 : memref<1x80xf32, #tpu.memory_space<vmem_shared>> -> memref<80xf32, #tpu.memory_space<vmem_shared>>
    %dma_wait3A_1576 = arith.constant 0 : i32
    %dma_wait3A_1577 = tpu.memref_slice %arg10[%dma_wait3A_1565, %dma_wait3A_1576] : memref<16x4992xf32, #tpu.memory_space<vmem>> -> memref<1x128xf32, #tpu.memory_space<vmem>>
    %dma_wait3A_1578 = tpu.memref_squeeze %dma_wait3A_1577 : memref<1x128xf32, #tpu.memory_space<vmem>> -> memref<128xf32, #tpu.memory_space<vmem>>
    tpu.wait_dma2 semaphore(%arg18 : memref<!tpu.dma_semaphore, #tpu.memory_space<semaphore_mem>>) src(%dma_wait3A_1578 : memref<128xf32, #tpu.memory_space<vmem>>) dst(%dma_wait3A_1575 : memref<80xf32, #tpu.memory_space<vmem_shared>>)
    %dma_wait3A_1579 = arith.constant 0 : i32
    %dma_wait3A_1580 = arith.constant 0 : i32
    %dma_wait3A_1581 = arith.constant 0 : i32
    %dma_wait3A_1582 = tpu.memref_slice %arg10[%dma_wait3A_1579, %dma_wait3A_1581] : memref<16x4992xf32, #tpu.memory_space<vmem>> -> memref<1x128xf32, #tpu.memory_space<vmem>>
    %dma_wait3A_1583 = tpu.memref_squeeze %dma_wait3A_1582 : memref<1x128xf32, #tpu.memory_space<vmem>> -> memref<128xf32, #tpu.memory_space<vmem>>
    %dma_wait3A_1584 = arith.constant 0 : i32
    %dma_wait3A_1585 = tpu.memref_slice %arg16[%dma_wait3A_1580, %dma_wait3A_1584] : memref<16x80xf32, #tpu.memory_space<vmem_shared>> -> memref<1x80xf32, #tpu.memory_space<vmem_shared>>
    %dma_wait3A_1586 = tpu.memref_squeeze %dma_wait3A_1585 : memref<1x80xf32, #tpu.memory_space<vmem_shared>> -> memref<80xf32, #tpu.memory_space<vmem_shared>>
    %dma_wait3A_1587 = arith.constant 0 : i32
    %dma_wait3A_1588 = tpu.memref_slice %arg16[%dma_wait3A_1580, %dma_wait3A_1587] : memref<16x80xf32, #tpu.memory_space<vmem_shared>> -> memref<1x80xf32, #tpu.memory_space<vmem_shared>>
    %dma_wait3A_1589 = tpu.memref_squeeze %dma_wait3A_1588 : memref<1x80xf32, #tpu.memory_space<vmem_shared>> -> memref<80xf32, #tpu.memory_space<vmem_shared>>
    %dma_wait3A_1590 = arith.constant 0 : i32
    %dma_wait3A_1591 = tpu.memref_slice %arg10[%dma_wait3A_1579, %dma_wait3A_1590] : memref<16x4992xf32, #tpu.memory_space<vmem>> -> memref<1x128xf32, #tpu.memory_space<vmem>>
    %dma_wait3A_1592 = tpu.memref_squeeze %dma_wait3A_1591 : memref<1x128xf32, #tpu.memory_space<vmem>> -> memref<128xf32, #tpu.memory_space<vmem>>
    tpu.wait_dma2 semaphore(%arg18 : memref<!tpu.dma_semaphore, #tpu.memory_space<semaphore_mem>>) src(%dma_wait3A_1592 : memref<128xf32, #tpu.memory_space<vmem>>) dst(%dma_wait3A_1589 : memref<80xf32, #tpu.memory_space<vmem_shared>>)
    %dma_wait3A_1593 = arith.constant 0 : i32
    %dma_wait3A_1594 = arith.constant 0 : i32
    %dma_wait3A_1595 = arith.constant 0 : i32
    %dma_wait3A_1596 = tpu.memref_slice %arg10[%dma_wait3A_1593, %dma_wait3A_1595] : memref<16x4992xf32, #tpu.memory_space<vmem>> -> memref<1x128xf32, #tpu.memory_space<vmem>>
    %dma_wait3A_1597 = tpu.memref_squeeze %dma_wait3A_1596 : memref<1x128xf32, #tpu.memory_space<vmem>> -> memref<128xf32, #tpu.memory_space<vmem>>
    %dma_wait3A_1598 = arith.constant 0 : i32
    %dma_wait3A_1599 = tpu.memref_slice %arg16[%dma_wait3A_1594, %dma_wait3A_1598] : memref<16x80xf32, #tpu.memory_space<vmem_shared>> -> memref<1x80xf32, #tpu.memory_space<vmem_shared>>
    %dma_wait3A_1600 = tpu.memref_squeeze %dma_wait3A_1599 : memref<1x80xf32, #tpu.memory_space<vmem_shared>> -> memref<80xf32, #tpu.memory_space<vmem_shared>>
    %dma_wait3A_1601 = arith.constant 0 : i32
    %dma_wait3A_1602 = tpu.memref_slice %arg16[%dma_wait3A_1594, %dma_wait3A_1601] : memref<16x80xf32, #tpu.memory_space<vmem_shared>> -> memref<1x80xf32, #tpu.memory_space<vmem_shared>>
    %dma_wait3A_1603 = tpu.memref_squeeze %dma_wait3A_1602 : memref<1x80xf32, #tpu.memory_space<vmem_shared>> -> memref<80xf32, #tpu.memory_space<vmem_shared>>
    %dma_wait3A_1604 = arith.constant 0 : i32
    %dma_wait3A_1605 = tpu.memref_slice %arg10[%dma_wait3A_1593, %dma_wait3A_1604] : memref<16x4992xf32, #tpu.memory_space<vmem>> -> memref<1x128xf32, #tpu.memory_space<vmem>>
    %dma_wait3A_1606 = tpu.memref_squeeze %dma_wait3A_1605 : memref<1x128xf32, #tpu.memory_space<vmem>> -> memref<128xf32, #tpu.memory_space<vmem>>
    tpu.wait_dma2 semaphore(%arg18 : memref<!tpu.dma_semaphore, #tpu.memory_space<semaphore_mem>>) src(%dma_wait3A_1606 : memref<128xf32, #tpu.memory_space<vmem>>) dst(%dma_wait3A_1603 : memref<80xf32, #tpu.memory_space<vmem_shared>>)
    %dma_wait3A_1607 = arith.constant 0 : i32
    %dma_wait3A_1608 = arith.constant 0 : i32
    %dma_wait3A_1609 = arith.constant 0 : i32
    %dma_wait3A_1610 = tpu.memref_slice %arg10[%dma_wait3A_1607, %dma_wait3A_1609] : memref<16x4992xf32, #tpu.memory_space<vmem>> -> memref<1x128xf32, #tpu.memory_space<vmem>>
    %dma_wait3A_1611 = tpu.memref_squeeze %dma_wait3A_1610 : memref<1x128xf32, #tpu.memory_space<vmem>> -> memref<128xf32, #tpu.memory_space<vmem>>
    %dma_wait3A_1612 = arith.constant 0 : i32
    %dma_wait3A_1613 = tpu.memref_slice %arg16[%dma_wait3A_1608, %dma_wait3A_1612] : memref<16x80xf32, #tpu.memory_space<vmem_shared>> -> memref<1x80xf32, #tpu.memory_space<vmem_shared>>
    %dma_wait3A_1614 = tpu.memref_squeeze %dma_wait3A_1613 : memref<1x80xf32, #tpu.memory_space<vmem_shared>> -> memref<80xf32, #tpu.memory_space<vmem_shared>>
    %dma_wait3A_1615 = arith.constant 0 : i32
    %dma_wait3A_1616 = tpu.memref_slice %arg16[%dma_wait3A_1608, %dma_wait3A_1615] : memref<16x80xf32, #tpu.memory_space<vmem_shared>> -> memref<1x80xf32, #tpu.memory_space<vmem_shared>>
    %dma_wait3A_1617 = tpu.memref_squeeze %dma_wait3A_1616 : memref<1x80xf32, #tpu.memory_space<vmem_shared>> -> memref<80xf32, #tpu.memory_space<vmem_shared>>
    %dma_wait3A_1618 = arith.constant 0 : i32
    %dma_wait3A_1619 = tpu.memref_slice %arg10[%dma_wait3A_1607, %dma_wait3A_1618] : memref<16x4992xf32, #tpu.memory_space<vmem>> -> memref<1x128xf32, #tpu.memory_space<vmem>>
    %dma_wait3A_1620 = tpu.memref_squeeze %dma_wait3A_1619 : memref<1x128xf32, #tpu.memory_space<vmem>> -> memref<128xf32, #tpu.memory_space<vmem>>
    tpu.wait_dma2 semaphore(%arg18 : memref<!tpu.dma_semaphore, #tpu.memory_space<semaphore_mem>>) src(%dma_wait3A_1620 : memref<128xf32, #tpu.memory_space<vmem>>) dst(%dma_wait3A_1617 : memref<80xf32, #tpu.memory_space<vmem_shared>>)
    %dma_wait3A_1621 = arith.constant 0 : i32
    %dma_wait3A_1622 = arith.constant 0 : i32
    %dma_wait3A_1623 = arith.constant 0 : i32
    %dma_wait3A_1624 = tpu.memref_slice %arg11[%dma_wait3A_1621, %dma_wait3A_1623] : memref<16x16xf32, #tpu.memory_space<vmem>> -> memref<1x16xf32, #tpu.memory_space<vmem>>
    %dma_wait3A_1625 = tpu.memref_squeeze %dma_wait3A_1624 : memref<1x16xf32, #tpu.memory_space<vmem>> -> memref<16xf32, #tpu.memory_space<vmem>>
    %dma_wait3A_1626 = arith.constant 0 : i32
    %dma_wait3A_1627 = tpu.memref_slice %arg16[%dma_wait3A_1622, %dma_wait3A_1626] : memref<16x80xf32, #tpu.memory_space<vmem_shared>> -> memref<1x80xf32, #tpu.memory_space<vmem_shared>>
    %dma_wait3A_1628 = tpu.memref_squeeze %dma_wait3A_1627 : memref<1x80xf32, #tpu.memory_space<vmem_shared>> -> memref<80xf32, #tpu.memory_space<vmem_shared>>
    %dma_wait3A_1629 = arith.constant 0 : i32
    %dma_wait3A_1630 = tpu.memref_slice %arg16[%dma_wait3A_1622, %dma_wait3A_1629] : memref<16x80xf32, #tpu.memory_space<vmem_shared>> -> memref<1x80xf32, #tpu.memory_space<vmem_shared>>
    %dma_wait3A_1631 = tpu.memref_squeeze %dma_wait3A_1630 : memref<1x80xf32, #tpu.memory_space<vmem_shared>> -> memref<80xf32, #tpu.memory_space<vmem_shared>>
    %dma_wait3A_1632 = arith.constant 0 : i32
    %dma_wait3A_1633 = tpu.memref_slice %arg11[%dma_wait3A_1621, %dma_wait3A_1632] : memref<16x16xf32, #tpu.memory_space<vmem>> -> memref<1x16xf32, #tpu.memory_space<vmem>>
    %dma_wait3A_1634 = tpu.memref_squeeze %dma_wait3A_1633 : memref<1x16xf32, #tpu.memory_space<vmem>> -> memref<16xf32, #tpu.memory_space<vmem>>
    tpu.wait_dma2 semaphore(%arg18 : memref<!tpu.dma_semaphore, #tpu.memory_space<semaphore_mem>>) src(%dma_wait3A_1634 : memref<16xf32, #tpu.memory_space<vmem>>) dst(%dma_wait3A_1631 : memref<80xf32, #tpu.memory_space<vmem_shared>>)
    %dma_wait3A_1635 = arith.constant 0 : i32
    %dma_wait3A_1636 = arith.constant 0 : i32
    %dma_wait3A_1637 = arith.constant 0 : i32
    %dma_wait3A_1638 = tpu.memref_slice %arg11[%dma_wait3A_1635, %dma_wait3A_1637] : memref<16x16xf32, #tpu.memory_space<vmem>> -> memref<1x16xf32, #tpu.memory_space<vmem>>
    %dma_wait3A_1639 = tpu.memref_squeeze %dma_wait3A_1638 : memref<1x16xf32, #tpu.memory_space<vmem>> -> memref<16xf32, #tpu.memory_space<vmem>>
    %dma_wait3A_1640 = arith.constant 0 : i32
    %dma_wait3A_1641 = tpu.memref_slice %arg16[%dma_wait3A_1636, %dma_wait3A_1640] : memref<16x80xf32, #tpu.memory_space<vmem_shared>> -> memref<1x80xf32, #tpu.memory_space<vmem_shared>>
    %dma_wait3A_1642 = tpu.memref_squeeze %dma_wait3A_1641 : memref<1x80xf32, #tpu.memory_space<vmem_shared>> -> memref<80xf32, #tpu.memory_space<vmem_shared>>
    %dma_wait3A_1643 = arith.constant 0 : i32
    %dma_wait3A_1644 = tpu.memref_slice %arg16[%dma_wait3A_1636, %dma_wait3A_1643] : memref<16x80xf32, #tpu.memory_space<vmem_shared>> -> memref<1x80xf32, #tpu.memory_space<vmem_shared>>
    %dma_wait3A_1645 = tpu.memref_squeeze %dma_wait3A_1644 : memref<1x80xf32, #tpu.memory_space<vmem_shared>> -> memref<80xf32, #tpu.memory_space<vmem_shared>>
    %dma_wait3A_1646 = arith.constant 0 : i32
    %dma_wait3A_1647 = tpu.memref_slice %arg11[%dma_wait3A_1635, %dma_wait3A_1646] : memref<16x16xf32, #tpu.memory_space<vmem>> -> memref<1x16xf32, #tpu.memory_space<vmem>>
    %dma_wait3A_1648 = tpu.memref_squeeze %dma_wait3A_1647 : memref<1x16xf32, #tpu.memory_space<vmem>> -> memref<16xf32, #tpu.memory_space<vmem>>
    tpu.wait_dma2 semaphore(%arg18 : memref<!tpu.dma_semaphore, #tpu.memory_space<semaphore_mem>>) src(%dma_wait3A_1648 : memref<16xf32, #tpu.memory_space<vmem>>) dst(%dma_wait3A_1645 : memref<80xf32, #tpu.memory_space<vmem_shared>>)
    %dma_wait3A_1649 = arith.constant 0 : i32
    %dma_wait3A_1650 = arith.constant 0 : i32
    %dma_wait3A_1651 = arith.constant 0 : i32
    %dma_wait3A_1652 = tpu.memref_slice %arg11[%dma_wait3A_1649, %dma_wait3A_1651] : memref<16x16xf32, #tpu.memory_space<vmem>> -> memref<1x16xf32, #tpu.memory_space<vmem>>
    %dma_wait3A_1653 = tpu.memref_squeeze %dma_wait3A_1652 : memref<1x16xf32, #tpu.memory_space<vmem>> -> memref<16xf32, #tpu.memory_space<vmem>>
    %dma_wait3A_1654 = arith.constant 0 : i32
    %dma_wait3A_1655 = tpu.memref_slice %arg16[%dma_wait3A_1650, %dma_wait3A_1654] : memref<16x80xf32, #tpu.memory_space<vmem_shared>> -> memref<1x80xf32, #tpu.memory_space<vmem_shared>>
    %dma_wait3A_1656 = tpu.memref_squeeze %dma_wait3A_1655 : memref<1x80xf32, #tpu.memory_space<vmem_shared>> -> memref<80xf32, #tpu.memory_space<vmem_shared>>
    %dma_wait3A_1657 = arith.constant 0 : i32
    %dma_wait3A_1658 = tpu.memref_slice %arg16[%dma_wait3A_1650, %dma_wait3A_1657] : memref<16x80xf32, #tpu.memory_space<vmem_shared>> -> memref<1x80xf32, #tpu.memory_space<vmem_shared>>
    %dma_wait3A_1659 = tpu.memref_squeeze %dma_wait3A_1658 : memref<1x80xf32, #tpu.memory_space<vmem_shared>> -> memref<80xf32, #tpu.memory_space<vmem_shared>>
    %dma_wait3A_1660 = arith.constant 0 : i32
    %dma_wait3A_1661 = tpu.memref_slice %arg11[%dma_wait3A_1649, %dma_wait3A_1660] : memref<16x16xf32, #tpu.memory_space<vmem>> -> memref<1x16xf32, #tpu.memory_space<vmem>>
    %dma_wait3A_1662 = tpu.memref_squeeze %dma_wait3A_1661 : memref<1x16xf32, #tpu.memory_space<vmem>> -> memref<16xf32, #tpu.memory_space<vmem>>
    tpu.wait_dma2 semaphore(%arg18 : memref<!tpu.dma_semaphore, #tpu.memory_space<semaphore_mem>>) src(%dma_wait3A_1662 : memref<16xf32, #tpu.memory_space<vmem>>) dst(%dma_wait3A_1659 : memref<80xf32, #tpu.memory_space<vmem_shared>>)
    %dma_wait3A_1663 = arith.constant 0 : i32
    %dma_wait3A_1664 = arith.constant 0 : i32
    %dma_wait3A_1665 = arith.constant 0 : i32
    %dma_wait3A_1666 = tpu.memref_slice %arg11[%dma_wait3A_1663, %dma_wait3A_1665] : memref<16x16xf32, #tpu.memory_space<vmem>> -> memref<1x16xf32, #tpu.memory_space<vmem>>
    %dma_wait3A_1667 = tpu.memref_squeeze %dma_wait3A_1666 : memref<1x16xf32, #tpu.memory_space<vmem>> -> memref<16xf32, #tpu.memory_space<vmem>>
    %dma_wait3A_1668 = arith.constant 0 : i32
    %dma_wait3A_1669 = tpu.memref_slice %arg16[%dma_wait3A_1664, %dma_wait3A_1668] : memref<16x80xf32, #tpu.memory_space<vmem_shared>> -> memref<1x80xf32, #tpu.memory_space<vmem_shared>>
    %dma_wait3A_1670 = tpu.memref_squeeze %dma_wait3A_1669 : memref<1x80xf32, #tpu.memory_space<vmem_shared>> -> memref<80xf32, #tpu.memory_space<vmem_shared>>
    %dma_wait3A_1671 = arith.constant 0 : i32
    %dma_wait3A_1672 = tpu.memref_slice %arg16[%dma_wait3A_1664, %dma_wait3A_1671] : memref<16x80xf32, #tpu.memory_space<vmem_shared>> -> memref<1x80xf32, #tpu.memory_space<vmem_shared>>
    %dma_wait3A_1673 = tpu.memref_squeeze %dma_wait3A_1672 : memref<1x80xf32, #tpu.memory_space<vmem_shared>> -> memref<80xf32, #tpu.memory_space<vmem_shared>>
    %dma_wait3A_1674 = arith.constant 0 : i32
    %dma_wait3A_1675 = tpu.memref_slice %arg11[%dma_wait3A_1663, %dma_wait3A_1674] : memref<16x16xf32, #tpu.memory_space<vmem>> -> memref<1x16xf32, #tpu.memory_space<vmem>>
    %dma_wait3A_1676 = tpu.memref_squeeze %dma_wait3A_1675 : memref<1x16xf32, #tpu.memory_space<vmem>> -> memref<16xf32, #tpu.memory_space<vmem>>
    tpu.wait_dma2 semaphore(%arg18 : memref<!tpu.dma_semaphore, #tpu.memory_space<semaphore_mem>>) src(%dma_wait3A_1676 : memref<16xf32, #tpu.memory_space<vmem>>) dst(%dma_wait3A_1673 : memref<80xf32, #tpu.memory_space<vmem_shared>>)
    %dma_wait3A_1677 = arith.constant 0 : i32
    %dma_wait3A_1678 = arith.constant 0 : i32
    %dma_wait3A_1679 = arith.constant 0 : i32
    %dma_wait3A_1680 = tpu.memref_slice %arg11[%dma_wait3A_1677, %dma_wait3A_1679] : memref<16x16xf32, #tpu.memory_space<vmem>> -> memref<1x16xf32, #tpu.memory_space<vmem>>
    %dma_wait3A_1681 = tpu.memref_squeeze %dma_wait3A_1680 : memref<1x16xf32, #tpu.memory_space<vmem>> -> memref<16xf32, #tpu.memory_space<vmem>>
    %dma_wait3A_1682 = arith.constant 0 : i32
    %dma_wait3A_1683 = tpu.memref_slice %arg16[%dma_wait3A_1678, %dma_wait3A_1682] : memref<16x80xf32, #tpu.memory_space<vmem_shared>> -> memref<1x80xf32, #tpu.memory_space<vmem_shared>>
    %dma_wait3A_1684 = tpu.memref_squeeze %dma_wait3A_1683 : memref<1x80xf32, #tpu.memory_space<vmem_shared>> -> memref<80xf32, #tpu.memory_space<vmem_shared>>
    %dma_wait3A_1685 = arith.constant 0 : i32
    %dma_wait3A_1686 = tpu.memref_slice %arg16[%dma_wait3A_1678, %dma_wait3A_1685] : memref<16x80xf32, #tpu.memory_space<vmem_shared>> -> memref<1x80xf32, #tpu.memory_space<vmem_shared>>
    %dma_wait3A_1687 = tpu.memref_squeeze %dma_wait3A_1686 : memref<1x80xf32, #tpu.memory_space<vmem_shared>> -> memref<80xf32, #tpu.memory_space<vmem_shared>>
    %dma_wait3A_1688 = arith.constant 0 : i32
    %dma_wait3A_1689 = tpu.memref_slice %arg11[%dma_wait3A_1677, %dma_wait3A_1688] : memref<16x16xf32, #tpu.memory_space<vmem>> -> memref<1x16xf32, #tpu.memory_space<vmem>>
    %dma_wait3A_1690 = tpu.memref_squeeze %dma_wait3A_1689 : memref<1x16xf32, #tpu.memory_space<vmem>> -> memref<16xf32, #tpu.memory_space<vmem>>
    tpu.wait_dma2 semaphore(%arg18 : memref<!tpu.dma_semaphore, #tpu.memory_space<semaphore_mem>>) src(%dma_wait3A_1690 : memref<16xf32, #tpu.memory_space<vmem>>) dst(%dma_wait3A_1687 : memref<80xf32, #tpu.memory_space<vmem_shared>>)
    %dma_wait3A_1691 = arith.constant 0 : i32
    %dma_wait3A_1692 = arith.constant 0 : i32
    %dma_wait3A_1693 = arith.constant 0 : i32
    %dma_wait3A_1694 = tpu.memref_slice %arg11[%dma_wait3A_1691, %dma_wait3A_1693] : memref<16x16xf32, #tpu.memory_space<vmem>> -> memref<1x16xf32, #tpu.memory_space<vmem>>
    %dma_wait3A_1695 = tpu.memref_squeeze %dma_wait3A_1694 : memref<1x16xf32, #tpu.memory_space<vmem>> -> memref<16xf32, #tpu.memory_space<vmem>>
    %dma_wait3A_1696 = arith.constant 0 : i32
    %dma_wait3A_1697 = tpu.memref_slice %arg16[%dma_wait3A_1692, %dma_wait3A_1696] : memref<16x80xf32, #tpu.memory_space<vmem_shared>> -> memref<1x80xf32, #tpu.memory_space<vmem_shared>>
    %dma_wait3A_1698 = tpu.memref_squeeze %dma_wait3A_1697 : memref<1x80xf32, #tpu.memory_space<vmem_shared>> -> memref<80xf32, #tpu.memory_space<vmem_shared>>
    %dma_wait3A_1699 = arith.constant 0 : i32
    %dma_wait3A_1700 = tpu.memref_slice %arg16[%dma_wait3A_1692, %dma_wait3A_1699] : memref<16x80xf32, #tpu.memory_space<vmem_shared>> -> memref<1x80xf32, #tpu.memory_space<vmem_shared>>
    %dma_wait3A_1701 = tpu.memref_squeeze %dma_wait3A_1700 : memref<1x80xf32, #tpu.memory_space<vmem_shared>> -> memref<80xf32, #tpu.memory_space<vmem_shared>>
    %dma_wait3A_1702 = arith.constant 0 : i32
    %dma_wait3A_1703 = tpu.memref_slice %arg11[%dma_wait3A_1691, %dma_wait3A_1702] : memref<16x16xf32, #tpu.memory_space<vmem>> -> memref<1x16xf32, #tpu.memory_space<vmem>>
    %dma_wait3A_1704 = tpu.memref_squeeze %dma_wait3A_1703 : memref<1x16xf32, #tpu.memory_space<vmem>> -> memref<16xf32, #tpu.memory_space<vmem>>
    tpu.wait_dma2 semaphore(%arg18 : memref<!tpu.dma_semaphore, #tpu.memory_space<semaphore_mem>>) src(%dma_wait3A_1704 : memref<16xf32, #tpu.memory_space<vmem>>) dst(%dma_wait3A_1701 : memref<80xf32, #tpu.memory_space<vmem_shared>>)
    %dma_wait3A_1705 = arith.constant 0 : i32
    %dma_wait3A_1706 = arith.constant 0 : i32
    %dma_wait3A_1707 = arith.constant 0 : i32
    %dma_wait3A_1708 = tpu.memref_slice %arg11[%dma_wait3A_1705, %dma_wait3A_1707] : memref<16x16xf32, #tpu.memory_space<vmem>> -> memref<1x16xf32, #tpu.memory_space<vmem>>
    %dma_wait3A_1709 = tpu.memref_squeeze %dma_wait3A_1708 : memref<1x16xf32, #tpu.memory_space<vmem>> -> memref<16xf32, #tpu.memory_space<vmem>>
    %dma_wait3A_1710 = arith.constant 0 : i32
    %dma_wait3A_1711 = tpu.memref_slice %arg16[%dma_wait3A_1706, %dma_wait3A_1710] : memref<16x80xf32, #tpu.memory_space<vmem_shared>> -> memref<1x80xf32, #tpu.memory_space<vmem_shared>>
    %dma_wait3A_1712 = tpu.memref_squeeze %dma_wait3A_1711 : memref<1x80xf32, #tpu.memory_space<vmem_shared>> -> memref<80xf32, #tpu.memory_space<vmem_shared>>
    %dma_wait3A_1713 = arith.constant 0 : i32
    %dma_wait3A_1714 = tpu.memref_slice %arg16[%dma_wait3A_1706, %dma_wait3A_1713] : memref<16x80xf32, #tpu.memory_space<vmem_shared>> -> memref<1x80xf32, #tpu.memory_space<vmem_shared>>
    %dma_wait3A_1715 = tpu.memref_squeeze %dma_wait3A_1714 : memref<1x80xf32, #tpu.memory_space<vmem_shared>> -> memref<80xf32, #tpu.memory_space<vmem_shared>>
    %dma_wait3A_1716 = arith.constant 0 : i32
    %dma_wait3A_1717 = tpu.memref_slice %arg11[%dma_wait3A_1705, %dma_wait3A_1716] : memref<16x16xf32, #tpu.memory_space<vmem>> -> memref<1x16xf32, #tpu.memory_space<vmem>>
    %dma_wait3A_1718 = tpu.memref_squeeze %dma_wait3A_1717 : memref<1x16xf32, #tpu.memory_space<vmem>> -> memref<16xf32, #tpu.memory_space<vmem>>
    tpu.wait_dma2 semaphore(%arg18 : memref<!tpu.dma_semaphore, #tpu.memory_space<semaphore_mem>>) src(%dma_wait3A_1718 : memref<16xf32, #tpu.memory_space<vmem>>) dst(%dma_wait3A_1715 : memref<80xf32, #tpu.memory_space<vmem_shared>>)
    %dma_wait3A_1719 = arith.constant 0 : i32
    %dma_wait3A_1720 = arith.constant 0 : i32
    %dma_wait3A_1721 = arith.constant 0 : i32
    %dma_wait3A_1722 = tpu.memref_slice %arg11[%dma_wait3A_1719, %dma_wait3A_1721] : memref<16x16xf32, #tpu.memory_space<vmem>> -> memref<1x16xf32, #tpu.memory_space<vmem>>
    %dma_wait3A_1723 = tpu.memref_squeeze %dma_wait3A_1722 : memref<1x16xf32, #tpu.memory_space<vmem>> -> memref<16xf32, #tpu.memory_space<vmem>>
    %dma_wait3A_1724 = arith.constant 0 : i32
    %dma_wait3A_1725 = tpu.memref_slice %arg16[%dma_wait3A_1720, %dma_wait3A_1724] : memref<16x80xf32, #tpu.memory_space<vmem_shared>> -> memref<1x80xf32, #tpu.memory_space<vmem_shared>>
    %dma_wait3A_1726 = tpu.memref_squeeze %dma_wait3A_1725 : memref<1x80xf32, #tpu.memory_space<vmem_shared>> -> memref<80xf32, #tpu.memory_space<vmem_shared>>
    %dma_wait3A_1727 = arith.constant 0 : i32
    %dma_wait3A_1728 = tpu.memref_slice %arg16[%dma_wait3A_1720, %dma_wait3A_1727] : memref<16x80xf32, #tpu.memory_space<vmem_shared>> -> memref<1x80xf32, #tpu.memory_space<vmem_shared>>
    %dma_wait3A_1729 = tpu.memref_squeeze %dma_wait3A_1728 : memref<1x80xf32, #tpu.memory_space<vmem_shared>> -> memref<80xf32, #tpu.memory_space<vmem_shared>>
    %dma_wait3A_1730 = arith.constant 0 : i32
    %dma_wait3A_1731 = tpu.memref_slice %arg11[%dma_wait3A_1719, %dma_wait3A_1730] : memref<16x16xf32, #tpu.memory_space<vmem>> -> memref<1x16xf32, #tpu.memory_space<vmem>>
    %dma_wait3A_1732 = tpu.memref_squeeze %dma_wait3A_1731 : memref<1x16xf32, #tpu.memory_space<vmem>> -> memref<16xf32, #tpu.memory_space<vmem>>
    tpu.wait_dma2 semaphore(%arg18 : memref<!tpu.dma_semaphore, #tpu.memory_space<semaphore_mem>>) src(%dma_wait3A_1732 : memref<16xf32, #tpu.memory_space<vmem>>) dst(%dma_wait3A_1729 : memref<80xf32, #tpu.memory_space<vmem_shared>>)
    %dma_wait3A_1733 = arith.constant 0 : i32
    %dma_wait3A_1734 = arith.constant 0 : i32
    %dma_wait3A_1735 = arith.constant 0 : i32
    %dma_wait3A_1736 = tpu.memref_slice %arg11[%dma_wait3A_1733, %dma_wait3A_1735] : memref<16x16xf32, #tpu.memory_space<vmem>> -> memref<1x16xf32, #tpu.memory_space<vmem>>
    %dma_wait3A_1737 = tpu.memref_squeeze %dma_wait3A_1736 : memref<1x16xf32, #tpu.memory_space<vmem>> -> memref<16xf32, #tpu.memory_space<vmem>>
    %dma_wait3A_1738 = arith.constant 0 : i32
    %dma_wait3A_1739 = tpu.memref_slice %arg16[%dma_wait3A_1734, %dma_wait3A_1738] : memref<16x80xf32, #tpu.memory_space<vmem_shared>> -> memref<1x80xf32, #tpu.memory_space<vmem_shared>>
    %dma_wait3A_1740 = tpu.memref_squeeze %dma_wait3A_1739 : memref<1x80xf32, #tpu.memory_space<vmem_shared>> -> memref<80xf32, #tpu.memory_space<vmem_shared>>
    %dma_wait3A_1741 = arith.constant 0 : i32
    %dma_wait3A_1742 = tpu.memref_slice %arg16[%dma_wait3A_1734, %dma_wait3A_1741] : memref<16x80xf32, #tpu.memory_space<vmem_shared>> -> memref<1x80xf32, #tpu.memory_space<vmem_shared>>
    %dma_wait3A_1743 = tpu.memref_squeeze %dma_wait3A_1742 : memref<1x80xf32, #tpu.memory_space<vmem_shared>> -> memref<80xf32, #tpu.memory_space<vmem_shared>>
    %dma_wait3A_1744 = arith.constant 0 : i32
    %dma_wait3A_1745 = tpu.memref_slice %arg11[%dma_wait3A_1733, %dma_wait3A_1744] : memref<16x16xf32, #tpu.memory_space<vmem>> -> memref<1x16xf32, #tpu.memory_space<vmem>>
    %dma_wait3A_1746 = tpu.memref_squeeze %dma_wait3A_1745 : memref<1x16xf32, #tpu.memory_space<vmem>> -> memref<16xf32, #tpu.memory_space<vmem>>
    tpu.wait_dma2 semaphore(%arg18 : memref<!tpu.dma_semaphore, #tpu.memory_space<semaphore_mem>>) src(%dma_wait3A_1746 : memref<16xf32, #tpu.memory_space<vmem>>) dst(%dma_wait3A_1743 : memref<80xf32, #tpu.memory_space<vmem_shared>>)
    %dma_wait3A_1747 = arith.constant 0 : i32
    %dma_wait3A_1748 = arith.constant 0 : i32
    %dma_wait3A_1749 = arith.constant 0 : i32
    %dma_wait3A_1750 = tpu.memref_slice %arg11[%dma_wait3A_1747, %dma_wait3A_1749] : memref<16x16xf32, #tpu.memory_space<vmem>> -> memref<1x16xf32, #tpu.memory_space<vmem>>
    %dma_wait3A_1751 = tpu.memref_squeeze %dma_wait3A_1750 : memref<1x16xf32, #tpu.memory_space<vmem>> -> memref<16xf32, #tpu.memory_space<vmem>>
    %dma_wait3A_1752 = arith.constant 0 : i32
    %dma_wait3A_1753 = tpu.memref_slice %arg16[%dma_wait3A_1748, %dma_wait3A_1752] : memref<16x80xf32, #tpu.memory_space<vmem_shared>> -> memref<1x80xf32, #tpu.memory_space<vmem_shared>>
    %dma_wait3A_1754 = tpu.memref_squeeze %dma_wait3A_1753 : memref<1x80xf32, #tpu.memory_space<vmem_shared>> -> memref<80xf32, #tpu.memory_space<vmem_shared>>
    %dma_wait3A_1755 = arith.constant 0 : i32
    %dma_wait3A_1756 = tpu.memref_slice %arg16[%dma_wait3A_1748, %dma_wait3A_1755] : memref<16x80xf32, #tpu.memory_space<vmem_shared>> -> memref<1x80xf32, #tpu.memory_space<vmem_shared>>
    %dma_wait3A_1757 = tpu.memref_squeeze %dma_wait3A_1756 : memref<1x80xf32, #tpu.memory_space<vmem_shared>> -> memref<80xf32, #tpu.memory_space<vmem_shared>>
    %dma_wait3A_1758 = arith.constant 0 : i32
    %dma_wait3A_1759 = tpu.memref_slice %arg11[%dma_wait3A_1747, %dma_wait3A_1758] : memref<16x16xf32, #tpu.memory_space<vmem>> -> memref<1x16xf32, #tpu.memory_space<vmem>>
    %dma_wait3A_1760 = tpu.memref_squeeze %dma_wait3A_1759 : memref<1x16xf32, #tpu.memory_space<vmem>> -> memref<16xf32, #tpu.memory_space<vmem>>
    tpu.wait_dma2 semaphore(%arg18 : memref<!tpu.dma_semaphore, #tpu.memory_space<semaphore_mem>>) src(%dma_wait3A_1760 : memref<16xf32, #tpu.memory_space<vmem>>) dst(%dma_wait3A_1757 : memref<80xf32, #tpu.memory_space<vmem_shared>>)
    %dma_wait3A_1761 = arith.constant 0 : i32
    %dma_wait3A_1762 = arith.constant 0 : i32
    %dma_wait3A_1763 = arith.constant 0 : i32
    %dma_wait3A_1764 = tpu.memref_slice %arg11[%dma_wait3A_1761, %dma_wait3A_1763] : memref<16x16xf32, #tpu.memory_space<vmem>> -> memref<1x16xf32, #tpu.memory_space<vmem>>
    %dma_wait3A_1765 = tpu.memref_squeeze %dma_wait3A_1764 : memref<1x16xf32, #tpu.memory_space<vmem>> -> memref<16xf32, #tpu.memory_space<vmem>>
    %dma_wait3A_1766 = arith.constant 0 : i32
    %dma_wait3A_1767 = tpu.memref_slice %arg16[%dma_wait3A_1762, %dma_wait3A_1766] : memref<16x80xf32, #tpu.memory_space<vmem_shared>> -> memref<1x80xf32, #tpu.memory_space<vmem_shared>>
    %dma_wait3A_1768 = tpu.memref_squeeze %dma_wait3A_1767 : memref<1x80xf32, #tpu.memory_space<vmem_shared>> -> memref<80xf32, #tpu.memory_space<vmem_shared>>
    %dma_wait3A_1769 = arith.constant 0 : i32
    %dma_wait3A_1770 = tpu.memref_slice %arg16[%dma_wait3A_1762, %dma_wait3A_1769] : memref<16x80xf32, #tpu.memory_space<vmem_shared>> -> memref<1x80xf32, #tpu.memory_space<vmem_shared>>
    %dma_wait3A_1771 = tpu.memref_squeeze %dma_wait3A_1770 : memref<1x80xf32, #tpu.memory_space<vmem_shared>> -> memref<80xf32, #tpu.memory_space<vmem_shared>>
    %dma_wait3A_1772 = arith.constant 0 : i32
    %dma_wait3A_1773 = tpu.memref_slice %arg11[%dma_wait3A_1761, %dma_wait3A_1772] : memref<16x16xf32, #tpu.memory_space<vmem>> -> memref<1x16xf32, #tpu.memory_space<vmem>>
    %dma_wait3A_1774 = tpu.memref_squeeze %dma_wait3A_1773 : memref<1x16xf32, #tpu.memory_space<vmem>> -> memref<16xf32, #tpu.memory_space<vmem>>
    tpu.wait_dma2 semaphore(%arg18 : memref<!tpu.dma_semaphore, #tpu.memory_space<semaphore_mem>>) src(%dma_wait3A_1774 : memref<16xf32, #tpu.memory_space<vmem>>) dst(%dma_wait3A_1771 : memref<80xf32, #tpu.memory_space<vmem_shared>>)
    %dma_wait3A_1775 = arith.constant 0 : i32
    %dma_wait3A_1776 = arith.constant 0 : i32
    %dma_wait3A_1777 = arith.constant 0 : i32
    %dma_wait3A_1778 = tpu.memref_slice %arg11[%dma_wait3A_1775, %dma_wait3A_1777] : memref<16x16xf32, #tpu.memory_space<vmem>> -> memref<1x16xf32, #tpu.memory_space<vmem>>
    %dma_wait3A_1779 = tpu.memref_squeeze %dma_wait3A_1778 : memref<1x16xf32, #tpu.memory_space<vmem>> -> memref<16xf32, #tpu.memory_space<vmem>>
    %dma_wait3A_1780 = arith.constant 0 : i32
    %dma_wait3A_1781 = tpu.memref_slice %arg16[%dma_wait3A_1776, %dma_wait3A_1780] : memref<16x80xf32, #tpu.memory_space<vmem_shared>> -> memref<1x80xf32, #tpu.memory_space<vmem_shared>>
    %dma_wait3A_1782 = tpu.memref_squeeze %dma_wait3A_1781 : memref<1x80xf32, #tpu.memory_space<vmem_shared>> -> memref<80xf32, #tpu.memory_space<vmem_shared>>
    %dma_wait3A_1783 = arith.constant 0 : i32
    %dma_wait3A_1784 = tpu.memref_slice %arg16[%dma_wait3A_1776, %dma_wait3A_1783] : memref<16x80xf32, #tpu.memory_space<vmem_shared>> -> memref<1x80xf32, #tpu.memory_space<vmem_shared>>
    %dma_wait3A_1785 = tpu.memref_squeeze %dma_wait3A_1784 : memref<1x80xf32, #tpu.memory_space<vmem_shared>> -> memref<80xf32, #tpu.memory_space<vmem_shared>>
    %dma_wait3A_1786 = arith.constant 0 : i32
    %dma_wait3A_1787 = tpu.memref_slice %arg11[%dma_wait3A_1775, %dma_wait3A_1786] : memref<16x16xf32, #tpu.memory_space<vmem>> -> memref<1x16xf32, #tpu.memory_space<vmem>>
    %dma_wait3A_1788 = tpu.memref_squeeze %dma_wait3A_1787 : memref<1x16xf32, #tpu.memory_space<vmem>> -> memref<16xf32, #tpu.memory_space<vmem>>
    tpu.wait_dma2 semaphore(%arg18 : memref<!tpu.dma_semaphore, #tpu.memory_space<semaphore_mem>>) src(%dma_wait3A_1788 : memref<16xf32, #tpu.memory_space<vmem>>) dst(%dma_wait3A_1785 : memref<80xf32, #tpu.memory_space<vmem_shared>>)
    %dma_wait3A_1789 = arith.constant 0 : i32
    %dma_wait3A_1790 = arith.constant 0 : i32
    %dma_wait3A_1791 = arith.constant 0 : i32
    %dma_wait3A_1792 = tpu.memref_slice %arg11[%dma_wait3A_1789, %dma_wait3A_1791] : memref<16x16xf32, #tpu.memory_space<vmem>> -> memref<1x16xf32, #tpu.memory_space<vmem>>
    %dma_wait3A_1793 = tpu.memref_squeeze %dma_wait3A_1792 : memref<1x16xf32, #tpu.memory_space<vmem>> -> memref<16xf32, #tpu.memory_space<vmem>>
    %dma_wait3A_1794 = arith.constant 0 : i32
    %dma_wait3A_1795 = tpu.memref_slice %arg16[%dma_wait3A_1790, %dma_wait3A_1794] : memref<16x80xf32, #tpu.memory_space<vmem_shared>> -> memref<1x80xf32, #tpu.memory_space<vmem_shared>>
    %dma_wait3A_1796 = tpu.memref_squeeze %dma_wait3A_1795 : memref<1x80xf32, #tpu.memory_space<vmem_shared>> -> memref<80xf32, #tpu.memory_space<vmem_shared>>
    %dma_wait3A_1797 = arith.constant 0 : i32
    %dma_wait3A_1798 = tpu.memref_slice %arg16[%dma_wait3A_1790, %dma_wait3A_1797] : memref<16x80xf32, #tpu.memory_space<vmem_shared>> -> memref<1x80xf32, #tpu.memory_space<vmem_shared>>
    %dma_wait3A_1799 = tpu.memref_squeeze %dma_wait3A_1798 : memref<1x80xf32, #tpu.memory_space<vmem_shared>> -> memref<80xf32, #tpu.memory_space<vmem_shared>>
    %dma_wait3A_1800 = arith.constant 0 : i32
    %dma_wait3A_1801 = tpu.memref_slice %arg11[%dma_wait3A_1789, %dma_wait3A_1800] : memref<16x16xf32, #tpu.memory_space<vmem>> -> memref<1x16xf32, #tpu.memory_space<vmem>>
    %dma_wait3A_1802 = tpu.memref_squeeze %dma_wait3A_1801 : memref<1x16xf32, #tpu.memory_space<vmem>> -> memref<16xf32, #tpu.memory_space<vmem>>
    tpu.wait_dma2 semaphore(%arg18 : memref<!tpu.dma_semaphore, #tpu.memory_space<semaphore_mem>>) src(%dma_wait3A_1802 : memref<16xf32, #tpu.memory_space<vmem>>) dst(%dma_wait3A_1799 : memref<80xf32, #tpu.memory_space<vmem_shared>>)
    %dma_wait3A_1803 = arith.constant 0 : i32
    %dma_wait3A_1804 = arith.constant 0 : i32
    %dma_wait3A_1805 = arith.constant 0 : i32
    %dma_wait3A_1806 = tpu.memref_slice %arg11[%dma_wait3A_1803, %dma_wait3A_1805] : memref<16x16xf32, #tpu.memory_space<vmem>> -> memref<1x16xf32, #tpu.memory_space<vmem>>
    %dma_wait3A_1807 = tpu.memref_squeeze %dma_wait3A_1806 : memref<1x16xf32, #tpu.memory_space<vmem>> -> memref<16xf32, #tpu.memory_space<vmem>>
    %dma_wait3A_1808 = arith.constant 0 : i32
    %dma_wait3A_1809 = tpu.memref_slice %arg16[%dma_wait3A_1804, %dma_wait3A_1808] : memref<16x80xf32, #tpu.memory_space<vmem_shared>> -> memref<1x80xf32, #tpu.memory_space<vmem_shared>>
    %dma_wait3A_1810 = tpu.memref_squeeze %dma_wait3A_1809 : memref<1x80xf32, #tpu.memory_space<vmem_shared>> -> memref<80xf32, #tpu.memory_space<vmem_shared>>
    %dma_wait3A_1811 = arith.constant 0 : i32
    %dma_wait3A_1812 = tpu.memref_slice %arg16[%dma_wait3A_1804, %dma_wait3A_1811] : memref<16x80xf32, #tpu.memory_space<vmem_shared>> -> memref<1x80xf32, #tpu.memory_space<vmem_shared>>
    %dma_wait3A_1813 = tpu.memref_squeeze %dma_wait3A_1812 : memref<1x80xf32, #tpu.memory_space<vmem_shared>> -> memref<80xf32, #tpu.memory_space<vmem_shared>>
    %dma_wait3A_1814 = arith.constant 0 : i32
    %dma_wait3A_1815 = tpu.memref_slice %arg11[%dma_wait3A_1803, %dma_wait3A_1814] : memref<16x16xf32, #tpu.memory_space<vmem>> -> memref<1x16xf32, #tpu.memory_space<vmem>>
    %dma_wait3A_1816 = tpu.memref_squeeze %dma_wait3A_1815 : memref<1x16xf32, #tpu.memory_space<vmem>> -> memref<16xf32, #tpu.memory_space<vmem>>
    tpu.wait_dma2 semaphore(%arg18 : memref<!tpu.dma_semaphore, #tpu.memory_space<semaphore_mem>>) src(%dma_wait3A_1816 : memref<16xf32, #tpu.memory_space<vmem>>) dst(%dma_wait3A_1813 : memref<80xf32, #tpu.memory_space<vmem_shared>>)
    %dma_wait3A_1817 = arith.constant 0 : i32
    %dma_wait3A_1818 = arith.constant 0 : i32
    %dma_wait3A_1819 = arith.constant 0 : i32
    %dma_wait3A_1820 = tpu.memref_slice %arg11[%dma_wait3A_1817, %dma_wait3A_1819] : memref<16x16xf32, #tpu.memory_space<vmem>> -> memref<1x16xf32, #tpu.memory_space<vmem>>
    %dma_wait3A_1821 = tpu.memref_squeeze %dma_wait3A_1820 : memref<1x16xf32, #tpu.memory_space<vmem>> -> memref<16xf32, #tpu.memory_space<vmem>>
    %dma_wait3A_1822 = arith.constant 0 : i32
    %dma_wait3A_1823 = tpu.memref_slice %arg16[%dma_wait3A_1818, %dma_wait3A_1822] : memref<16x80xf32, #tpu.memory_space<vmem_shared>> -> memref<1x80xf32, #tpu.memory_space<vmem_shared>>
    %dma_wait3A_1824 = tpu.memref_squeeze %dma_wait3A_1823 : memref<1x80xf32, #tpu.memory_space<vmem_shared>> -> memref<80xf32, #tpu.memory_space<vmem_shared>>
    %dma_wait3A_1825 = arith.constant 0 : i32
    %dma_wait3A_1826 = tpu.memref_slice %arg16[%dma_wait3A_1818, %dma_wait3A_1825] : memref<16x80xf32, #tpu.memory_space<vmem_shared>> -> memref<1x80xf32, #tpu.memory_space<vmem_shared>>
    %dma_wait3A_1827 = tpu.memref_squeeze %dma_wait3A_1826 : memref<1x80xf32, #tpu.memory_space<vmem_shared>> -> memref<80xf32, #tpu.memory_space<vmem_shared>>
    %dma_wait3A_1828 = arith.constant 0 : i32
    %dma_wait3A_1829 = tpu.memref_slice %arg11[%dma_wait3A_1817, %dma_wait3A_1828] : memref<16x16xf32, #tpu.memory_space<vmem>> -> memref<1x16xf32, #tpu.memory_space<vmem>>
    %dma_wait3A_1830 = tpu.memref_squeeze %dma_wait3A_1829 : memref<1x16xf32, #tpu.memory_space<vmem>> -> memref<16xf32, #tpu.memory_space<vmem>>
    tpu.wait_dma2 semaphore(%arg18 : memref<!tpu.dma_semaphore, #tpu.memory_space<semaphore_mem>>) src(%dma_wait3A_1830 : memref<16xf32, #tpu.memory_space<vmem>>) dst(%dma_wait3A_1827 : memref<80xf32, #tpu.memory_space<vmem_shared>>)
    %dma_wait3A_1831 = arith.constant 0 : i32
    %dma_wait3A_1832 = arith.constant 0 : i32
    %dma_wait3A_1833 = arith.constant 0 : i32
    %dma_wait3A_1834 = tpu.memref_slice %arg11[%dma_wait3A_1831, %dma_wait3A_1833] : memref<16x16xf32, #tpu.memory_space<vmem>> -> memref<1x16xf32, #tpu.memory_space<vmem>>
    %dma_wait3A_1835 = tpu.memref_squeeze %dma_wait3A_1834 : memref<1x16xf32, #tpu.memory_space<vmem>> -> memref<16xf32, #tpu.memory_space<vmem>>
    %dma_wait3A_1836 = arith.constant 0 : i32
    %dma_wait3A_1837 = tpu.memref_slice %arg16[%dma_wait3A_1832, %dma_wait3A_1836] : memref<16x80xf32, #tpu.memory_space<vmem_shared>> -> memref<1x80xf32, #tpu.memory_space<vmem_shared>>
    %dma_wait3A_1838 = tpu.memref_squeeze %dma_wait3A_1837 : memref<1x80xf32, #tpu.memory_space<vmem_shared>> -> memref<80xf32, #tpu.memory_space<vmem_shared>>
    %dma_wait3A_1839 = arith.constant 0 : i32
    %dma_wait3A_1840 = tpu.memref_slice %arg16[%dma_wait3A_1832, %dma_wait3A_1839] : memref<16x80xf32, #tpu.memory_space<vmem_shared>> -> memref<1x80xf32, #tpu.memory_space<vmem_shared>>
    %dma_wait3A_1841 = tpu.memref_squeeze %dma_wait3A_1840 : memref<1x80xf32, #tpu.memory_space<vmem_shared>> -> memref<80xf32, #tpu.memory_space<vmem_shared>>
    %dma_wait3A_1842 = arith.constant 0 : i32
    %dma_wait3A_1843 = tpu.memref_slice %arg11[%dma_wait3A_1831, %dma_wait3A_1842] : memref<16x16xf32, #tpu.memory_space<vmem>> -> memref<1x16xf32, #tpu.memory_space<vmem>>
    %dma_wait3A_1844 = tpu.memref_squeeze %dma_wait3A_1843 : memref<1x16xf32, #tpu.memory_space<vmem>> -> memref<16xf32, #tpu.memory_space<vmem>>
    tpu.wait_dma2 semaphore(%arg18 : memref<!tpu.dma_semaphore, #tpu.memory_space<semaphore_mem>>) src(%dma_wait3A_1844 : memref<16xf32, #tpu.memory_space<vmem>>) dst(%dma_wait3A_1841 : memref<80xf32, #tpu.memory_space<vmem_shared>>)
    "tpu.region"() ({
      %run_scoped3A = tpu.sem_alloc : memref<!tpu.dma_semaphore, #tpu.memory_space<semaphore_mem>>
      %dma_start3A_1851 = arith.constant 0 : i32
      %dma_start3A_1852 = tpu.memref_slice %arg6[%add3A, %dma_start3A_1851] : memref<32x64xf32, #tpu.memory_space<hbm>> -> memref<1x64xf32, #tpu.memory_space<hbm>>
      %dma_start3A_1853 = tpu.memref_squeeze %dma_start3A_1852 : memref<1x64xf32, #tpu.memory_space<hbm>> -> memref<64xf32, #tpu.memory_space<hbm>>
      %dma_start3A_1854 = arith.constant 0 : i32
      %dma_start3A_1855 = tpu.memref_slice %arg6[%add3A, %dma_start3A_1854] : memref<32x64xf32, #tpu.memory_space<hbm>> -> memref<1x64xf32, #tpu.memory_space<hbm>>
      %dma_start3A_1856 = tpu.memref_squeeze %dma_start3A_1855 : memref<1x64xf32, #tpu.memory_space<hbm>> -> memref<64xf32, #tpu.memory_space<hbm>>
      tpu.enqueue_dma source(%arg15 : memref<64xf32, #tpu.memory_space<vmem>>) target(%dma_start3A_1856 : memref<64xf32, #tpu.memory_space<hbm>>) target_semaphore(%run_scoped3A : memref<!tpu.dma_semaphore, #tpu.memory_space<semaphore_mem>>)
      %dma_wait3A_1857 = arith.constant 0 : i32
      %dma_wait3A_1858 = tpu.memref_slice %arg6[%add3A, %dma_wait3A_1857] : memref<32x64xf32, #tpu.memory_space<hbm>> -> memref<1x64xf32, #tpu.memory_space<hbm>>
      %dma_wait3A_1859 = tpu.memref_squeeze %dma_wait3A_1858 : memref<1x64xf32, #tpu.memory_space<hbm>> -> memref<64xf32, #tpu.memory_space<hbm>>
      %dma_wait3A_1860 = arith.constant 0 : i32
      %dma_wait3A_1861 = tpu.memref_slice %arg6[%add3A, %dma_wait3A_1860] : memref<32x64xf32, #tpu.memory_space<hbm>> -> memref<1x64xf32, #tpu.memory_space<hbm>>
      %dma_wait3A_1862 = tpu.memref_squeeze %dma_wait3A_1861 : memref<1x64xf32, #tpu.memory_space<hbm>> -> memref<64xf32, #tpu.memory_space<hbm>>
      tpu.wait_dma2 semaphore(%run_scoped3A : memref<!tpu.dma_semaphore, #tpu.memory_space<semaphore_mem>>) src(%arg15 : memref<64xf32, #tpu.memory_space<vmem>>) dst(%dma_wait3A_1862 : memref<64xf32, #tpu.memory_space<hbm>>)
      tpu.yield
    }) : () -> ()
    %barrier3A_1845 = arith.constant 0 : index
    tpu.barrier barrier_id(%barrier3A_1845)
    %eq3A_1846 = arith.constant 0 : i32
    %eq3A_1847 = arith.cmpi eq, %arg1, %eq3A_1846 : i32
    %convert_element_type3A_1848 = arith.extui %eq3A_1847 : i1 to i32
    %cond3A_1849 = arith.constant 0 : i32
    %cond3A_1850 = arith.cmpi ne, %convert_element_type3A_1848, %cond3A_1849 : i32
    scf.if %cond3A_1850 {
      "tpu.region"() ({
        %run_scoped3A = tpu.sem_alloc : memref<!tpu.dma_semaphore, #tpu.memory_space<semaphore_mem>>
        %dma_start3A_1851 = arith.constant 0 : i32
        %dma_start3A_1852 = arith.constant 0 : i32
        %dma_start3A_1853 = tpu.memref_slice %arg5[%arg0, %dma_start3A_1851, %dma_start3A_1852] : memref<2x16x80xf32, #tpu.memory_space<hbm>> -> memref<1x16x80xf32, #tpu.memory_space<hbm>>
        %dma_start3A_1854 = tpu.memref_squeeze %dma_start3A_1853 : memref<1x16x80xf32, #tpu.memory_space<hbm>> -> memref<16x80xf32, #tpu.memory_space<hbm>>
        tpu.enqueue_dma source(%arg16 : memref<16x80xf32, #tpu.memory_space<vmem_shared>>) target(%dma_start3A_1854 : memref<16x80xf32, #tpu.memory_space<hbm>>) target_semaphore(%run_scoped3A : memref<!tpu.dma_semaphore, #tpu.memory_space<semaphore_mem>>)
        %dma_wait3A_1855 = arith.constant 0 : i32
        %dma_wait3A_1856 = arith.constant 0 : i32
        %dma_wait3A_1857 = tpu.memref_slice %arg5[%arg0, %dma_wait3A_1855, %dma_wait3A_1856] : memref<2x16x80xf32, #tpu.memory_space<hbm>> -> memref<1x16x80xf32, #tpu.memory_space<hbm>>
        %dma_wait3A_1858 = tpu.memref_squeeze %dma_wait3A_1857 : memref<1x16x80xf32, #tpu.memory_space<hbm>> -> memref<16x80xf32, #tpu.memory_space<hbm>>
        tpu.wait_dma2 semaphore(%run_scoped3A : memref<!tpu.dma_semaphore, #tpu.memory_space<semaphore_mem>>) src(%arg16 : memref<16x80xf32, #tpu.memory_space<vmem_shared>>) dst(%dma_wait3A_1858 : memref<16x80xf32, #tpu.memory_space<hbm>>)
        tpu.yield
      }) : () -> ()
    } else {
    }
    return
  }
}

module attributes {stable_mosaic.version = 14 : i64} {
  func.func @_dense_body(%arg0: memref<10000x256xf32, #tpu.memory_space<vmem>>, %arg1: memref<1x10000xi32, #tpu.memory_space<vmem>>, %arg2: memref<2x16x80xf32, #tpu.memory_space<vmem>>, %arg3: memref<32x64xf32, #tpu.memory_space<vmem>>, %arg4: memref<272x512xf32, #tpu.memory_space<vmem>>, %arg5: memref<1x512xf32, #tpu.memory_space<vmem>>, %arg6: memref<512x512xf32, #tpu.memory_space<vmem>>, %arg7: memref<1x512xf32, #tpu.memory_space<vmem>>, %arg8: memref<512x256xf32, #tpu.memory_space<vmem>>, %arg9: memref<1x256xf32, #tpu.memory_space<vmem>>, %arg10: memref<64x256xf32, #tpu.memory_space<vmem>>) attributes {dimension_semantics = [], scalar_prefetch = 0 : i64, scratch_operands = 0 : i64, tpu.core_type = #tpu.core_type<tc>} {
    %get3A = arith.constant 0 : index
    %get3A_0 = arith.constant 0 : index
    %get3A_1 = vector.load %arg1[%get3A, %get3A_0] : memref<1x10000xi32, #tpu.memory_space<vmem>>, vector<1x10000xi32>
    %iota3A = tpu.iota {dimensions = array<i32: 0>} : vector<64x10000xi32>
    %eq3A = vector.broadcast %get3A_1 : vector<1x10000xi32> to vector<64x10000xi32>
    %eq3A_2 = arith.cmpi eq, %eq3A, %iota3A : vector<64x10000xi32>
    %convert_element_type3A = arith.extui %eq3A_2 : vector<64x10000xi1> to vector<64x10000xi32>
    %convert_element_type3A_3 = arith.sitofp %convert_element_type3A : vector<64x10000xi32> to vector<64x10000xf32>
    %get3A_4 = arith.constant 0 : index
    %get3A_5 = arith.constant 0 : index
    %get3A_6 = vector.load %arg0[%get3A_4, %get3A_5] : memref<10000x256xf32, #tpu.memory_space<vmem>>, vector<10000x256xf32>
    %dot_general3A = arith.constant dense<0.000000e+00> : vector<64x256xf32>
    %dot_general3A_7 = tpu.matmul %convert_element_type3A_3, %get3A_6, %dot_general3A {dimension_numbers = #tpu.dot_dimension_numbers<[1], [0], [0], [1], [0, 0, 1, 1], [], []>, precision = #tpu.contract_precision<fp32>, transpose_lhs_hint = false} : vector<64x10000xf32>, vector<10000x256xf32>, vector<64x256xf32> -> vector<64x256xf32>
    %reduce_sum3A = arith.constant dense<0.000000e+00> : vector<64xf32>
    %reduce_sum3A_8 = vector.multi_reduction <add>, %convert_element_type3A_3, %reduce_sum3A [1] : vector<64x10000xf32> to vector<64xf32>
    %broadcast_in_dim3A = vector.shape_cast %reduce_sum3A_8 : vector<64xf32> to vector<64x1xf32>
    %get3A_9 = arith.constant 0 : index
    %get3A_10 = arith.constant 0 : index
    %get3A_11 = arith.constant 0 : index
    %get3A_12 = vector.load %arg2[%get3A_9, %get3A_10, %get3A_11] : memref<2x16x80xf32, #tpu.memory_space<vmem>>, vector<1x16x80xf32>
    %get3A_13 = vector.shape_cast %get3A_12 : vector<1x16x80xf32> to vector<16x80xf32>
    %get3A_14 = arith.constant 1 : index
    %get3A_15 = arith.constant 0 : index
    %get3A_16 = arith.constant 0 : index
    %get3A_17 = vector.load %arg2[%get3A_14, %get3A_15, %get3A_16] : memref<2x16x80xf32, #tpu.memory_space<vmem>>, vector<1x16x80xf32>
    %get3A_18 = vector.shape_cast %get3A_17 : vector<1x16x80xf32> to vector<16x80xf32>
    %add3A = arith.addf %get3A_13, %get3A_18 : vector<16x80xf32>
    %slice3A = vector.extract_strided_slice %add3A {offsets = [0, 0], sizes = [16, 64], strides = [1, 1]} : vector<16x80xf32> to vector<16x64xf32>
    %get3A_19 = arith.constant 0 : index
    %get3A_20 = arith.constant 0 : index
    %get3A_21 = vector.load %arg3[%get3A_19, %get3A_20] : memref<32x64xf32, #tpu.memory_space<vmem>>, vector<32x64xf32>
    %reduce_sum3A_22 = arith.constant dense<0.000000e+00> : vector<64xf32>
    %reduce_sum3A_23 = vector.multi_reduction <add>, %get3A_21, %reduce_sum3A_22 [0] : vector<32x64xf32> to vector<64xf32>
    %broadcast_in_dim3A_24 = vector.shape_cast %reduce_sum3A_23 : vector<64xf32> to vector<1x64xf32>
    %max3A = arith.constant 1.000000e+00 : f32
    %max3A_25 = vector.broadcast %max3A : f32 to vector<64x1xf32>
    %max3A_26 = arith.maximumf %broadcast_in_dim3A, %max3A_25 : vector<64x1xf32>
    %div3A = vector.broadcast %max3A_26 : vector<64x1xf32> to vector<64x256xf32>
    %div3A_27 = arith.divf %dot_general3A_7, %div3A : vector<64x256xf32>
    %max3A_28 = arith.constant 1.000000e+00 : f32
    %max3A_29 = vector.broadcast %max3A_28 : f32 to vector<1x64xf32>
    %max3A_30 = arith.maximumf %broadcast_in_dim3A_24, %max3A_29 : vector<1x64xf32>
    %div3A_31 = vector.broadcast %max3A_30 : vector<1x64xf32> to vector<16x64xf32>
    %div3A_32 = arith.divf %slice3A, %div3A_31 : vector<16x64xf32>
    %get3A_33 = arith.constant 0 : index
    %get3A_34 = arith.constant 0 : index
    %get3A_35 = vector.load %arg4[%get3A_33, %get3A_34] : memref<272x512xf32, #tpu.memory_space<vmem>>, vector<256x512xf32>
    %dot_general3A_36 = arith.constant dense<0.000000e+00> : vector<64x512xf32>
    %dot_general3A_37 = tpu.matmul %div3A_27, %get3A_35, %dot_general3A_36 {dimension_numbers = #tpu.dot_dimension_numbers<[1], [0], [0], [1], [0, 0, 1, 1], [], []>, precision = #tpu.contract_precision<fp32>, transpose_lhs_hint = false} : vector<64x256xf32>, vector<256x512xf32>, vector<64x512xf32> -> vector<64x512xf32>
    %get3A_38 = arith.constant 256 : index
    %get3A_39 = arith.constant 0 : index
    %get3A_40 = vector.load %arg4[%get3A_38, %get3A_39] : memref<272x512xf32, #tpu.memory_space<vmem>>, vector<16x512xf32>
    %dot_general3A_41 = arith.constant dense<0.000000e+00> : vector<64x512xf32>
    %dot_general3A_42 = tpu.matmul %div3A_32, %get3A_40, %dot_general3A_41 {dimension_numbers = #tpu.dot_dimension_numbers<[0], [0], [1], [1], [0, 1, 1, 1], [], []>, precision = #tpu.contract_precision<fp32>, transpose_lhs_hint = false} : vector<16x64xf32>, vector<16x512xf32>, vector<64x512xf32> -> vector<64x512xf32>
    %add3A_43 = arith.addf %dot_general3A_37, %dot_general3A_42 : vector<64x512xf32>
    %get3A_44 = arith.constant 0 : index
    %get3A_45 = arith.constant 0 : index
    %get3A_46 = vector.load %arg5[%get3A_44, %get3A_45] : memref<1x512xf32, #tpu.memory_space<vmem>>, vector<1x512xf32>
    %add3A_47 = vector.broadcast %get3A_46 : vector<1x512xf32> to vector<64x512xf32>
    %add3A_48 = arith.addf %add3A_43, %add3A_47 : vector<64x512xf32>
    %max3A_49 = arith.constant 0.000000e+00 : f32
    %max3A_50 = vector.broadcast %max3A_49 : f32 to vector<64x512xf32>
    %max3A_51 = arith.maximumf %add3A_48, %max3A_50 : vector<64x512xf32>
    %get3A_52 = arith.constant 0 : index
    %get3A_53 = arith.constant 0 : index
    %get3A_54 = vector.load %arg6[%get3A_52, %get3A_53] : memref<512x512xf32, #tpu.memory_space<vmem>>, vector<512x512xf32>
    %dot_general3A_55 = arith.constant dense<0.000000e+00> : vector<64x512xf32>
    %dot_general3A_56 = tpu.matmul %max3A_51, %get3A_54, %dot_general3A_55 {dimension_numbers = #tpu.dot_dimension_numbers<[1], [0], [0], [1], [0, 0, 1, 1], [], []>, precision = #tpu.contract_precision<fp32>, transpose_lhs_hint = false} : vector<64x512xf32>, vector<512x512xf32>, vector<64x512xf32> -> vector<64x512xf32>
    %get3A_57 = arith.constant 0 : index
    %get3A_58 = arith.constant 0 : index
    %get3A_59 = vector.load %arg7[%get3A_57, %get3A_58] : memref<1x512xf32, #tpu.memory_space<vmem>>, vector<1x512xf32>
    %add3A_60 = vector.broadcast %get3A_59 : vector<1x512xf32> to vector<64x512xf32>
    %add3A_61 = arith.addf %dot_general3A_56, %add3A_60 : vector<64x512xf32>
    %max3A_62 = arith.constant 0.000000e+00 : f32
    %max3A_63 = vector.broadcast %max3A_62 : f32 to vector<64x512xf32>
    %max3A_64 = arith.maximumf %add3A_61, %max3A_63 : vector<64x512xf32>
    %get3A_65 = arith.constant 0 : index
    %get3A_66 = arith.constant 0 : index
    %get3A_67 = vector.load %arg8[%get3A_65, %get3A_66] : memref<512x256xf32, #tpu.memory_space<vmem>>, vector<512x256xf32>
    %dot_general3A_68 = arith.constant dense<0.000000e+00> : vector<64x256xf32>
    %dot_general3A_69 = tpu.matmul %max3A_64, %get3A_67, %dot_general3A_68 {dimension_numbers = #tpu.dot_dimension_numbers<[1], [0], [0], [1], [0, 0, 1, 1], [], []>, precision = #tpu.contract_precision<fp32>, transpose_lhs_hint = false} : vector<64x512xf32>, vector<512x256xf32>, vector<64x256xf32> -> vector<64x256xf32>
    %get3A_70 = arith.constant 0 : index
    %get3A_71 = arith.constant 0 : index
    %get3A_72 = vector.load %arg9[%get3A_70, %get3A_71] : memref<1x256xf32, #tpu.memory_space<vmem>>, vector<1x256xf32>
    %add3A_73 = vector.broadcast %get3A_72 : vector<1x256xf32> to vector<64x256xf32>
    %add3A_74 = arith.addf %dot_general3A_69, %add3A_73 : vector<64x256xf32>
    %swap3A = arith.constant 0 : index
    %swap3A_75 = arith.constant 0 : index
    %swap3A_76 = vector.load %arg10[%swap3A, %swap3A_75] : memref<64x256xf32, #tpu.memory_space<vmem>>, vector<64x256xf32>
    tpu.vector_store %arg10[%swap3A, %swap3A_75], %add3A_74 {strides = array<i32>} : memref<64x256xf32, #tpu.memory_space<vmem>>, vector<64x256xf32>,
    return
  }
}

</mosaic_0001>

<sc_bundles>
// kernel: kernel.4.cloned.1.call-start
scs
__scs_entry_jumppad:
0x0: {  	(pc) =	sbr.rel $0x88, $3  }
0x1: {  	(tag) =	ssettag $0x0;
	lr =	simm.s32 $0x1  }
0x2: {  	[smem:$0x3F97] =	sst lr;
	_ =	strace $0xD0000000  }
0x3: {  	_ = 	snop  }
0x4: {  	_ = 	snop  }
0x5: {  	_ = 	snop  }
0x6: {  	_ = 	snop  }
0x7: {  	_ = 	snop  }
__scs_overlays_trampoline_lowered:
0x8: {  	[smem:$0x3FA6] =	sst s0  }
0x9: {  	[smem:$0x3FA7] =	sst s1  }
0xa: {  	[smem:$0x3FA8] =	sst s2  }
0xb: {  	[smem:$0x3FA9] =	sst s3  }
0xc: {  	[smem:$0x3FAA] =	sst s4  }
0xd: {  	[smem:$0x3FAB] =	sst s5  }
0xe: {  	[smem:$0x3FAC] =	sst s6  }
0xf: {  	[smem:$0x3FAD] =	sst s7  }
0x10: {  	[smem:$0x3FAE] =	sst s8  }
0x11: {  	[smem:$0x3FAF] =	sst s9;
	s0 =	simm.s32 @!p0 $0x0  }
0x12: {  	s1 =	sld [smem:$0x3F95];
	s0 =	simm.s32 @p0 $0x1  }
0x13: {  	[smem:$0x3FB0] =	sst s0;
	s0 =	simm.s32 @!p1 $0x0  }
0x14: {  	s2 =	sld [smem:$0x3F94];
	s0 =	simm.s32 @p1 $0x1  }
0x15: {  	[smem:$0x3FB1] =	sst s0;
	s0 =	simm.s32 @!p2 $0x0  }
0x16: {  	s3 =	sld [smem:$0x3FDB];
	s0 =	simm.s32 @p2 $0x1  }
0x17: {  	s4 =	simm.s32 $0x1BF5;
	[smem:$0x3FB3] =	sst s0  }
0x18: {  	s0 =	sld [smem:$0x3F96];
	_ =	swait.ge [sflag:s4], $0x0  }
0x19: {  	s7 =	sld [smem:$0x3F97]  }
0x1a: {  	s8 =	sadd.s32 $0xFFFFE003, lr  }
0x1b: {  	s9 =	sadd.s32 $0xFFFFFEF7, lr;
	s5 =	simm.s32 $0xFFFFFFFF;
	p2 =	slt.u32 s8, $0xFFFFF086  }
0x1c: {  	p1 =	slt.u32 s9, $0xF7A;
	s5 =	simm.s32 @!p2 $0x0  }
0x1d: {  	s5 =	simm.s32 @p1 $0x1;
	p0 =	seq.s32 s7, s2  }
0x1e: {  	s7 =	smul.u32 @!p0 $0xF7A, s2;
	p2 =	seq.s32 @!p0 s5, $0x0  }
0x1f: {  	s9 =	smul.u32 $0xF7A, s1;
	s8 =	simm.s32 @!p0 $0x1BF5;
	p2 =	por !p2, p0  }
0x20: {  	[sflag:s8] =	ssyncset.s32 @!p0 $0xFFFFF086;
	s6 =	sadd.s32 @!p0 s3, s7;
	s7 =	simm.s32 @!p0 $0x108  }
0x21: {  	s3 =	sadd.s32 s3, s9;
	s6 =	sadd.s32 @!p0 $0x88, s6;
	s7 =	simm.s32 @p2 $0x1082  }
0x22: {  	[simem:s7], [sflag:s8] =	dma.local @!p0 [hbm:s6], $0xF7A  }
0x23: {  	s9 =	sor.u32 $0xD0000000, s2;
	s6 =	simm.s32 $0x108;
	_ =	swait.ge @!p0 [sflag:s8], $0x0  }
0x24: {  	s3 =	sadd.s32 $0x88, s3;
	s6 =	simm.s32 @!p1 $0x1082;
	[sflag:s4] =	ssyncset.s32 $0xFFFFF086  }
0x25: {  	[simem:s6], [sflag:s4] =	dma.local [hbm:s3], $0xF7A  }
0x26: {  	[smem:$0x3F97] =	sst s1;
	(tag) =	ssettag s2;
	_ =	strace s9  }
0x27: {  	s1 =	sld [smem:$0x3FA7]  }
0x28: {  	s2 =	sld [smem:$0x3FA8]  }
0x29: {  	s4 =	sld [smem:$0x3FAA]  }
0x2a: {  	p0 =	seq.s32 s5, $0x0;
	s5 =	sld [smem:$0x3FAB]  }
0x2b: {  	s6 =	sld [smem:$0x3FAC]  }
0x2c: {  	s7 =	sld [smem:$0x3FAD]  }
0x2d: {  	s3 =	simm.s32 $0x108;
	s8 =	sld [smem:$0x3FAE]  }
0x2e: {  	s3 =	simm.s32 @!p0 $0x1082;
	s9 =	sld [smem:$0x3FAF]  }
0x2f: {  	lr =	sadd.s32 s0, s3;
	s0 =	sld [smem:$0x3FA6]  }
0x30: {  	s3 =	sld [smem:$0x3FA9]  }
0x31: {  	[smem:$0x3FB2] =	sst s10  }
0x32: {  	s10 =	sld [smem:$0x3FB0];
	_ =	sdelay $0x3  }
0x33: {  	p0 =	seq.s32 s10, $0x1;
	s10 =	sld [smem:$0x3FB2];
	_ =	sdelay $0x3  }
0x34: {  	[smem:$0x3FB2] =	sst s10  }
0x35: {  	s10 =	sld [smem:$0x3FB1];
	_ =	sdelay $0x3  }
0x36: {  	p1 =	seq.s32 s10, $0x1;
	s10 =	sld [smem:$0x3FB2];
	_ =	sdelay $0x3  }
0x37: {  	[smem:$0x3FB2] =	sst s10  }
0x38: {  	s10 =	sld [smem:$0x3FB3]  }
0x39: {  	_ = 	snop;
	(pc) =	sbr.ind lr, $3  }
0x3a: {  	_ = 	snop  }
0x3b: {  	_ = 	snop  }
0x3c: {  	p2 =	seq.s32 s10, $0x1;
	s10 =	sld [smem:$0x3FB2]  }
0x3d: {  	_ =	shalt  }
0x3e: {  	_ =	shalt  }
0x3f: {  	_ =	shalt  }
0x40: {  	_ =	shalt  }
0x41: {  	_ =	shalt  }
0x42: {  	_ =	shalt  }
0x43: {  	_ =	shalt  }
0x44: {  	_ =	shalt  }
0x45: {  	_ =	shalt  }
0x46: {  	_ =	shalt  }
0x47: {  	_ =	shalt  }
0x48: {  	_ =	shalt  }
0x49: {  	_ =	shalt  }
0x4a: {  	_ =	shalt  }
0x4b: {  	_ =	shalt  }
0x4c: {  	_ =	shalt  }
0x4d: {  	_ =	shalt  }
0x4e: {  	_ =	shalt  }
0x4f: {  	_ =	shalt  }
0x50: {  	_ =	shalt  }
0x51: {  	_ =	shalt  }
0x52: {  	_ =	shalt  }
0x53: {  	_ =	shalt  }
0x54: {  	_ =	shalt  }
0x55: {  	_ =	shalt  }
0x56: {  	_ =	shalt  }
0x57: {  	_ =	shalt  }
0x58: {  	_ =	shalt  }
0x59: {  	_ =	shalt  }
0x5a: {  	_ =	shalt  }
0x5b: {  	_ =	shalt  }
0x5c: {  	_ =	shalt  }
0x5d: {  	_ =	shalt  }
0x5e: {  	_ =	shalt  }
0x5f: {  	_ =	shalt  }
0x60: {  	_ =	shalt  }
0x61: {  	_ =	shalt  }
0x62: {  	_ =	shalt  }
0x63: {  	_ =	shalt  }
0x64: {  	_ =	shalt  }
0x65: {  	_ =	shalt  }
0x66: {  	_ =	shalt  }
0x67: {  	_ =	shalt  }
0x68: {  	_ =	shalt  }
0x69: {  	_ =	shalt  }
0x6a: {  	_ =	shalt  }
0x6b: {  	_ =	shalt  }
0x6c: {  	_ =	shalt  }
0x6d: {  	_ =	shalt  }
0x6e: {  	_ =	shalt  }
0x6f: {  	_ =	shalt  }
0x70: {  	_ =	shalt  }
0x71: {  	_ =	shalt  }
0x72: {  	_ =	shalt  }
0x73: {  	_ =	shalt  }
0x74: {  	_ =	shalt  }
0x75: {  	_ =	shalt  }
0x76: {  	_ =	shalt  }
0x77: {  	_ =	shalt  }
0x78: {  	_ =	shalt  }
0x79: {  	_ =	shalt  }
0x7a: {  	_ =	shalt  }
0x7b: {  	_ =	shalt  }
0x7c: {  	_ =	shalt  }
0x7d: {  	_ =	shalt  }
0x7e: {  	_ =	shalt  }
0x7f: {  	_ =	shalt  }
0x80: {  	_ =	shalt  }
0x81: {  	_ =	shalt  }
0x82: {  	_ =	shalt  }
0x83: {  	_ =	shalt  }
0x84: {  	_ =	shalt  }
0x85: {  	_ =	shalt  }
0x86: {  	_ =	shalt  }
0x87: {  	_ =	shalt  }
.Lfunc_end0:
.L_simem_size_0:
called_computation_lowered:
.L_overlay_start_0:
0x88: {  	s2 =	sld [smem:$0x3FD9]  }
0x89: {  	s3 =	sld [smem:$0x3FFE];
	_ =	sdelay $0x1  }
0x8a: {  	s1 =	srdreg.scid  }
0x8b: {  	s0 =	sand.u32 $0x1, s1  }
0x8c: {  	s17 =	sshll.u32 s0, $0xA;
	s2 =	sadd.s32 s3, s2  }
0x8d: {  	s2 =	sadd.s32 s2, s17  }
0x8e: {  	[smem:$0x3FBE] =	sst s2  }
0x8f: {  	_ = 	snop  }
0x90: {  	s2 =	sld [smem:$0x3FC6]  }
0x91: {  	s18 =	sld [smem:$0x3FD0];
	(tm) =	ssettm $0x1  }
0x92: {  	s4 =	sld [smem:$0x3FFB];
	_ =	sdelay $0x3  }
0x93: {  	_ =	strace s4  }
0x94: {  	s4 =	sld [smem:$0x3FFC];
	_ =	sdelay $0x3  }
0x95: {  	_ =	strace s4  }
0x96: {  	s4 =	sld [smem:$0x3FFD];
	_ =	sdelay $0x3  }
0x97: {  	_ =	strace s4  }
0x98: {  	_ =	strace $0x8FFFFFFF  }
0x99: {  	s19 =	sld [smem:$0x3FDB];
	_ =	sdelay $0x1  }
0x9a: {  	s5 =	simm.s32 $_scs_section_size  }
0x9b: {  	s6 =	simm.s32 $_size__tile_overlayer_lowered;
	s7 =	simm.s32 $_tile_overlayer_lowered  }
0x9c: {  	s22 =	simm.s32 $0x1BFF;
	s21 =	sshll.u32 s7, $0x1;
	s4 =	sadd.s32 s5, s19  }
0x9d: {  	s8 =	simm.s32 $0x0;
	s20 =	sshll.u32 s6, $0x1;
	s6 =	sadd.s32 s21, s4  }
0x9e: {  	[timem:s8], [sflag:s22] =	dma.local [hbm:s6], s20  }
0x9f: {  	_ =	swait.ge [sflag:s22], s20  }
0xa0: {  	s5 =	ssub.s32 $0x0, s20;
	[sflag:s22] =	ssyncset.done $0x0  }
0xa1: {  	[sflag:s22] =	ssyncadd.s32 s5;
	_ =	sdelay $0x1  }
0xa2: {  	s23 =	simm.s32 $0x1B8B  }
0xa3: {  	_ =	swait.ge [sflag:s23], $0x1  }
0xa4: {  	[sflag:s23] =	ssyncset.done $0x0  }
0xa5: {  	s25 =	simm.s32 $0x1B8E;
	s24 =	sld [smem:$0x3FFE];
	[sflag:s23] =	ssyncadd.s32 $0xFFFFFFFF  }
0xa6: {  	s26 =	simm.s32 $execute0_lowered;
	[smem:$0x3FD2] =	sst s25  }
0xa7: {  	s6 =	sshll.u32 s26, $0x1;
	_ =	strace $0x80000046;
	[dreg:$0x1] =	wrdreg $0xFFFFFFFF  }
0xa8: {  	s28 =	simm.s32 $_size_execute0_lowered;
	s4 =	sadd.s32 s4, s6;
	[dreg:$0x0] =	wrdreg $0x0  }
0xa9: {  	s6 =	sshll.u32 s28, $0x1;
	[dreg:$0x2] =	wrdreg s4  }
0xaa: {  	[dreg:$0x3] =	wrdreg s6  }
0xab: {  	[dreg:$0x4] =	wrdreg $0xC0  }
0xac: {  	_ =	task [dreg:s8], $0x5FFFF  }
0xad: {  	[dreg:$0x1] =	wrdreg $0xFFFFFFFF  }
0xae: {  	[dreg:$0x0] =	wrdreg $0x60  }
0xaf: {  	[dreg:$0x2] =	wrdreg s24  }
0xb0: {  	[dreg:$0x3] =	wrdreg s2  }
0xb1: {  	[dreg:$0x4] =	wrdreg s18  }
0xb2: {  	[dreg:$0x5] =	wrdreg $0x18C700  }
0xb3: {  	[dreg:$0x6] =	wrdreg $0x9  }
0xb4: {  	_ =	task.clear_ibuf [dreg:s8], $0x7FFFF;
	_ =	strace $0x90000046  }
0xb5: {  	s29 =	simm.s32 $0x9;
	_ =	strace $0x80000048  }
0xb6: {  	_ =	swait.ge [sflag:s29], $0x1  }
0xb7: {  	[sflag:s29] =	ssyncadd.s32 $0xFFFFFFFF  }
0xb8: {  	_ =	strace $0x90000048  }
0xb9: {  	_ =	sfence  }
0xba: {  	s30 =	sld [smem:$0x0];
	_ =	sdelay $0x2  }
0xbb: {  	s31 =	sshll.u32 s1, $0xD;
	s1 =	sshrl.u32 s1, $0x2  }
0xbc: {  	s3 =	sand.u32 $0x4000, s31;
	s1 =	sadd.s32 s1, s30  }
0xbd: {  	s0 =	sor.u32 s3, s0;
	s1 =	sshll.u32 s1, $0x11  }
0xbe: {  	s0 =	sor.u32 s1, s0  }
0xbf: {  	s0 =	sadd.s32 $0x8F2B, s0  }
0xc0: {  	[sflag:s0] =	ssyncadd.remote.s32 $0x1  }
0xc1: {  	_ =	sfence.sel $0xFFFF  }
0xc2: {  	[dreg:$0x0] =	wrdreg $0xFFFFFFFF;
	(pc) =	sbr.abs _section_cstart, $3  }
0xc3: {  	[dreg:$0x1] =	wrdreg $0xFFFFFFFF  }
0xc4: {  	_ =	task.clear_ibuf [dreg:s8], $0x2FFFF;
	_ =	strace $0x9FFFFFFF  }
0xc5: {  	(tm) =	ssettm $0x7FFFFFFF  }
tec
execute0_lowered:
.L_overlay_start_1:
0x0: {  	(tag) =	ssettag $0x1  }
0x1: {  	s0 =	srdreg.scid  }
0x2: {  	s3 =	rddreg [dreg:$0x0];
	s1 =	simm.s32 $0x0;
	s2 =	sand.u32 $0x1, s0  }
0x3: {  	s0 =	stileid.u32;
	[smem:$0x7FF] =	sst s1;
	s4 =	sshll.u32 s2, $0x4  }
0x4: {  	s5 =	sadd.s32 $0x50600, s3;
	s9 =	sadd.s32 $0x2400, s3;
	s4 =	sor.u32 s0, s4  }
0x5: {  	s7 =	ssub.s32 $0x2, s2;
	s6 =	sshll.u32 s4, $0x3;
	s8 =	smul.u32 $0x1388, s4  }
0x6: {  	s2 =	smul.u32 $0xA0, s2;
	s19 =	sshrl.u32 s7, $0x1;
	s3 =	sadd.s32 s6, s3  }
0x7: {  	s6 =	ssub.s32 s7, s19;
	s20 =	sshrl.u32 s8, $0x3;
	s21 =	sadd.s32 $0x1378, s8  }
0x8: {  	s22 =	sadd.s32 $0x28478, s8;
	s24 =	sadd.s32 $0x4F578, s8;
	s25 =	sadd.s32 $0x76678, s8  }
0x9: {  	s26 =	sadd.s32 $0x9D778, s8;
	s12 =	sadd.s32 $0xC4878, s8;
	s13 =	sadd.s32 $0xEB978, s8  }
0xa: {  	s14 =	sadd.s32 $0x112A78, s8;
	s10 =	sadd.s32 s5, s20;
	s7 =	sshrl.u32 s21, $0x3  }
0xb: {  	s4 =	sadd.s32 s9, s20;
	s16 =	sshrl.u32 s14, $0x3;
	s14 =	rddreg [dreg:$0x2]  }
0xc: {  	s23 =	sshrl.u32 s22, $0x3;
	s20 =	sadd.s32 $0x187D78, s8;
	[dreg:$0x5] =	wrdreg s10  }
0xd: {  	s5 =	sadd.s32 s5, s7;
	s22 =	sshrl.u32 s20, $0x3;
	s20 =	rddreg [dreg:$0x3]  }
0xe: {  	s18 =	sadd.s32 $0x139B78, s8;
	s7 =	sadd.s32 s9, s7;
	[dreg:$0x6] =	wrdreg s5  }
0xf: {  	s19 =	sadd.s32 $0x160C78, s8;
	s17 =	sadd.s32 s9, s16;
	[dreg:$0x7] =	wrdreg s7  }
0x10: {  	s15 =	sshrl.u32 s13, $0x3;
	s2 =	sadd.s32 s14, s2;
	[dreg:$0xe] =	wrdreg s17  }
0x11: {  	s10 =	sshrl.u32 s26, $0x3;
	s5 =	sadd.s32 s9, s23;
	[dreg:$0x17] =	wrdreg s2  }
0x12: {  	s11 =	sadd.s32 s9, s10;
	[dreg:$0x8] =	wrdreg s5;
	s5 =	sshrl.u32 s24, $0x3  }
0x13: {  	s7 =	sshrl.u32 s25, $0x3;
	[dreg:$0xb] =	wrdreg s11;
	s5 =	sadd.s32 s9, s5  }
0x14: {  	s21 =	sshrl.u32 s19, $0x3;
	[dreg:$0x9] =	wrdreg s5;
	s5 =	sadd.s32 s9, s7  }
0x15: {  	s23 =	sadd.s32 s9, s22;
	[dreg:$0xa] =	wrdreg s5;
	s5 =	sshrl.u32 s12, $0x3  }
0x16: {  	s26 =	sadd.s32 $0x1FD078, s8;
	[dreg:$0x11] =	wrdreg s23;
	s5 =	sadd.s32 s9, s5  }
0x17: {  	s10 =	sshrl.u32 s26, $0x3;
	[dreg:$0xc] =	wrdreg s5;
	s5 =	sadd.s32 s9, s15  }
0x18: {  	s11 =	sadd.s32 s9, s10;
	[dreg:$0xd] =	wrdreg s5;
	s5 =	sshrl.u32 s18, $0x3  }
0x19: {  	s13 =	sadd.s32 $0x24B278, s8;
	[dreg:$0x14] =	wrdreg s11;
	s5 =	sadd.s32 s9, s5  }
0x1a: {  	s24 =	sadd.s32 $0x1AEE78, s8;
	[dreg:$0xf] =	wrdreg s5;
	s5 =	sadd.s32 s9, s21  }
0x1b: {  	s25 =	sadd.s32 $0x1D5F78, s8;
	[dreg:$0x10] =	wrdreg s5;
	s5 =	sshrl.u32 s24, $0x3  }
0x1c: {  	s7 =	sshrl.u32 s25, $0x3;
	s12 =	sadd.s32 $0x224178, s8;
	s5 =	sadd.s32 s9, s5  }
0x1d: {  	[dreg:$0x12] =	wrdreg s5;
	s5 =	sadd.s32 s9, s7;
	s7 =	sshrl.u32 s13, $0x3  }
0x1e: {  	[dreg:$0x13] =	wrdreg s5;
	s5 =	sshrl.u32 s12, $0x3;
	s15 =	sadd.s32 s9, s7  }
0x1f: {  	s5 =	sadd.s32 s9, s5;
	[dreg:$0x16] =	wrdreg s15  }
0x20: {  	s16 =	sadd.s32 $0x5A400, s3;
	[dreg:$0x15] =	wrdreg s5  }
0x21: {  	s17 =	smax.u32 s6, $0x1;
	_ =	strace $0x80000047;
	[dreg:$0x18] =	wrdreg s16  }
0x22: {  	s18 =	sadd.s32 $0x4E20, s4;
	[dreg:$0x19] =	wrdreg s17  }
0x23: {  	s19 =	sadd.s32 $0x9C40, s4;
	[dreg:$0x1a] =	wrdreg s18  }
0x24: {  	s21 =	sadd.s32 $0xEA60, s4;
	[dreg:$0x1b] =	wrdreg s19  }
0x25: {  	s22 =	sadd.s32 $0x13880, s4;
	[dreg:$0x1c] =	wrdreg s21  }
0x26: {  	s23 =	sadd.s32 $0x186A0, s4;
	[dreg:$0x1d] =	wrdreg s22  }
0x27: {  	s24 =	sadd.s32 $0x1D4C0, s4;
	[dreg:$0x1e] =	wrdreg s23  }
0x28: {  	s25 =	sadd.s32 $0x222E0, s4;
	[dreg:$0x1f] =	wrdreg s24  }
0x29: {  	s29 =	simm.s32 $0x172C0;
	s26 =	sadd.s32 $0x27100, s4;
	[smem:$0x7F3] =	sst s25  }
0x2a: {  	s30 =	simm.s32 $0x17380;
	s2 =	sadd.s32 $0x2BF20, s4;
	[smem:$0x7F4] =	sst s26  }
0x2b: {  	s31 =	simm.s32 $0x17390;
	s3 =	sadd.s32 $0x30D40, s4;
	[smem:$0x7F5] =	sst s2  }
0x2c: {  	p0 =	sne.s32 s0, $0x0;
	s5 =	sadd.s32 $0x35B60, s4;
	[smem:$0x7F6] =	sst s3  }
0x2d: {  	s0 =	simm.s32 $0x1;
	s6 =	sadd.s32 $0x3A980, s4;
	[smem:$0x7F7] =	sst s5  }
0x2e: {  	s14 =	sadd.s32 $0x140, s20;
	s7 =	sadd.s32 $0x3F7A0, s4;
	[smem:$0x7F8] =	sst s6  }
0x2f: {  	s28 =	sadd.s32 $0x4B0, s20;
	s8 =	sadd.s32 $0x445C0, s4;
	[smem:$0x7F9] =	sst s7  }
0x30: {  	s10 =	simm.s32 $0x0;
	s11 =	sadd.s32 $0x50, s20;
	[smem:$0x7FA] =	sst s8  }
0x31: {  	s13 =	sadd.s32 $0xF0, s20;
	s9 =	sadd.s32 $0x493E0, s4;
	[smem:$0x7FB] =	sst s4  }
0x32: {  	s12 =	sadd.s32 $0xA0, s20;
	s15 =	sadd.s32 $0x190, s20;
	[smem:$0x7FC] =	sst s9  }
0x33: {  	s16 =	sadd.s32 $0x1E0, s20;
	s17 =	sadd.s32 $0x230, s20;
	s18 =	sadd.s32 $0x280, s20  }
0x34: {  	s21 =	sadd.s32 $0x2D0, s20;
	s22 =	sadd.s32 $0x320, s20;
	s23 =	sadd.s32 $0x370, s20  }
0x35: {  	s24 =	sadd.s32 $0x3C0, s20;
	s25 =	sadd.s32 $0x410, s20;
	s26 =	sadd.s32 $0x460, s20  }
0x36: {  	s4 =	simm.s32 $0x172A0;
	s19 =	simm.s32 $0x17340;
	s8 =	simm.s32 $0x17350  }
0x37: {  	s5 =	simm.s32 $0x17360;
	s6 =	simm.s32 $0x17370;
	s2 =	simm.s32 $0x18C30  }
0x38: {  	v0 =	vimm.f32 $0.0e+00;
	vm0 =	vcmask $0x3F20;
	vm1 =	vmmov $0xff;
	s3 =	simm.s32 $0x80;
	s7 =	simm.s32 $0x2;
	[smem:$0x7FD] =	sst s10  }
.LBB2_1:
0x39: {  	s9 =	rddreg [dreg:$0x1]  }
0x3a: {  	[tilespmem:s1], [sflag:$0x1] =	stream.linear.gather [hbm4b:s9+s1], $0x2710, $0x38;
	[tilespmem:$0x18CC0] =	vst v63  }
0x3b: {  	s10 =	simm.s32 $0x2710;
	s9 =	rddreg [dreg:$0x5]  }
0x3c: {  	[tilespmem:s10], [sflag:$0x1] =	stream.linear.gather [hbm4b:s9+s1], $0x1380, $0x38;
	[tilespmem:$0x18CC0] =	vst v63  }
0x3d: {  	s9 =	rddreg [dreg:$0x6];
	s10 =	simm.s32 $0x3A90  }
0x3e: {  	[tilespmem:s10], [sflag:$0x1] =	stream.linear.gather [hbm4b:s9+s1], $0x10, $0x38;
	[tilespmem:$0x18CC0] =	vst v63  }
0x3f: {  	s10 =	sld [smem:$0x7FB];
	_ =	sdelay $0x1  }
0x40: {  	s9 =	simm.s32 $0x3AA0  }
0x41: {  	[tilespmem:s9], [sflag:$0x1] =	stream.linear.gather [hbm4b:s10+s1], $0x1380, $0x38;
	[tilespmem:$0x18CC0] =	vst v63  }
0x42: {  	s10 =	rddreg [dreg:$0x7]  }
0x43: {  	[tilespmem:s4], [sflag:$0x1] =	stream.linear.gather [hbm4b:s10+s1], $0x10, $0x38;
	[tilespmem:$0x18CC0] =	vst v63  }
0x44: {  	s10 =	rddreg [dreg:$0x1a];
	s4 =	simm.s32 $0x4E20  }
0x45: {  	[tilespmem:s4], [sflag:$0x1] =	stream.linear.gather [hbm4b:s10+s1], $0x1380, $0x38;
	[tilespmem:$0x18CC0] =	vst v63  }
0x46: {  	s4 =	rddreg [dreg:$0x8];
	s10 =	simm.s32 $0x172B0  }
0x47: {  	[tilespmem:s10], [sflag:$0x1] =	stream.linear.gather [hbm4b:s4+s1], $0x10, $0x38;
	[tilespmem:$0x18CC0] =	vst v63  }
0x48: {  	s10 =	rddreg [dreg:$0x1b];
	s4 =	simm.s32 $0x61A0  }
0x49: {  	[tilespmem:s4], [sflag:$0x1] =	stream.linear.gather [hbm4b:s10+s1], $0x1380, $0x38;
	[tilespmem:$0x18CC0] =	vst v63  }
0x4a: {  	s10 =	rddreg [dreg:$0x9]  }
0x4b: {  	[tilespmem:s29], [sflag:$0x1] =	stream.linear.gather [hbm4b:s10+s1], $0x10, $0x38;
	[tilespmem:$0x18CC0] =	vst v63  }
0x4c: {  	s4 =	simm.s32 $0x7520;
	s29 =	rddreg [dreg:$0x1c]  }
0x4d: {  	[tilespmem:s4], [sflag:$0x1] =	stream.linear.gather [hbm4b:s29+s1], $0x1380, $0x38;
	[tilespmem:$0x18CC0] =	vst v63  }
0x4e: {  	s10 =	rddreg [dreg:$0xa];
	s29 =	simm.s32 $0x172D0  }
0x4f: {  	[tilespmem:s29], [sflag:$0x1] =	stream.linear.gather [hbm4b:s10+s1], $0x10, $0x38;
	[tilespmem:$0x18CC0] =	vst v63  }
0x50: {  	s10 =	rddreg [dreg:$0x1d];
	s29 =	simm.s32 $0x88A0  }
0x51: {  	[tilespmem:s29], [sflag:$0x1] =	stream.linear.gather [hbm4b:s10+s1], $0x1380, $0x38;
	[tilespmem:$0x18CC0] =	vst v63  }
0x52: {  	s10 =	rddreg [dreg:$0xb];
	s29 =	simm.s32 $0x172E0  }
0x53: {  	[tilespmem:s29], [sflag:$0x1] =	stream.linear.gather [hbm4b:s10+s1], $0x10, $0x38;
	[tilespmem:$0x18CC0] =	vst v63  }
0x54: {  	s10 =	rddreg [dreg:$0x1e];
	s29 =	simm.s32 $0x9C20  }
0x55: {  	[tilespmem:s29], [sflag:$0x1] =	stream.linear.gather [hbm4b:s10+s1], $0x1380, $0x38;
	[tilespmem:$0x18CC0] =	vst v63  }
0x56: {  	s10 =	rddreg [dreg:$0xc];
	s29 =	simm.s32 $0x172F0  }
0x57: {  	[tilespmem:s29], [sflag:$0x1] =	stream.linear.gather [hbm4b:s10+s1], $0x10, $0x38;
	[tilespmem:$0x18CC0] =	vst v63  }
0x58: {  	s10 =	rddreg [dreg:$0x1f];
	s29 =	simm.s32 $0xAFA0  }
0x59: {  	[tilespmem:s29], [sflag:$0x1] =	stream.linear.gather [hbm4b:s10+s1], $0x1380, $0x38;
	[tilespmem:$0x18CC0] =	vst v63  }
0x5a: {  	s10 =	rddreg [dreg:$0xd];
	s29 =	simm.s32 $0x17300  }
0x5b: {  	[tilespmem:s29], [sflag:$0x1] =	stream.linear.gather [hbm4b:s10+s1], $0x10, $0x38;
	[tilespmem:$0x18CC0] =	vst v63  }
0x5c: {  	s10 =	sld [smem:$0x7F3];
	_ =	sdelay $0x1  }
0x5d: {  	s29 =	simm.s32 $0xC320  }
0x5e: {  	[tilespmem:s29], [sflag:$0x1] =	stream.linear.gather [hbm4b:s10+s1], $0x1380, $0x38;
	[tilespmem:$0x18CC0] =	vst v63  }
0x5f: {  	s10 =	rddreg [dreg:$0xe];
	s29 =	simm.s32 $0x17310  }
0x60: {  	[tilespmem:s29], [sflag:$0x1] =	stream.linear.gather [hbm4b:s10+s1], $0x10, $0x38;
	[tilespmem:$0x18CC0] =	vst v63  }
0x61: {  	s10 =	sld [smem:$0x7F4];
	_ =	sdelay $0x1  }
0x62: {  	s29 =	simm.s32 $0xD6A0  }
0x63: {  	[tilespmem:s29], [sflag:$0x1] =	stream.linear.gather [hbm4b:s10+s1], $0x1380, $0x38;
	[tilespmem:$0x18CC0] =	vst v63  }
0x64: {  	s10 =	rddreg [dreg:$0xf];
	s29 =	simm.s32 $0x17320  }
0x65: {  	[tilespmem:s29], [sflag:$0x1] =	stream.linear.gather [hbm4b:s10+s1], $0x10, $0x38;
	[tilespmem:$0x18CC0] =	vst v63  }
0x66: {  	s10 =	sld [smem:$0x7F5];
	_ =	sdelay $0x1  }
0x67: {  	s29 =	simm.s32 $0xEA20  }
0x68: {  	[tilespmem:s29], [sflag:$0x1] =	stream.linear.gather [hbm4b:s10+s1], $0x1380, $0x38;
	[tilespmem:$0x18CC0] =	vst v63  }
0x69: {  	s10 =	rddreg [dreg:$0x10];
	s29 =	simm.s32 $0x17330  }
0x6a: {  	[tilespmem:s29], [sflag:$0x1] =	stream.linear.gather [hbm4b:s10+s1], $0x10, $0x38;
	[tilespmem:$0x18CC0] =	vst v63  }
0x6b: {  	s10 =	sld [smem:$0x7F6];
	_ =	sdelay $0x1  }
0x6c: {  	s4 =	rddreg [dreg:$0x11];
	s29 =	simm.s32 $0xFDA0  }
0x6d: {  	[tilespmem:s29], [sflag:$0x1] =	stream.linear.gather [hbm4b:s10+s1], $0x1380, $0x38;
	[tilespmem:$0x18CC0] =	vst v63  }
0x6e: {  	s10 =	sld [smem:$0x7F7]  }
0x6f: {  	[tilespmem:s19], [sflag:$0x1] =	stream.linear.gather [hbm4b:s4+s1], $0x10, $0x38;
	[tilespmem:$0x18CC0] =	vst v63  }
0x70: {  	s29 =	rddreg [dreg:$0x12];
	s19 =	simm.s32 $0x11120  }
0x71: {  	[tilespmem:s19], [sflag:$0x1] =	stream.linear.gather [hbm4b:s10+s1], $0x1380, $0x38;
	[tilespmem:$0x18CC0] =	vst v63  }
0x72: {  	s4 =	sld [smem:$0x7F8]  }
0x73: {  	[tilespmem:s8], [sflag:$0x1] =	stream.linear.gather [hbm4b:s29+s1], $0x10, $0x38;
	[tilespmem:$0x18CC0] =	vst v63  }
0x74: {  	s10 =	rddreg [dreg:$0x13];
	s8 =	simm.s32 $0x124A0  }
0x75: {  	[tilespmem:s8], [sflag:$0x1] =	stream.linear.gather [hbm4b:s4+s1], $0x1380, $0x38;
	[tilespmem:$0x18CC0] =	vst v63  }
0x76: {  	s19 =	sld [smem:$0x7F9]  }
0x77: {  	[tilespmem:s5], [sflag:$0x1] =	stream.linear.gather [hbm4b:s10+s1], $0x10, $0x38;
	[tilespmem:$0x18CC0] =	vst v63  }
0x78: {  	s29 =	simm.s32 $0x13820  }
0x79: {  	[tilespmem:s29], [sflag:$0x1] =	stream.linear.gather [hbm4b:s19+s1], $0x1380, $0x38;
	[tilespmem:$0x18CC0] =	vst v63  }
0x7a: {  	s5 =	rddreg [dreg:$0x14]  }
0x7b: {  	[tilespmem:s6], [sflag:$0x1] =	stream.linear.gather [hbm4b:s5+s1], $0x10, $0x38;
	[tilespmem:$0x18CC0] =	vst v63  }
0x7c: {  	s6 =	sld [smem:$0x7FA];
	_ =	sdelay $0x1  }
0x7d: {  	s8 =	simm.s32 $0x14BA0;
	s10 =	rddreg [dreg:$0x15]  }
0x7e: {  	[tilespmem:s8], [sflag:$0x1] =	stream.linear.gather [hbm4b:s6+s1], $0x1380, $0x38;
	[tilespmem:$0x18CC0] =	vst v63  }
0x7f: {  	s19 =	sld [smem:$0x7FC]  }
0x80: {  	[tilespmem:s30], [sflag:$0x1] =	stream.linear.gather [hbm4b:s10+s1], $0x10, $0x38;
	[tilespmem:$0x18CC0] =	vst v63  }
.Ltmp0:
0x81: {  	_ = 	snop;
	(pc) =	sbr.rel @p0 .LBB2_3-.Ltmp0, $4  }
0x82: {  	s29 =	simm.s32 $0x15F20  }
0x83: {  	[tilespmem:s29], [sflag:$0x1] =	stream.linear.gather [hbm4b:s19+s1], $0x1380, $0x38;
	[tilespmem:$0x18CC0] =	vst v63  }
0x84: {  	s30 =	rddreg [dreg:$0x16]  }
0x85: {  	[tilespmem:s31], [sflag:$0x1] =	stream.linear.gather [hbm4b:s30+s1], $0x10, $0x38;
	[tilespmem:$0x18CC0] =	vst v63  }
0x86: {  	[tilespmem:$0x18730] =	vst v0  }
0x87: {  	[tilespmem:$0x18740] =	vst v0  }
0x88: {  	[tilespmem:$0x18750] =	vst v0  }
0x89: {  	[tilespmem:$0x18760] =	vst v0  }
0x8a: {  	[tilespmem:$0x18770] =	vst v0  }
0x8b: {  	[tilespmem:$0x18780] =	vst v0  }
0x8c: {  	[tilespmem:$0x18790] =	vst v0  }
0x8d: {  	[tilespmem:$0x187A0] =	vst v0  }
0x8e: {  	[tilespmem:$0x187B0] =	vst v0  }
0x8f: {  	[tilespmem:$0x187C0] =	vst v0  }
0x90: {  	[tilespmem:$0x187D0] =	vst v0  }
0x91: {  	[tilespmem:$0x187E0] =	vst v0  }
0x92: {  	[tilespmem:$0x187F0] =	vst v0  }
0x93: {  	[tilespmem:$0x18800] =	vst v0  }
0x94: {  	[tilespmem:$0x18810] =	vst v0  }
0x95: {  	[tilespmem:$0x18820] =	vst v0  }
0x96: {  	[tilespmem:$0x18830] =	vst v0  }
0x97: {  	[tilespmem:$0x18840] =	vst v0  }
0x98: {  	[tilespmem:$0x18850] =	vst v0  }
0x99: {  	[tilespmem:$0x18860] =	vst v0  }
0x9a: {  	[tilespmem:$0x18870] =	vst v0  }
0x9b: {  	[tilespmem:$0x18880] =	vst v0  }
0x9c: {  	[tilespmem:$0x18890] =	vst v0  }
0x9d: {  	[tilespmem:$0x188A0] =	vst v0  }
0x9e: {  	[tilespmem:$0x188B0] =	vst v0  }
0x9f: {  	[tilespmem:$0x188C0] =	vst v0  }
0xa0: {  	[tilespmem:$0x188D0] =	vst v0  }
0xa1: {  	[tilespmem:$0x188E0] =	vst v0  }
0xa2: {  	[tilespmem:$0x188F0] =	vst v0  }
0xa3: {  	[tilespmem:$0x18900] =	vst v0  }
0xa4: {  	[tilespmem:$0x18910] =	vst v0  }
0xa5: {  	[tilespmem:$0x18920] =	vst v0  }
0xa6: {  	[tilespmem:$0x18930] =	vst v0  }
0xa7: {  	[tilespmem:$0x18940] =	vst v0  }
0xa8: {  	[tilespmem:$0x18950] =	vst v0  }
0xa9: {  	[tilespmem:$0x18960] =	vst v0  }
0xaa: {  	[tilespmem:$0x18970] =	vst v0  }
0xab: {  	[tilespmem:$0x18980] =	vst v0  }
0xac: {  	[tilespmem:$0x18990] =	vst v0  }
0xad: {  	[tilespmem:$0x189A0] =	vst v0  }
0xae: {  	[tilespmem:$0x189B0] =	vst v0  }
0xaf: {  	[tilespmem:$0x189C0] =	vst v0  }
0xb0: {  	[tilespmem:$0x189D0] =	vst v0  }
0xb1: {  	[tilespmem:$0x189E0] =	vst v0  }
0xb2: {  	[tilespmem:$0x189F0] =	vst v0  }
0xb3: {  	[tilespmem:$0x18A00] =	vst v0  }
0xb4: {  	[tilespmem:$0x18A10] =	vst v0  }
0xb5: {  	[tilespmem:$0x18A20] =	vst v0  }
0xb6: {  	[tilespmem:$0x18A30] =	vst v0  }
0xb7: {  	[tilespmem:$0x18A40] =	vst v0  }
0xb8: {  	[tilespmem:$0x18A50] =	vst v0  }
0xb9: {  	[tilespmem:$0x18A60] =	vst v0  }
0xba: {  	[tilespmem:$0x18A70] =	vst v0  }
0xbb: {  	[tilespmem:$0x18A80] =	vst v0  }
0xbc: {  	[tilespmem:$0x18A90] =	vst v0  }
0xbd: {  	[tilespmem:$0x18AA0] =	vst v0  }
0xbe: {  	[tilespmem:$0x18AB0] =	vst v0  }
0xbf: {  	[tilespmem:$0x18AC0] =	vst v0  }
0xc0: {  	[tilespmem:$0x18AD0] =	vst v0  }
0xc1: {  	[tilespmem:$0x18AE0] =	vst v0  }
0xc2: {  	[tilespmem:$0x18AF0] =	vst v0  }
0xc3: {  	[tilespmem:$0x18B00] =	vst v0  }
0xc4: {  	[tilespmem:$0x18B10] =	vst v0  }
0xc5: {  	[tilespmem:$0x18B20] =	vst v0  }
0xc6: {  	[tilespmem:$0x18B30] =	vst v0  }
0xc7: {  	[tilespmem:$0x18B40] =	vst v0  }
0xc8: {  	[tilespmem:$0x18B50] =	vst v0  }
0xc9: {  	[tilespmem:$0x18B60] =	vst v0  }
0xca: {  	[tilespmem:$0x18B70] =	vst v0  }
0xcb: {  	[tilespmem:$0x18B80] =	vst v0  }
0xcc: {  	[tilespmem:$0x18B90] =	vst v0  }
0xcd: {  	[tilespmem:$0x18BA0] =	vst v0  }
0xce: {  	[tilespmem:$0x18BB0] =	vst v0  }
0xcf: {  	[tilespmem:$0x18BC0] =	vst v0  }
0xd0: {  	[tilespmem:$0x18BD0] =	vst v0  }
0xd1: {  	[tilespmem:$0x18BE0] =	vst v0  }
0xd2: {  	[tilespmem:$0x18BF0] =	vst v0  }
0xd3: {  	[tilespmem:$0x18C00] =	vst v0  }
0xd4: {  	[tilespmem:$0x18C10] =	vst v0  }
0xd5: {  	[tilespmem:$0x18C20] =	vst v0;
	s4 =	simm.s32 $0x18730;
	s31 =	simm.s32 $0x3  }
0xd6: {  	[spmem:s20] =	stream.linear.scatter [tilespmem:s4], [sflag:$0x3], $0x500, $0x38;
	[tilespmem:$0x18CC0] =	vst v63  }
0xd7: {  	_ =	swait.ge [sflag:s31], $0x500  }
0xd8: {  	[sflag:s31] =	ssyncset.done $0x0  }
0xd9: {  	[sflag:s31] =	ssyncadd.s32 $0xFFFFFB00  }
.LBB2_3:
0xda: {  	[tilespmem:$0x18C30] =	vst v0  }
0xdb: {  	[tilespmem:$0x18C40] =	vst v0  }
0xdc: {  	[tilespmem:$0x18C50] =	vst v0  }
0xdd: {  	[tilespmem:$0x18C60] =	vst v0  }
0xde: {  	_ =	swait.ge [sflag:s0], $0x2710  }
0xdf: {  	[sflag:s0] =	ssyncset.done $0x0  }
0xe0: {  	[sflag:s0] =	ssyncadd.s32 $0xFFFFD8F0  }
0xe1: {  	_ =	swait.ge [sflag:s0], $0x1380  }
0xe2: {  	[sflag:s0] =	ssyncset.done $0x0  }
0xe3: {  	[sflag:s0] =	ssyncadd.s32 $0xFFFFEC80  }
0xe4: {  	_ =	swait.ge [sflag:s0], $0x10  }
0xe5: {  	[sflag:s0] =	ssyncset.done $0x0  }
0xe6: {  	[sflag:s0] =	ssyncadd.s32 $0xFFFFFFF0  }
0xe7: {  	_ =	swait.ge [sflag:s0], $0x1380  }
0xe8: {  	[sflag:s0] =	ssyncset.done $0x0  }
0xe9: {  	[sflag:s0] =	ssyncadd.s32 $0xFFFFEC80  }
0xea: {  	_ =	swait.ge [sflag:s0], $0x10  }
0xeb: {  	[sflag:s0] =	ssyncset.done $0x0  }
0xec: {  	[sflag:s0] =	ssyncadd.s32 $0xFFFFFFF0  }
0xed: {  	_ =	swait.ge [sflag:s0], $0x1380  }
0xee: {  	[sflag:s0] =	ssyncset.done $0x0  }
0xef: {  	[sflag:s0] =	ssyncadd.s32 $0xFFFFEC80  }
0xf0: {  	_ =	swait.ge [sflag:s0], $0x10  }
0xf1: {  	[sflag:s0] =	ssyncset.done $0x0  }
0xf2: {  	[sflag:s0] =	ssyncadd.s32 $0xFFFFFFF0  }
0xf3: {  	_ =	swait.ge [sflag:s0], $0x1380  }
0xf4: {  	[sflag:s0] =	ssyncset.done $0x0  }
0xf5: {  	[sflag:s0] =	ssyncadd.s32 $0xFFFFEC80  }
0xf6: {  	_ =	swait.ge [sflag:s0], $0x10  }
0xf7: {  	[sflag:s0] =	ssyncset.done $0x0  }
0xf8: {  	[sflag:s0] =	ssyncadd.s32 $0xFFFFFFF0  }
0xf9: {  	_ =	swait.ge [sflag:s0], $0x1380  }
0xfa: {  	[sflag:s0] =	ssyncset.done $0x0  }
0xfb: {  	[sflag:s0] =	ssyncadd.s32 $0xFFFFEC80  }
0xfc: {  	_ =	swait.ge [sflag:s0], $0x10  }
0xfd: {  	[sflag:s0] =	ssyncset.done $0x0  }
0xfe: {  	[sflag:s0] =	ssyncadd.s32 $0xFFFFFFF0  }
0xff: {  	_ =	swait.ge [sflag:s0], $0x1380  }
0x100: {  	[sflag:s0] =	ssyncset.done $0x0  }
0x101: {  	[sflag:s0] =	ssyncadd.s32 $0xFFFFEC80  }
0x102: {  	_ =	swait.ge [sflag:s0], $0x10  }
0x103: {  	[sflag:s0] =	ssyncset.done $0x0  }
0x104: {  	[sflag:s0] =	ssyncadd.s32 $0xFFFFFFF0  }
0x105: {  	_ =	swait.ge [sflag:s0], $0x1380  }
0x106: {  	[sflag:s0] =	ssyncset.done $0x0  }
0x107: {  	[sflag:s0] =	ssyncadd.s32 $0xFFFFEC80  }
0x108: {  	_ =	swait.ge [sflag:s0], $0x10  }
0x109: {  	[sflag:s0] =	ssyncset.done $0x0  }
0x10a: {  	[sflag:s0] =	ssyncadd.s32 $0xFFFFFFF0  }
0x10b: {  	_ =	swait.ge [sflag:s0], $0x1380  }
0x10c: {  	[sflag:s0] =	ssyncset.done $0x0  }
0x10d: {  	[sflag:s0] =	ssyncadd.s32 $0xFFFFEC80  }
0x10e: {  	_ =	swait.ge [sflag:s0], $0x10  }
0x10f: {  	[sflag:s0] =	ssyncset.done $0x0  }
0x110: {  	[sflag:s0] =	ssyncadd.s32 $0xFFFFFFF0  }
0x111: {  	_ =	swait.ge [sflag:s0], $0x1380  }
0x112: {  	[sflag:s0] =	ssyncset.done $0x0  }
0x113: {  	[sflag:s0] =	ssyncadd.s32 $0xFFFFEC80  }
0x114: {  	_ =	swait.ge [sflag:s0], $0x10  }
0x115: {  	[sflag:s0] =	ssyncset.done $0x0  }
0x116: {  	[sflag:s0] =	ssyncadd.s32 $0xFFFFFFF0  }
0x117: {  	_ =	swait.ge [sflag:s0], $0x1380  }
0x118: {  	[sflag:s0] =	ssyncset.done $0x0  }
0x119: {  	[sflag:s0] =	ssyncadd.s32 $0xFFFFEC80  }
0x11a: {  	_ =	swait.ge [sflag:s0], $0x10  }
0x11b: {  	[sflag:s0] =	ssyncset.done $0x0  }
0x11c: {  	[sflag:s0] =	ssyncadd.s32 $0xFFFFFFF0  }
0x11d: {  	_ =	swait.ge [sflag:s0], $0x1380  }
0x11e: {  	[sflag:s0] =	ssyncset.done $0x0  }
0x11f: {  	[sflag:s0] =	ssyncadd.s32 $0xFFFFEC80  }
0x120: {  	_ =	swait.ge [sflag:s0], $0x10  }
0x121: {  	[sflag:s0] =	ssyncset.done $0x0  }
0x122: {  	[sflag:s0] =	ssyncadd.s32 $0xFFFFFFF0  }
0x123: {  	_ =	swait.ge [sflag:s0], $0x1380  }
0x124: {  	[sflag:s0] =	ssyncset.done $0x0  }
0x125: {  	[sflag:s0] =	ssyncadd.s32 $0xFFFFEC80  }
0x126: {  	_ =	swait.ge [sflag:s0], $0x10  }
0x127: {  	[sflag:s0] =	ssyncset.done $0x0  }
0x128: {  	[sflag:s0] =	ssyncadd.s32 $0xFFFFFFF0  }
0x129: {  	_ =	swait.ge [sflag:s0], $0x1380  }
0x12a: {  	[sflag:s0] =	ssyncset.done $0x0  }
0x12b: {  	[sflag:s0] =	ssyncadd.s32 $0xFFFFEC80  }
0x12c: {  	_ =	swait.ge [sflag:s0], $0x10  }
0x12d: {  	[sflag:s0] =	ssyncset.done $0x0  }
0x12e: {  	[sflag:s0] =	ssyncadd.s32 $0xFFFFFFF0  }
0x12f: {  	_ =	swait.ge [sflag:s0], $0x1380  }
0x130: {  	[sflag:s0] =	ssyncset.done $0x0  }
0x131: {  	[sflag:s0] =	ssyncadd.s32 $0xFFFFEC80  }
0x132: {  	_ =	swait.ge [sflag:s0], $0x10  }
0x133: {  	[sflag:s0] =	ssyncset.done $0x0  }
0x134: {  	[sflag:s0] =	ssyncadd.s32 $0xFFFFFFF0  }
0x135: {  	_ =	swait.ge [sflag:s0], $0x1380  }
0x136: {  	[sflag:s0] =	ssyncset.done $0x0  }
0x137: {  	[sflag:s0] =	ssyncadd.s32 $0xFFFFEC80  }
0x138: {  	_ =	swait.ge [sflag:s0], $0x10  }
0x139: {  	[sflag:s0] =	ssyncset.done $0x0  }
0x13a: {  	[sflag:s0] =	ssyncadd.s32 $0xFFFFFFF0  }
0x13b: {  	_ =	swait.ge [sflag:s0], $0x1380  }
0x13c: {  	[sflag:s0] =	ssyncset.done $0x0  }
0x13d: {  	[sflag:s0] =	ssyncadd.s32 $0xFFFFEC80  }
0x13e: {  	_ =	swait.ge [sflag:s0], $0x10  }
0x13f: {  	[sflag:s0] =	ssyncset.done $0x0  }
0x140: {  	[sflag:s0] =	ssyncadd.s32 $0xFFFFFFF0  }
0x141: {  	_ =	swait.ge [sflag:s0], $0x1380  }
0x142: {  	[sflag:s0] =	ssyncset.done $0x0  }
0x143: {  	[sflag:s0] =	ssyncadd.s32 $0xFFFFEC80  }
0x144: {  	_ =	swait.ge [sflag:s0], $0x10  }
0x145: {  	[sflag:s0] =	ssyncset.done $0x0  }
0x146: {  	[sflag:s0] =	ssyncadd.s32 $0xFFFFFFF0  }
0x147: {  	s9 =	simm.s32 $0x0;
	s10 =	simm.s32 $0x0;
	[bflag:$0x0] =	sbarrier.arrive $0xFFFF  }
.LBB2_4:
0x148: {  	p1 =	slt.u32 s10, $0x2  }
0x149: {  	s29 =	simm.s32 @!p1 $0x2  }
0x14a: {  	_ =	swait.ge @!p1 [sflag:s29], $0x50  }
0x14b: {  	[sflag:s29] =	ssyncset.done @!p1 $0x0  }
0x14c: {  	[sflag:s29] =	ssyncadd.s32 @!p1 $0xFFFFFFB0  }
0x14d: {  	_ =	swait.ge @!p1 [sflag:s29], $0x50  }
0x14e: {  	[sflag:s29] =	ssyncset.done @!p1 $0x0  }
0x14f: {  	[sflag:s29] =	ssyncadd.s32 @!p1 $0xFFFFFFB0  }
0x150: {  	_ =	swait.ge @!p1 [sflag:s29], $0x50  }
0x151: {  	[sflag:s29] =	ssyncset.done @!p1 $0x0  }
0x152: {  	[sflag:s29] =	ssyncadd.s32 @!p1 $0xFFFFFFB0  }
0x153: {  	_ =	swait.ge @!p1 [sflag:s29], $0x50  }
0x154: {  	[sflag:s29] =	ssyncset.done @!p1 $0x0  }
0x155: {  	[sflag:s29] =	ssyncadd.s32 @!p1 $0xFFFFFFB0  }
0x156: {  	_ =	swait.ge @!p1 [sflag:s29], $0x50  }
0x157: {  	[sflag:s29] =	ssyncset.done @!p1 $0x0  }
0x158: {  	[sflag:s29] =	ssyncadd.s32 @!p1 $0xFFFFFFB0  }
0x159: {  	_ =	swait.ge @!p1 [sflag:s29], $0x50  }
0x15a: {  	[sflag:s29] =	ssyncset.done @!p1 $0x0  }
0x15b: {  	[sflag:s29] =	ssyncadd.s32 @!p1 $0xFFFFFFB0  }
0x15c: {  	_ =	swait.ge @!p1 [sflag:s29], $0x50  }
0x15d: {  	[sflag:s29] =	ssyncset.done @!p1 $0x0  }
0x15e: {  	[sflag:s29] =	ssyncadd.s32 @!p1 $0xFFFFFFB0  }
0x15f: {  	_ =	swait.ge @!p1 [sflag:s29], $0x50  }
0x160: {  	[sflag:s29] =	ssyncset.done @!p1 $0x0  }
0x161: {  	[sflag:s29] =	ssyncadd.s32 @!p1 $0xFFFFFFB0  }
0x162: {  	_ =	swait.ge @!p1 [sflag:s29], $0x50  }
0x163: {  	[sflag:s29] =	ssyncset.done @!p1 $0x0  }
0x164: {  	[sflag:s29] =	ssyncadd.s32 @!p1 $0xFFFFFFB0  }
0x165: {  	_ =	swait.ge @!p1 [sflag:s29], $0x50  }
0x166: {  	[sflag:s29] =	ssyncset.done @!p1 $0x0  }
0x167: {  	[sflag:s29] =	ssyncadd.s32 @!p1 $0xFFFFFFB0  }
0x168: {  	_ =	swait.ge @!p1 [sflag:s29], $0x50  }
0x169: {  	[sflag:s29] =	ssyncset.done @!p1 $0x0  }
0x16a: {  	[sflag:s29] =	ssyncadd.s32 @!p1 $0xFFFFFFB0  }
0x16b: {  	_ =	swait.ge @!p1 [sflag:s29], $0x50  }
0x16c: {  	[sflag:s29] =	ssyncset.done @!p1 $0x0  }
0x16d: {  	[sflag:s29] =	ssyncadd.s32 @!p1 $0xFFFFFFB0  }
0x16e: {  	_ =	swait.ge @!p1 [sflag:s29], $0x50  }
0x16f: {  	[sflag:s29] =	ssyncset.done @!p1 $0x0  }
0x170: {  	[sflag:s29] =	ssyncadd.s32 @!p1 $0xFFFFFFB0  }
0x171: {  	_ =	swait.ge @!p1 [sflag:s29], $0x50  }
0x172: {  	[sflag:s29] =	ssyncset.done @!p1 $0x0  }
0x173: {  	[sflag:s29] =	ssyncadd.s32 @!p1 $0xFFFFFFB0  }
0x174: {  	_ =	swait.ge @!p1 [sflag:s29], $0x50  }
0x175: {  	[sflag:s29] =	ssyncset.done @!p1 $0x0  }
0x176: {  	[sflag:s29] =	ssyncadd.s32 @!p1 $0xFFFFFFB0  }
0x177: {  	_ =	swait.ge @!p1 [sflag:s29], $0x50  }
0x178: {  	[sflag:s29] =	ssyncset.done @!p1 $0x0  }
0x179: {  	[sflag:s29] =	ssyncadd.s32 @!p1 $0xFFFFFFB0;
	s29 =	sshra.s32 s9, $0x2  }
0x17a: {  	v1 =	vld [tilespmem:s29+$0x2710];
	_ =	sdelay $0x7  }
0x17b: {  	v1 =	vld.idx.msk [tilespmem:v1+s1+$0x0], $0xffff;
	_ =	sdelay $0x4  }
0x17c: {  	(xrf1) =	vunique.msk.u32 $0xffff, v1;
	_ =	sdelay $0xd  }
0x17d: {  	_, v2, vm2 =	vpop (xrf1);
	_ =	sdelay $0x3  }
0x17e: {  	v2 =	vcvt.s32.f32 v2  }
0x17f: {  	[tilespmem:s29+$0x173A0] =	vst v1  }
0x180: {  	[tilespmem:v1+s2+$0x0] =	vst.idx.add.f32.msk vm2, v2  }
0x181: {  	v1 =	vld [tilespmem:s29+$0x2720];
	_ =	sdelay $0x7  }
0x182: {  	v1 =	vld.idx.msk [tilespmem:v1+s1+$0x0], $0xffff;
	_ =	sdelay $0x4  }
0x183: {  	(xrf1) =	vunique.msk.u32 $0xffff, v1;
	_ =	sdelay $0xd  }
0x184: {  	_, v2, vm2 =	vpop (xrf1);
	_ =	sdelay $0x3  }
0x185: {  	v2 =	vcvt.s32.f32 v2  }
0x186: {  	[tilespmem:s29+$0x173B0] =	vst v1  }
0x187: {  	[tilespmem:v1+s2+$0x0] =	vst.idx.add.f32.msk vm2, v2  }
0x188: {  	v1 =	vld [tilespmem:s29+$0x2730];
	_ =	sdelay $0x7  }
0x189: {  	v1 =	vld.idx.msk [tilespmem:v1+s1+$0x0], $0xffff;
	_ =	sdelay $0x4  }
0x18a: {  	(xrf1) =	vunique.msk.u32 $0xffff, v1;
	_ =	sdelay $0xd  }
0x18b: {  	_, v2, vm2 =	vpop (xrf1);
	_ =	sdelay $0x3  }
0x18c: {  	v2 =	vcvt.s32.f32 v2  }
0x18d: {  	[tilespmem:s29+$0x173C0] =	vst v1  }
0x18e: {  	[tilespmem:v1+s2+$0x0] =	vst.idx.add.f32.msk vm2, v2  }
0x18f: {  	v1 =	vld [tilespmem:s29+$0x2740];
	_ =	sdelay $0x7  }
0x190: {  	v1 =	vld.idx.msk [tilespmem:v1+s1+$0x0], $0xffff;
	_ =	sdelay $0x4  }
0x191: {  	(xrf1) =	vunique.msk.u32 $0xffff, v1;
	_ =	sdelay $0xd  }
0x192: {  	_, v2, vm2 =	vpop (xrf1);
	_ =	sdelay $0x3  }
0x193: {  	v2 =	vcvt.s32.f32 v2  }
0x194: {  	[tilespmem:s29+$0x173D0] =	vst v1  }
0x195: {  	[tilespmem:v1+s2+$0x0] =	vst.idx.add.f32.msk vm2, v2  }
0x196: {  	v1 =	vld [tilespmem:s29+$0x2750];
	_ =	sdelay $0x7  }
0x197: {  	v1 =	vld.idx.msk [tilespmem:v1+s1+$0x0], $0xffff;
	_ =	sdelay $0x4  }
0x198: {  	(xrf1) =	vunique.msk.u32 $0xffff, v1;
	_ =	sdelay $0xd  }
0x199: {  	_, v2, vm2 =	vpop (xrf1);
	_ =	sdelay $0x3  }
0x19a: {  	v2 =	vcvt.s32.f32 v2  }
0x19b: {  	[tilespmem:s29+$0x173E0] =	vst v1  }
0x19c: {  	[tilespmem:v1+s2+$0x0] =	vst.idx.add.f32.msk vm2, v2  }
0x19d: {  	v1 =	vld [tilespmem:s29+$0x2760];
	_ =	sdelay $0x7  }
0x19e: {  	v1 =	vld.idx.msk [tilespmem:v1+s1+$0x0], $0xffff;
	_ =	sdelay $0x4  }
0x19f: {  	(xrf1) =	vunique.msk.u32 $0xffff, v1;
	_ =	sdelay $0xd  }
0x1a0: {  	_, v2, vm2 =	vpop (xrf1);
	_ =	sdelay $0x3  }
0x1a1: {  	v2 =	vcvt.s32.f32 v2  }
0x1a2: {  	[tilespmem:s29+$0x173F0] =	vst v1  }
0x1a3: {  	[tilespmem:v1+s2+$0x0] =	vst.idx.add.f32.msk vm2, v2  }
0x1a4: {  	v1 =	vld [tilespmem:s29+$0x2770];
	_ =	sdelay $0x7  }
0x1a5: {  	v1 =	vld.idx.msk [tilespmem:v1+s1+$0x0], $0xffff;
	_ =	sdelay $0x4  }
0x1a6: {  	(xrf1) =	vunique.msk.u32 $0xffff, v1;
	_ =	sdelay $0xd  }
0x1a7: {  	_, v2, vm2 =	vpop (xrf1);
	_ =	sdelay $0x3  }
0x1a8: {  	v2 =	vcvt.s32.f32 v2  }
0x1a9: {  	[tilespmem:s29+$0x17400] =	vst v1  }
0x1aa: {  	[tilespmem:v1+s2+$0x0] =	vst.idx.add.f32.msk vm2, v2  }
0x1ab: {  	v1 =	vld [tilespmem:s29+$0x2780];
	_ =	sdelay $0x7  }
0x1ac: {  	v1 =	vld.idx.msk [tilespmem:v1+s1+$0x0], $0xffff;
	_ =	sdelay $0x4  }
0x1ad: {  	(xrf1) =	vunique.msk.u32 $0xffff, v1;
	_ =	sdelay $0xd  }
0x1ae: {  	_, v2, vm2 =	vpop (xrf1);
	_ =	sdelay $0x3  }
0x1af: {  	v2 =	vcvt.s32.f32 v2  }
0x1b0: {  	[tilespmem:s29+$0x17410] =	vst v1  }
0x1b1: {  	s30 =	sadd.s32 $0x173A0, s29;
	s31 =	sadd.s32 $0x3AA0, s29;
	[tilespmem:v1+s2+$0x0] =	vst.idx.add.f32.msk vm2, v2  }
0x1b2: {  	[spmem:s20] =	stream.indirect.scatter.add.f32 [tilespmem:s31], [sflag:$0x2], $0x1, s30, s3, $0xb8;
	[tilespmem:$0x18CC0] =	vst v63  }
0x1b3: {  	s5 =	sadd.s32 $0x4E20, s29  }
0x1b4: {  	[spmem:s11] =	stream.indirect.scatter.add.f32 [tilespmem:s5], [sflag:$0x2], $0x1, s30, s3, $0xb8;
	[tilespmem:$0x18CC0] =	vst v63  }
0x1b5: {  	s6 =	sadd.s32 $0x61A0, s29  }
0x1b6: {  	[spmem:s12] =	stream.indirect.scatter.add.f32 [tilespmem:s6], [sflag:$0x2], $0x1, s30, s3, $0xb8;
	[tilespmem:$0x18CC0] =	vst v63  }
0x1b7: {  	s8 =	sadd.s32 $0x7520, s29  }
0x1b8: {  	[spmem:s13] =	stream.indirect.scatter.add.f32 [tilespmem:s8], [sflag:$0x2], $0x1, s30, s3, $0xb8;
	[tilespmem:$0x18CC0] =	vst v63  }
0x1b9: {  	s19 =	sadd.s32 $0x88A0, s29  }
0x1ba: {  	[spmem:s14] =	stream.indirect.scatter.add.f32 [tilespmem:s19], [sflag:$0x2], $0x1, s30, s3, $0xb8;
	[tilespmem:$0x18CC0] =	vst v63  }
0x1bb: {  	s4 =	sadd.s32 $0x9C20, s29  }
0x1bc: {  	[spmem:s15] =	stream.indirect.scatter.add.f32 [tilespmem:s4], [sflag:$0x2], $0x1, s30, s3, $0xb8;
	[tilespmem:$0x18CC0] =	vst v63  }
0x1bd: {  	s5 =	sadd.s32 $0xAFA0, s29  }
0x1be: {  	[spmem:s16] =	stream.indirect.scatter.add.f32 [tilespmem:s5], [sflag:$0x2], $0x1, s30, s3, $0xb8;
	[tilespmem:$0x18CC0] =	vst v63  }
0x1bf: {  	s6 =	sadd.s32 $0xC320, s29  }
0x1c0: {  	[spmem:s17] =	stream.indirect.scatter.add.f32 [tilespmem:s6], [sflag:$0x2], $0x1, s30, s3, $0xb8;
	[tilespmem:$0x18CC0] =	vst v63  }
0x1c1: {  	s8 =	sadd.s32 $0xD6A0, s29  }
0x1c2: {  	[spmem:s18] =	stream.indirect.scatter.add.f32 [tilespmem:s8], [sflag:$0x2], $0x1, s30, s3, $0xb8;
	[tilespmem:$0x18CC0] =	vst v63  }
0x1c3: {  	s19 =	sadd.s32 $0xEA20, s29  }
0x1c4: {  	[spmem:s21] =	stream.indirect.scatter.add.f32 [tilespmem:s19], [sflag:$0x2], $0x1, s30, s3, $0xb8;
	[tilespmem:$0x18CC0] =	vst v63  }
0x1c5: {  	s4 =	sadd.s32 $0xFDA0, s29  }
0x1c6: {  	[spmem:s22] =	stream.indirect.scatter.add.f32 [tilespmem:s4], [sflag:$0x2], $0x1, s30, s3, $0xb8;
	[tilespmem:$0x18CC0] =	vst v63  }
0x1c7: {  	s5 =	sadd.s32 $0x11120, s29  }
0x1c8: {  	[spmem:s23] =	stream.indirect.scatter.add.f32 [tilespmem:s5], [sflag:$0x2], $0x1, s30, s3, $0xb8;
	[tilespmem:$0x18CC0] =	vst v63  }
0x1c9: {  	s9 =	sadd.s32 $0x200, s9;
	s6 =	sadd.s32 $0x124A0, s29  }
0x1ca: {  	[spmem:s24] =	stream.indirect.scatter.add.f32 [tilespmem:s6], [sflag:$0x2], $0x1, s30, s3, $0xb8;
	[tilespmem:$0x18CC0] =	vst v63  }
0x1cb: {  	p1 =	sne.s32 s9, $0x4E00;
	s8 =	sadd.s32 $0x13820, s29  }
0x1cc: {  	[spmem:s25] =	stream.indirect.scatter.add.f32 [tilespmem:s8], [sflag:$0x2], $0x1, s30, s3, $0xb8;
	[tilespmem:$0x18CC0] =	vst v63  }
.Ltmp1:
0x1cd: {  	_ = 	snop;
	(pc) =	sbr.rel @p1 .LBB2_4-.Ltmp1, $4  }
0x1ce: {  	s19 =	sadd.s32 $0x14BA0, s29  }
0x1cf: {  	[spmem:s26] =	stream.indirect.scatter.add.f32 [tilespmem:s19], [sflag:$0x2], $0x1, s30, s3, $0xb8;
	[tilespmem:$0x18CC0] =	vst v63  }
0x1d0: {  	s10 =	sadd.s32 $0x1, s10;
	s29 =	sadd.s32 $0x15F20, s29  }
0x1d1: {  	[spmem:s28] =	stream.indirect.scatter.add.f32 [tilespmem:s29], [sflag:$0x2], $0x1, s30, s3, $0xb8;
	[tilespmem:$0x18CC0] =	vst v63  }
0x1d2: {  	v1 =	vld [tilespmem:$0x3A90];
	_ =	sdelay $0x7  }
0x1d3: {  	v1 =	vld.idx.msk [tilespmem:v1+s1+$0x0], $0xffff;
	_ =	sdelay $0x4  }
0x1d4: {  	(xrf1) =	vunique.msk.u32 vm0, v1;
	_ =	sdelay $0xd  }
0x1d5: {  	_, v2, vm2 =	vpop (xrf1);
	_ =	sdelay $0x3  }
0x1d6: {  	v2 =	vcvt.s32.f32 v2;
	_ =	sdelay $0x1  }
0x1d7: {  	[tilespmem:v1+s2+$0x0] =	vst.idx.add.f32.msk vm2, v2;
	v1 =	vsel vm1, $0x40, v1  }
0x1d8: {  	s4 =	simm.s32 $0x172A0;
	s10 =	simm.s32 $0x10;
	s29 =	simm.s32 $0x18720;
	[tilespmem:$0x18720] =	vst v1  }
0x1d9: {  	[spmem:s20] =	stream.indirect.scatter.add.f32 [tilespmem:s4], [sflag:$0x2], $0x1, s29, s10, $0xb8;
	[tilespmem:$0x18CC0] =	vst v63  }
0x1da: {  	s6 =	simm.s32 $0x172B0  }
0x1db: {  	[spmem:s11] =	stream.indirect.scatter.add.f32 [tilespmem:s6], [sflag:$0x2], $0x1, s29, s10, $0xb8;
	[tilespmem:$0x18CC0] =	vst v63  }
0x1dc: {  	s9 =	simm.s32 $0x172C0  }
0x1dd: {  	[spmem:s12] =	stream.indirect.scatter.add.f32 [tilespmem:s9], [sflag:$0x2], $0x1, s29, s10, $0xb8;
	[tilespmem:$0x18CC0] =	vst v63  }
0x1de: {  	s8 =	simm.s32 $0x172D0  }
0x1df: {  	[spmem:s13] =	stream.indirect.scatter.add.f32 [tilespmem:s8], [sflag:$0x2], $0x1, s29, s10, $0xb8;
	[tilespmem:$0x18CC0] =	vst v63  }
0x1e0: {  	s9 =	simm.s32 $0x172E0  }
0x1e1: {  	[spmem:s14] =	stream.indirect.scatter.add.f32 [tilespmem:s9], [sflag:$0x2], $0x1, s29, s10, $0xb8;
	[tilespmem:$0x18CC0] =	vst v63  }
0x1e2: {  	s19 =	simm.s32 $0x172F0  }
0x1e3: {  	[spmem:s15] =	stream.indirect.scatter.add.f32 [tilespmem:s19], [sflag:$0x2], $0x1, s29, s10, $0xb8;
	[tilespmem:$0x18CC0] =	vst v63  }
0x1e4: {  	s5 =	simm.s32 $0x17300  }
0x1e5: {  	[spmem:s16] =	stream.indirect.scatter.add.f32 [tilespmem:s5], [sflag:$0x2], $0x1, s29, s10, $0xb8;
	[tilespmem:$0x18CC0] =	vst v63  }
0x1e6: {  	s6 =	simm.s32 $0x17310  }
0x1e7: {  	[spmem:s17] =	stream.indirect.scatter.add.f32 [tilespmem:s6], [sflag:$0x2], $0x1, s29, s10, $0xb8;
	[tilespmem:$0x18CC0] =	vst v63  }
0x1e8: {  	s8 =	simm.s32 $0x17320  }
0x1e9: {  	[spmem:s18] =	stream.indirect.scatter.add.f32 [tilespmem:s8], [sflag:$0x2], $0x1, s29, s10, $0xb8;
	[tilespmem:$0x18CC0] =	vst v63  }
0x1ea: {  	s9 =	simm.s32 $0x17330  }
0x1eb: {  	[spmem:s21] =	stream.indirect.scatter.add.f32 [tilespmem:s9], [sflag:$0x2], $0x1, s29, s10, $0xb8;
	[tilespmem:$0x18CC0] =	vst v63  }
0x1ec: {  	s19 =	simm.s32 $0x17340  }
0x1ed: {  	[spmem:s22] =	stream.indirect.scatter.add.f32 [tilespmem:s19], [sflag:$0x2], $0x1, s29, s10, $0xb8;
	[tilespmem:$0x18CC0] =	vst v63  }
0x1ee: {  	s8 =	simm.s32 $0x17350  }
0x1ef: {  	[spmem:s23] =	stream.indirect.scatter.add.f32 [tilespmem:s8], [sflag:$0x2], $0x1, s29, s10, $0xb8;
	[tilespmem:$0x18CC0] =	vst v63  }
0x1f0: {  	s5 =	simm.s32 $0x17360  }
0x1f1: {  	[spmem:s24] =	stream.indirect.scatter.add.f32 [tilespmem:s5], [sflag:$0x2], $0x1, s29, s10, $0xb8;
	[tilespmem:$0x18CC0] =	vst v63  }
0x1f2: {  	s6 =	simm.s32 $0x17370  }
0x1f3: {  	[spmem:s25] =	stream.indirect.scatter.add.f32 [tilespmem:s6], [sflag:$0x2], $0x1, s29, s10, $0xb8;
	[tilespmem:$0x18CC0] =	vst v63  }
0x1f4: {  	s30 =	simm.s32 $0x17380  }
0x1f5: {  	[spmem:s26] =	stream.indirect.scatter.add.f32 [tilespmem:s30], [sflag:$0x2], $0x1, s29, s10, $0xb8;
	[tilespmem:$0x18CC0] =	vst v63  }
0x1f6: {  	s31 =	simm.s32 $0x17390  }
0x1f7: {  	[spmem:s28] =	stream.indirect.scatter.add.f32 [tilespmem:s31], [sflag:$0x2], $0x1, s29, s10, $0xb8;
	[tilespmem:$0x18CC0] =	vst v63  }
0x1f8: {  	_ =	swait.ge [sflag:s7], $0x50  }
0x1f9: {  	[sflag:s7] =	ssyncset.done $0x0  }
0x1fa: {  	[sflag:s7] =	ssyncadd.s32 $0xFFFFFFB0  }
0x1fb: {  	_ =	swait.ge [sflag:s7], $0x50  }
0x1fc: {  	[sflag:s7] =	ssyncset.done $0x0  }
0x1fd: {  	[sflag:s7] =	ssyncadd.s32 $0xFFFFFFB0  }
0x1fe: {  	_ =	swait.ge [sflag:s7], $0x50  }
0x1ff: {  	[sflag:s7] =	ssyncset.done $0x0  }
0x200: {  	[sflag:s7] =	ssyncadd.s32 $0xFFFFFFB0  }
0x201: {  	_ =	swait.ge [sflag:s7], $0x50  }
0x202: {  	[sflag:s7] =	ssyncset.done $0x0  }
0x203: {  	[sflag:s7] =	ssyncadd.s32 $0xFFFFFFB0  }
0x204: {  	_ =	swait.ge [sflag:s7], $0x50  }
0x205: {  	[sflag:s7] =	ssyncset.done $0x0  }
0x206: {  	[sflag:s7] =	ssyncadd.s32 $0xFFFFFFB0  }
0x207: {  	_ =	swait.ge [sflag:s7], $0x50  }
0x208: {  	[sflag:s7] =	ssyncset.done $0x0  }
0x209: {  	[sflag:s7] =	ssyncadd.s32 $0xFFFFFFB0  }
0x20a: {  	_ =	swait.ge [sflag:s7], $0x50  }
0x20b: {  	[sflag:s7] =	ssyncset.done $0x0  }
0x20c: {  	[sflag:s7] =	ssyncadd.s32 $0xFFFFFFB0  }
0x20d: {  	_ =	swait.ge [sflag:s7], $0x50  }
0x20e: {  	[sflag:s7] =	ssyncset.done $0x0  }
0x20f: {  	[sflag:s7] =	ssyncadd.s32 $0xFFFFFFB0  }
0x210: {  	_ =	swait.ge [sflag:s7], $0x50  }
0x211: {  	[sflag:s7] =	ssyncset.done $0x0  }
0x212: {  	[sflag:s7] =	ssyncadd.s32 $0xFFFFFFB0  }
0x213: {  	_ =	swait.ge [sflag:s7], $0x50  }
0x214: {  	[sflag:s7] =	ssyncset.done $0x0  }
0x215: {  	[sflag:s7] =	ssyncadd.s32 $0xFFFFFFB0  }
0x216: {  	_ =	swait.ge [sflag:s7], $0x50  }
0x217: {  	[sflag:s7] =	ssyncset.done $0x0  }
0x218: {  	[sflag:s7] =	ssyncadd.s32 $0xFFFFFFB0  }
0x219: {  	_ =	swait.ge [sflag:s7], $0x50  }
0x21a: {  	[sflag:s7] =	ssyncset.done $0x0  }
0x21b: {  	[sflag:s7] =	ssyncadd.s32 $0xFFFFFFB0  }
0x21c: {  	_ =	swait.ge [sflag:s7], $0x50  }
0x21d: {  	[sflag:s7] =	ssyncset.done $0x0  }
0x21e: {  	[sflag:s7] =	ssyncadd.s32 $0xFFFFFFB0  }
0x21f: {  	_ =	swait.ge [sflag:s7], $0x50  }
0x220: {  	[sflag:s7] =	ssyncset.done $0x0  }
0x221: {  	[sflag:s7] =	ssyncadd.s32 $0xFFFFFFB0  }
0x222: {  	_ =	swait.ge [sflag:s7], $0x50  }
0x223: {  	[sflag:s7] =	ssyncset.done $0x0  }
0x224: {  	[sflag:s7] =	ssyncadd.s32 $0xFFFFFFB0  }
0x225: {  	_ =	swait.ge [sflag:s7], $0x50  }
0x226: {  	[sflag:s7] =	ssyncset.done $0x0  }
0x227: {  	[sflag:s7] =	ssyncadd.s32 $0xFFFFFFB0  }
0x228: {  	_ =	swait.ge [sflag:s7], $0x50  }
0x229: {  	[sflag:s7] =	ssyncset.done $0x0  }
0x22a: {  	[sflag:s7] =	ssyncadd.s32 $0xFFFFFFB0  }
0x22b: {  	_ =	swait.ge [sflag:s7], $0x50  }
0x22c: {  	[sflag:s7] =	ssyncset.done $0x0  }
0x22d: {  	[sflag:s7] =	ssyncadd.s32 $0xFFFFFFB0  }
0x22e: {  	_ =	swait.ge [sflag:s7], $0x50  }
0x22f: {  	[sflag:s7] =	ssyncset.done $0x0  }
0x230: {  	[sflag:s7] =	ssyncadd.s32 $0xFFFFFFB0  }
0x231: {  	_ =	swait.ge [sflag:s7], $0x50  }
0x232: {  	[sflag:s7] =	ssyncset.done $0x0  }
0x233: {  	[sflag:s7] =	ssyncadd.s32 $0xFFFFFFB0  }
0x234: {  	_ =	swait.ge [sflag:s7], $0x50  }
0x235: {  	[sflag:s7] =	ssyncset.done $0x0  }
0x236: {  	[sflag:s7] =	ssyncadd.s32 $0xFFFFFFB0  }
0x237: {  	_ =	swait.ge [sflag:s7], $0x50  }
0x238: {  	[sflag:s7] =	ssyncset.done $0x0  }
0x239: {  	[sflag:s7] =	ssyncadd.s32 $0xFFFFFFB0  }
0x23a: {  	_ =	swait.ge [sflag:s7], $0x50  }
0x23b: {  	[sflag:s7] =	ssyncset.done $0x0  }
0x23c: {  	[sflag:s7] =	ssyncadd.s32 $0xFFFFFFB0  }
0x23d: {  	_ =	swait.ge [sflag:s7], $0x50  }
0x23e: {  	[sflag:s7] =	ssyncset.done $0x0  }
0x23f: {  	[sflag:s7] =	ssyncadd.s32 $0xFFFFFFB0  }
0x240: {  	_ =	swait.ge [sflag:s7], $0x50  }
0x241: {  	[sflag:s7] =	ssyncset.done $0x0  }
0x242: {  	[sflag:s7] =	ssyncadd.s32 $0xFFFFFFB0  }
0x243: {  	_ =	swait.ge [sflag:s7], $0x50  }
0x244: {  	[sflag:s7] =	ssyncset.done $0x0  }
0x245: {  	[sflag:s7] =	ssyncadd.s32 $0xFFFFFFB0  }
0x246: {  	_ =	swait.ge [sflag:s7], $0x50  }
0x247: {  	[sflag:s7] =	ssyncset.done $0x0  }
0x248: {  	[sflag:s7] =	ssyncadd.s32 $0xFFFFFFB0  }
0x249: {  	_ =	swait.ge [sflag:s7], $0x50  }
0x24a: {  	[sflag:s7] =	ssyncset.done $0x0  }
0x24b: {  	[sflag:s7] =	ssyncadd.s32 $0xFFFFFFB0  }
0x24c: {  	_ =	swait.ge [sflag:s7], $0x50  }
0x24d: {  	[sflag:s7] =	ssyncset.done $0x0  }
0x24e: {  	[sflag:s7] =	ssyncadd.s32 $0xFFFFFFB0  }
0x24f: {  	_ =	swait.ge [sflag:s7], $0x50  }
0x250: {  	[sflag:s7] =	ssyncset.done $0x0  }
0x251: {  	[sflag:s7] =	ssyncadd.s32 $0xFFFFFFB0  }
0x252: {  	_ =	swait.ge [sflag:s7], $0x50  }
0x253: {  	[sflag:s7] =	ssyncset.done $0x0  }
0x254: {  	[sflag:s7] =	ssyncadd.s32 $0xFFFFFFB0  }
0x255: {  	_ =	swait.ge [sflag:s7], $0x50  }
0x256: {  	[sflag:s7] =	ssyncset.done $0x0  }
0x257: {  	[sflag:s7] =	ssyncadd.s32 $0xFFFFFFB0  }
0x258: {  	_ =	swait.ge [sflag:s7], $0x50  }
0x259: {  	[sflag:s7] =	ssyncset.done $0x0  }
0x25a: {  	[sflag:s7] =	ssyncadd.s32 $0xFFFFFFB0  }
0x25b: {  	_ =	swait.ge [sflag:s7], $0x50  }
0x25c: {  	[sflag:s7] =	ssyncset.done $0x0  }
0x25d: {  	[sflag:s7] =	ssyncadd.s32 $0xFFFFFFB0  }
0x25e: {  	_ =	swait.ge [sflag:s7], $0x50  }
0x25f: {  	[sflag:s7] =	ssyncset.done $0x0  }
0x260: {  	[sflag:s7] =	ssyncadd.s32 $0xFFFFFFB0  }
0x261: {  	_ =	swait.ge [sflag:s7], $0x50  }
0x262: {  	[sflag:s7] =	ssyncset.done $0x0  }
0x263: {  	[sflag:s7] =	ssyncadd.s32 $0xFFFFFFB0  }
0x264: {  	_ =	swait.ge [sflag:s7], $0x50  }
0x265: {  	[sflag:s7] =	ssyncset.done $0x0  }
0x266: {  	[sflag:s7] =	ssyncadd.s32 $0xFFFFFFB0  }
0x267: {  	_ =	swait.ge [sflag:s7], $0x50  }
0x268: {  	[sflag:s7] =	ssyncset.done $0x0  }
0x269: {  	[sflag:s7] =	ssyncadd.s32 $0xFFFFFFB0  }
0x26a: {  	_ =	swait.ge [sflag:s7], $0x50  }
0x26b: {  	[sflag:s7] =	ssyncset.done $0x0  }
0x26c: {  	[sflag:s7] =	ssyncadd.s32 $0xFFFFFFB0  }
0x26d: {  	_ =	swait.ge [sflag:s7], $0x50  }
0x26e: {  	[sflag:s7] =	ssyncset.done $0x0  }
0x26f: {  	[sflag:s7] =	ssyncadd.s32 $0xFFFFFFB0  }
0x270: {  	_ =	swait.ge [sflag:s7], $0x50  }
0x271: {  	[sflag:s7] =	ssyncset.done $0x0  }
0x272: {  	[sflag:s7] =	ssyncadd.s32 $0xFFFFFFB0  }
0x273: {  	_ =	swait.ge [sflag:s7], $0x50  }
0x274: {  	[sflag:s7] =	ssyncset.done $0x0  }
0x275: {  	[sflag:s7] =	ssyncadd.s32 $0xFFFFFFB0  }
0x276: {  	_ =	swait.ge [sflag:s7], $0x50  }
0x277: {  	[sflag:s7] =	ssyncset.done $0x0  }
0x278: {  	[sflag:s7] =	ssyncadd.s32 $0xFFFFFFB0  }
0x279: {  	_ =	swait.ge [sflag:s7], $0x50  }
0x27a: {  	[sflag:s7] =	ssyncset.done $0x0  }
0x27b: {  	[sflag:s7] =	ssyncadd.s32 $0xFFFFFFB0  }
0x27c: {  	_ =	swait.ge [sflag:s7], $0x50  }
0x27d: {  	[sflag:s7] =	ssyncset.done $0x0  }
0x27e: {  	[sflag:s7] =	ssyncadd.s32 $0xFFFFFFB0  }
0x27f: {  	_ =	swait.ge [sflag:s7], $0x50  }
0x280: {  	[sflag:s7] =	ssyncset.done $0x0  }
0x281: {  	[sflag:s7] =	ssyncadd.s32 $0xFFFFFFB0  }
0x282: {  	_ =	swait.ge [sflag:s7], $0x50  }
0x283: {  	[sflag:s7] =	ssyncset.done $0x0  }
0x284: {  	[sflag:s7] =	ssyncadd.s32 $0xFFFFFFB0  }
0x285: {  	_ =	swait.ge [sflag:s7], $0x50  }
0x286: {  	[sflag:s7] =	ssyncset.done $0x0  }
0x287: {  	s4 =	simm.s32 $0x3;
	s10 =	rddreg [dreg:$0x18];
	[sflag:s7] =	ssyncadd.s32 $0xFFFFFFB0  }
0x288: {  	[hbm4b:s10+s1] =	stream.linear.scatter [tilespmem:s2], [sflag:$0x3], $0x40, $0x38;
	[tilespmem:$0x18CC0] =	vst v63  }
0x289: {  	_ =	swait.ge [sflag:s4], $0x40  }
0x28a: {  	[sflag:s4] =	ssyncset.done $0x0  }
0x28b: {  	[sflag:s4] =	ssyncadd.s32 $0xFFFFFFC0  }
0x28c: {  	[bflag:$0x0] =	sbarrier.arrive $0xFFFF  }
0x28d: {  	s9 =	sshrl.u32 @!p0 s20, $0x3;
	s10 =	simm.s32 @!p0 $0x1C03;
	s29 =	rddreg [dreg:$0x17]  }
0x28e: {  	[hbm:s29], [sflag:s10] =	dma.local @!p0 [spmem:s9], $0xA0  }
0x28f: {  	s9 =	simm.s32 @!p0 $0x3  }
0x290: {  	_ =	swait.ge @!p0 [sflag:s9], $0xA0  }
0x291: {  	s10 =	sld [smem:$0x7FD];
	_ =	sdelay $0x2  }
0x292: {  	s4 =	sadd.s32 $0x1, s10;
	s10 =	rddreg [dreg:$0x19]  }
0x293: {  	p1 =	sne.s32 s4, s10  }
.Ltmp2:
0x294: {  	_ = 	snop;
	(pc) =	sbr.rel @p1 .LBB2_1-.Ltmp2, $3  }
0x295: {  	_ =	sdelay $0x1  }
0x296: {  	s29 =	simm.s32 $0x172C0;
	[sflag:s9] =	ssyncset.done @!p0 $0x0  }
0x297: {  	[sflag:s9] =	ssyncadd.s32 @!p0 $0xFFFFFF60;
	[smem:$0x7FD] =	sst s4;
	s4 =	simm.s32 $0x172A0  }
0x298: {  	_ =	sfence.sel $0x180000  }
0x299: {  	[bflag:$0x0] =	sbarrier.arrive $0xFFFF  }
0x29a: {  	_ =	strace $0x90000047  }
0x29b: {  	[bflag:$0x2] =	sbarrier.arrive $0xFFFF  }
0x29c: {  	s0 =	rddreg [dreg:$0x4]  }
0x29d: {  	s0 =	sadd.s32 @!p0 $0x100000, s0  }
0x29e: {  	[sflag:s0] =	ssyncadd.tile.s32 @!p0 $0x1;
	_ =	shalt  }
.Lfunc_end2:
_tile_overlayer_lowered:
.L_overlay_start_2:
0x29f: {  	(tag) =	ssettag $0x2  }
0x2a0: {  	s0 =	rddreg [dreg:$0x0];
	s2 =	stileid.u32  }
0x2a1: {  	s1 =	rddreg [dreg:$0x1];
	p0 =	sne.s32 s2, $0x0  }
0x2a2: {  	s3 =	rddreg [dreg:$0x2];
	[bflag:$0x3] =	sbarrier.arrive $0xFFFF;
	s2 =	simm.s32 @!p0 $0x1C03  }
0x2a3: {  	[timem:s3], [sflag:s2] =	dma.local @!p0 [hbm:s0], s1  }
0x2a4: {  	s0 =	simm.s32 @!p0 $0x3  }
0x2a5: {  	_ =	swait.ge @!p0 [sflag:s0], s1  }
0x2a6: {  	s1 =	ssub.s32 @!p0 $0x0, s1;
	[sflag:s0] =	ssyncset.done @!p0 $0x0  }
0x2a7: {  	[sflag:s0] =	ssyncadd.s32 @!p0 s1  }
0x2a8: {  	[bflag:$0x3] =	sbarrier.arrive $0xFFFF  }
0x2a9: {  	_ =	shalt  }

</sc_bundles>
